<compile_context>
chip_gen: v7x
topology: tpu7x:2x2x1
jax: 0.10.2.dev20260603
libtpu: 0.0.44.dev20260713+nightly
codegen_flags: <defaults>
</compile_context>

<pallas_src>
import jax
import jax.numpy as jnp
from jax import lax
from jax.experimental import pallas as pl
from jax.experimental.pallas import tpu as pltpu
from jax.experimental.pallas import tpu_sc as plsc

NC = 2
NS = 16
NW = NC * NS
L = 16
CHUNK = 128
GPC = CHUNK // L


def _body(user_hbm, item_hbm, ue_hbm, ie_hbm, ub_hbm, ib_hbm, out_hbm,
          idx_vu, idx_vi, u_t, i_t, ub_v, ib_v, out_v, sem_u, sem_i, sem_b):
    nchunk, _ = idx_vu.shape
    bpw = nchunk * CHUNK
    d = u_t.shape[1]
    ngroups = bpw // L
    wid = lax.axis_index("s") * NC + lax.axis_index("c")
    base_chunk = wid * nchunk

    pltpu.sync_copy(user_hbm.at[pl.ds(base_chunk, nchunk)], idx_vu)
    pltpu.sync_copy(item_hbm.at[pl.ds(base_chunk, nchunk)], idx_vi)
    bias_copies = []
    for j in range(nchunk):
        sl = pl.ds(j * CHUNK, CHUNK)
        bias_copies.append(
            pltpu.async_copy(ub_hbm.at[idx_vu.at[j]], ub_v.at[sl], sem_b))
        bias_copies.append(
            pltpu.async_copy(ib_hbm.at[idx_vi.at[j]], ib_v.at[sl], sem_b))

    def load_group_idx(g):
        j = g // GPC
        k = (g % GPC) * L
        return idx_vu[j, pl.ds(k, L)], idx_vi[j, pl.ds(k, L)]

    def fire(ru, ri, buf):
        ctu = pl.multiple_of((ru // CHUNK) * CHUNK, CHUNK)
        cti = pl.multiple_of((ri // CHUNK) * CHUNK, CHUNK)
        pltpu.async_copy(ue_hbm.at[:, pl.ds(ctu, CHUNK)], u_t.at[buf], sem_u)
        pltpu.async_copy(ie_hbm.at[:, pl.ds(cti, CHUNK)], i_t.at[buf], sem_i)

    def drain(buf):
        pltpu.make_async_copy(
            ue_hbm.at[:, pl.ds(0, CHUNK)], u_t.at[buf], sem_u).wait()
        pltpu.make_async_copy(
            ie_hbm.at[:, pl.ds(0, CHUNK)], i_t.at[buf], sem_i).wait()

    lane = lax.broadcasted_iota(jnp.int32, (L,), 0)
    d_lo = lax.broadcasted_iota(jnp.int32, (L,), 0)
    d_hi = d_lo + L

    NBUF = 8
    iv_u0, iv_i0 = load_group_idx(0)
    for p in range(NBUF - 1):
        fire(iv_u0[p], iv_i0[p], p)

    def group(g, carry):
        iv_u, iv_i = load_group_idx(g)
        out = jnp.zeros((L,), jnp.float32)
        for t in range(L):
            if t < L - (NBUF - 1):
                fire(iv_u[t + NBUF - 1], iv_i[t + NBUF - 1],
                     (t + NBUF - 1) % NBUF)
            else:
                @pl.when(g + 1 < ngroups)
                def _():
                    iv_un, iv_in = load_group_idx(g + 1)
                    tn = t + NBUF - 1 - L
                    fire(iv_un[tn], iv_in[tn], (t + NBUF - 1) % NBUF)
            drain(t % NBUF)
            cu = jnp.full((L,), iv_u[t] % CHUNK, jnp.int32)
            ci = jnp.full((L,), iv_i[t] % CHUNK, jnp.int32)
            u0 = plsc.load_gather(u_t.at[t % NBUF], [d_lo, cu])
            u1 = plsc.load_gather(u_t.at[t % NBUF], [d_hi, cu])
            i0 = plsc.load_gather(i_t.at[t % NBUF], [d_lo, ci])
            i1 = plsc.load_gather(i_t.at[t % NBUF], [d_hi, ci])
            s = jnp.sum(u0 * i0 + u1 * i1)
            out = jnp.where(lane == t, s, out)
        sl = pl.ds(g * L, L)
        x = out + ub_v[sl] + ib_v[sl]
        out_v[sl] = 4.0 / (1.0 + jnp.exp(-x)) + 1.0
        return carry

    lax.fori_loop(0, ngroups, group, 0)

    for c in bias_copies:
        c.wait()
    pltpu.sync_copy(out_v, out_hbm.at[pl.ds(wid * bpw, bpw)])


def kernel(user, item, user_emb_w, item_emb_w, user_bias_w, item_bias_w):
    batch = user.shape[0]
    d = user_emb_w.shape[1]
    bpw = batch // NW
    nchunk = bpw // CHUNK
    assert bpw * NW == batch and nchunk * CHUNK == bpw

    mesh = plsc.VectorSubcoreMesh(
        core_axis_name="c", subcore_axis_name="s",
        num_cores=NC, num_subcores=NS)
    f = pl.kernel(
        _body,
        out_type=jax.ShapeDtypeStruct((batch,), jnp.float32),
        mesh=mesh,
        compiler_params=pltpu.CompilerParams(
            needs_layout_passes=False, use_tc_tiling_on_sc=True),
        scratch_types=[
            pltpu.VMEM((nchunk, CHUNK), jnp.int32),
            pltpu.VMEM((nchunk, CHUNK), jnp.int32),
            pltpu.VMEM((8, d, CHUNK), jnp.float32),
            pltpu.VMEM((8, d, CHUNK), jnp.float32),
            pltpu.VMEM((bpw,), jnp.float32),
            pltpu.VMEM((bpw,), jnp.float32),
            pltpu.VMEM((bpw,), jnp.float32),
            pltpu.SemaphoreType.DMA,
            pltpu.SemaphoreType.DMA,
            pltpu.SemaphoreType.DMA,
        ],
    )
    user2 = user.reshape(batch // CHUNK, CHUNK)
    item2 = item.reshape(batch // CHUNK, CHUNK)
    uet = jnp.swapaxes(user_emb_w, 0, 1)
    iet = jnp.swapaxes(item_emb_w, 0, 1)
    ub1 = user_bias_w.reshape(-1)
    ib1 = item_bias_w.reshape(-1)
    return f(user2, item2, uet, iet, ub1, ib1)

# --- scband reference (transcript-rebuilt; emitter-appended) ---
"""Pipeline reference for scband-mf-model-86440511799744 (READ-ONLY COPY).

The authoritative reference and input builder live on the scoring server;
editing this copy changes nothing except your own understanding.
"""

import jax, jax.numpy as jnp
import numpy as np

NUM_USERS = 1000000
NUM_ITEMS = 1000000
EMB_DIM = 32
BATCH = 16384

def _xavier_uniform(key, shape):
    fan_in, fan_out = shape[1], shape[0]
    limit = float(np.sqrt(6.0 / (fan_in + fan_out)))
    return jax.random.uniform(key, shape, dtype=jnp.float32, minval=-limit, maxval=limit)

def setup_inputs(seed: int = 0) -> dict:
    key = jax.random.key(seed)
    k_user, k_item, k_ue, k_ie = jax.random.split(key, 4)
    user = jax.random.randint(k_user, (BATCH,), 0, NUM_USERS, dtype=jnp.int64 if jax.config.read('jax_enable_x64') else jnp.int32).astype(jnp.int32)
    item = jax.random.randint(k_item, (BATCH,), 0, NUM_ITEMS, dtype=jnp.int32)
    user_emb_w = _xavier_uniform(k_ue, (NUM_USERS, EMB_DIM))
    item_emb_w = _xavier_uniform(k_ie, (NUM_ITEMS, EMB_DIM))
    user_bias_w = jnp.zeros((NUM_USERS, 1), dtype=jnp.float32)
    item_bias_w = jnp.zeros((NUM_ITEMS, 1), dtype=jnp.float32)
    return {
        'user': user,
        'item': item,
        'user_emb_w': user_emb_w,
        'item_emb_w': item_emb_w,
        'user_bias_w': user_bias_w,
        'item_bias_w': item_bias_w,
    }

def reference(user, item, user_emb_w, item_emb_w, user_bias_w, item_bias_w):
    user_emb = jnp.take(user_emb_w, user, axis=0)
    item_emb = jnp.take(item_emb_w, item, axis=0)
    user_bias = jnp.take(user_bias_w, user, axis=0).squeeze()
    item_bias = jnp.take(item_bias_w, item, axis=0).squeeze()
    element_product = (user_emb * item_emb).sum(axis=1)
    logit = element_product + user_bias + item_bias
    rating = jax.nn.sigmoid(logit) * 4 + 1
    return rating

if __name__ == "__main__":
    import jax
    _d = setup_inputs()
    print(jax.jit(kernel)(*tuple(_d.values())))

</pallas_src>

<mosaic_0001>
#map = affine_map<(d0, d1) -> (0, 0)>
#map1 = affine_map<(d0, d1) -> (0)>
module attributes {stable_mosaic.version = 14 : i64} {
  func.func @_body(%arg0: i32, %arg1: i32, %arg2: memref<128x128xi32, #tpu.memory_space<hbm>>, %arg3: memref<128x128xi32, #tpu.memory_space<hbm>>, %arg4: memref<32x1000000xf32, #tpu.memory_space<hbm>>, %arg5: memref<32x1000000xf32, #tpu.memory_space<hbm>>, %arg6: memref<1000000xf32, #tpu.memory_space<hbm>>, %arg7: memref<1000000xf32, #tpu.memory_space<hbm>>, %arg8: memref<16384xf32, #tpu.memory_space<hbm>>, %arg9: memref<4x128xi32, #tpu.memory_space<vmem>>, %arg10: memref<4x128xi32, #tpu.memory_space<vmem>>, %arg11: memref<8x32x128xf32, #tpu.memory_space<vmem>>, %arg12: memref<8x32x128xf32, #tpu.memory_space<vmem>>, %arg13: memref<512xf32, #tpu.memory_space<vmem>>, %arg14: memref<512xf32, #tpu.memory_space<vmem>>, %arg15: memref<512xf32, #tpu.memory_space<vmem>>, %arg16: memref<!tpu.dma_semaphore, #tpu.memory_space<semaphore_mem>>, %arg17: memref<!tpu.dma_semaphore, #tpu.memory_space<semaphore_mem>>, %arg18: memref<!tpu.dma_semaphore, #tpu.memory_space<semaphore_mem>>) attributes {dimension_semantics = [#tpu.dimension_semantics<core_parallel>, #tpu.dimension_semantics<subcore_parallel>], iteration_bounds = array<i64: 2, 16>, scalar_prefetch = 0 : i64, scratch_operands = 10 : i64, tpu.core_type = #tpu.core_type<sc_vector_subcore>, window_params = [{transform_indices = #map}, {transform_indices = #map}, {transform_indices = #map}, {transform_indices = #map}, {transform_indices = #map1}, {transform_indices = #map1}, {transform_indices = #map1}]} {
    %mul3A = arith.constant 2 : i32
    %mul3A_0 = arith.muli %arg1, %mul3A : i32
    %add3A = arith.addi %mul3A_0, %arg0 : i32
    %mul3A_1 = arith.constant 4 : i32
    %mul3A_2 = arith.muli %add3A, %mul3A_1 : i32
    "tpu.region"() ({
      %run_scoped3A = tpu.sem_alloc : memref<!tpu.dma_semaphore, #tpu.memory_space<semaphore_mem>>
      %dma_start3A_724 = arith.constant 0 : i32
      %dma_start3A_725 = tpu.memref_slice %arg2[%mul3A_2, %dma_start3A_724] : memref<128x128xi32, #tpu.memory_space<hbm>> -> memref<4x128xi32, #tpu.memory_space<hbm>>
      %dma_start3A_726 = arith.constant 0 : i32
      %dma_start3A_727 = tpu.memref_slice %arg2[%mul3A_2, %dma_start3A_726] : memref<128x128xi32, #tpu.memory_space<hbm>> -> memref<4x128xi32, #tpu.memory_space<hbm>>
      tpu.enqueue_dma source(%dma_start3A_727 : memref<4x128xi32, #tpu.memory_space<hbm>>) target(%arg9 : memref<4x128xi32, #tpu.memory_space<vmem>>) target_semaphore(%run_scoped3A : memref<!tpu.dma_semaphore, #tpu.memory_space<semaphore_mem>>)
      %dma_wait3A_728 = arith.constant 0 : i32
      %dma_wait3A_729 = tpu.memref_slice %arg2[%mul3A_2, %dma_wait3A_728] : memref<128x128xi32, #tpu.memory_space<hbm>> -> memref<4x128xi32, #tpu.memory_space<hbm>>
      %dma_wait3A_730 = arith.constant 0 : i32
      %dma_wait3A_731 = tpu.memref_slice %arg2[%mul3A_2, %dma_wait3A_730] : memref<128x128xi32, #tpu.memory_space<hbm>> -> memref<4x128xi32, #tpu.memory_space<hbm>>
      tpu.wait_dma2 semaphore(%run_scoped3A : memref<!tpu.dma_semaphore, #tpu.memory_space<semaphore_mem>>) src(%dma_wait3A_731 : memref<4x128xi32, #tpu.memory_space<hbm>>) dst(%arg9 : memref<4x128xi32, #tpu.memory_space<vmem>>)
      tpu.yield
    }) : () -> ()
    "tpu.region"() ({
      %run_scoped3A = tpu.sem_alloc : memref<!tpu.dma_semaphore, #tpu.memory_space<semaphore_mem>>
      %dma_start3A_724 = arith.constant 0 : i32
      %dma_start3A_725 = tpu.memref_slice %arg3[%mul3A_2, %dma_start3A_724] : memref<128x128xi32, #tpu.memory_space<hbm>> -> memref<4x128xi32, #tpu.memory_space<hbm>>
      %dma_start3A_726 = arith.constant 0 : i32
      %dma_start3A_727 = tpu.memref_slice %arg3[%mul3A_2, %dma_start3A_726] : memref<128x128xi32, #tpu.memory_space<hbm>> -> memref<4x128xi32, #tpu.memory_space<hbm>>
      tpu.enqueue_dma source(%dma_start3A_727 : memref<4x128xi32, #tpu.memory_space<hbm>>) target(%arg10 : memref<4x128xi32, #tpu.memory_space<vmem>>) target_semaphore(%run_scoped3A : memref<!tpu.dma_semaphore, #tpu.memory_space<semaphore_mem>>)
      %dma_wait3A_728 = arith.constant 0 : i32
      %dma_wait3A_729 = tpu.memref_slice %arg3[%mul3A_2, %dma_wait3A_728] : memref<128x128xi32, #tpu.memory_space<hbm>> -> memref<4x128xi32, #tpu.memory_space<hbm>>
      %dma_wait3A_730 = arith.constant 0 : i32
      %dma_wait3A_731 = tpu.memref_slice %arg3[%mul3A_2, %dma_wait3A_730] : memref<128x128xi32, #tpu.memory_space<hbm>> -> memref<4x128xi32, #tpu.memory_space<hbm>>
      tpu.wait_dma2 semaphore(%run_scoped3A : memref<!tpu.dma_semaphore, #tpu.memory_space<semaphore_mem>>) src(%dma_wait3A_731 : memref<4x128xi32, #tpu.memory_space<hbm>>) dst(%arg10 : memref<4x128xi32, #tpu.memory_space<vmem>>)
      tpu.yield
    }) : () -> ()
    %dma_start3A = arith.constant 0 : i32
    %dma_start3A_3 = arith.constant 0 : i32
    %dma_start3A_4 = tpu.memref_slice %arg13[%dma_start3A_3] : memref<512xf32, #tpu.memory_space<vmem>> -> memref<128xf32, #tpu.memory_space<vmem>>
    %dma_start3A_5 = arith.constant 0 : i32
    %dma_start3A_6 = tpu.memref_slice %arg9[%dma_start3A, %dma_start3A_5] : memref<4x128xi32, #tpu.memory_space<vmem>> -> memref<1x128xi32, #tpu.memory_space<vmem>>
    %dma_start3A_7 = tpu.memref_squeeze %dma_start3A_6 : memref<1x128xi32, #tpu.memory_space<vmem>> -> memref<128xi32, #tpu.memory_space<vmem>>
    %dma_start3A_8 = arith.constant 0 : i32
    %dma_start3A_9 = tpu.memref_slice %arg6[%dma_start3A_8] : memref<1000000xf32, #tpu.memory_space<hbm>> -> memref<1000000xf32, #tpu.memory_space<hbm>>
    tpu.enqueue_indirect_dma source(%dma_start3A_9 : memref<1000000xf32, #tpu.memory_space<hbm>>) target(%dma_start3A_4 : memref<128xf32, #tpu.memory_space<vmem>>) offsets(%dma_start3A_7 : memref<128xi32, #tpu.memory_space<vmem>>) semaphore(%arg18 : memref<!tpu.dma_semaphore, #tpu.memory_space<semaphore_mem>>)
    %dma_start3A_10 = arith.constant 0 : i32
    %dma_start3A_11 = arith.constant 0 : i32
    %dma_start3A_12 = tpu.memref_slice %arg14[%dma_start3A_11] : memref<512xf32, #tpu.memory_space<vmem>> -> memref<128xf32, #tpu.memory_space<vmem>>
    %dma_start3A_13 = arith.constant 0 : i32
    %dma_start3A_14 = tpu.memref_slice %arg10[%dma_start3A_10, %dma_start3A_13] : memref<4x128xi32, #tpu.memory_space<vmem>> -> memref<1x128xi32, #tpu.memory_space<vmem>>
    %dma_start3A_15 = tpu.memref_squeeze %dma_start3A_14 : memref<1x128xi32, #tpu.memory_space<vmem>> -> memref<128xi32, #tpu.memory_space<vmem>>
    %dma_start3A_16 = arith.constant 0 : i32
    %dma_start3A_17 = tpu.memref_slice %arg7[%dma_start3A_16] : memref<1000000xf32, #tpu.memory_space<hbm>> -> memref<1000000xf32, #tpu.memory_space<hbm>>
    tpu.enqueue_indirect_dma source(%dma_start3A_17 : memref<1000000xf32, #tpu.memory_space<hbm>>) target(%dma_start3A_12 : memref<128xf32, #tpu.memory_space<vmem>>) offsets(%dma_start3A_15 : memref<128xi32, #tpu.memory_space<vmem>>) semaphore(%arg18 : memref<!tpu.dma_semaphore, #tpu.memory_space<semaphore_mem>>)
    %dma_start3A_18 = arith.constant 1 : i32
    %dma_start3A_19 = arith.constant 128 : i32
    %dma_start3A_20 = tpu.memref_slice %arg13[%dma_start3A_19] : memref<512xf32, #tpu.memory_space<vmem>> -> memref<128xf32, #tpu.memory_space<vmem>>
    %dma_start3A_21 = arith.constant 0 : i32
    %dma_start3A_22 = tpu.memref_slice %arg9[%dma_start3A_18, %dma_start3A_21] : memref<4x128xi32, #tpu.memory_space<vmem>> -> memref<1x128xi32, #tpu.memory_space<vmem>>
    %dma_start3A_23 = tpu.memref_squeeze %dma_start3A_22 : memref<1x128xi32, #tpu.memory_space<vmem>> -> memref<128xi32, #tpu.memory_space<vmem>>
    %dma_start3A_24 = arith.constant 0 : i32
    %dma_start3A_25 = tpu.memref_slice %arg6[%dma_start3A_24] : memref<1000000xf32, #tpu.memory_space<hbm>> -> memref<1000000xf32, #tpu.memory_space<hbm>>
    tpu.enqueue_indirect_dma source(%dma_start3A_25 : memref<1000000xf32, #tpu.memory_space<hbm>>) target(%dma_start3A_20 : memref<128xf32, #tpu.memory_space<vmem>>) offsets(%dma_start3A_23 : memref<128xi32, #tpu.memory_space<vmem>>) semaphore(%arg18 : memref<!tpu.dma_semaphore, #tpu.memory_space<semaphore_mem>>)
    %dma_start3A_26 = arith.constant 1 : i32
    %dma_start3A_27 = arith.constant 128 : i32
    %dma_start3A_28 = tpu.memref_slice %arg14[%dma_start3A_27] : memref<512xf32, #tpu.memory_space<vmem>> -> memref<128xf32, #tpu.memory_space<vmem>>
    %dma_start3A_29 = arith.constant 0 : i32
    %dma_start3A_30 = tpu.memref_slice %arg10[%dma_start3A_26, %dma_start3A_29] : memref<4x128xi32, #tpu.memory_space<vmem>> -> memref<1x128xi32, #tpu.memory_space<vmem>>
    %dma_start3A_31 = tpu.memref_squeeze %dma_start3A_30 : memref<1x128xi32, #tpu.memory_space<vmem>> -> memref<128xi32, #tpu.memory_space<vmem>>
    %dma_start3A_32 = arith.constant 0 : i32
    %dma_start3A_33 = tpu.memref_slice %arg7[%dma_start3A_32] : memref<1000000xf32, #tpu.memory_space<hbm>> -> memref<1000000xf32, #tpu.memory_space<hbm>>
    tpu.enqueue_indirect_dma source(%dma_start3A_33 : memref<1000000xf32, #tpu.memory_space<hbm>>) target(%dma_start3A_28 : memref<128xf32, #tpu.memory_space<vmem>>) offsets(%dma_start3A_31 : memref<128xi32, #tpu.memory_space<vmem>>) semaphore(%arg18 : memref<!tpu.dma_semaphore, #tpu.memory_space<semaphore_mem>>)
    %dma_start3A_34 = arith.constant 2 : i32
    %dma_start3A_35 = arith.constant 256 : i32
    %dma_start3A_36 = tpu.memref_slice %arg13[%dma_start3A_35] : memref<512xf32, #tpu.memory_space<vmem>> -> memref<128xf32, #tpu.memory_space<vmem>>
    %dma_start3A_37 = arith.constant 0 : i32
    %dma_start3A_38 = tpu.memref_slice %arg9[%dma_start3A_34, %dma_start3A_37] : memref<4x128xi32, #tpu.memory_space<vmem>> -> memref<1x128xi32, #tpu.memory_space<vmem>>
    %dma_start3A_39 = tpu.memref_squeeze %dma_start3A_38 : memref<1x128xi32, #tpu.memory_space<vmem>> -> memref<128xi32, #tpu.memory_space<vmem>>
    %dma_start3A_40 = arith.constant 0 : i32
    %dma_start3A_41 = tpu.memref_slice %arg6[%dma_start3A_40] : memref<1000000xf32, #tpu.memory_space<hbm>> -> memref<1000000xf32, #tpu.memory_space<hbm>>
    tpu.enqueue_indirect_dma source(%dma_start3A_41 : memref<1000000xf32, #tpu.memory_space<hbm>>) target(%dma_start3A_36 : memref<128xf32, #tpu.memory_space<vmem>>) offsets(%dma_start3A_39 : memref<128xi32, #tpu.memory_space<vmem>>) semaphore(%arg18 : memref<!tpu.dma_semaphore, #tpu.memory_space<semaphore_mem>>)
    %dma_start3A_42 = arith.constant 2 : i32
    %dma_start3A_43 = arith.constant 256 : i32
    %dma_start3A_44 = tpu.memref_slice %arg14[%dma_start3A_43] : memref<512xf32, #tpu.memory_space<vmem>> -> memref<128xf32, #tpu.memory_space<vmem>>
    %dma_start3A_45 = arith.constant 0 : i32
    %dma_start3A_46 = tpu.memref_slice %arg10[%dma_start3A_42, %dma_start3A_45] : memref<4x128xi32, #tpu.memory_space<vmem>> -> memref<1x128xi32, #tpu.memory_space<vmem>>
    %dma_start3A_47 = tpu.memref_squeeze %dma_start3A_46 : memref<1x128xi32, #tpu.memory_space<vmem>> -> memref<128xi32, #tpu.memory_space<vmem>>
    %dma_start3A_48 = arith.constant 0 : i32
    %dma_start3A_49 = tpu.memref_slice %arg7[%dma_start3A_48] : memref<1000000xf32, #tpu.memory_space<hbm>> -> memref<1000000xf32, #tpu.memory_space<hbm>>
    tpu.enqueue_indirect_dma source(%dma_start3A_49 : memref<1000000xf32, #tpu.memory_space<hbm>>) target(%dma_start3A_44 : memref<128xf32, #tpu.memory_space<vmem>>) offsets(%dma_start3A_47 : memref<128xi32, #tpu.memory_space<vmem>>) semaphore(%arg18 : memref<!tpu.dma_semaphore, #tpu.memory_space<semaphore_mem>>)
    %dma_start3A_50 = arith.constant 3 : i32
    %dma_start3A_51 = arith.constant 384 : i32
    %dma_start3A_52 = tpu.memref_slice %arg13[%dma_start3A_51] : memref<512xf32, #tpu.memory_space<vmem>> -> memref<128xf32, #tpu.memory_space<vmem>>
    %dma_start3A_53 = arith.constant 0 : i32
    %dma_start3A_54 = tpu.memref_slice %arg9[%dma_start3A_50, %dma_start3A_53] : memref<4x128xi32, #tpu.memory_space<vmem>> -> memref<1x128xi32, #tpu.memory_space<vmem>>
    %dma_start3A_55 = tpu.memref_squeeze %dma_start3A_54 : memref<1x128xi32, #tpu.memory_space<vmem>> -> memref<128xi32, #tpu.memory_space<vmem>>
    %dma_start3A_56 = arith.constant 0 : i32
    %dma_start3A_57 = tpu.memref_slice %arg6[%dma_start3A_56] : memref<1000000xf32, #tpu.memory_space<hbm>> -> memref<1000000xf32, #tpu.memory_space<hbm>>
    tpu.enqueue_indirect_dma source(%dma_start3A_57 : memref<1000000xf32, #tpu.memory_space<hbm>>) target(%dma_start3A_52 : memref<128xf32, #tpu.memory_space<vmem>>) offsets(%dma_start3A_55 : memref<128xi32, #tpu.memory_space<vmem>>) semaphore(%arg18 : memref<!tpu.dma_semaphore, #tpu.memory_space<semaphore_mem>>)
    %dma_start3A_58 = arith.constant 3 : i32
    %dma_start3A_59 = arith.constant 384 : i32
    %dma_start3A_60 = tpu.memref_slice %arg14[%dma_start3A_59] : memref<512xf32, #tpu.memory_space<vmem>> -> memref<128xf32, #tpu.memory_space<vmem>>
    %dma_start3A_61 = arith.constant 0 : i32
    %dma_start3A_62 = tpu.memref_slice %arg10[%dma_start3A_58, %dma_start3A_61] : memref<4x128xi32, #tpu.memory_space<vmem>> -> memref<1x128xi32, #tpu.memory_space<vmem>>
    %dma_start3A_63 = tpu.memref_squeeze %dma_start3A_62 : memref<1x128xi32, #tpu.memory_space<vmem>> -> memref<128xi32, #tpu.memory_space<vmem>>
    %dma_start3A_64 = arith.constant 0 : i32
    %dma_start3A_65 = tpu.memref_slice %arg7[%dma_start3A_64] : memref<1000000xf32, #tpu.memory_space<hbm>> -> memref<1000000xf32, #tpu.memory_space<hbm>>
    tpu.enqueue_indirect_dma source(%dma_start3A_65 : memref<1000000xf32, #tpu.memory_space<hbm>>) target(%dma_start3A_60 : memref<128xf32, #tpu.memory_space<vmem>>) offsets(%dma_start3A_63 : memref<128xi32, #tpu.memory_space<vmem>>) semaphore(%arg18 : memref<!tpu.dma_semaphore, #tpu.memory_space<semaphore_mem>>)
    %iota3A = tpu.iota {dimensions = array<i32: 0>} : vector<16xi32>
    %iota3A_66 = tpu.iota {dimensions = array<i32: 0>} : vector<16xi32>
    %add3A_67 = arith.constant 16 : i32
    %add3A_68 = vector.broadcast %add3A_67 : i32 to vector<16xi32>
    %add3A_69 = arith.addi %iota3A_66, %add3A_68 : vector<16xi32>
    %get3A = arith.constant 0 : i32
    %get3A_70 = arith.index_cast %get3A : i32 to index
    %get3A_71 = arith.constant 0 : index
    %get3A_72 = tpu.vector_load %arg9[%get3A_70, %get3A_71] {strides = array<i32>} : memref<4x128xi32, #tpu.memory_space<vmem>>, vector<16xi32>,
    %get3A_73 = arith.constant 0 : i32
    %get3A_74 = arith.index_cast %get3A_73 : i32 to index
    %get3A_75 = arith.constant 0 : index
    %get3A_76 = tpu.vector_load %arg10[%get3A_74, %get3A_75] {strides = array<i32>} : memref<4x128xi32, #tpu.memory_space<vmem>>, vector<16xi32>,
    %slice3A = vector.extract_strided_slice %get3A_72 {offsets = [0], sizes = [1], strides = [1]} : vector<16xi32> to vector<1xi32>
    %squeeze3A = vector.extract %slice3A[0] : i32 from vector<1xi32>
    %slice3A_77 = vector.extract_strided_slice %get3A_76 {offsets = [0], sizes = [1], strides = [1]} : vector<16xi32> to vector<1xi32>
    %squeeze3A_78 = vector.extract %slice3A_77[0] : i32 from vector<1xi32>
    %jit3A = arith.constant 128 : i32
    %div3A = arith.divsi %squeeze3A, %jit3A : i32
    %sign3A = arith.constant 0 : i32
    %sign3A_79 = arith.cmpi sgt, %squeeze3A, %sign3A : i32
    %sign3A_80 = arith.extui %sign3A_79 : i1 to i32
    %sign3A_81 = arith.constant 0 : i32
    %sign3A_82 = arith.cmpi slt, %squeeze3A, %sign3A_81 : i32
    %sign3A_83 = arith.extui %sign3A_82 : i1 to i32
    %sign3A_84 = arith.subi %sign3A_80, %sign3A_83 : i32
    %sign3A_85 = arith.constant 0 : i32
    %sign3A_86 = arith.cmpi sgt, %jit3A, %sign3A_85 : i32
    %sign3A_87 = arith.extui %sign3A_86 : i1 to i32
    %sign3A_88 = arith.constant 0 : i32
    %sign3A_89 = arith.cmpi slt, %jit3A, %sign3A_88 : i32
    %sign3A_90 = arith.extui %sign3A_89 : i1 to i32
    %sign3A_91 = arith.subi %sign3A_87, %sign3A_90 : i32
    %ne3A = arith.cmpi ne, %sign3A_84, %sign3A_91 : i32
    %rem3A = arith.remsi %squeeze3A, %jit3A : i32
    %ne3A_92 = arith.constant 0 : i32
    %ne3A_93 = arith.cmpi ne, %rem3A, %ne3A_92 : i32
    %and3A = arith.andi %ne3A, %ne3A_93 : i1
    %sub3A = arith.constant 1 : i32
    %sub3A_94 = arith.subi %div3A, %sub3A : i32
    %select_n3A = arith.select %and3A, %sub3A_94, %div3A : i32
    %mul3A_95 = arith.constant 128 : i32
    %mul3A_96 = arith.muli %select_n3A, %mul3A_95 : i32
    %multiple_of3A = tpu.assume_multiple %mul3A_96, 128 : i32
    %jit3A_97 = arith.constant 128 : i32
    %div3A_98 = arith.divsi %squeeze3A_78, %jit3A_97 : i32
    %sign3A_99 = arith.constant 0 : i32
    %sign3A_100 = arith.cmpi sgt, %squeeze3A_78, %sign3A_99 : i32
    %sign3A_101 = arith.extui %sign3A_100 : i1 to i32
    %sign3A_102 = arith.constant 0 : i32
    %sign3A_103 = arith.cmpi slt, %squeeze3A_78, %sign3A_102 : i32
    %sign3A_104 = arith.extui %sign3A_103 : i1 to i32
    %sign3A_105 = arith.subi %sign3A_101, %sign3A_104 : i32
    %sign3A_106 = arith.constant 0 : i32
    %sign3A_107 = arith.cmpi sgt, %jit3A_97, %sign3A_106 : i32
    %sign3A_108 = arith.extui %sign3A_107 : i1 to i32
    %sign3A_109 = arith.constant 0 : i32
    %sign3A_110 = arith.cmpi slt, %jit3A_97, %sign3A_109 : i32
    %sign3A_111 = arith.extui %sign3A_110 : i1 to i32
    %sign3A_112 = arith.subi %sign3A_108, %sign3A_111 : i32
    %ne3A_113 = arith.cmpi ne, %sign3A_105, %sign3A_112 : i32
    %rem3A_114 = arith.remsi %squeeze3A_78, %jit3A_97 : i32
    %ne3A_115 = arith.constant 0 : i32
    %ne3A_116 = arith.cmpi ne, %rem3A_114, %ne3A_115 : i32
    %and3A_117 = arith.andi %ne3A_113, %ne3A_116 : i1
    %sub3A_118 = arith.constant 1 : i32
    %sub3A_119 = arith.subi %div3A_98, %sub3A_118 : i32
    %select_n3A_120 = arith.select %and3A_117, %sub3A_119, %div3A_98 : i32
    %mul3A_121 = arith.constant 128 : i32
    %mul3A_122 = arith.muli %select_n3A_120, %mul3A_121 : i32
    %multiple_of3A_123 = tpu.assume_multiple %mul3A_122, 128 : i32
    %dma_start3A_124 = arith.constant 0 : i32
    %dma_start3A_125 = arith.constant 0 : i32
    %dma_start3A_126 = arith.constant 0 : i32
    %dma_start3A_127 = tpu.memref_slice %arg11[%dma_start3A_124, %dma_start3A_125, %dma_start3A_126] : memref<8x32x128xf32, #tpu.memory_space<vmem>> -> memref<1x32x128xf32, #tpu.memory_space<vmem>>
    %dma_start3A_128 = tpu.memref_squeeze %dma_start3A_127 : memref<1x32x128xf32, #tpu.memory_space<vmem>> -> memref<32x128xf32, #tpu.memory_space<vmem>>
    %dma_start3A_129 = arith.constant 0 : i32
    %dma_start3A_130 = tpu.memref_slice %arg4[%dma_start3A_129, %multiple_of3A] : memref<32x1000000xf32, #tpu.memory_space<hbm>> -> memref<32x128xf32, #tpu.memory_space<hbm>>
    %dma_start3A_131 = arith.constant 0 : i32
    %dma_start3A_132 = arith.constant 0 : i32
    %dma_start3A_133 = tpu.memref_slice %arg11[%dma_start3A_124, %dma_start3A_131, %dma_start3A_132] : memref<8x32x128xf32, #tpu.memory_space<vmem>> -> memref<1x32x128xf32, #tpu.memory_space<vmem>>
    %dma_start3A_134 = tpu.memref_squeeze %dma_start3A_133 : memref<1x32x128xf32, #tpu.memory_space<vmem>> -> memref<32x128xf32, #tpu.memory_space<vmem>>
    %dma_start3A_135 = arith.constant 0 : i32
    %dma_start3A_136 = tpu.memref_slice %arg4[%dma_start3A_135, %multiple_of3A] : memref<32x1000000xf32, #tpu.memory_space<hbm>> -> memref<32x128xf32, #tpu.memory_space<hbm>>
    tpu.enqueue_dma source(%dma_start3A_136 : memref<32x128xf32, #tpu.memory_space<hbm>>) target(%dma_start3A_134 : memref<32x128xf32, #tpu.memory_space<vmem>>) target_semaphore(%arg16 : memref<!tpu.dma_semaphore, #tpu.memory_space<semaphore_mem>>)
    %dma_start3A_137 = arith.constant 0 : i32
    %dma_start3A_138 = arith.constant 0 : i32
    %dma_start3A_139 = arith.constant 0 : i32
    %dma_start3A_140 = tpu.memref_slice %arg12[%dma_start3A_137, %dma_start3A_138, %dma_start3A_139] : memref<8x32x128xf32, #tpu.memory_space<vmem>> -> memref<1x32x128xf32, #tpu.memory_space<vmem>>
    %dma_start3A_141 = tpu.memref_squeeze %dma_start3A_140 : memref<1x32x128xf32, #tpu.memory_space<vmem>> -> memref<32x128xf32, #tpu.memory_space<vmem>>
    %dma_start3A_142 = arith.constant 0 : i32
    %dma_start3A_143 = tpu.memref_slice %arg5[%dma_start3A_142, %multiple_of3A_123] : memref<32x1000000xf32, #tpu.memory_space<hbm>> -> memref<32x128xf32, #tpu.memory_space<hbm>>
    %dma_start3A_144 = arith.constant 0 : i32
    %dma_start3A_145 = arith.constant 0 : i32
    %dma_start3A_146 = tpu.memref_slice %arg12[%dma_start3A_137, %dma_start3A_144, %dma_start3A_145] : memref<8x32x128xf32, #tpu.memory_space<vmem>> -> memref<1x32x128xf32, #tpu.memory_space<vmem>>
    %dma_start3A_147 = tpu.memref_squeeze %dma_start3A_146 : memref<1x32x128xf32, #tpu.memory_space<vmem>> -> memref<32x128xf32, #tpu.memory_space<vmem>>
    %dma_start3A_148 = arith.constant 0 : i32
    %dma_start3A_149 = tpu.memref_slice %arg5[%dma_start3A_148, %multiple_of3A_123] : memref<32x1000000xf32, #tpu.memory_space<hbm>> -> memref<32x128xf32, #tpu.memory_space<hbm>>
    tpu.enqueue_dma source(%dma_start3A_149 : memref<32x128xf32, #tpu.memory_space<hbm>>) target(%dma_start3A_147 : memref<32x128xf32, #tpu.memory_space<vmem>>) target_semaphore(%arg17 : memref<!tpu.dma_semaphore, #tpu.memory_space<semaphore_mem>>)
    %slice3A_150 = vector.extract_strided_slice %get3A_72 {offsets = [1], sizes = [1], strides = [1]} : vector<16xi32> to vector<1xi32>
    %squeeze3A_151 = vector.extract %slice3A_150[0] : i32 from vector<1xi32>
    %slice3A_152 = vector.extract_strided_slice %get3A_76 {offsets = [1], sizes = [1], strides = [1]} : vector<16xi32> to vector<1xi32>
    %squeeze3A_153 = vector.extract %slice3A_152[0] : i32 from vector<1xi32>
    %jit3A_154 = arith.constant 128 : i32
    %div3A_155 = arith.divsi %squeeze3A_151, %jit3A_154 : i32
    %sign3A_156 = arith.constant 0 : i32
    %sign3A_157 = arith.cmpi sgt, %squeeze3A_151, %sign3A_156 : i32
    %sign3A_158 = arith.extui %sign3A_157 : i1 to i32
    %sign3A_159 = arith.constant 0 : i32
    %sign3A_160 = arith.cmpi slt, %squeeze3A_151, %sign3A_159 : i32
    %sign3A_161 = arith.extui %sign3A_160 : i1 to i32
    %sign3A_162 = arith.subi %sign3A_158, %sign3A_161 : i32
    %sign3A_163 = arith.constant 0 : i32
    %sign3A_164 = arith.cmpi sgt, %jit3A_154, %sign3A_163 : i32
    %sign3A_165 = arith.extui %sign3A_164 : i1 to i32
    %sign3A_166 = arith.constant 0 : i32
    %sign3A_167 = arith.cmpi slt, %jit3A_154, %sign3A_166 : i32
    %sign3A_168 = arith.extui %sign3A_167 : i1 to i32
    %sign3A_169 = arith.subi %sign3A_165, %sign3A_168 : i32
    %ne3A_170 = arith.cmpi ne, %sign3A_162, %sign3A_169 : i32
    %rem3A_171 = arith.remsi %squeeze3A_151, %jit3A_154 : i32
    %ne3A_172 = arith.constant 0 : i32
    %ne3A_173 = arith.cmpi ne, %rem3A_171, %ne3A_172 : i32
    %and3A_174 = arith.andi %ne3A_170, %ne3A_173 : i1
    %sub3A_175 = arith.constant 1 : i32
    %sub3A_176 = arith.subi %div3A_155, %sub3A_175 : i32
    %select_n3A_177 = arith.select %and3A_174, %sub3A_176, %div3A_155 : i32
    %mul3A_178 = arith.constant 128 : i32
    %mul3A_179 = arith.muli %select_n3A_177, %mul3A_178 : i32
    %multiple_of3A_180 = tpu.assume_multiple %mul3A_179, 128 : i32
    %jit3A_181 = arith.constant 128 : i32
    %div3A_182 = arith.divsi %squeeze3A_153, %jit3A_181 : i32
    %sign3A_183 = arith.constant 0 : i32
    %sign3A_184 = arith.cmpi sgt, %squeeze3A_153, %sign3A_183 : i32
    %sign3A_185 = arith.extui %sign3A_184 : i1 to i32
    %sign3A_186 = arith.constant 0 : i32
    %sign3A_187 = arith.cmpi slt, %squeeze3A_153, %sign3A_186 : i32
    %sign3A_188 = arith.extui %sign3A_187 : i1 to i32
    %sign3A_189 = arith.subi %sign3A_185, %sign3A_188 : i32
    %sign3A_190 = arith.constant 0 : i32
    %sign3A_191 = arith.cmpi sgt, %jit3A_181, %sign3A_190 : i32
    %sign3A_192 = arith.extui %sign3A_191 : i1 to i32
    %sign3A_193 = arith.constant 0 : i32
    %sign3A_194 = arith.cmpi slt, %jit3A_181, %sign3A_193 : i32
    %sign3A_195 = arith.extui %sign3A_194 : i1 to i32
    %sign3A_196 = arith.subi %sign3A_192, %sign3A_195 : i32
    %ne3A_197 = arith.cmpi ne, %sign3A_189, %sign3A_196 : i32
    %rem3A_198 = arith.remsi %squeeze3A_153, %jit3A_181 : i32
    %ne3A_199 = arith.constant 0 : i32
    %ne3A_200 = arith.cmpi ne, %rem3A_198, %ne3A_199 : i32
    %and3A_201 = arith.andi %ne3A_197, %ne3A_200 : i1
    %sub3A_202 = arith.constant 1 : i32
    %sub3A_203 = arith.subi %div3A_182, %sub3A_202 : i32
    %select_n3A_204 = arith.select %and3A_201, %sub3A_203, %div3A_182 : i32
    %mul3A_205 = arith.constant 128 : i32
    %mul3A_206 = arith.muli %select_n3A_204, %mul3A_205 : i32
    %multiple_of3A_207 = tpu.assume_multiple %mul3A_206, 128 : i32
    %dma_start3A_208 = arith.constant 1 : i32
    %dma_start3A_209 = arith.constant 0 : i32
    %dma_start3A_210 = arith.constant 0 : i32
    %dma_start3A_211 = tpu.memref_slice %arg11[%dma_start3A_208, %dma_start3A_209, %dma_start3A_210] : memref<8x32x128xf32, #tpu.memory_space<vmem>> -> memref<1x32x128xf32, #tpu.memory_space<vmem>>
    %dma_start3A_212 = tpu.memref_squeeze %dma_start3A_211 : memref<1x32x128xf32, #tpu.memory_space<vmem>> -> memref<32x128xf32, #tpu.memory_space<vmem>>
    %dma_start3A_213 = arith.constant 0 : i32
    %dma_start3A_214 = tpu.memref_slice %arg4[%dma_start3A_213, %multiple_of3A_180] : memref<32x1000000xf32, #tpu.memory_space<hbm>> -> memref<32x128xf32, #tpu.memory_space<hbm>>
    %dma_start3A_215 = arith.constant 0 : i32
    %dma_start3A_216 = arith.constant 0 : i32
    %dma_start3A_217 = tpu.memref_slice %arg11[%dma_start3A_208, %dma_start3A_215, %dma_start3A_216] : memref<8x32x128xf32, #tpu.memory_space<vmem>> -> memref<1x32x128xf32, #tpu.memory_space<vmem>>
    %dma_start3A_218 = tpu.memref_squeeze %dma_start3A_217 : memref<1x32x128xf32, #tpu.memory_space<vmem>> -> memref<32x128xf32, #tpu.memory_space<vmem>>
    %dma_start3A_219 = arith.constant 0 : i32
    %dma_start3A_220 = tpu.memref_slice %arg4[%dma_start3A_219, %multiple_of3A_180] : memref<32x1000000xf32, #tpu.memory_space<hbm>> -> memref<32x128xf32, #tpu.memory_space<hbm>>
    tpu.enqueue_dma source(%dma_start3A_220 : memref<32x128xf32, #tpu.memory_space<hbm>>) target(%dma_start3A_218 : memref<32x128xf32, #tpu.memory_space<vmem>>) target_semaphore(%arg16 : memref<!tpu.dma_semaphore, #tpu.memory_space<semaphore_mem>>)
    %dma_start3A_221 = arith.constant 1 : i32
    %dma_start3A_222 = arith.constant 0 : i32
    %dma_start3A_223 = arith.constant 0 : i32
    %dma_start3A_224 = tpu.memref_slice %arg12[%dma_start3A_221, %dma_start3A_222, %dma_start3A_223] : memref<8x32x128xf32, #tpu.memory_space<vmem>> -> memref<1x32x128xf32, #tpu.memory_space<vmem>>
    %dma_start3A_225 = tpu.memref_squeeze %dma_start3A_224 : memref<1x32x128xf32, #tpu.memory_space<vmem>> -> memref<32x128xf32, #tpu.memory_space<vmem>>
    %dma_start3A_226 = arith.constant 0 : i32
    %dma_start3A_227 = tpu.memref_slice %arg5[%dma_start3A_226, %multiple_of3A_207] : memref<32x1000000xf32, #tpu.memory_space<hbm>> -> memref<32x128xf32, #tpu.memory_space<hbm>>
    %dma_start3A_228 = arith.constant 0 : i32
    %dma_start3A_229 = arith.constant 0 : i32
    %dma_start3A_230 = tpu.memref_slice %arg12[%dma_start3A_221, %dma_start3A_228, %dma_start3A_229] : memref<8x32x128xf32, #tpu.memory_space<vmem>> -> memref<1x32x128xf32, #tpu.memory_space<vmem>>
    %dma_start3A_231 = tpu.memref_squeeze %dma_start3A_230 : memref<1x32x128xf32, #tpu.memory_space<vmem>> -> memref<32x128xf32, #tpu.memory_space<vmem>>
    %dma_start3A_232 = arith.constant 0 : i32
    %dma_start3A_233 = tpu.memref_slice %arg5[%dma_start3A_232, %multiple_of3A_207] : memref<32x1000000xf32, #tpu.memory_space<hbm>> -> memref<32x128xf32, #tpu.memory_space<hbm>>
    tpu.enqueue_dma source(%dma_start3A_233 : memref<32x128xf32, #tpu.memory_space<hbm>>) target(%dma_start3A_231 : memref<32x128xf32, #tpu.memory_space<vmem>>) target_semaphore(%arg17 : memref<!tpu.dma_semaphore, #tpu.memory_space<semaphore_mem>>)
    %slice3A_234 = vector.extract_strided_slice %get3A_72 {offsets = [2], sizes = [1], strides = [1]} : vector<16xi32> to vector<1xi32>
    %squeeze3A_235 = vector.extract %slice3A_234[0] : i32 from vector<1xi32>
    %slice3A_236 = vector.extract_strided_slice %get3A_76 {offsets = [2], sizes = [1], strides = [1]} : vector<16xi32> to vector<1xi32>
    %squeeze3A_237 = vector.extract %slice3A_236[0] : i32 from vector<1xi32>
    %jit3A_238 = arith.constant 128 : i32
    %div3A_239 = arith.divsi %squeeze3A_235, %jit3A_238 : i32
    %sign3A_240 = arith.constant 0 : i32
    %sign3A_241 = arith.cmpi sgt, %squeeze3A_235, %sign3A_240 : i32
    %sign3A_242 = arith.extui %sign3A_241 : i1 to i32
    %sign3A_243 = arith.constant 0 : i32
    %sign3A_244 = arith.cmpi slt, %squeeze3A_235, %sign3A_243 : i32
    %sign3A_245 = arith.extui %sign3A_244 : i1 to i32
    %sign3A_246 = arith.subi %sign3A_242, %sign3A_245 : i32
    %sign3A_247 = arith.constant 0 : i32
    %sign3A_248 = arith.cmpi sgt, %jit3A_238, %sign3A_247 : i32
    %sign3A_249 = arith.extui %sign3A_248 : i1 to i32
    %sign3A_250 = arith.constant 0 : i32
    %sign3A_251 = arith.cmpi slt, %jit3A_238, %sign3A_250 : i32
    %sign3A_252 = arith.extui %sign3A_251 : i1 to i32
    %sign3A_253 = arith.subi %sign3A_249, %sign3A_252 : i32
    %ne3A_254 = arith.cmpi ne, %sign3A_246, %sign3A_253 : i32
    %rem3A_255 = arith.remsi %squeeze3A_235, %jit3A_238 : i32
    %ne3A_256 = arith.constant 0 : i32
    %ne3A_257 = arith.cmpi ne, %rem3A_255, %ne3A_256 : i32
    %and3A_258 = arith.andi %ne3A_254, %ne3A_257 : i1
    %sub3A_259 = arith.constant 1 : i32
    %sub3A_260 = arith.subi %div3A_239, %sub3A_259 : i32
    %select_n3A_261 = arith.select %and3A_258, %sub3A_260, %div3A_239 : i32
    %mul3A_262 = arith.constant 128 : i32
    %mul3A_263 = arith.muli %select_n3A_261, %mul3A_262 : i32
    %multiple_of3A_264 = tpu.assume_multiple %mul3A_263, 128 : i32
    %jit3A_265 = arith.constant 128 : i32
    %div3A_266 = arith.divsi %squeeze3A_237, %jit3A_265 : i32
    %sign3A_267 = arith.constant 0 : i32
    %sign3A_268 = arith.cmpi sgt, %squeeze3A_237, %sign3A_267 : i32
    %sign3A_269 = arith.extui %sign3A_268 : i1 to i32
    %sign3A_270 = arith.constant 0 : i32
    %sign3A_271 = arith.cmpi slt, %squeeze3A_237, %sign3A_270 : i32
    %sign3A_272 = arith.extui %sign3A_271 : i1 to i32
    %sign3A_273 = arith.subi %sign3A_269, %sign3A_272 : i32
    %sign3A_274 = arith.constant 0 : i32
    %sign3A_275 = arith.cmpi sgt, %jit3A_265, %sign3A_274 : i32
    %sign3A_276 = arith.extui %sign3A_275 : i1 to i32
    %sign3A_277 = arith.constant 0 : i32
    %sign3A_278 = arith.cmpi slt, %jit3A_265, %sign3A_277 : i32
    %sign3A_279 = arith.extui %sign3A_278 : i1 to i32
    %sign3A_280 = arith.subi %sign3A_276, %sign3A_279 : i32
    %ne3A_281 = arith.cmpi ne, %sign3A_273, %sign3A_280 : i32
    %rem3A_282 = arith.remsi %squeeze3A_237, %jit3A_265 : i32
    %ne3A_283 = arith.constant 0 : i32
    %ne3A_284 = arith.cmpi ne, %rem3A_282, %ne3A_283 : i32
    %and3A_285 = arith.andi %ne3A_281, %ne3A_284 : i1
    %sub3A_286 = arith.constant 1 : i32
    %sub3A_287 = arith.subi %div3A_266, %sub3A_286 : i32
    %select_n3A_288 = arith.select %and3A_285, %sub3A_287, %div3A_266 : i32
    %mul3A_289 = arith.constant 128 : i32
    %mul3A_290 = arith.muli %select_n3A_288, %mul3A_289 : i32
    %multiple_of3A_291 = tpu.assume_multiple %mul3A_290, 128 : i32
    %dma_start3A_292 = arith.constant 2 : i32
    %dma_start3A_293 = arith.constant 0 : i32
    %dma_start3A_294 = arith.constant 0 : i32
    %dma_start3A_295 = tpu.memref_slice %arg11[%dma_start3A_292, %dma_start3A_293, %dma_start3A_294] : memref<8x32x128xf32, #tpu.memory_space<vmem>> -> memref<1x32x128xf32, #tpu.memory_space<vmem>>
    %dma_start3A_296 = tpu.memref_squeeze %dma_start3A_295 : memref<1x32x128xf32, #tpu.memory_space<vmem>> -> memref<32x128xf32, #tpu.memory_space<vmem>>
    %dma_start3A_297 = arith.constant 0 : i32
    %dma_start3A_298 = tpu.memref_slice %arg4[%dma_start3A_297, %multiple_of3A_264] : memref<32x1000000xf32, #tpu.memory_space<hbm>> -> memref<32x128xf32, #tpu.memory_space<hbm>>
    %dma_start3A_299 = arith.constant 0 : i32
    %dma_start3A_300 = arith.constant 0 : i32
    %dma_start3A_301 = tpu.memref_slice %arg11[%dma_start3A_292, %dma_start3A_299, %dma_start3A_300] : memref<8x32x128xf32, #tpu.memory_space<vmem>> -> memref<1x32x128xf32, #tpu.memory_space<vmem>>
    %dma_start3A_302 = tpu.memref_squeeze %dma_start3A_301 : memref<1x32x128xf32, #tpu.memory_space<vmem>> -> memref<32x128xf32, #tpu.memory_space<vmem>>
    %dma_start3A_303 = arith.constant 0 : i32
    %dma_start3A_304 = tpu.memref_slice %arg4[%dma_start3A_303, %multiple_of3A_264] : memref<32x1000000xf32, #tpu.memory_space<hbm>> -> memref<32x128xf32, #tpu.memory_space<hbm>>
    tpu.enqueue_dma source(%dma_start3A_304 : memref<32x128xf32, #tpu.memory_space<hbm>>) target(%dma_start3A_302 : memref<32x128xf32, #tpu.memory_space<vmem>>) target_semaphore(%arg16 : memref<!tpu.dma_semaphore, #tpu.memory_space<semaphore_mem>>)
    %dma_start3A_305 = arith.constant 2 : i32
    %dma_start3A_306 = arith.constant 0 : i32
    %dma_start3A_307 = arith.constant 0 : i32
    %dma_start3A_308 = tpu.memref_slice %arg12[%dma_start3A_305, %dma_start3A_306, %dma_start3A_307] : memref<8x32x128xf32, #tpu.memory_space<vmem>> -> memref<1x32x128xf32, #tpu.memory_space<vmem>>
    %dma_start3A_309 = tpu.memref_squeeze %dma_start3A_308 : memref<1x32x128xf32, #tpu.memory_space<vmem>> -> memref<32x128xf32, #tpu.memory_space<vmem>>
    %dma_start3A_310 = arith.constant 0 : i32
    %dma_start3A_311 = tpu.memref_slice %arg5[%dma_start3A_310, %multiple_of3A_291] : memref<32x1000000xf32, #tpu.memory_space<hbm>> -> memref<32x128xf32, #tpu.memory_space<hbm>>
    %dma_start3A_312 = arith.constant 0 : i32
    %dma_start3A_313 = arith.constant 0 : i32
    %dma_start3A_314 = tpu.memref_slice %arg12[%dma_start3A_305, %dma_start3A_312, %dma_start3A_313] : memref<8x32x128xf32, #tpu.memory_space<vmem>> -> memref<1x32x128xf32, #tpu.memory_space<vmem>>
    %dma_start3A_315 = tpu.memref_squeeze %dma_start3A_314 : memref<1x32x128xf32, #tpu.memory_space<vmem>> -> memref<32x128xf32, #tpu.memory_space<vmem>>
    %dma_start3A_316 = arith.constant 0 : i32
    %dma_start3A_317 = tpu.memref_slice %arg5[%dma_start3A_316, %multiple_of3A_291] : memref<32x1000000xf32, #tpu.memory_space<hbm>> -> memref<32x128xf32, #tpu.memory_space<hbm>>
    tpu.enqueue_dma source(%dma_start3A_317 : memref<32x128xf32, #tpu.memory_space<hbm>>) target(%dma_start3A_315 : memref<32x128xf32, #tpu.memory_space<vmem>>) target_semaphore(%arg17 : memref<!tpu.dma_semaphore, #tpu.memory_space<semaphore_mem>>)
    %slice3A_318 = vector.extract_strided_slice %get3A_72 {offsets = [3], sizes = [1], strides = [1]} : vector<16xi32> to vector<1xi32>
    %squeeze3A_319 = vector.extract %slice3A_318[0] : i32 from vector<1xi32>
    %slice3A_320 = vector.extract_strided_slice %get3A_76 {offsets = [3], sizes = [1], strides = [1]} : vector<16xi32> to vector<1xi32>
    %squeeze3A_321 = vector.extract %slice3A_320[0] : i32 from vector<1xi32>
    %jit3A_322 = arith.constant 128 : i32
    %div3A_323 = arith.divsi %squeeze3A_319, %jit3A_322 : i32
    %sign3A_324 = arith.constant 0 : i32
    %sign3A_325 = arith.cmpi sgt, %squeeze3A_319, %sign3A_324 : i32
    %sign3A_326 = arith.extui %sign3A_325 : i1 to i32
    %sign3A_327 = arith.constant 0 : i32
    %sign3A_328 = arith.cmpi slt, %squeeze3A_319, %sign3A_327 : i32
    %sign3A_329 = arith.extui %sign3A_328 : i1 to i32
    %sign3A_330 = arith.subi %sign3A_326, %sign3A_329 : i32
    %sign3A_331 = arith.constant 0 : i32
    %sign3A_332 = arith.cmpi sgt, %jit3A_322, %sign3A_331 : i32
    %sign3A_333 = arith.extui %sign3A_332 : i1 to i32
    %sign3A_334 = arith.constant 0 : i32
    %sign3A_335 = arith.cmpi slt, %jit3A_322, %sign3A_334 : i32
    %sign3A_336 = arith.extui %sign3A_335 : i1 to i32
    %sign3A_337 = arith.subi %sign3A_333, %sign3A_336 : i32
    %ne3A_338 = arith.cmpi ne, %sign3A_330, %sign3A_337 : i32
    %rem3A_339 = arith.remsi %squeeze3A_319, %jit3A_322 : i32
    %ne3A_340 = arith.constant 0 : i32
    %ne3A_341 = arith.cmpi ne, %rem3A_339, %ne3A_340 : i32
    %and3A_342 = arith.andi %ne3A_338, %ne3A_341 : i1
    %sub3A_343 = arith.constant 1 : i32
    %sub3A_344 = arith.subi %div3A_323, %sub3A_343 : i32
    %select_n3A_345 = arith.select %and3A_342, %sub3A_344, %div3A_323 : i32
    %mul3A_346 = arith.constant 128 : i32
    %mul3A_347 = arith.muli %select_n3A_345, %mul3A_346 : i32
    %multiple_of3A_348 = tpu.assume_multiple %mul3A_347, 128 : i32
    %jit3A_349 = arith.constant 128 : i32
    %div3A_350 = arith.divsi %squeeze3A_321, %jit3A_349 : i32
    %sign3A_351 = arith.constant 0 : i32
    %sign3A_352 = arith.cmpi sgt, %squeeze3A_321, %sign3A_351 : i32
    %sign3A_353 = arith.extui %sign3A_352 : i1 to i32
    %sign3A_354 = arith.constant 0 : i32
    %sign3A_355 = arith.cmpi slt, %squeeze3A_321, %sign3A_354 : i32
    %sign3A_356 = arith.extui %sign3A_355 : i1 to i32
    %sign3A_357 = arith.subi %sign3A_353, %sign3A_356 : i32
    %sign3A_358 = arith.constant 0 : i32
    %sign3A_359 = arith.cmpi sgt, %jit3A_349, %sign3A_358 : i32
    %sign3A_360 = arith.extui %sign3A_359 : i1 to i32
    %sign3A_361 = arith.constant 0 : i32
    %sign3A_362 = arith.cmpi slt, %jit3A_349, %sign3A_361 : i32
    %sign3A_363 = arith.extui %sign3A_362 : i1 to i32
    %sign3A_364 = arith.subi %sign3A_360, %sign3A_363 : i32
    %ne3A_365 = arith.cmpi ne, %sign3A_357, %sign3A_364 : i32
    %rem3A_366 = arith.remsi %squeeze3A_321, %jit3A_349 : i32
    %ne3A_367 = arith.constant 0 : i32
    %ne3A_368 = arith.cmpi ne, %rem3A_366, %ne3A_367 : i32
    %and3A_369 = arith.andi %ne3A_365, %ne3A_368 : i1
    %sub3A_370 = arith.constant 1 : i32
    %sub3A_371 = arith.subi %div3A_350, %sub3A_370 : i32
    %select_n3A_372 = arith.select %and3A_369, %sub3A_371, %div3A_350 : i32
    %mul3A_373 = arith.constant 128 : i32
    %mul3A_374 = arith.muli %select_n3A_372, %mul3A_373 : i32
    %multiple_of3A_375 = tpu.assume_multiple %mul3A_374, 128 : i32
    %dma_start3A_376 = arith.constant 3 : i32
    %dma_start3A_377 = arith.constant 0 : i32
    %dma_start3A_378 = arith.constant 0 : i32
    %dma_start3A_379 = tpu.memref_slice %arg11[%dma_start3A_376, %dma_start3A_377, %dma_start3A_378] : memref<8x32x128xf32, #tpu.memory_space<vmem>> -> memref<1x32x128xf32, #tpu.memory_space<vmem>>
    %dma_start3A_380 = tpu.memref_squeeze %dma_start3A_379 : memref<1x32x128xf32, #tpu.memory_space<vmem>> -> memref<32x128xf32, #tpu.memory_space<vmem>>
    %dma_start3A_381 = arith.constant 0 : i32
    %dma_start3A_382 = tpu.memref_slice %arg4[%dma_start3A_381, %multiple_of3A_348] : memref<32x1000000xf32, #tpu.memory_space<hbm>> -> memref<32x128xf32, #tpu.memory_space<hbm>>
    %dma_start3A_383 = arith.constant 0 : i32
    %dma_start3A_384 = arith.constant 0 : i32
    %dma_start3A_385 = tpu.memref_slice %arg11[%dma_start3A_376, %dma_start3A_383, %dma_start3A_384] : memref<8x32x128xf32, #tpu.memory_space<vmem>> -> memref<1x32x128xf32, #tpu.memory_space<vmem>>
    %dma_start3A_386 = tpu.memref_squeeze %dma_start3A_385 : memref<1x32x128xf32, #tpu.memory_space<vmem>> -> memref<32x128xf32, #tpu.memory_space<vmem>>
    %dma_start3A_387 = arith.constant 0 : i32
    %dma_start3A_388 = tpu.memref_slice %arg4[%dma_start3A_387, %multiple_of3A_348] : memref<32x1000000xf32, #tpu.memory_space<hbm>> -> memref<32x128xf32, #tpu.memory_space<hbm>>
    tpu.enqueue_dma source(%dma_start3A_388 : memref<32x128xf32, #tpu.memory_space<hbm>>) target(%dma_start3A_386 : memref<32x128xf32, #tpu.memory_space<vmem>>) target_semaphore(%arg16 : memref<!tpu.dma_semaphore, #tpu.memory_space<semaphore_mem>>)
    %dma_start3A_389 = arith.constant 3 : i32
    %dma_start3A_390 = arith.constant 0 : i32
    %dma_start3A_391 = arith.constant 0 : i32
    %dma_start3A_392 = tpu.memref_slice %arg12[%dma_start3A_389, %dma_start3A_390, %dma_start3A_391] : memref<8x32x128xf32, #tpu.memory_space<vmem>> -> memref<1x32x128xf32, #tpu.memory_space<vmem>>
    %dma_start3A_393 = tpu.memref_squeeze %dma_start3A_392 : memref<1x32x128xf32, #tpu.memory_space<vmem>> -> memref<32x128xf32, #tpu.memory_space<vmem>>
    %dma_start3A_394 = arith.constant 0 : i32
    %dma_start3A_395 = tpu.memref_slice %arg5[%dma_start3A_394, %multiple_of3A_375] : memref<32x1000000xf32, #tpu.memory_space<hbm>> -> memref<32x128xf32, #tpu.memory_space<hbm>>
    %dma_start3A_396 = arith.constant 0 : i32
    %dma_start3A_397 = arith.constant 0 : i32
    %dma_start3A_398 = tpu.memref_slice %arg12[%dma_start3A_389, %dma_start3A_396, %dma_start3A_397] : memref<8x32x128xf32, #tpu.memory_space<vmem>> -> memref<1x32x128xf32, #tpu.memory_space<vmem>>
    %dma_start3A_399 = tpu.memref_squeeze %dma_start3A_398 : memref<1x32x128xf32, #tpu.memory_space<vmem>> -> memref<32x128xf32, #tpu.memory_space<vmem>>
    %dma_start3A_400 = arith.constant 0 : i32
    %dma_start3A_401 = tpu.memref_slice %arg5[%dma_start3A_400, %multiple_of3A_375] : memref<32x1000000xf32, #tpu.memory_space<hbm>> -> memref<32x128xf32, #tpu.memory_space<hbm>>
    tpu.enqueue_dma source(%dma_start3A_401 : memref<32x128xf32, #tpu.memory_space<hbm>>) target(%dma_start3A_399 : memref<32x128xf32, #tpu.memory_space<vmem>>) target_semaphore(%arg17 : memref<!tpu.dma_semaphore, #tpu.memory_space<semaphore_mem>>)
    %slice3A_402 = vector.extract_strided_slice %get3A_72 {offsets = [4], sizes = [1], strides = [1]} : vector<16xi32> to vector<1xi32>
    %squeeze3A_403 = vector.extract %slice3A_402[0] : i32 from vector<1xi32>
    %slice3A_404 = vector.extract_strided_slice %get3A_76 {offsets = [4], sizes = [1], strides = [1]} : vector<16xi32> to vector<1xi32>
    %squeeze3A_405 = vector.extract %slice3A_404[0] : i32 from vector<1xi32>
    %jit3A_406 = arith.constant 128 : i32
    %div3A_407 = arith.divsi %squeeze3A_403, %jit3A_406 : i32
    %sign3A_408 = arith.constant 0 : i32
    %sign3A_409 = arith.cmpi sgt, %squeeze3A_403, %sign3A_408 : i32
    %sign3A_410 = arith.extui %sign3A_409 : i1 to i32
    %sign3A_411 = arith.constant 0 : i32
    %sign3A_412 = arith.cmpi slt, %squeeze3A_403, %sign3A_411 : i32
    %sign3A_413 = arith.extui %sign3A_412 : i1 to i32
    %sign3A_414 = arith.subi %sign3A_410, %sign3A_413 : i32
    %sign3A_415 = arith.constant 0 : i32
    %sign3A_416 = arith.cmpi sgt, %jit3A_406, %sign3A_415 : i32
    %sign3A_417 = arith.extui %sign3A_416 : i1 to i32
    %sign3A_418 = arith.constant 0 : i32
    %sign3A_419 = arith.cmpi slt, %jit3A_406, %sign3A_418 : i32
    %sign3A_420 = arith.extui %sign3A_419 : i1 to i32
    %sign3A_421 = arith.subi %sign3A_417, %sign3A_420 : i32
    %ne3A_422 = arith.cmpi ne, %sign3A_414, %sign3A_421 : i32
    %rem3A_423 = arith.remsi %squeeze3A_403, %jit3A_406 : i32
    %ne3A_424 = arith.constant 0 : i32
    %ne3A_425 = arith.cmpi ne, %rem3A_423, %ne3A_424 : i32
    %and3A_426 = arith.andi %ne3A_422, %ne3A_425 : i1
    %sub3A_427 = arith.constant 1 : i32
    %sub3A_428 = arith.subi %div3A_407, %sub3A_427 : i32
    %select_n3A_429 = arith.select %and3A_426, %sub3A_428, %div3A_407 : i32
    %mul3A_430 = arith.constant 128 : i32
    %mul3A_431 = arith.muli %select_n3A_429, %mul3A_430 : i32
    %multiple_of3A_432 = tpu.assume_multiple %mul3A_431, 128 : i32
    %jit3A_433 = arith.constant 128 : i32
    %div3A_434 = arith.divsi %squeeze3A_405, %jit3A_433 : i32
    %sign3A_435 = arith.constant 0 : i32
    %sign3A_436 = arith.cmpi sgt, %squeeze3A_405, %sign3A_435 : i32
    %sign3A_437 = arith.extui %sign3A_436 : i1 to i32
    %sign3A_438 = arith.constant 0 : i32
    %sign3A_439 = arith.cmpi slt, %squeeze3A_405, %sign3A_438 : i32
    %sign3A_440 = arith.extui %sign3A_439 : i1 to i32
    %sign3A_441 = arith.subi %sign3A_437, %sign3A_440 : i32
    %sign3A_442 = arith.constant 0 : i32
    %sign3A_443 = arith.cmpi sgt, %jit3A_433, %sign3A_442 : i32
    %sign3A_444 = arith.extui %sign3A_443 : i1 to i32
    %sign3A_445 = arith.constant 0 : i32
    %sign3A_446 = arith.cmpi slt, %jit3A_433, %sign3A_445 : i32
    %sign3A_447 = arith.extui %sign3A_446 : i1 to i32
    %sign3A_448 = arith.subi %sign3A_444, %sign3A_447 : i32
    %ne3A_449 = arith.cmpi ne, %sign3A_441, %sign3A_448 : i32
    %rem3A_450 = arith.remsi %squeeze3A_405, %jit3A_433 : i32
    %ne3A_451 = arith.constant 0 : i32
    %ne3A_452 = arith.cmpi ne, %rem3A_450, %ne3A_451 : i32
    %and3A_453 = arith.andi %ne3A_449, %ne3A_452 : i1
    %sub3A_454 = arith.constant 1 : i32
    %sub3A_455 = arith.subi %div3A_434, %sub3A_454 : i32
    %select_n3A_456 = arith.select %and3A_453, %sub3A_455, %div3A_434 : i32
    %mul3A_457 = arith.constant 128 : i32
    %mul3A_458 = arith.muli %select_n3A_456, %mul3A_457 : i32
    %multiple_of3A_459 = tpu.assume_multiple %mul3A_458, 128 : i32
    %dma_start3A_460 = arith.constant 4 : i32
    %dma_start3A_461 = arith.constant 0 : i32
    %dma_start3A_462 = arith.constant 0 : i32
    %dma_start3A_463 = tpu.memref_slice %arg11[%dma_start3A_460, %dma_start3A_461, %dma_start3A_462] : memref<8x32x128xf32, #tpu.memory_space<vmem>> -> memref<1x32x128xf32, #tpu.memory_space<vmem>>
    %dma_start3A_464 = tpu.memref_squeeze %dma_start3A_463 : memref<1x32x128xf32, #tpu.memory_space<vmem>> -> memref<32x128xf32, #tpu.memory_space<vmem>>
    %dma_start3A_465 = arith.constant 0 : i32
    %dma_start3A_466 = tpu.memref_slice %arg4[%dma_start3A_465, %multiple_of3A_432] : memref<32x1000000xf32, #tpu.memory_space<hbm>> -> memref<32x128xf32, #tpu.memory_space<hbm>>
    %dma_start3A_467 = arith.constant 0 : i32
    %dma_start3A_468 = arith.constant 0 : i32
    %dma_start3A_469 = tpu.memref_slice %arg11[%dma_start3A_460, %dma_start3A_467, %dma_start3A_468] : memref<8x32x128xf32, #tpu.memory_space<vmem>> -> memref<1x32x128xf32, #tpu.memory_space<vmem>>
    %dma_start3A_470 = tpu.memref_squeeze %dma_start3A_469 : memref<1x32x128xf32, #tpu.memory_space<vmem>> -> memref<32x128xf32, #tpu.memory_space<vmem>>
    %dma_start3A_471 = arith.constant 0 : i32
    %dma_start3A_472 = tpu.memref_slice %arg4[%dma_start3A_471, %multiple_of3A_432] : memref<32x1000000xf32, #tpu.memory_space<hbm>> -> memref<32x128xf32, #tpu.memory_space<hbm>>
    tpu.enqueue_dma source(%dma_start3A_472 : memref<32x128xf32, #tpu.memory_space<hbm>>) target(%dma_start3A_470 : memref<32x128xf32, #tpu.memory_space<vmem>>) target_semaphore(%arg16 : memref<!tpu.dma_semaphore, #tpu.memory_space<semaphore_mem>>)
    %dma_start3A_473 = arith.constant 4 : i32
    %dma_start3A_474 = arith.constant 0 : i32
    %dma_start3A_475 = arith.constant 0 : i32
    %dma_start3A_476 = tpu.memref_slice %arg12[%dma_start3A_473, %dma_start3A_474, %dma_start3A_475] : memref<8x32x128xf32, #tpu.memory_space<vmem>> -> memref<1x32x128xf32, #tpu.memory_space<vmem>>
    %dma_start3A_477 = tpu.memref_squeeze %dma_start3A_476 : memref<1x32x128xf32, #tpu.memory_space<vmem>> -> memref<32x128xf32, #tpu.memory_space<vmem>>
    %dma_start3A_478 = arith.constant 0 : i32
    %dma_start3A_479 = tpu.memref_slice %arg5[%dma_start3A_478, %multiple_of3A_459] : memref<32x1000000xf32, #tpu.memory_space<hbm>> -> memref<32x128xf32, #tpu.memory_space<hbm>>
    %dma_start3A_480 = arith.constant 0 : i32
    %dma_start3A_481 = arith.constant 0 : i32
    %dma_start3A_482 = tpu.memref_slice %arg12[%dma_start3A_473, %dma_start3A_480, %dma_start3A_481] : memref<8x32x128xf32, #tpu.memory_space<vmem>> -> memref<1x32x128xf32, #tpu.memory_space<vmem>>
    %dma_start3A_483 = tpu.memref_squeeze %dma_start3A_482 : memref<1x32x128xf32, #tpu.memory_space<vmem>> -> memref<32x128xf32, #tpu.memory_space<vmem>>
    %dma_start3A_484 = arith.constant 0 : i32
    %dma_start3A_485 = tpu.memref_slice %arg5[%dma_start3A_484, %multiple_of3A_459] : memref<32x1000000xf32, #tpu.memory_space<hbm>> -> memref<32x128xf32, #tpu.memory_space<hbm>>
    tpu.enqueue_dma source(%dma_start3A_485 : memref<32x128xf32, #tpu.memory_space<hbm>>) target(%dma_start3A_483 : memref<32x128xf32, #tpu.memory_space<vmem>>) target_semaphore(%arg17 : memref<!tpu.dma_semaphore, #tpu.memory_space<semaphore_mem>>)
    %slice3A_486 = vector.extract_strided_slice %get3A_72 {offsets = [5], sizes = [1], strides = [1]} : vector<16xi32> to vector<1xi32>
    %squeeze3A_487 = vector.extract %slice3A_486[0] : i32 from vector<1xi32>
    %slice3A_488 = vector.extract_strided_slice %get3A_76 {offsets = [5], sizes = [1], strides = [1]} : vector<16xi32> to vector<1xi32>
    %squeeze3A_489 = vector.extract %slice3A_488[0] : i32 from vector<1xi32>
    %jit3A_490 = arith.constant 128 : i32
    %div3A_491 = arith.divsi %squeeze3A_487, %jit3A_490 : i32
    %sign3A_492 = arith.constant 0 : i32
    %sign3A_493 = arith.cmpi sgt, %squeeze3A_487, %sign3A_492 : i32
    %sign3A_494 = arith.extui %sign3A_493 : i1 to i32
    %sign3A_495 = arith.constant 0 : i32
    %sign3A_496 = arith.cmpi slt, %squeeze3A_487, %sign3A_495 : i32
    %sign3A_497 = arith.extui %sign3A_496 : i1 to i32
    %sign3A_498 = arith.subi %sign3A_494, %sign3A_497 : i32
    %sign3A_499 = arith.constant 0 : i32
    %sign3A_500 = arith.cmpi sgt, %jit3A_490, %sign3A_499 : i32
    %sign3A_501 = arith.extui %sign3A_500 : i1 to i32
    %sign3A_502 = arith.constant 0 : i32
    %sign3A_503 = arith.cmpi slt, %jit3A_490, %sign3A_502 : i32
    %sign3A_504 = arith.extui %sign3A_503 : i1 to i32
    %sign3A_505 = arith.subi %sign3A_501, %sign3A_504 : i32
    %ne3A_506 = arith.cmpi ne, %sign3A_498, %sign3A_505 : i32
    %rem3A_507 = arith.remsi %squeeze3A_487, %jit3A_490 : i32
    %ne3A_508 = arith.constant 0 : i32
    %ne3A_509 = arith.cmpi ne, %rem3A_507, %ne3A_508 : i32
    %and3A_510 = arith.andi %ne3A_506, %ne3A_509 : i1
    %sub3A_511 = arith.constant 1 : i32
    %sub3A_512 = arith.subi %div3A_491, %sub3A_511 : i32
    %select_n3A_513 = arith.select %and3A_510, %sub3A_512, %div3A_491 : i32
    %mul3A_514 = arith.constant 128 : i32
    %mul3A_515 = arith.muli %select_n3A_513, %mul3A_514 : i32
    %multiple_of3A_516 = tpu.assume_multiple %mul3A_515, 128 : i32
    %jit3A_517 = arith.constant 128 : i32
    %div3A_518 = arith.divsi %squeeze3A_489, %jit3A_517 : i32
    %sign3A_519 = arith.constant 0 : i32
    %sign3A_520 = arith.cmpi sgt, %squeeze3A_489, %sign3A_519 : i32
    %sign3A_521 = arith.extui %sign3A_520 : i1 to i32
    %sign3A_522 = arith.constant 0 : i32
    %sign3A_523 = arith.cmpi slt, %squeeze3A_489, %sign3A_522 : i32
    %sign3A_524 = arith.extui %sign3A_523 : i1 to i32
    %sign3A_525 = arith.subi %sign3A_521, %sign3A_524 : i32
    %sign3A_526 = arith.constant 0 : i32
    %sign3A_527 = arith.cmpi sgt, %jit3A_517, %sign3A_526 : i32
    %sign3A_528 = arith.extui %sign3A_527 : i1 to i32
    %sign3A_529 = arith.constant 0 : i32
    %sign3A_530 = arith.cmpi slt, %jit3A_517, %sign3A_529 : i32
    %sign3A_531 = arith.extui %sign3A_530 : i1 to i32
    %sign3A_532 = arith.subi %sign3A_528, %sign3A_531 : i32
    %ne3A_533 = arith.cmpi ne, %sign3A_525, %sign3A_532 : i32
    %rem3A_534 = arith.remsi %squeeze3A_489, %jit3A_517 : i32
    %ne3A_535 = arith.constant 0 : i32
    %ne3A_536 = arith.cmpi ne, %rem3A_534, %ne3A_535 : i32
    %and3A_537 = arith.andi %ne3A_533, %ne3A_536 : i1
    %sub3A_538 = arith.constant 1 : i32
    %sub3A_539 = arith.subi %div3A_518, %sub3A_538 : i32
    %select_n3A_540 = arith.select %and3A_537, %sub3A_539, %div3A_518 : i32
    %mul3A_541 = arith.constant 128 : i32
    %mul3A_542 = arith.muli %select_n3A_540, %mul3A_541 : i32
    %multiple_of3A_543 = tpu.assume_multiple %mul3A_542, 128 : i32
    %dma_start3A_544 = arith.constant 5 : i32
    %dma_start3A_545 = arith.constant 0 : i32
    %dma_start3A_546 = arith.constant 0 : i32
    %dma_start3A_547 = tpu.memref_slice %arg11[%dma_start3A_544, %dma_start3A_545, %dma_start3A_546] : memref<8x32x128xf32, #tpu.memory_space<vmem>> -> memref<1x32x128xf32, #tpu.memory_space<vmem>>
    %dma_start3A_548 = tpu.memref_squeeze %dma_start3A_547 : memref<1x32x128xf32, #tpu.memory_space<vmem>> -> memref<32x128xf32, #tpu.memory_space<vmem>>
    %dma_start3A_549 = arith.constant 0 : i32
    %dma_start3A_550 = tpu.memref_slice %arg4[%dma_start3A_549, %multiple_of3A_516] : memref<32x1000000xf32, #tpu.memory_space<hbm>> -> memref<32x128xf32, #tpu.memory_space<hbm>>
    %dma_start3A_551 = arith.constant 0 : i32
    %dma_start3A_552 = arith.constant 0 : i32
    %dma_start3A_553 = tpu.memref_slice %arg11[%dma_start3A_544, %dma_start3A_551, %dma_start3A_552] : memref<8x32x128xf32, #tpu.memory_space<vmem>> -> memref<1x32x128xf32, #tpu.memory_space<vmem>>
    %dma_start3A_554 = tpu.memref_squeeze %dma_start3A_553 : memref<1x32x128xf32, #tpu.memory_space<vmem>> -> memref<32x128xf32, #tpu.memory_space<vmem>>
    %dma_start3A_555 = arith.constant 0 : i32
    %dma_start3A_556 = tpu.memref_slice %arg4[%dma_start3A_555, %multiple_of3A_516] : memref<32x1000000xf32, #tpu.memory_space<hbm>> -> memref<32x128xf32, #tpu.memory_space<hbm>>
    tpu.enqueue_dma source(%dma_start3A_556 : memref<32x128xf32, #tpu.memory_space<hbm>>) target(%dma_start3A_554 : memref<32x128xf32, #tpu.memory_space<vmem>>) target_semaphore(%arg16 : memref<!tpu.dma_semaphore, #tpu.memory_space<semaphore_mem>>)
    %dma_start3A_557 = arith.constant 5 : i32
    %dma_start3A_558 = arith.constant 0 : i32
    %dma_start3A_559 = arith.constant 0 : i32
    %dma_start3A_560 = tpu.memref_slice %arg12[%dma_start3A_557, %dma_start3A_558, %dma_start3A_559] : memref<8x32x128xf32, #tpu.memory_space<vmem>> -> memref<1x32x128xf32, #tpu.memory_space<vmem>>
    %dma_start3A_561 = tpu.memref_squeeze %dma_start3A_560 : memref<1x32x128xf32, #tpu.memory_space<vmem>> -> memref<32x128xf32, #tpu.memory_space<vmem>>
    %dma_start3A_562 = arith.constant 0 : i32
    %dma_start3A_563 = tpu.memref_slice %arg5[%dma_start3A_562, %multiple_of3A_543] : memref<32x1000000xf32, #tpu.memory_space<hbm>> -> memref<32x128xf32, #tpu.memory_space<hbm>>
    %dma_start3A_564 = arith.constant 0 : i32
    %dma_start3A_565 = arith.constant 0 : i32
    %dma_start3A_566 = tpu.memref_slice %arg12[%dma_start3A_557, %dma_start3A_564, %dma_start3A_565] : memref<8x32x128xf32, #tpu.memory_space<vmem>> -> memref<1x32x128xf32, #tpu.memory_space<vmem>>
    %dma_start3A_567 = tpu.memref_squeeze %dma_start3A_566 : memref<1x32x128xf32, #tpu.memory_space<vmem>> -> memref<32x128xf32, #tpu.memory_space<vmem>>
    %dma_start3A_568 = arith.constant 0 : i32
    %dma_start3A_569 = tpu.memref_slice %arg5[%dma_start3A_568, %multiple_of3A_543] : memref<32x1000000xf32, #tpu.memory_space<hbm>> -> memref<32x128xf32, #tpu.memory_space<hbm>>
    tpu.enqueue_dma source(%dma_start3A_569 : memref<32x128xf32, #tpu.memory_space<hbm>>) target(%dma_start3A_567 : memref<32x128xf32, #tpu.memory_space<vmem>>) target_semaphore(%arg17 : memref<!tpu.dma_semaphore, #tpu.memory_space<semaphore_mem>>)
    %slice3A_570 = vector.extract_strided_slice %get3A_72 {offsets = [6], sizes = [1], strides = [1]} : vector<16xi32> to vector<1xi32>
    %squeeze3A_571 = vector.extract %slice3A_570[0] : i32 from vector<1xi32>
    %slice3A_572 = vector.extract_strided_slice %get3A_76 {offsets = [6], sizes = [1], strides = [1]} : vector<16xi32> to vector<1xi32>
    %squeeze3A_573 = vector.extract %slice3A_572[0] : i32 from vector<1xi32>
    %jit3A_574 = arith.constant 128 : i32
    %div3A_575 = arith.divsi %squeeze3A_571, %jit3A_574 : i32
    %sign3A_576 = arith.constant 0 : i32
    %sign3A_577 = arith.cmpi sgt, %squeeze3A_571, %sign3A_576 : i32
    %sign3A_578 = arith.extui %sign3A_577 : i1 to i32
    %sign3A_579 = arith.constant 0 : i32
    %sign3A_580 = arith.cmpi slt, %squeeze3A_571, %sign3A_579 : i32
    %sign3A_581 = arith.extui %sign3A_580 : i1 to i32
    %sign3A_582 = arith.subi %sign3A_578, %sign3A_581 : i32
    %sign3A_583 = arith.constant 0 : i32
    %sign3A_584 = arith.cmpi sgt, %jit3A_574, %sign3A_583 : i32
    %sign3A_585 = arith.extui %sign3A_584 : i1 to i32
    %sign3A_586 = arith.constant 0 : i32
    %sign3A_587 = arith.cmpi slt, %jit3A_574, %sign3A_586 : i32
    %sign3A_588 = arith.extui %sign3A_587 : i1 to i32
    %sign3A_589 = arith.subi %sign3A_585, %sign3A_588 : i32
    %ne3A_590 = arith.cmpi ne, %sign3A_582, %sign3A_589 : i32
    %rem3A_591 = arith.remsi %squeeze3A_571, %jit3A_574 : i32
    %ne3A_592 = arith.constant 0 : i32
    %ne3A_593 = arith.cmpi ne, %rem3A_591, %ne3A_592 : i32
    %and3A_594 = arith.andi %ne3A_590, %ne3A_593 : i1
    %sub3A_595 = arith.constant 1 : i32
    %sub3A_596 = arith.subi %div3A_575, %sub3A_595 : i32
    %select_n3A_597 = arith.select %and3A_594, %sub3A_596, %div3A_575 : i32
    %mul3A_598 = arith.constant 128 : i32
    %mul3A_599 = arith.muli %select_n3A_597, %mul3A_598 : i32
    %multiple_of3A_600 = tpu.assume_multiple %mul3A_599, 128 : i32
    %jit3A_601 = arith.constant 128 : i32
    %div3A_602 = arith.divsi %squeeze3A_573, %jit3A_601 : i32
    %sign3A_603 = arith.constant 0 : i32
    %sign3A_604 = arith.cmpi sgt, %squeeze3A_573, %sign3A_603 : i32
    %sign3A_605 = arith.extui %sign3A_604 : i1 to i32
    %sign3A_606 = arith.constant 0 : i32
    %sign3A_607 = arith.cmpi slt, %squeeze3A_573, %sign3A_606 : i32
    %sign3A_608 = arith.extui %sign3A_607 : i1 to i32
    %sign3A_609 = arith.subi %sign3A_605, %sign3A_608 : i32
    %sign3A_610 = arith.constant 0 : i32
    %sign3A_611 = arith.cmpi sgt, %jit3A_601, %sign3A_610 : i32
    %sign3A_612 = arith.extui %sign3A_611 : i1 to i32
    %sign3A_613 = arith.constant 0 : i32
    %sign3A_614 = arith.cmpi slt, %jit3A_601, %sign3A_613 : i32
    %sign3A_615 = arith.extui %sign3A_614 : i1 to i32
    %sign3A_616 = arith.subi %sign3A_612, %sign3A_615 : i32
    %ne3A_617 = arith.cmpi ne, %sign3A_609, %sign3A_616 : i32
    %rem3A_618 = arith.remsi %squeeze3A_573, %jit3A_601 : i32
    %ne3A_619 = arith.constant 0 : i32
    %ne3A_620 = arith.cmpi ne, %rem3A_618, %ne3A_619 : i32
    %and3A_621 = arith.andi %ne3A_617, %ne3A_620 : i1
    %sub3A_622 = arith.constant 1 : i32
    %sub3A_623 = arith.subi %div3A_602, %sub3A_622 : i32
    %select_n3A_624 = arith.select %and3A_621, %sub3A_623, %div3A_602 : i32
    %mul3A_625 = arith.constant 128 : i32
    %mul3A_626 = arith.muli %select_n3A_624, %mul3A_625 : i32
    %multiple_of3A_627 = tpu.assume_multiple %mul3A_626, 128 : i32
    %dma_start3A_628 = arith.constant 6 : i32
    %dma_start3A_629 = arith.constant 0 : i32
    %dma_start3A_630 = arith.constant 0 : i32
    %dma_start3A_631 = tpu.memref_slice %arg11[%dma_start3A_628, %dma_start3A_629, %dma_start3A_630] : memref<8x32x128xf32, #tpu.memory_space<vmem>> -> memref<1x32x128xf32, #tpu.memory_space<vmem>>
    %dma_start3A_632 = tpu.memref_squeeze %dma_start3A_631 : memref<1x32x128xf32, #tpu.memory_space<vmem>> -> memref<32x128xf32, #tpu.memory_space<vmem>>
    %dma_start3A_633 = arith.constant 0 : i32
    %dma_start3A_634 = tpu.memref_slice %arg4[%dma_start3A_633, %multiple_of3A_600] : memref<32x1000000xf32, #tpu.memory_space<hbm>> -> memref<32x128xf32, #tpu.memory_space<hbm>>
    %dma_start3A_635 = arith.constant 0 : i32
    %dma_start3A_636 = arith.constant 0 : i32
    %dma_start3A_637 = tpu.memref_slice %arg11[%dma_start3A_628, %dma_start3A_635, %dma_start3A_636] : memref<8x32x128xf32, #tpu.memory_space<vmem>> -> memref<1x32x128xf32, #tpu.memory_space<vmem>>
    %dma_start3A_638 = tpu.memref_squeeze %dma_start3A_637 : memref<1x32x128xf32, #tpu.memory_space<vmem>> -> memref<32x128xf32, #tpu.memory_space<vmem>>
    %dma_start3A_639 = arith.constant 0 : i32
    %dma_start3A_640 = tpu.memref_slice %arg4[%dma_start3A_639, %multiple_of3A_600] : memref<32x1000000xf32, #tpu.memory_space<hbm>> -> memref<32x128xf32, #tpu.memory_space<hbm>>
    tpu.enqueue_dma source(%dma_start3A_640 : memref<32x128xf32, #tpu.memory_space<hbm>>) target(%dma_start3A_638 : memref<32x128xf32, #tpu.memory_space<vmem>>) target_semaphore(%arg16 : memref<!tpu.dma_semaphore, #tpu.memory_space<semaphore_mem>>)
    %dma_start3A_641 = arith.constant 6 : i32
    %dma_start3A_642 = arith.constant 0 : i32
    %dma_start3A_643 = arith.constant 0 : i32
    %dma_start3A_644 = tpu.memref_slice %arg12[%dma_start3A_641, %dma_start3A_642, %dma_start3A_643] : memref<8x32x128xf32, #tpu.memory_space<vmem>> -> memref<1x32x128xf32, #tpu.memory_space<vmem>>
    %dma_start3A_645 = tpu.memref_squeeze %dma_start3A_644 : memref<1x32x128xf32, #tpu.memory_space<vmem>> -> memref<32x128xf32, #tpu.memory_space<vmem>>
    %dma_start3A_646 = arith.constant 0 : i32
    %dma_start3A_647 = tpu.memref_slice %arg5[%dma_start3A_646, %multiple_of3A_627] : memref<32x1000000xf32, #tpu.memory_space<hbm>> -> memref<32x128xf32, #tpu.memory_space<hbm>>
    %dma_start3A_648 = arith.constant 0 : i32
    %dma_start3A_649 = arith.constant 0 : i32
    %dma_start3A_650 = tpu.memref_slice %arg12[%dma_start3A_641, %dma_start3A_648, %dma_start3A_649] : memref<8x32x128xf32, #tpu.memory_space<vmem>> -> memref<1x32x128xf32, #tpu.memory_space<vmem>>
    %dma_start3A_651 = tpu.memref_squeeze %dma_start3A_650 : memref<1x32x128xf32, #tpu.memory_space<vmem>> -> memref<32x128xf32, #tpu.memory_space<vmem>>
    %dma_start3A_652 = arith.constant 0 : i32
    %dma_start3A_653 = tpu.memref_slice %arg5[%dma_start3A_652, %multiple_of3A_627] : memref<32x1000000xf32, #tpu.memory_space<hbm>> -> memref<32x128xf32, #tpu.memory_space<hbm>>
    tpu.enqueue_dma source(%dma_start3A_653 : memref<32x128xf32, #tpu.memory_space<hbm>>) target(%dma_start3A_651 : memref<32x128xf32, #tpu.memory_space<vmem>>) target_semaphore(%arg17 : memref<!tpu.dma_semaphore, #tpu.memory_space<semaphore_mem>>)
    %scan3A = arith.constant 0 : i32
    %scan3A_654 = arith.constant 0 : i32
    %scan3A_655 = arith.constant 32 : i32
    %scan3A_656 = arith.addi %scan3A_654, %scan3A_655 : i32
    %scan3A_657 = arith.constant 1 : i32
    scf.for %scan3A_724 = %scan3A_654 to %scan3A_656 step %scan3A_657  : i32 {
      %jit3A_725 = arith.constant 8 : i32
      %div3A_726 = arith.divsi %scan3A_724, %jit3A_725 : i32
      %sign3A_727 = arith.constant 0 : i32
      %sign3A_728 = arith.cmpi sgt, %scan3A_724, %sign3A_727 : i32
      %sign3A_729 = arith.extui %sign3A_728 : i1 to i32
      %sign3A_730 = arith.constant 0 : i32
      %sign3A_731 = arith.cmpi slt, %scan3A_724, %sign3A_730 : i32
      %sign3A_732 = arith.extui %sign3A_731 : i1 to i32
      %sign3A_733 = arith.subi %sign3A_729, %sign3A_732 : i32
      %sign3A_734 = arith.constant 0 : i32
      %sign3A_735 = arith.cmpi sgt, %jit3A_725, %sign3A_734 : i32
      %sign3A_736 = arith.extui %sign3A_735 : i1 to i32
      %sign3A_737 = arith.constant 0 : i32
      %sign3A_738 = arith.cmpi slt, %jit3A_725, %sign3A_737 : i32
      %sign3A_739 = arith.extui %sign3A_738 : i1 to i32
      %sign3A_740 = arith.subi %sign3A_736, %sign3A_739 : i32
      %ne3A_741 = arith.cmpi ne, %sign3A_733, %sign3A_740 : i32
      %rem3A_742 = arith.remsi %scan3A_724, %jit3A_725 : i32
      %ne3A_743 = arith.constant 0 : i32
      %ne3A_744 = arith.cmpi ne, %rem3A_742, %ne3A_743 : i32
      %and3A_745 = arith.andi %ne3A_741, %ne3A_744 : i1
      %sub3A_746 = arith.constant 1 : i32
      %sub3A_747 = arith.subi %div3A_726, %sub3A_746 : i32
      %select_n3A_748 = arith.select %and3A_745, %sub3A_747, %div3A_726 : i32
      %jit3A_749 = arith.constant 8 : i32
      %eq3A = arith.constant 0 : i32
      %eq3A_750 = arith.cmpi eq, %jit3A_749, %eq3A : i32
      %jit3A_751 = arith.constant 1 : i32
      %select_n3A_752 = arith.select %eq3A_750, %jit3A_751, %jit3A_749 : i32
      %rem3A_753 = arith.remsi %scan3A_724, %select_n3A_752 : i32
      %ne3A_754 = arith.constant 0 : i32
      %ne3A_755 = arith.cmpi ne, %rem3A_753, %ne3A_754 : i32
      %lt3A = arith.constant 0 : i32
      %lt3A_756 = arith.cmpi slt, %rem3A_753, %lt3A : i32
      %lt3A_757 = arith.constant 0 : i32
      %lt3A_758 = arith.cmpi slt, %select_n3A_752, %lt3A_757 : i32
      %ne3A_759 = arith.xori %lt3A_756, %lt3A_758 : i1
      %and3A_760 = arith.andi %ne3A_759, %ne3A_755 : i1
      %add3A_761 = arith.addi %rem3A_753, %select_n3A_752 : i32
      %select_n3A_762 = arith.select %and3A_760, %add3A_761, %rem3A_753 : i32
      %mul3A_763 = arith.constant 16 : i32
      %mul3A_764 = arith.muli %select_n3A_762, %mul3A_763 : i32
      %get3A_765 = arith.index_cast %select_n3A_748 : i32 to index
      %get3A_766 = arith.index_cast %mul3A_764 : i32 to index
      %get3A_767 = tpu.vector_load %arg9[%get3A_765, %get3A_766] {strides = array<i32>} : memref<4x128xi32, #tpu.memory_space<vmem>>, vector<16xi32>,
      %get3A_768 = arith.index_cast %select_n3A_748 : i32 to index
      %get3A_769 = arith.index_cast %mul3A_764 : i32 to index
      %get3A_770 = tpu.vector_load %arg10[%get3A_768, %get3A_769] {strides = array<i32>} : memref<4x128xi32, #tpu.memory_space<vmem>>, vector<16xi32>,
      %broadcast_in_dim3A = arith.constant 0.000000e+00 : f32
      %broadcast_in_dim3A_771 = vector.broadcast %broadcast_in_dim3A : f32 to vector<16xf32>
      %slice3A_772 = vector.extract_strided_slice %get3A_767 {offsets = [7], sizes = [1], strides = [1]} : vector<16xi32> to vector<1xi32>
      %squeeze3A_773 = vector.extract %slice3A_772[0] : i32 from vector<1xi32>
      %slice3A_774 = vector.extract_strided_slice %get3A_770 {offsets = [7], sizes = [1], strides = [1]} : vector<16xi32> to vector<1xi32>
      %squeeze3A_775 = vector.extract %slice3A_774[0] : i32 from vector<1xi32>
      %jit3A_776 = arith.constant 128 : i32
      %div3A_777 = arith.divsi %squeeze3A_773, %jit3A_776 : i32
      %sign3A_778 = arith.constant 0 : i32
      %sign3A_779 = arith.cmpi sgt, %squeeze3A_773, %sign3A_778 : i32
      %sign3A_780 = arith.extui %sign3A_779 : i1 to i32
      %sign3A_781 = arith.constant 0 : i32
      %sign3A_782 = arith.cmpi slt, %squeeze3A_773, %sign3A_781 : i32
      %sign3A_783 = arith.extui %sign3A_782 : i1 to i32
      %sign3A_784 = arith.subi %sign3A_780, %sign3A_783 : i32
      %sign3A_785 = arith.constant 0 : i32
      %sign3A_786 = arith.cmpi sgt, %jit3A_776, %sign3A_785 : i32
      %sign3A_787 = arith.extui %sign3A_786 : i1 to i32
      %sign3A_788 = arith.constant 0 : i32
      %sign3A_789 = arith.cmpi slt, %jit3A_776, %sign3A_788 : i32
      %sign3A_790 = arith.extui %sign3A_789 : i1 to i32
      %sign3A_791 = arith.subi %sign3A_787, %sign3A_790 : i32
      %ne3A_792 = arith.cmpi ne, %sign3A_784, %sign3A_791 : i32
      %rem3A_793 = arith.remsi %squeeze3A_773, %jit3A_776 : i32
      %ne3A_794 = arith.constant 0 : i32
      %ne3A_795 = arith.cmpi ne, %rem3A_793, %ne3A_794 : i32
      %and3A_796 = arith.andi %ne3A_792, %ne3A_795 : i1
      %sub3A_797 = arith.constant 1 : i32
      %sub3A_798 = arith.subi %div3A_777, %sub3A_797 : i32
      %select_n3A_799 = arith.select %and3A_796, %sub3A_798, %div3A_777 : i32
      %mul3A_800 = arith.constant 128 : i32
      %mul3A_801 = arith.muli %select_n3A_799, %mul3A_800 : i32
      %multiple_of3A_802 = tpu.assume_multiple %mul3A_801, 128 : i32
      %jit3A_803 = arith.constant 128 : i32
      %div3A_804 = arith.divsi %squeeze3A_775, %jit3A_803 : i32
      %sign3A_805 = arith.constant 0 : i32
      %sign3A_806 = arith.cmpi sgt, %squeeze3A_775, %sign3A_805 : i32
      %sign3A_807 = arith.extui %sign3A_806 : i1 to i32
      %sign3A_808 = arith.constant 0 : i32
      %sign3A_809 = arith.cmpi slt, %squeeze3A_775, %sign3A_808 : i32
      %sign3A_810 = arith.extui %sign3A_809 : i1 to i32
      %sign3A_811 = arith.subi %sign3A_807, %sign3A_810 : i32
      %sign3A_812 = arith.constant 0 : i32
      %sign3A_813 = arith.cmpi sgt, %jit3A_803, %sign3A_812 : i32
      %sign3A_814 = arith.extui %sign3A_813 : i1 to i32
      %sign3A_815 = arith.constant 0 : i32
      %sign3A_816 = arith.cmpi slt, %jit3A_803, %sign3A_815 : i32
      %sign3A_817 = arith.extui %sign3A_816 : i1 to i32
      %sign3A_818 = arith.subi %sign3A_814, %sign3A_817 : i32
      %ne3A_819 = arith.cmpi ne, %sign3A_811, %sign3A_818 : i32
      %rem3A_820 = arith.remsi %squeeze3A_775, %jit3A_803 : i32
      %ne3A_821 = arith.constant 0 : i32
      %ne3A_822 = arith.cmpi ne, %rem3A_820, %ne3A_821 : i32
      %and3A_823 = arith.andi %ne3A_819, %ne3A_822 : i1
      %sub3A_824 = arith.constant 1 : i32
      %sub3A_825 = arith.subi %div3A_804, %sub3A_824 : i32
      %select_n3A_826 = arith.select %and3A_823, %sub3A_825, %div3A_804 : i32
      %mul3A_827 = arith.constant 128 : i32
      %mul3A_828 = arith.muli %select_n3A_826, %mul3A_827 : i32
      %multiple_of3A_829 = tpu.assume_multiple %mul3A_828, 128 : i32
      %dma_start3A_830 = arith.constant 7 : i32
      %dma_start3A_831 = arith.constant 0 : i32
      %dma_start3A_832 = arith.constant 0 : i32
      %dma_start3A_833 = tpu.memref_slice %arg11[%dma_start3A_830, %dma_start3A_831, %dma_start3A_832] : memref<8x32x128xf32, #tpu.memory_space<vmem>> -> memref<1x32x128xf32, #tpu.memory_space<vmem>>
      %dma_start3A_834 = tpu.memref_squeeze %dma_start3A_833 : memref<1x32x128xf32, #tpu.memory_space<vmem>> -> memref<32x128xf32, #tpu.memory_space<vmem>>
      %dma_start3A_835 = arith.constant 0 : i32
      %dma_start3A_836 = tpu.memref_slice %arg4[%dma_start3A_835, %multiple_of3A_802] : memref<32x1000000xf32, #tpu.memory_space<hbm>> -> memref<32x128xf32, #tpu.memory_space<hbm>>
      %dma_start3A_837 = arith.constant 0 : i32
      %dma_start3A_838 = arith.constant 0 : i32
      %dma_start3A_839 = tpu.memref_slice %arg11[%dma_start3A_830, %dma_start3A_837, %dma_start3A_838] : memref<8x32x128xf32, #tpu.memory_space<vmem>> -> memref<1x32x128xf32, #tpu.memory_space<vmem>>
      %dma_start3A_840 = tpu.memref_squeeze %dma_start3A_839 : memref<1x32x128xf32, #tpu.memory_space<vmem>> -> memref<32x128xf32, #tpu.memory_space<vmem>>
      %dma_start3A_841 = arith.constant 0 : i32
      %dma_start3A_842 = tpu.memref_slice %arg4[%dma_start3A_841, %multiple_of3A_802] : memref<32x1000000xf32, #tpu.memory_space<hbm>> -> memref<32x128xf32, #tpu.memory_space<hbm>>
      tpu.enqueue_dma source(%dma_start3A_842 : memref<32x128xf32, #tpu.memory_space<hbm>>) target(%dma_start3A_840 : memref<32x128xf32, #tpu.memory_space<vmem>>) target_semaphore(%arg16 : memref<!tpu.dma_semaphore, #tpu.memory_space<semaphore_mem>>)
      %dma_start3A_843 = arith.constant 7 : i32
      %dma_start3A_844 = arith.constant 0 : i32
      %dma_start3A_845 = arith.constant 0 : i32
      %dma_start3A_846 = tpu.memref_slice %arg12[%dma_start3A_843, %dma_start3A_844, %dma_start3A_845] : memref<8x32x128xf32, #tpu.memory_space<vmem>> -> memref<1x32x128xf32, #tpu.memory_space<vmem>>
      %dma_start3A_847 = tpu.memref_squeeze %dma_start3A_846 : memref<1x32x128xf32, #tpu.memory_space<vmem>> -> memref<32x128xf32, #tpu.memory_space<vmem>>
      %dma_start3A_848 = arith.constant 0 : i32
      %dma_start3A_849 = tpu.memref_slice %arg5[%dma_start3A_848, %multiple_of3A_829] : memref<32x1000000xf32, #tpu.memory_space<hbm>> -> memref<32x128xf32, #tpu.memory_space<hbm>>
      %dma_start3A_850 = arith.constant 0 : i32
      %dma_start3A_851 = arith.constant 0 : i32
      %dma_start3A_852 = tpu.memref_slice %arg12[%dma_start3A_843, %dma_start3A_850, %dma_start3A_851] : memref<8x32x128xf32, #tpu.memory_space<vmem>> -> memref<1x32x128xf32, #tpu.memory_space<vmem>>
      %dma_start3A_853 = tpu.memref_squeeze %dma_start3A_852 : memref<1x32x128xf32, #tpu.memory_space<vmem>> -> memref<32x128xf32, #tpu.memory_space<vmem>>
      %dma_start3A_854 = arith.constant 0 : i32
      %dma_start3A_855 = tpu.memref_slice %arg5[%dma_start3A_854, %multiple_of3A_829] : memref<32x1000000xf32, #tpu.memory_space<hbm>> -> memref<32x128xf32, #tpu.memory_space<hbm>>
      tpu.enqueue_dma source(%dma_start3A_855 : memref<32x128xf32, #tpu.memory_space<hbm>>) target(%dma_start3A_853 : memref<32x128xf32, #tpu.memory_space<vmem>>) target_semaphore(%arg17 : memref<!tpu.dma_semaphore, #tpu.memory_space<semaphore_mem>>)
      %dma_wait3A_856 = arith.constant 0 : i32
      %dma_wait3A_857 = arith.constant 0 : i32
      %dma_wait3A_858 = arith.constant 0 : i32
      %dma_wait3A_859 = tpu.memref_slice %arg11[%dma_wait3A_856, %dma_wait3A_857, %dma_wait3A_858] : memref<8x32x128xf32, #tpu.memory_space<vmem>> -> memref<1x32x128xf32, #tpu.memory_space<vmem>>
      %dma_wait3A_860 = tpu.memref_squeeze %dma_wait3A_859 : memref<1x32x128xf32, #tpu.memory_space<vmem>> -> memref<32x128xf32, #tpu.memory_space<vmem>>
      %dma_wait3A_861 = arith.constant 0 : i32
      %dma_wait3A_862 = arith.constant 0 : i32
      %dma_wait3A_863 = tpu.memref_slice %arg4[%dma_wait3A_861, %dma_wait3A_862] : memref<32x1000000xf32, #tpu.memory_space<hbm>> -> memref<32x128xf32, #tpu.memory_space<hbm>>
      %dma_wait3A_864 = arith.constant 0 : i32
      %dma_wait3A_865 = arith.constant 0 : i32
      %dma_wait3A_866 = tpu.memref_slice %arg11[%dma_wait3A_856, %dma_wait3A_864, %dma_wait3A_865] : memref<8x32x128xf32, #tpu.memory_space<vmem>> -> memref<1x32x128xf32, #tpu.memory_space<vmem>>
      %dma_wait3A_867 = tpu.memref_squeeze %dma_wait3A_866 : memref<1x32x128xf32, #tpu.memory_space<vmem>> -> memref<32x128xf32, #tpu.memory_space<vmem>>
      %dma_wait3A_868 = arith.constant 0 : i32
      %dma_wait3A_869 = arith.constant 0 : i32
      %dma_wait3A_870 = tpu.memref_slice %arg4[%dma_wait3A_868, %dma_wait3A_869] : memref<32x1000000xf32, #tpu.memory_space<hbm>> -> memref<32x128xf32, #tpu.memory_space<hbm>>
      tpu.wait_dma2 semaphore(%arg16 : memref<!tpu.dma_semaphore, #tpu.memory_space<semaphore_mem>>) src(%dma_wait3A_870 : memref<32x128xf32, #tpu.memory_space<hbm>>) dst(%dma_wait3A_867 : memref<32x128xf32, #tpu.memory_space<vmem>>)
      %dma_wait3A_871 = arith.constant 0 : i32
      %dma_wait3A_872 = arith.constant 0 : i32
      %dma_wait3A_873 = arith.constant 0 : i32
      %dma_wait3A_874 = tpu.memref_slice %arg12[%dma_wait3A_871, %dma_wait3A_872, %dma_wait3A_873] : memref<8x32x128xf32, #tpu.memory_space<vmem>> -> memref<1x32x128xf32, #tpu.memory_space<vmem>>
      %dma_wait3A_875 = tpu.memref_squeeze %dma_wait3A_874 : memref<1x32x128xf32, #tpu.memory_space<vmem>> -> memref<32x128xf32, #tpu.memory_space<vmem>>
      %dma_wait3A_876 = arith.constant 0 : i32
      %dma_wait3A_877 = arith.constant 0 : i32
      %dma_wait3A_878 = tpu.memref_slice %arg5[%dma_wait3A_876, %dma_wait3A_877] : memref<32x1000000xf32, #tpu.memory_space<hbm>> -> memref<32x128xf32, #tpu.memory_space<hbm>>
      %dma_wait3A_879 = arith.constant 0 : i32
      %dma_wait3A_880 = arith.constant 0 : i32
      %dma_wait3A_881 = tpu.memref_slice %arg12[%dma_wait3A_871, %dma_wait3A_879, %dma_wait3A_880] : memref<8x32x128xf32, #tpu.memory_space<vmem>> -> memref<1x32x128xf32, #tpu.memory_space<vmem>>
      %dma_wait3A_882 = tpu.memref_squeeze %dma_wait3A_881 : memref<1x32x128xf32, #tpu.memory_space<vmem>> -> memref<32x128xf32, #tpu.memory_space<vmem>>
      %dma_wait3A_883 = arith.constant 0 : i32
      %dma_wait3A_884 = arith.constant 0 : i32
      %dma_wait3A_885 = tpu.memref_slice %arg5[%dma_wait3A_883, %dma_wait3A_884] : memref<32x1000000xf32, #tpu.memory_space<hbm>> -> memref<32x128xf32, #tpu.memory_space<hbm>>
      tpu.wait_dma2 semaphore(%arg17 : memref<!tpu.dma_semaphore, #tpu.memory_space<semaphore_mem>>) src(%dma_wait3A_885 : memref<32x128xf32, #tpu.memory_space<hbm>>) dst(%dma_wait3A_882 : memref<32x128xf32, #tpu.memory_space<vmem>>)
      %slice3A_886 = vector.extract_strided_slice %get3A_767 {offsets = [0], sizes = [1], strides = [1]} : vector<16xi32> to vector<1xi32>
      %squeeze3A_887 = vector.extract %slice3A_886[0] : i32 from vector<1xi32>
      %jit3A_888 = arith.constant 128 : i32
      %eq3A_889 = arith.constant 0 : i32
      %eq3A_890 = arith.cmpi eq, %jit3A_888, %eq3A_889 : i32
      %jit3A_891 = arith.constant 1 : i32
      %select_n3A_892 = arith.select %eq3A_890, %jit3A_891, %jit3A_888 : i32
      %rem3A_893 = arith.remsi %squeeze3A_887, %select_n3A_892 : i32
      %ne3A_894 = arith.constant 0 : i32
      %ne3A_895 = arith.cmpi ne, %rem3A_893, %ne3A_894 : i32
      %lt3A_896 = arith.constant 0 : i32
      %lt3A_897 = arith.cmpi slt, %rem3A_893, %lt3A_896 : i32
      %lt3A_898 = arith.constant 0 : i32
      %lt3A_899 = arith.cmpi slt, %select_n3A_892, %lt3A_898 : i32
      %ne3A_900 = arith.xori %lt3A_897, %lt3A_899 : i1
      %and3A_901 = arith.andi %ne3A_900, %ne3A_895 : i1
      %add3A_902 = arith.addi %rem3A_893, %select_n3A_892 : i32
      %select_n3A_903 = arith.select %and3A_901, %add3A_902, %rem3A_893 : i32
      %broadcast_in_dim3A_904 = vector.broadcast %select_n3A_903 : i32 to vector<16xi32>
      %slice3A_905 = vector.extract_strided_slice %get3A_770 {offsets = [0], sizes = [1], strides = [1]} : vector<16xi32> to vector<1xi32>
      %squeeze3A_906 = vector.extract %slice3A_905[0] : i32 from vector<1xi32>
      %jit3A_907 = arith.constant 128 : i32
      %eq3A_908 = arith.constant 0 : i32
      %eq3A_909 = arith.cmpi eq, %jit3A_907, %eq3A_908 : i32
      %jit3A_910 = arith.constant 1 : i32
      %select_n3A_911 = arith.select %eq3A_909, %jit3A_910, %jit3A_907 : i32
      %rem3A_912 = arith.remsi %squeeze3A_906, %select_n3A_911 : i32
      %ne3A_913 = arith.constant 0 : i32
      %ne3A_914 = arith.cmpi ne, %rem3A_912, %ne3A_913 : i32
      %lt3A_915 = arith.constant 0 : i32
      %lt3A_916 = arith.cmpi slt, %rem3A_912, %lt3A_915 : i32
      %lt3A_917 = arith.constant 0 : i32
      %lt3A_918 = arith.cmpi slt, %select_n3A_911, %lt3A_917 : i32
      %ne3A_919 = arith.xori %lt3A_916, %lt3A_918 : i1
      %and3A_920 = arith.andi %ne3A_919, %ne3A_914 : i1
      %add3A_921 = arith.addi %rem3A_912, %select_n3A_911 : i32
      %select_n3A_922 = arith.select %and3A_920, %add3A_921, %rem3A_912 : i32
      %broadcast_in_dim3A_923 = vector.broadcast %select_n3A_922 : i32 to vector<16xi32>
      %gather3A = arith.constant 0 : i32
      %gather3A_924 = arith.constant 0 : i32
      %gather3A_925 = arith.constant 0 : i32
      %gather3A_926 = tpu.memref_slice %arg11[%gather3A, %gather3A_924, %gather3A_925] : memref<8x32x128xf32, #tpu.memory_space<vmem>> -> memref<1x32x128xf32, #tpu.memory_space<vmem>>
      %gather3A_927 = tpu.memref_squeeze %gather3A_926 : memref<1x32x128xf32, #tpu.memory_space<vmem>> -> memref<32x128xf32, #tpu.memory_space<vmem>>
      %gather3A_928 = tpu.vector_load_idx %gather3A_927[%iota3A_66, %broadcast_in_dim3A_904] : memref<32x128xf32, #tpu.memory_space<vmem>>[vector<16xi32>, vector<16xi32>], vector<16xf32>,
      %gather3A_929 = arith.constant 0 : i32
      %gather3A_930 = arith.constant 0 : i32
      %gather3A_931 = arith.constant 0 : i32
      %gather3A_932 = tpu.memref_slice %arg11[%gather3A_929, %gather3A_930, %gather3A_931] : memref<8x32x128xf32, #tpu.memory_space<vmem>> -> memref<1x32x128xf32, #tpu.memory_space<vmem>>
      %gather3A_933 = tpu.memref_squeeze %gather3A_932 : memref<1x32x128xf32, #tpu.memory_space<vmem>> -> memref<32x128xf32, #tpu.memory_space<vmem>>
      %gather3A_934 = tpu.vector_load_idx %gather3A_933[%add3A_69, %broadcast_in_dim3A_904] : memref<32x128xf32, #tpu.memory_space<vmem>>[vector<16xi32>, vector<16xi32>], vector<16xf32>,
      %gather3A_935 = arith.constant 0 : i32
      %gather3A_936 = arith.constant 0 : i32
      %gather3A_937 = arith.constant 0 : i32
      %gather3A_938 = tpu.memref_slice %arg12[%gather3A_935, %gather3A_936, %gather3A_937] : memref<8x32x128xf32, #tpu.memory_space<vmem>> -> memref<1x32x128xf32, #tpu.memory_space<vmem>>
      %gather3A_939 = tpu.memref_squeeze %gather3A_938 : memref<1x32x128xf32, #tpu.memory_space<vmem>> -> memref<32x128xf32, #tpu.memory_space<vmem>>
      %gather3A_940 = tpu.vector_load_idx %gather3A_939[%iota3A_66, %broadcast_in_dim3A_923] : memref<32x128xf32, #tpu.memory_space<vmem>>[vector<16xi32>, vector<16xi32>], vector<16xf32>,
      %gather3A_941 = arith.constant 0 : i32
      %gather3A_942 = arith.constant 0 : i32
      %gather3A_943 = arith.constant 0 : i32
      %gather3A_944 = tpu.memref_slice %arg12[%gather3A_941, %gather3A_942, %gather3A_943] : memref<8x32x128xf32, #tpu.memory_space<vmem>> -> memref<1x32x128xf32, #tpu.memory_space<vmem>>
      %gather3A_945 = tpu.memref_squeeze %gather3A_944 : memref<1x32x128xf32, #tpu.memory_space<vmem>> -> memref<32x128xf32, #tpu.memory_space<vmem>>
      %gather3A_946 = tpu.vector_load_idx %gather3A_945[%add3A_69, %broadcast_in_dim3A_923] : memref<32x128xf32, #tpu.memory_space<vmem>>[vector<16xi32>, vector<16xi32>], vector<16xf32>,
      %mul3A_947 = arith.mulf %gather3A_928, %gather3A_940 : vector<16xf32>
      %mul3A_948 = arith.mulf %gather3A_934, %gather3A_946 : vector<16xf32>
      %add3A_949 = arith.addf %mul3A_947, %mul3A_948 : vector<16xf32>
      %reduce_sum3A = arith.constant true
      %reduce_sum3A_950 = vector.broadcast %reduce_sum3A : i1 to vector<16xi1>
      %reduce_sum3A_951 = tpu.scan <sum>, %add3A_949 masked %reduce_sum3A_950 : vector<16xf32>, vector<16xi1> -> vector<16xf32>
      %reduce_sum3A_952 = vector.extract %reduce_sum3A_951[15] : f32 from vector<16xf32>
      %eq3A_953 = arith.constant 0 : i32
      %eq3A_954 = vector.broadcast %eq3A_953 : i32 to vector<16xi32>
      %eq3A_955 = arith.cmpi eq, %iota3A, %eq3A_954 : vector<16xi32>
      %broadcast_in_dim3A_956 = vector.broadcast %reduce_sum3A_952 : f32 to vector<16xf32>
      %select_n3A_957 = arith.select %eq3A_955, %broadcast_in_dim3A_956, %broadcast_in_dim3A_771 : vector<16xi1>, vector<16xf32>
      %slice3A_958 = vector.extract_strided_slice %get3A_767 {offsets = [8], sizes = [1], strides = [1]} : vector<16xi32> to vector<1xi32>
      %squeeze3A_959 = vector.extract %slice3A_958[0] : i32 from vector<1xi32>
      %slice3A_960 = vector.extract_strided_slice %get3A_770 {offsets = [8], sizes = [1], strides = [1]} : vector<16xi32> to vector<1xi32>
      %squeeze3A_961 = vector.extract %slice3A_960[0] : i32 from vector<1xi32>
      %jit3A_962 = arith.constant 128 : i32
      %div3A_963 = arith.divsi %squeeze3A_959, %jit3A_962 : i32
      %sign3A_964 = arith.constant 0 : i32
      %sign3A_965 = arith.cmpi sgt, %squeeze3A_959, %sign3A_964 : i32
      %sign3A_966 = arith.extui %sign3A_965 : i1 to i32
      %sign3A_967 = arith.constant 0 : i32
      %sign3A_968 = arith.cmpi slt, %squeeze3A_959, %sign3A_967 : i32
      %sign3A_969 = arith.extui %sign3A_968 : i1 to i32
      %sign3A_970 = arith.subi %sign3A_966, %sign3A_969 : i32
      %sign3A_971 = arith.constant 0 : i32
      %sign3A_972 = arith.cmpi sgt, %jit3A_962, %sign3A_971 : i32
      %sign3A_973 = arith.extui %sign3A_972 : i1 to i32
      %sign3A_974 = arith.constant 0 : i32
      %sign3A_975 = arith.cmpi slt, %jit3A_962, %sign3A_974 : i32
      %sign3A_976 = arith.extui %sign3A_975 : i1 to i32
      %sign3A_977 = arith.subi %sign3A_973, %sign3A_976 : i32
      %ne3A_978 = arith.cmpi ne, %sign3A_970, %sign3A_977 : i32
      %rem3A_979 = arith.remsi %squeeze3A_959, %jit3A_962 : i32
      %ne3A_980 = arith.constant 0 : i32
      %ne3A_981 = arith.cmpi ne, %rem3A_979, %ne3A_980 : i32
      %and3A_982 = arith.andi %ne3A_978, %ne3A_981 : i1
      %sub3A_983 = arith.constant 1 : i32
      %sub3A_984 = arith.subi %div3A_963, %sub3A_983 : i32
      %select_n3A_985 = arith.select %and3A_982, %sub3A_984, %div3A_963 : i32
      %mul3A_986 = arith.constant 128 : i32
      %mul3A_987 = arith.muli %select_n3A_985, %mul3A_986 : i32
      %multiple_of3A_988 = tpu.assume_multiple %mul3A_987, 128 : i32
      %jit3A_989 = arith.constant 128 : i32
      %div3A_990 = arith.divsi %squeeze3A_961, %jit3A_989 : i32
      %sign3A_991 = arith.constant 0 : i32
      %sign3A_992 = arith.cmpi sgt, %squeeze3A_961, %sign3A_991 : i32
      %sign3A_993 = arith.extui %sign3A_992 : i1 to i32
      %sign3A_994 = arith.constant 0 : i32
      %sign3A_995 = arith.cmpi slt, %squeeze3A_961, %sign3A_994 : i32
      %sign3A_996 = arith.extui %sign3A_995 : i1 to i32
      %sign3A_997 = arith.subi %sign3A_993, %sign3A_996 : i32
      %sign3A_998 = arith.constant 0 : i32
      %sign3A_999 = arith.cmpi sgt, %jit3A_989, %sign3A_998 : i32
      %sign3A_1000 = arith.extui %sign3A_999 : i1 to i32
      %sign3A_1001 = arith.constant 0 : i32
      %sign3A_1002 = arith.cmpi slt, %jit3A_989, %sign3A_1001 : i32
      %sign3A_1003 = arith.extui %sign3A_1002 : i1 to i32
      %sign3A_1004 = arith.subi %sign3A_1000, %sign3A_1003 : i32
      %ne3A_1005 = arith.cmpi ne, %sign3A_997, %sign3A_1004 : i32
      %rem3A_1006 = arith.remsi %squeeze3A_961, %jit3A_989 : i32
      %ne3A_1007 = arith.constant 0 : i32
      %ne3A_1008 = arith.cmpi ne, %rem3A_1006, %ne3A_1007 : i32
      %and3A_1009 = arith.andi %ne3A_1005, %ne3A_1008 : i1
      %sub3A_1010 = arith.constant 1 : i32
      %sub3A_1011 = arith.subi %div3A_990, %sub3A_1010 : i32
      %select_n3A_1012 = arith.select %and3A_1009, %sub3A_1011, %div3A_990 : i32
      %mul3A_1013 = arith.constant 128 : i32
      %mul3A_1014 = arith.muli %select_n3A_1012, %mul3A_1013 : i32
      %multiple_of3A_1015 = tpu.assume_multiple %mul3A_1014, 128 : i32
      %dma_start3A_1016 = arith.constant 0 : i32
      %dma_start3A_1017 = arith.constant 0 : i32
      %dma_start3A_1018 = arith.constant 0 : i32
      %dma_start3A_1019 = tpu.memref_slice %arg11[%dma_start3A_1016, %dma_start3A_1017, %dma_start3A_1018] : memref<8x32x128xf32, #tpu.memory_space<vmem>> -> memref<1x32x128xf32, #tpu.memory_space<vmem>>
      %dma_start3A_1020 = tpu.memref_squeeze %dma_start3A_1019 : memref<1x32x128xf32, #tpu.memory_space<vmem>> -> memref<32x128xf32, #tpu.memory_space<vmem>>
      %dma_start3A_1021 = arith.constant 0 : i32
      %dma_start3A_1022 = tpu.memref_slice %arg4[%dma_start3A_1021, %multiple_of3A_988] : memref<32x1000000xf32, #tpu.memory_space<hbm>> -> memref<32x128xf32, #tpu.memory_space<hbm>>
      %dma_start3A_1023 = arith.constant 0 : i32
      %dma_start3A_1024 = arith.constant 0 : i32
      %dma_start3A_1025 = tpu.memref_slice %arg11[%dma_start3A_1016, %dma_start3A_1023, %dma_start3A_1024] : memref<8x32x128xf32, #tpu.memory_space<vmem>> -> memref<1x32x128xf32, #tpu.memory_space<vmem>>
      %dma_start3A_1026 = tpu.memref_squeeze %dma_start3A_1025 : memref<1x32x128xf32, #tpu.memory_space<vmem>> -> memref<32x128xf32, #tpu.memory_space<vmem>>
      %dma_start3A_1027 = arith.constant 0 : i32
      %dma_start3A_1028 = tpu.memref_slice %arg4[%dma_start3A_1027, %multiple_of3A_988] : memref<32x1000000xf32, #tpu.memory_space<hbm>> -> memref<32x128xf32, #tpu.memory_space<hbm>>
      tpu.enqueue_dma source(%dma_start3A_1028 : memref<32x128xf32, #tpu.memory_space<hbm>>) target(%dma_start3A_1026 : memref<32x128xf32, #tpu.memory_space<vmem>>) target_semaphore(%arg16 : memref<!tpu.dma_semaphore, #tpu.memory_space<semaphore_mem>>)
      %dma_start3A_1029 = arith.constant 0 : i32
      %dma_start3A_1030 = arith.constant 0 : i32
      %dma_start3A_1031 = arith.constant 0 : i32
      %dma_start3A_1032 = tpu.memref_slice %arg12[%dma_start3A_1029, %dma_start3A_1030, %dma_start3A_1031] : memref<8x32x128xf32, #tpu.memory_space<vmem>> -> memref<1x32x128xf32, #tpu.memory_space<vmem>>
      %dma_start3A_1033 = tpu.memref_squeeze %dma_start3A_1032 : memref<1x32x128xf32, #tpu.memory_space<vmem>> -> memref<32x128xf32, #tpu.memory_space<vmem>>
      %dma_start3A_1034 = arith.constant 0 : i32
      %dma_start3A_1035 = tpu.memref_slice %arg5[%dma_start3A_1034, %multiple_of3A_1015] : memref<32x1000000xf32, #tpu.memory_space<hbm>> -> memref<32x128xf32, #tpu.memory_space<hbm>>
      %dma_start3A_1036 = arith.constant 0 : i32
      %dma_start3A_1037 = arith.constant 0 : i32
      %dma_start3A_1038 = tpu.memref_slice %arg12[%dma_start3A_1029, %dma_start3A_1036, %dma_start3A_1037] : memref<8x32x128xf32, #tpu.memory_space<vmem>> -> memref<1x32x128xf32, #tpu.memory_space<vmem>>
      %dma_start3A_1039 = tpu.memref_squeeze %dma_start3A_1038 : memref<1x32x128xf32, #tpu.memory_space<vmem>> -> memref<32x128xf32, #tpu.memory_space<vmem>>
      %dma_start3A_1040 = arith.constant 0 : i32
      %dma_start3A_1041 = tpu.memref_slice %arg5[%dma_start3A_1040, %multiple_of3A_1015] : memref<32x1000000xf32, #tpu.memory_space<hbm>> -> memref<32x128xf32, #tpu.memory_space<hbm>>
      tpu.enqueue_dma source(%dma_start3A_1041 : memref<32x128xf32, #tpu.memory_space<hbm>>) target(%dma_start3A_1039 : memref<32x128xf32, #tpu.memory_space<vmem>>) target_semaphore(%arg17 : memref<!tpu.dma_semaphore, #tpu.memory_space<semaphore_mem>>)
      %dma_wait3A_1042 = arith.constant 1 : i32
      %dma_wait3A_1043 = arith.constant 0 : i32
      %dma_wait3A_1044 = arith.constant 0 : i32
      %dma_wait3A_1045 = tpu.memref_slice %arg11[%dma_wait3A_1042, %dma_wait3A_1043, %dma_wait3A_1044] : memref<8x32x128xf32, #tpu.memory_space<vmem>> -> memref<1x32x128xf32, #tpu.memory_space<vmem>>
      %dma_wait3A_1046 = tpu.memref_squeeze %dma_wait3A_1045 : memref<1x32x128xf32, #tpu.memory_space<vmem>> -> memref<32x128xf32, #tpu.memory_space<vmem>>
      %dma_wait3A_1047 = arith.constant 0 : i32
      %dma_wait3A_1048 = arith.constant 0 : i32
      %dma_wait3A_1049 = tpu.memref_slice %arg4[%dma_wait3A_1047, %dma_wait3A_1048] : memref<32x1000000xf32, #tpu.memory_space<hbm>> -> memref<32x128xf32, #tpu.memory_space<hbm>>
      %dma_wait3A_1050 = arith.constant 0 : i32
      %dma_wait3A_1051 = arith.constant 0 : i32
      %dma_wait3A_1052 = tpu.memref_slice %arg11[%dma_wait3A_1042, %dma_wait3A_1050, %dma_wait3A_1051] : memref<8x32x128xf32, #tpu.memory_space<vmem>> -> memref<1x32x128xf32, #tpu.memory_space<vmem>>
      %dma_wait3A_1053 = tpu.memref_squeeze %dma_wait3A_1052 : memref<1x32x128xf32, #tpu.memory_space<vmem>> -> memref<32x128xf32, #tpu.memory_space<vmem>>
      %dma_wait3A_1054 = arith.constant 0 : i32
      %dma_wait3A_1055 = arith.constant 0 : i32
      %dma_wait3A_1056 = tpu.memref_slice %arg4[%dma_wait3A_1054, %dma_wait3A_1055] : memref<32x1000000xf32, #tpu.memory_space<hbm>> -> memref<32x128xf32, #tpu.memory_space<hbm>>
      tpu.wait_dma2 semaphore(%arg16 : memref<!tpu.dma_semaphore, #tpu.memory_space<semaphore_mem>>) src(%dma_wait3A_1056 : memref<32x128xf32, #tpu.memory_space<hbm>>) dst(%dma_wait3A_1053 : memref<32x128xf32, #tpu.memory_space<vmem>>)
      %dma_wait3A_1057 = arith.constant 1 : i32
      %dma_wait3A_1058 = arith.constant 0 : i32
      %dma_wait3A_1059 = arith.constant 0 : i32
      %dma_wait3A_1060 = tpu.memref_slice %arg12[%dma_wait3A_1057, %dma_wait3A_1058, %dma_wait3A_1059] : memref<8x32x128xf32, #tpu.memory_space<vmem>> -> memref<1x32x128xf32, #tpu.memory_space<vmem>>
      %dma_wait3A_1061 = tpu.memref_squeeze %dma_wait3A_1060 : memref<1x32x128xf32, #tpu.memory_space<vmem>> -> memref<32x128xf32, #tpu.memory_space<vmem>>
      %dma_wait3A_1062 = arith.constant 0 : i32
      %dma_wait3A_1063 = arith.constant 0 : i32
      %dma_wait3A_1064 = tpu.memref_slice %arg5[%dma_wait3A_1062, %dma_wait3A_1063] : memref<32x1000000xf32, #tpu.memory_space<hbm>> -> memref<32x128xf32, #tpu.memory_space<hbm>>
      %dma_wait3A_1065 = arith.constant 0 : i32
      %dma_wait3A_1066 = arith.constant 0 : i32
      %dma_wait3A_1067 = tpu.memref_slice %arg12[%dma_wait3A_1057, %dma_wait3A_1065, %dma_wait3A_1066] : memref<8x32x128xf32, #tpu.memory_space<vmem>> -> memref<1x32x128xf32, #tpu.memory_space<vmem>>
      %dma_wait3A_1068 = tpu.memref_squeeze %dma_wait3A_1067 : memref<1x32x128xf32, #tpu.memory_space<vmem>> -> memref<32x128xf32, #tpu.memory_space<vmem>>
      %dma_wait3A_1069 = arith.constant 0 : i32
      %dma_wait3A_1070 = arith.constant 0 : i32
      %dma_wait3A_1071 = tpu.memref_slice %arg5[%dma_wait3A_1069, %dma_wait3A_1070] : memref<32x1000000xf32, #tpu.memory_space<hbm>> -> memref<32x128xf32, #tpu.memory_space<hbm>>
      tpu.wait_dma2 semaphore(%arg17 : memref<!tpu.dma_semaphore, #tpu.memory_space<semaphore_mem>>) src(%dma_wait3A_1071 : memref<32x128xf32, #tpu.memory_space<hbm>>) dst(%dma_wait3A_1068 : memref<32x128xf32, #tpu.memory_space<vmem>>)
      %slice3A_1072 = vector.extract_strided_slice %get3A_767 {offsets = [1], sizes = [1], strides = [1]} : vector<16xi32> to vector<1xi32>
      %squeeze3A_1073 = vector.extract %slice3A_1072[0] : i32 from vector<1xi32>
      %jit3A_1074 = arith.constant 128 : i32
      %eq3A_1075 = arith.constant 0 : i32
      %eq3A_1076 = arith.cmpi eq, %jit3A_1074, %eq3A_1075 : i32
      %jit3A_1077 = arith.constant 1 : i32
      %select_n3A_1078 = arith.select %eq3A_1076, %jit3A_1077, %jit3A_1074 : i32
      %rem3A_1079 = arith.remsi %squeeze3A_1073, %select_n3A_1078 : i32
      %ne3A_1080 = arith.constant 0 : i32
      %ne3A_1081 = arith.cmpi ne, %rem3A_1079, %ne3A_1080 : i32
      %lt3A_1082 = arith.constant 0 : i32
      %lt3A_1083 = arith.cmpi slt, %rem3A_1079, %lt3A_1082 : i32
      %lt3A_1084 = arith.constant 0 : i32
      %lt3A_1085 = arith.cmpi slt, %select_n3A_1078, %lt3A_1084 : i32
      %ne3A_1086 = arith.xori %lt3A_1083, %lt3A_1085 : i1
      %and3A_1087 = arith.andi %ne3A_1086, %ne3A_1081 : i1
      %add3A_1088 = arith.addi %rem3A_1079, %select_n3A_1078 : i32
      %select_n3A_1089 = arith.select %and3A_1087, %add3A_1088, %rem3A_1079 : i32
      %broadcast_in_dim3A_1090 = vector.broadcast %select_n3A_1089 : i32 to vector<16xi32>
      %slice3A_1091 = vector.extract_strided_slice %get3A_770 {offsets = [1], sizes = [1], strides = [1]} : vector<16xi32> to vector<1xi32>
      %squeeze3A_1092 = vector.extract %slice3A_1091[0] : i32 from vector<1xi32>
      %jit3A_1093 = arith.constant 128 : i32
      %eq3A_1094 = arith.constant 0 : i32
      %eq3A_1095 = arith.cmpi eq, %jit3A_1093, %eq3A_1094 : i32
      %jit3A_1096 = arith.constant 1 : i32
      %select_n3A_1097 = arith.select %eq3A_1095, %jit3A_1096, %jit3A_1093 : i32
      %rem3A_1098 = arith.remsi %squeeze3A_1092, %select_n3A_1097 : i32
      %ne3A_1099 = arith.constant 0 : i32
      %ne3A_1100 = arith.cmpi ne, %rem3A_1098, %ne3A_1099 : i32
      %lt3A_1101 = arith.constant 0 : i32
      %lt3A_1102 = arith.cmpi slt, %rem3A_1098, %lt3A_1101 : i32
      %lt3A_1103 = arith.constant 0 : i32
      %lt3A_1104 = arith.cmpi slt, %select_n3A_1097, %lt3A_1103 : i32
      %ne3A_1105 = arith.xori %lt3A_1102, %lt3A_1104 : i1
      %and3A_1106 = arith.andi %ne3A_1105, %ne3A_1100 : i1
      %add3A_1107 = arith.addi %rem3A_1098, %select_n3A_1097 : i32
      %select_n3A_1108 = arith.select %and3A_1106, %add3A_1107, %rem3A_1098 : i32
      %broadcast_in_dim3A_1109 = vector.broadcast %select_n3A_1108 : i32 to vector<16xi32>
      %gather3A_1110 = arith.constant 1 : i32
      %gather3A_1111 = arith.constant 0 : i32
      %gather3A_1112 = arith.constant 0 : i32
      %gather3A_1113 = tpu.memref_slice %arg11[%gather3A_1110, %gather3A_1111, %gather3A_1112] : memref<8x32x128xf32, #tpu.memory_space<vmem>> -> memref<1x32x128xf32, #tpu.memory_space<vmem>>
      %gather3A_1114 = tpu.memref_squeeze %gather3A_1113 : memref<1x32x128xf32, #tpu.memory_space<vmem>> -> memref<32x128xf32, #tpu.memory_space<vmem>>
      %gather3A_1115 = tpu.vector_load_idx %gather3A_1114[%iota3A_66, %broadcast_in_dim3A_1090] : memref<32x128xf32, #tpu.memory_space<vmem>>[vector<16xi32>, vector<16xi32>], vector<16xf32>,
      %gather3A_1116 = arith.constant 1 : i32
      %gather3A_1117 = arith.constant 0 : i32
      %gather3A_1118 = arith.constant 0 : i32
      %gather3A_1119 = tpu.memref_slice %arg11[%gather3A_1116, %gather3A_1117, %gather3A_1118] : memref<8x32x128xf32, #tpu.memory_space<vmem>> -> memref<1x32x128xf32, #tpu.memory_space<vmem>>
      %gather3A_1120 = tpu.memref_squeeze %gather3A_1119 : memref<1x32x128xf32, #tpu.memory_space<vmem>> -> memref<32x128xf32, #tpu.memory_space<vmem>>
      %gather3A_1121 = tpu.vector_load_idx %gather3A_1120[%add3A_69, %broadcast_in_dim3A_1090] : memref<32x128xf32, #tpu.memory_space<vmem>>[vector<16xi32>, vector<16xi32>], vector<16xf32>,
      %gather3A_1122 = arith.constant 1 : i32
      %gather3A_1123 = arith.constant 0 : i32
      %gather3A_1124 = arith.constant 0 : i32
      %gather3A_1125 = tpu.memref_slice %arg12[%gather3A_1122, %gather3A_1123, %gather3A_1124] : memref<8x32x128xf32, #tpu.memory_space<vmem>> -> memref<1x32x128xf32, #tpu.memory_space<vmem>>
      %gather3A_1126 = tpu.memref_squeeze %gather3A_1125 : memref<1x32x128xf32, #tpu.memory_space<vmem>> -> memref<32x128xf32, #tpu.memory_space<vmem>>
      %gather3A_1127 = tpu.vector_load_idx %gather3A_1126[%iota3A_66, %broadcast_in_dim3A_1109] : memref<32x128xf32, #tpu.memory_space<vmem>>[vector<16xi32>, vector<16xi32>], vector<16xf32>,
      %gather3A_1128 = arith.constant 1 : i32
      %gather3A_1129 = arith.constant 0 : i32
      %gather3A_1130 = arith.constant 0 : i32
      %gather3A_1131 = tpu.memref_slice %arg12[%gather3A_1128, %gather3A_1129, %gather3A_1130] : memref<8x32x128xf32, #tpu.memory_space<vmem>> -> memref<1x32x128xf32, #tpu.memory_space<vmem>>
      %gather3A_1132 = tpu.memref_squeeze %gather3A_1131 : memref<1x32x128xf32, #tpu.memory_space<vmem>> -> memref<32x128xf32, #tpu.memory_space<vmem>>
      %gather3A_1133 = tpu.vector_load_idx %gather3A_1132[%add3A_69, %broadcast_in_dim3A_1109] : memref<32x128xf32, #tpu.memory_space<vmem>>[vector<16xi32>, vector<16xi32>], vector<16xf32>,
      %mul3A_1134 = arith.mulf %gather3A_1115, %gather3A_1127 : vector<16xf32>
      %mul3A_1135 = arith.mulf %gather3A_1121, %gather3A_1133 : vector<16xf32>
      %add3A_1136 = arith.addf %mul3A_1134, %mul3A_1135 : vector<16xf32>
      %reduce_sum3A_1137 = arith.constant true
      %reduce_sum3A_1138 = vector.broadcast %reduce_sum3A_1137 : i1 to vector<16xi1>
      %reduce_sum3A_1139 = tpu.scan <sum>, %add3A_1136 masked %reduce_sum3A_1138 : vector<16xf32>, vector<16xi1> -> vector<16xf32>
      %reduce_sum3A_1140 = vector.extract %reduce_sum3A_1139[15] : f32 from vector<16xf32>
      %eq3A_1141 = arith.constant 1 : i32
      %eq3A_1142 = vector.broadcast %eq3A_1141 : i32 to vector<16xi32>
      %eq3A_1143 = arith.cmpi eq, %iota3A, %eq3A_1142 : vector<16xi32>
      %broadcast_in_dim3A_1144 = vector.broadcast %reduce_sum3A_1140 : f32 to vector<16xf32>
      %select_n3A_1145 = arith.select %eq3A_1143, %broadcast_in_dim3A_1144, %select_n3A_957 : vector<16xi1>, vector<16xf32>
      %slice3A_1146 = vector.extract_strided_slice %get3A_767 {offsets = [9], sizes = [1], strides = [1]} : vector<16xi32> to vector<1xi32>
      %squeeze3A_1147 = vector.extract %slice3A_1146[0] : i32 from vector<1xi32>
      %slice3A_1148 = vector.extract_strided_slice %get3A_770 {offsets = [9], sizes = [1], strides = [1]} : vector<16xi32> to vector<1xi32>
      %squeeze3A_1149 = vector.extract %slice3A_1148[0] : i32 from vector<1xi32>
      %jit3A_1150 = arith.constant 128 : i32
      %div3A_1151 = arith.divsi %squeeze3A_1147, %jit3A_1150 : i32
      %sign3A_1152 = arith.constant 0 : i32
      %sign3A_1153 = arith.cmpi sgt, %squeeze3A_1147, %sign3A_1152 : i32
      %sign3A_1154 = arith.extui %sign3A_1153 : i1 to i32
      %sign3A_1155 = arith.constant 0 : i32
      %sign3A_1156 = arith.cmpi slt, %squeeze3A_1147, %sign3A_1155 : i32
      %sign3A_1157 = arith.extui %sign3A_1156 : i1 to i32
      %sign3A_1158 = arith.subi %sign3A_1154, %sign3A_1157 : i32
      %sign3A_1159 = arith.constant 0 : i32
      %sign3A_1160 = arith.cmpi sgt, %jit3A_1150, %sign3A_1159 : i32
      %sign3A_1161 = arith.extui %sign3A_1160 : i1 to i32
      %sign3A_1162 = arith.constant 0 : i32
      %sign3A_1163 = arith.cmpi slt, %jit3A_1150, %sign3A_1162 : i32
      %sign3A_1164 = arith.extui %sign3A_1163 : i1 to i32
      %sign3A_1165 = arith.subi %sign3A_1161, %sign3A_1164 : i32
      %ne3A_1166 = arith.cmpi ne, %sign3A_1158, %sign3A_1165 : i32
      %rem3A_1167 = arith.remsi %squeeze3A_1147, %jit3A_1150 : i32
      %ne3A_1168 = arith.constant 0 : i32
      %ne3A_1169 = arith.cmpi ne, %rem3A_1167, %ne3A_1168 : i32
      %and3A_1170 = arith.andi %ne3A_1166, %ne3A_1169 : i1
      %sub3A_1171 = arith.constant 1 : i32
      %sub3A_1172 = arith.subi %div3A_1151, %sub3A_1171 : i32
      %select_n3A_1173 = arith.select %and3A_1170, %sub3A_1172, %div3A_1151 : i32
      %mul3A_1174 = arith.constant 128 : i32
      %mul3A_1175 = arith.muli %select_n3A_1173, %mul3A_1174 : i32
      %multiple_of3A_1176 = tpu.assume_multiple %mul3A_1175, 128 : i32
      %jit3A_1177 = arith.constant 128 : i32
      %div3A_1178 = arith.divsi %squeeze3A_1149, %jit3A_1177 : i32
      %sign3A_1179 = arith.constant 0 : i32
      %sign3A_1180 = arith.cmpi sgt, %squeeze3A_1149, %sign3A_1179 : i32
      %sign3A_1181 = arith.extui %sign3A_1180 : i1 to i32
      %sign3A_1182 = arith.constant 0 : i32
      %sign3A_1183 = arith.cmpi slt, %squeeze3A_1149, %sign3A_1182 : i32
      %sign3A_1184 = arith.extui %sign3A_1183 : i1 to i32
      %sign3A_1185 = arith.subi %sign3A_1181, %sign3A_1184 : i32
      %sign3A_1186 = arith.constant 0 : i32
      %sign3A_1187 = arith.cmpi sgt, %jit3A_1177, %sign3A_1186 : i32
      %sign3A_1188 = arith.extui %sign3A_1187 : i1 to i32
      %sign3A_1189 = arith.constant 0 : i32
      %sign3A_1190 = arith.cmpi slt, %jit3A_1177, %sign3A_1189 : i32
      %sign3A_1191 = arith.extui %sign3A_1190 : i1 to i32
      %sign3A_1192 = arith.subi %sign3A_1188, %sign3A_1191 : i32
      %ne3A_1193 = arith.cmpi ne, %sign3A_1185, %sign3A_1192 : i32
      %rem3A_1194 = arith.remsi %squeeze3A_1149, %jit3A_1177 : i32
      %ne3A_1195 = arith.constant 0 : i32
      %ne3A_1196 = arith.cmpi ne, %rem3A_1194, %ne3A_1195 : i32
      %and3A_1197 = arith.andi %ne3A_1193, %ne3A_1196 : i1
      %sub3A_1198 = arith.constant 1 : i32
      %sub3A_1199 = arith.subi %div3A_1178, %sub3A_1198 : i32
      %select_n3A_1200 = arith.select %and3A_1197, %sub3A_1199, %div3A_1178 : i32
      %mul3A_1201 = arith.constant 128 : i32
      %mul3A_1202 = arith.muli %select_n3A_1200, %mul3A_1201 : i32
      %multiple_of3A_1203 = tpu.assume_multiple %mul3A_1202, 128 : i32
      %dma_start3A_1204 = arith.constant 1 : i32
      %dma_start3A_1205 = arith.constant 0 : i32
      %dma_start3A_1206 = arith.constant 0 : i32
      %dma_start3A_1207 = tpu.memref_slice %arg11[%dma_start3A_1204, %dma_start3A_1205, %dma_start3A_1206] : memref<8x32x128xf32, #tpu.memory_space<vmem>> -> memref<1x32x128xf32, #tpu.memory_space<vmem>>
      %dma_start3A_1208 = tpu.memref_squeeze %dma_start3A_1207 : memref<1x32x128xf32, #tpu.memory_space<vmem>> -> memref<32x128xf32, #tpu.memory_space<vmem>>
      %dma_start3A_1209 = arith.constant 0 : i32
      %dma_start3A_1210 = tpu.memref_slice %arg4[%dma_start3A_1209, %multiple_of3A_1176] : memref<32x1000000xf32, #tpu.memory_space<hbm>> -> memref<32x128xf32, #tpu.memory_space<hbm>>
      %dma_start3A_1211 = arith.constant 0 : i32
      %dma_start3A_1212 = arith.constant 0 : i32
      %dma_start3A_1213 = tpu.memref_slice %arg11[%dma_start3A_1204, %dma_start3A_1211, %dma_start3A_1212] : memref<8x32x128xf32, #tpu.memory_space<vmem>> -> memref<1x32x128xf32, #tpu.memory_space<vmem>>
      %dma_start3A_1214 = tpu.memref_squeeze %dma_start3A_1213 : memref<1x32x128xf32, #tpu.memory_space<vmem>> -> memref<32x128xf32, #tpu.memory_space<vmem>>
      %dma_start3A_1215 = arith.constant 0 : i32
      %dma_start3A_1216 = tpu.memref_slice %arg4[%dma_start3A_1215, %multiple_of3A_1176] : memref<32x1000000xf32, #tpu.memory_space<hbm>> -> memref<32x128xf32, #tpu.memory_space<hbm>>
      tpu.enqueue_dma source(%dma_start3A_1216 : memref<32x128xf32, #tpu.memory_space<hbm>>) target(%dma_start3A_1214 : memref<32x128xf32, #tpu.memory_space<vmem>>) target_semaphore(%arg16 : memref<!tpu.dma_semaphore, #tpu.memory_space<semaphore_mem>>)
      %dma_start3A_1217 = arith.constant 1 : i32
      %dma_start3A_1218 = arith.constant 0 : i32
      %dma_start3A_1219 = arith.constant 0 : i32
      %dma_start3A_1220 = tpu.memref_slice %arg12[%dma_start3A_1217, %dma_start3A_1218, %dma_start3A_1219] : memref<8x32x128xf32, #tpu.memory_space<vmem>> -> memref<1x32x128xf32, #tpu.memory_space<vmem>>
      %dma_start3A_1221 = tpu.memref_squeeze %dma_start3A_1220 : memref<1x32x128xf32, #tpu.memory_space<vmem>> -> memref<32x128xf32, #tpu.memory_space<vmem>>
      %dma_start3A_1222 = arith.constant 0 : i32
      %dma_start3A_1223 = tpu.memref_slice %arg5[%dma_start3A_1222, %multiple_of3A_1203] : memref<32x1000000xf32, #tpu.memory_space<hbm>> -> memref<32x128xf32, #tpu.memory_space<hbm>>
      %dma_start3A_1224 = arith.constant 0 : i32
      %dma_start3A_1225 = arith.constant 0 : i32
      %dma_start3A_1226 = tpu.memref_slice %arg12[%dma_start3A_1217, %dma_start3A_1224, %dma_start3A_1225] : memref<8x32x128xf32, #tpu.memory_space<vmem>> -> memref<1x32x128xf32, #tpu.memory_space<vmem>>
      %dma_start3A_1227 = tpu.memref_squeeze %dma_start3A_1226 : memref<1x32x128xf32, #tpu.memory_space<vmem>> -> memref<32x128xf32, #tpu.memory_space<vmem>>
      %dma_start3A_1228 = arith.constant 0 : i32
      %dma_start3A_1229 = tpu.memref_slice %arg5[%dma_start3A_1228, %multiple_of3A_1203] : memref<32x1000000xf32, #tpu.memory_space<hbm>> -> memref<32x128xf32, #tpu.memory_space<hbm>>
      tpu.enqueue_dma source(%dma_start3A_1229 : memref<32x128xf32, #tpu.memory_space<hbm>>) target(%dma_start3A_1227 : memref<32x128xf32, #tpu.memory_space<vmem>>) target_semaphore(%arg17 : memref<!tpu.dma_semaphore, #tpu.memory_space<semaphore_mem>>)
      %dma_wait3A_1230 = arith.constant 2 : i32
      %dma_wait3A_1231 = arith.constant 0 : i32
      %dma_wait3A_1232 = arith.constant 0 : i32
      %dma_wait3A_1233 = tpu.memref_slice %arg11[%dma_wait3A_1230, %dma_wait3A_1231, %dma_wait3A_1232] : memref<8x32x128xf32, #tpu.memory_space<vmem>> -> memref<1x32x128xf32, #tpu.memory_space<vmem>>
      %dma_wait3A_1234 = tpu.memref_squeeze %dma_wait3A_1233 : memref<1x32x128xf32, #tpu.memory_space<vmem>> -> memref<32x128xf32, #tpu.memory_space<vmem>>
      %dma_wait3A_1235 = arith.constant 0 : i32
      %dma_wait3A_1236 = arith.constant 0 : i32
      %dma_wait3A_1237 = tpu.memref_slice %arg4[%dma_wait3A_1235, %dma_wait3A_1236] : memref<32x1000000xf32, #tpu.memory_space<hbm>> -> memref<32x128xf32, #tpu.memory_space<hbm>>
      %dma_wait3A_1238 = arith.constant 0 : i32
      %dma_wait3A_1239 = arith.constant 0 : i32
      %dma_wait3A_1240 = tpu.memref_slice %arg11[%dma_wait3A_1230, %dma_wait3A_1238, %dma_wait3A_1239] : memref<8x32x128xf32, #tpu.memory_space<vmem>> -> memref<1x32x128xf32, #tpu.memory_space<vmem>>
      %dma_wait3A_1241 = tpu.memref_squeeze %dma_wait3A_1240 : memref<1x32x128xf32, #tpu.memory_space<vmem>> -> memref<32x128xf32, #tpu.memory_space<vmem>>
      %dma_wait3A_1242 = arith.constant 0 : i32
      %dma_wait3A_1243 = arith.constant 0 : i32
      %dma_wait3A_1244 = tpu.memref_slice %arg4[%dma_wait3A_1242, %dma_wait3A_1243] : memref<32x1000000xf32, #tpu.memory_space<hbm>> -> memref<32x128xf32, #tpu.memory_space<hbm>>
      tpu.wait_dma2 semaphore(%arg16 : memref<!tpu.dma_semaphore, #tpu.memory_space<semaphore_mem>>) src(%dma_wait3A_1244 : memref<32x128xf32, #tpu.memory_space<hbm>>) dst(%dma_wait3A_1241 : memref<32x128xf32, #tpu.memory_space<vmem>>)
      %dma_wait3A_1245 = arith.constant 2 : i32
      %dma_wait3A_1246 = arith.constant 0 : i32
      %dma_wait3A_1247 = arith.constant 0 : i32
      %dma_wait3A_1248 = tpu.memref_slice %arg12[%dma_wait3A_1245, %dma_wait3A_1246, %dma_wait3A_1247] : memref<8x32x128xf32, #tpu.memory_space<vmem>> -> memref<1x32x128xf32, #tpu.memory_space<vmem>>
      %dma_wait3A_1249 = tpu.memref_squeeze %dma_wait3A_1248 : memref<1x32x128xf32, #tpu.memory_space<vmem>> -> memref<32x128xf32, #tpu.memory_space<vmem>>
      %dma_wait3A_1250 = arith.constant 0 : i32
      %dma_wait3A_1251 = arith.constant 0 : i32
      %dma_wait3A_1252 = tpu.memref_slice %arg5[%dma_wait3A_1250, %dma_wait3A_1251] : memref<32x1000000xf32, #tpu.memory_space<hbm>> -> memref<32x128xf32, #tpu.memory_space<hbm>>
      %dma_wait3A_1253 = arith.constant 0 : i32
      %dma_wait3A_1254 = arith.constant 0 : i32
      %dma_wait3A_1255 = tpu.memref_slice %arg12[%dma_wait3A_1245, %dma_wait3A_1253, %dma_wait3A_1254] : memref<8x32x128xf32, #tpu.memory_space<vmem>> -> memref<1x32x128xf32, #tpu.memory_space<vmem>>
      %dma_wait3A_1256 = tpu.memref_squeeze %dma_wait3A_1255 : memref<1x32x128xf32, #tpu.memory_space<vmem>> -> memref<32x128xf32, #tpu.memory_space<vmem>>
      %dma_wait3A_1257 = arith.constant 0 : i32
      %dma_wait3A_1258 = arith.constant 0 : i32
      %dma_wait3A_1259 = tpu.memref_slice %arg5[%dma_wait3A_1257, %dma_wait3A_1258] : memref<32x1000000xf32, #tpu.memory_space<hbm>> -> memref<32x128xf32, #tpu.memory_space<hbm>>
      tpu.wait_dma2 semaphore(%arg17 : memref<!tpu.dma_semaphore, #tpu.memory_space<semaphore_mem>>) src(%dma_wait3A_1259 : memref<32x128xf32, #tpu.memory_space<hbm>>) dst(%dma_wait3A_1256 : memref<32x128xf32, #tpu.memory_space<vmem>>)
      %slice3A_1260 = vector.extract_strided_slice %get3A_767 {offsets = [2], sizes = [1], strides = [1]} : vector<16xi32> to vector<1xi32>
      %squeeze3A_1261 = vector.extract %slice3A_1260[0] : i32 from vector<1xi32>
      %jit3A_1262 = arith.constant 128 : i32
      %eq3A_1263 = arith.constant 0 : i32
      %eq3A_1264 = arith.cmpi eq, %jit3A_1262, %eq3A_1263 : i32
      %jit3A_1265 = arith.constant 1 : i32
      %select_n3A_1266 = arith.select %eq3A_1264, %jit3A_1265, %jit3A_1262 : i32
      %rem3A_1267 = arith.remsi %squeeze3A_1261, %select_n3A_1266 : i32
      %ne3A_1268 = arith.constant 0 : i32
      %ne3A_1269 = arith.cmpi ne, %rem3A_1267, %ne3A_1268 : i32
      %lt3A_1270 = arith.constant 0 : i32
      %lt3A_1271 = arith.cmpi slt, %rem3A_1267, %lt3A_1270 : i32
      %lt3A_1272 = arith.constant 0 : i32
      %lt3A_1273 = arith.cmpi slt, %select_n3A_1266, %lt3A_1272 : i32
      %ne3A_1274 = arith.xori %lt3A_1271, %lt3A_1273 : i1
      %and3A_1275 = arith.andi %ne3A_1274, %ne3A_1269 : i1
      %add3A_1276 = arith.addi %rem3A_1267, %select_n3A_1266 : i32
      %select_n3A_1277 = arith.select %and3A_1275, %add3A_1276, %rem3A_1267 : i32
      %broadcast_in_dim3A_1278 = vector.broadcast %select_n3A_1277 : i32 to vector<16xi32>
      %slice3A_1279 = vector.extract_strided_slice %get3A_770 {offsets = [2], sizes = [1], strides = [1]} : vector<16xi32> to vector<1xi32>
      %squeeze3A_1280 = vector.extract %slice3A_1279[0] : i32 from vector<1xi32>
      %jit3A_1281 = arith.constant 128 : i32
      %eq3A_1282 = arith.constant 0 : i32
      %eq3A_1283 = arith.cmpi eq, %jit3A_1281, %eq3A_1282 : i32
      %jit3A_1284 = arith.constant 1 : i32
      %select_n3A_1285 = arith.select %eq3A_1283, %jit3A_1284, %jit3A_1281 : i32
      %rem3A_1286 = arith.remsi %squeeze3A_1280, %select_n3A_1285 : i32
      %ne3A_1287 = arith.constant 0 : i32
      %ne3A_1288 = arith.cmpi ne, %rem3A_1286, %ne3A_1287 : i32
      %lt3A_1289 = arith.constant 0 : i32
      %lt3A_1290 = arith.cmpi slt, %rem3A_1286, %lt3A_1289 : i32
      %lt3A_1291 = arith.constant 0 : i32
      %lt3A_1292 = arith.cmpi slt, %select_n3A_1285, %lt3A_1291 : i32
      %ne3A_1293 = arith.xori %lt3A_1290, %lt3A_1292 : i1
      %and3A_1294 = arith.andi %ne3A_1293, %ne3A_1288 : i1
      %add3A_1295 = arith.addi %rem3A_1286, %select_n3A_1285 : i32
      %select_n3A_1296 = arith.select %and3A_1294, %add3A_1295, %rem3A_1286 : i32
      %broadcast_in_dim3A_1297 = vector.broadcast %select_n3A_1296 : i32 to vector<16xi32>
      %gather3A_1298 = arith.constant 2 : i32
      %gather3A_1299 = arith.constant 0 : i32
      %gather3A_1300 = arith.constant 0 : i32
      %gather3A_1301 = tpu.memref_slice %arg11[%gather3A_1298, %gather3A_1299, %gather3A_1300] : memref<8x32x128xf32, #tpu.memory_space<vmem>> -> memref<1x32x128xf32, #tpu.memory_space<vmem>>
      %gather3A_1302 = tpu.memref_squeeze %gather3A_1301 : memref<1x32x128xf32, #tpu.memory_space<vmem>> -> memref<32x128xf32, #tpu.memory_space<vmem>>
      %gather3A_1303 = tpu.vector_load_idx %gather3A_1302[%iota3A_66, %broadcast_in_dim3A_1278] : memref<32x128xf32, #tpu.memory_space<vmem>>[vector<16xi32>, vector<16xi32>], vector<16xf32>,
      %gather3A_1304 = arith.constant 2 : i32
      %gather3A_1305 = arith.constant 0 : i32
      %gather3A_1306 = arith.constant 0 : i32
      %gather3A_1307 = tpu.memref_slice %arg11[%gather3A_1304, %gather3A_1305, %gather3A_1306] : memref<8x32x128xf32, #tpu.memory_space<vmem>> -> memref<1x32x128xf32, #tpu.memory_space<vmem>>
      %gather3A_1308 = tpu.memref_squeeze %gather3A_1307 : memref<1x32x128xf32, #tpu.memory_space<vmem>> -> memref<32x128xf32, #tpu.memory_space<vmem>>
      %gather3A_1309 = tpu.vector_load_idx %gather3A_1308[%add3A_69, %broadcast_in_dim3A_1278] : memref<32x128xf32, #tpu.memory_space<vmem>>[vector<16xi32>, vector<16xi32>], vector<16xf32>,
      %gather3A_1310 = arith.constant 2 : i32
      %gather3A_1311 = arith.constant 0 : i32
      %gather3A_1312 = arith.constant 0 : i32
      %gather3A_1313 = tpu.memref_slice %arg12[%gather3A_1310, %gather3A_1311, %gather3A_1312] : memref<8x32x128xf32, #tpu.memory_space<vmem>> -> memref<1x32x128xf32, #tpu.memory_space<vmem>>
      %gather3A_1314 = tpu.memref_squeeze %gather3A_1313 : memref<1x32x128xf32, #tpu.memory_space<vmem>> -> memref<32x128xf32, #tpu.memory_space<vmem>>
      %gather3A_1315 = tpu.vector_load_idx %gather3A_1314[%iota3A_66, %broadcast_in_dim3A_1297] : memref<32x128xf32, #tpu.memory_space<vmem>>[vector<16xi32>, vector<16xi32>], vector<16xf32>,
      %gather3A_1316 = arith.constant 2 : i32
      %gather3A_1317 = arith.constant 0 : i32
      %gather3A_1318 = arith.constant 0 : i32
      %gather3A_1319 = tpu.memref_slice %arg12[%gather3A_1316, %gather3A_1317, %gather3A_1318] : memref<8x32x128xf32, #tpu.memory_space<vmem>> -> memref<1x32x128xf32, #tpu.memory_space<vmem>>
      %gather3A_1320 = tpu.memref_squeeze %gather3A_1319 : memref<1x32x128xf32, #tpu.memory_space<vmem>> -> memref<32x128xf32, #tpu.memory_space<vmem>>
      %gather3A_1321 = tpu.vector_load_idx %gather3A_1320[%add3A_69, %broadcast_in_dim3A_1297] : memref<32x128xf32, #tpu.memory_space<vmem>>[vector<16xi32>, vector<16xi32>], vector<16xf32>,
      %mul3A_1322 = arith.mulf %gather3A_1303, %gather3A_1315 : vector<16xf32>
      %mul3A_1323 = arith.mulf %gather3A_1309, %gather3A_1321 : vector<16xf32>
      %add3A_1324 = arith.addf %mul3A_1322, %mul3A_1323 : vector<16xf32>
      %reduce_sum3A_1325 = arith.constant true
      %reduce_sum3A_1326 = vector.broadcast %reduce_sum3A_1325 : i1 to vector<16xi1>
      %reduce_sum3A_1327 = tpu.scan <sum>, %add3A_1324 masked %reduce_sum3A_1326 : vector<16xf32>, vector<16xi1> -> vector<16xf32>
      %reduce_sum3A_1328 = vector.extract %reduce_sum3A_1327[15] : f32 from vector<16xf32>
      %eq3A_1329 = arith.constant 2 : i32
      %eq3A_1330 = vector.broadcast %eq3A_1329 : i32 to vector<16xi32>
      %eq3A_1331 = arith.cmpi eq, %iota3A, %eq3A_1330 : vector<16xi32>
      %broadcast_in_dim3A_1332 = vector.broadcast %reduce_sum3A_1328 : f32 to vector<16xf32>
      %select_n3A_1333 = arith.select %eq3A_1331, %broadcast_in_dim3A_1332, %select_n3A_1145 : vector<16xi1>, vector<16xf32>
      %slice3A_1334 = vector.extract_strided_slice %get3A_767 {offsets = [10], sizes = [1], strides = [1]} : vector<16xi32> to vector<1xi32>
      %squeeze3A_1335 = vector.extract %slice3A_1334[0] : i32 from vector<1xi32>
      %slice3A_1336 = vector.extract_strided_slice %get3A_770 {offsets = [10], sizes = [1], strides = [1]} : vector<16xi32> to vector<1xi32>
      %squeeze3A_1337 = vector.extract %slice3A_1336[0] : i32 from vector<1xi32>
      %jit3A_1338 = arith.constant 128 : i32
      %div3A_1339 = arith.divsi %squeeze3A_1335, %jit3A_1338 : i32
      %sign3A_1340 = arith.constant 0 : i32
      %sign3A_1341 = arith.cmpi sgt, %squeeze3A_1335, %sign3A_1340 : i32
      %sign3A_1342 = arith.extui %sign3A_1341 : i1 to i32
      %sign3A_1343 = arith.constant 0 : i32
      %sign3A_1344 = arith.cmpi slt, %squeeze3A_1335, %sign3A_1343 : i32
      %sign3A_1345 = arith.extui %sign3A_1344 : i1 to i32
      %sign3A_1346 = arith.subi %sign3A_1342, %sign3A_1345 : i32
      %sign3A_1347 = arith.constant 0 : i32
      %sign3A_1348 = arith.cmpi sgt, %jit3A_1338, %sign3A_1347 : i32
      %sign3A_1349 = arith.extui %sign3A_1348 : i1 to i32
      %sign3A_1350 = arith.constant 0 : i32
      %sign3A_1351 = arith.cmpi slt, %jit3A_1338, %sign3A_1350 : i32
      %sign3A_1352 = arith.extui %sign3A_1351 : i1 to i32
      %sign3A_1353 = arith.subi %sign3A_1349, %sign3A_1352 : i32
      %ne3A_1354 = arith.cmpi ne, %sign3A_1346, %sign3A_1353 : i32
      %rem3A_1355 = arith.remsi %squeeze3A_1335, %jit3A_1338 : i32
      %ne3A_1356 = arith.constant 0 : i32
      %ne3A_1357 = arith.cmpi ne, %rem3A_1355, %ne3A_1356 : i32
      %and3A_1358 = arith.andi %ne3A_1354, %ne3A_1357 : i1
      %sub3A_1359 = arith.constant 1 : i32
      %sub3A_1360 = arith.subi %div3A_1339, %sub3A_1359 : i32
      %select_n3A_1361 = arith.select %and3A_1358, %sub3A_1360, %div3A_1339 : i32
      %mul3A_1362 = arith.constant 128 : i32
      %mul3A_1363 = arith.muli %select_n3A_1361, %mul3A_1362 : i32
      %multiple_of3A_1364 = tpu.assume_multiple %mul3A_1363, 128 : i32
      %jit3A_1365 = arith.constant 128 : i32
      %div3A_1366 = arith.divsi %squeeze3A_1337, %jit3A_1365 : i32
      %sign3A_1367 = arith.constant 0 : i32
      %sign3A_1368 = arith.cmpi sgt, %squeeze3A_1337, %sign3A_1367 : i32
      %sign3A_1369 = arith.extui %sign3A_1368 : i1 to i32
      %sign3A_1370 = arith.constant 0 : i32
      %sign3A_1371 = arith.cmpi slt, %squeeze3A_1337, %sign3A_1370 : i32
      %sign3A_1372 = arith.extui %sign3A_1371 : i1 to i32
      %sign3A_1373 = arith.subi %sign3A_1369, %sign3A_1372 : i32
      %sign3A_1374 = arith.constant 0 : i32
      %sign3A_1375 = arith.cmpi sgt, %jit3A_1365, %sign3A_1374 : i32
      %sign3A_1376 = arith.extui %sign3A_1375 : i1 to i32
      %sign3A_1377 = arith.constant 0 : i32
      %sign3A_1378 = arith.cmpi slt, %jit3A_1365, %sign3A_1377 : i32
      %sign3A_1379 = arith.extui %sign3A_1378 : i1 to i32
      %sign3A_1380 = arith.subi %sign3A_1376, %sign3A_1379 : i32
      %ne3A_1381 = arith.cmpi ne, %sign3A_1373, %sign3A_1380 : i32
      %rem3A_1382 = arith.remsi %squeeze3A_1337, %jit3A_1365 : i32
      %ne3A_1383 = arith.constant 0 : i32
      %ne3A_1384 = arith.cmpi ne, %rem3A_1382, %ne3A_1383 : i32
      %and3A_1385 = arith.andi %ne3A_1381, %ne3A_1384 : i1
      %sub3A_1386 = arith.constant 1 : i32
      %sub3A_1387 = arith.subi %div3A_1366, %sub3A_1386 : i32
      %select_n3A_1388 = arith.select %and3A_1385, %sub3A_1387, %div3A_1366 : i32
      %mul3A_1389 = arith.constant 128 : i32
      %mul3A_1390 = arith.muli %select_n3A_1388, %mul3A_1389 : i32
      %multiple_of3A_1391 = tpu.assume_multiple %mul3A_1390, 128 : i32
      %dma_start3A_1392 = arith.constant 2 : i32
      %dma_start3A_1393 = arith.constant 0 : i32
      %dma_start3A_1394 = arith.constant 0 : i32
      %dma_start3A_1395 = tpu.memref_slice %arg11[%dma_start3A_1392, %dma_start3A_1393, %dma_start3A_1394] : memref<8x32x128xf32, #tpu.memory_space<vmem>> -> memref<1x32x128xf32, #tpu.memory_space<vmem>>
      %dma_start3A_1396 = tpu.memref_squeeze %dma_start3A_1395 : memref<1x32x128xf32, #tpu.memory_space<vmem>> -> memref<32x128xf32, #tpu.memory_space<vmem>>
      %dma_start3A_1397 = arith.constant 0 : i32
      %dma_start3A_1398 = tpu.memref_slice %arg4[%dma_start3A_1397, %multiple_of3A_1364] : memref<32x1000000xf32, #tpu.memory_space<hbm>> -> memref<32x128xf32, #tpu.memory_space<hbm>>
      %dma_start3A_1399 = arith.constant 0 : i32
      %dma_start3A_1400 = arith.constant 0 : i32
      %dma_start3A_1401 = tpu.memref_slice %arg11[%dma_start3A_1392, %dma_start3A_1399, %dma_start3A_1400] : memref<8x32x128xf32, #tpu.memory_space<vmem>> -> memref<1x32x128xf32, #tpu.memory_space<vmem>>
      %dma_start3A_1402 = tpu.memref_squeeze %dma_start3A_1401 : memref<1x32x128xf32, #tpu.memory_space<vmem>> -> memref<32x128xf32, #tpu.memory_space<vmem>>
      %dma_start3A_1403 = arith.constant 0 : i32
      %dma_start3A_1404 = tpu.memref_slice %arg4[%dma_start3A_1403, %multiple_of3A_1364] : memref<32x1000000xf32, #tpu.memory_space<hbm>> -> memref<32x128xf32, #tpu.memory_space<hbm>>
      tpu.enqueue_dma source(%dma_start3A_1404 : memref<32x128xf32, #tpu.memory_space<hbm>>) target(%dma_start3A_1402 : memref<32x128xf32, #tpu.memory_space<vmem>>) target_semaphore(%arg16 : memref<!tpu.dma_semaphore, #tpu.memory_space<semaphore_mem>>)
      %dma_start3A_1405 = arith.constant 2 : i32
      %dma_start3A_1406 = arith.constant 0 : i32
      %dma_start3A_1407 = arith.constant 0 : i32
      %dma_start3A_1408 = tpu.memref_slice %arg12[%dma_start3A_1405, %dma_start3A_1406, %dma_start3A_1407] : memref<8x32x128xf32, #tpu.memory_space<vmem>> -> memref<1x32x128xf32, #tpu.memory_space<vmem>>
      %dma_start3A_1409 = tpu.memref_squeeze %dma_start3A_1408 : memref<1x32x128xf32, #tpu.memory_space<vmem>> -> memref<32x128xf32, #tpu.memory_space<vmem>>
      %dma_start3A_1410 = arith.constant 0 : i32
      %dma_start3A_1411 = tpu.memref_slice %arg5[%dma_start3A_1410, %multiple_of3A_1391] : memref<32x1000000xf32, #tpu.memory_space<hbm>> -> memref<32x128xf32, #tpu.memory_space<hbm>>
      %dma_start3A_1412 = arith.constant 0 : i32
      %dma_start3A_1413 = arith.constant 0 : i32
      %dma_start3A_1414 = tpu.memref_slice %arg12[%dma_start3A_1405, %dma_start3A_1412, %dma_start3A_1413] : memref<8x32x128xf32, #tpu.memory_space<vmem>> -> memref<1x32x128xf32, #tpu.memory_space<vmem>>
      %dma_start3A_1415 = tpu.memref_squeeze %dma_start3A_1414 : memref<1x32x128xf32, #tpu.memory_space<vmem>> -> memref<32x128xf32, #tpu.memory_space<vmem>>
      %dma_start3A_1416 = arith.constant 0 : i32
      %dma_start3A_1417 = tpu.memref_slice %arg5[%dma_start3A_1416, %multiple_of3A_1391] : memref<32x1000000xf32, #tpu.memory_space<hbm>> -> memref<32x128xf32, #tpu.memory_space<hbm>>
      tpu.enqueue_dma source(%dma_start3A_1417 : memref<32x128xf32, #tpu.memory_space<hbm>>) target(%dma_start3A_1415 : memref<32x128xf32, #tpu.memory_space<vmem>>) target_semaphore(%arg17 : memref<!tpu.dma_semaphore, #tpu.memory_space<semaphore_mem>>)
      %dma_wait3A_1418 = arith.constant 3 : i32
      %dma_wait3A_1419 = arith.constant 0 : i32
      %dma_wait3A_1420 = arith.constant 0 : i32
      %dma_wait3A_1421 = tpu.memref_slice %arg11[%dma_wait3A_1418, %dma_wait3A_1419, %dma_wait3A_1420] : memref<8x32x128xf32, #tpu.memory_space<vmem>> -> memref<1x32x128xf32, #tpu.memory_space<vmem>>
      %dma_wait3A_1422 = tpu.memref_squeeze %dma_wait3A_1421 : memref<1x32x128xf32, #tpu.memory_space<vmem>> -> memref<32x128xf32, #tpu.memory_space<vmem>>
      %dma_wait3A_1423 = arith.constant 0 : i32
      %dma_wait3A_1424 = arith.constant 0 : i32
      %dma_wait3A_1425 = tpu.memref_slice %arg4[%dma_wait3A_1423, %dma_wait3A_1424] : memref<32x1000000xf32, #tpu.memory_space<hbm>> -> memref<32x128xf32, #tpu.memory_space<hbm>>
      %dma_wait3A_1426 = arith.constant 0 : i32
      %dma_wait3A_1427 = arith.constant 0 : i32
      %dma_wait3A_1428 = tpu.memref_slice %arg11[%dma_wait3A_1418, %dma_wait3A_1426, %dma_wait3A_1427] : memref<8x32x128xf32, #tpu.memory_space<vmem>> -> memref<1x32x128xf32, #tpu.memory_space<vmem>>
      %dma_wait3A_1429 = tpu.memref_squeeze %dma_wait3A_1428 : memref<1x32x128xf32, #tpu.memory_space<vmem>> -> memref<32x128xf32, #tpu.memory_space<vmem>>
      %dma_wait3A_1430 = arith.constant 0 : i32
      %dma_wait3A_1431 = arith.constant 0 : i32
      %dma_wait3A_1432 = tpu.memref_slice %arg4[%dma_wait3A_1430, %dma_wait3A_1431] : memref<32x1000000xf32, #tpu.memory_space<hbm>> -> memref<32x128xf32, #tpu.memory_space<hbm>>
      tpu.wait_dma2 semaphore(%arg16 : memref<!tpu.dma_semaphore, #tpu.memory_space<semaphore_mem>>) src(%dma_wait3A_1432 : memref<32x128xf32, #tpu.memory_space<hbm>>) dst(%dma_wait3A_1429 : memref<32x128xf32, #tpu.memory_space<vmem>>)
      %dma_wait3A_1433 = arith.constant 3 : i32
      %dma_wait3A_1434 = arith.constant 0 : i32
      %dma_wait3A_1435 = arith.constant 0 : i32
      %dma_wait3A_1436 = tpu.memref_slice %arg12[%dma_wait3A_1433, %dma_wait3A_1434, %dma_wait3A_1435] : memref<8x32x128xf32, #tpu.memory_space<vmem>> -> memref<1x32x128xf32, #tpu.memory_space<vmem>>
      %dma_wait3A_1437 = tpu.memref_squeeze %dma_wait3A_1436 : memref<1x32x128xf32, #tpu.memory_space<vmem>> -> memref<32x128xf32, #tpu.memory_space<vmem>>
      %dma_wait3A_1438 = arith.constant 0 : i32
      %dma_wait3A_1439 = arith.constant 0 : i32
      %dma_wait3A_1440 = tpu.memref_slice %arg5[%dma_wait3A_1438, %dma_wait3A_1439] : memref<32x1000000xf32, #tpu.memory_space<hbm>> -> memref<32x128xf32, #tpu.memory_space<hbm>>
      %dma_wait3A_1441 = arith.constant 0 : i32
      %dma_wait3A_1442 = arith.constant 0 : i32
      %dma_wait3A_1443 = tpu.memref_slice %arg12[%dma_wait3A_1433, %dma_wait3A_1441, %dma_wait3A_1442] : memref<8x32x128xf32, #tpu.memory_space<vmem>> -> memref<1x32x128xf32, #tpu.memory_space<vmem>>
      %dma_wait3A_1444 = tpu.memref_squeeze %dma_wait3A_1443 : memref<1x32x128xf32, #tpu.memory_space<vmem>> -> memref<32x128xf32, #tpu.memory_space<vmem>>
      %dma_wait3A_1445 = arith.constant 0 : i32
      %dma_wait3A_1446 = arith.constant 0 : i32
      %dma_wait3A_1447 = tpu.memref_slice %arg5[%dma_wait3A_1445, %dma_wait3A_1446] : memref<32x1000000xf32, #tpu.memory_space<hbm>> -> memref<32x128xf32, #tpu.memory_space<hbm>>
      tpu.wait_dma2 semaphore(%arg17 : memref<!tpu.dma_semaphore, #tpu.memory_space<semaphore_mem>>) src(%dma_wait3A_1447 : memref<32x128xf32, #tpu.memory_space<hbm>>) dst(%dma_wait3A_1444 : memref<32x128xf32, #tpu.memory_space<vmem>>)
      %slice3A_1448 = vector.extract_strided_slice %get3A_767 {offsets = [3], sizes = [1], strides = [1]} : vector<16xi32> to vector<1xi32>
      %squeeze3A_1449 = vector.extract %slice3A_1448[0] : i32 from vector<1xi32>
      %jit3A_1450 = arith.constant 128 : i32
      %eq3A_1451 = arith.constant 0 : i32
      %eq3A_1452 = arith.cmpi eq, %jit3A_1450, %eq3A_1451 : i32
      %jit3A_1453 = arith.constant 1 : i32
      %select_n3A_1454 = arith.select %eq3A_1452, %jit3A_1453, %jit3A_1450 : i32
      %rem3A_1455 = arith.remsi %squeeze3A_1449, %select_n3A_1454 : i32
      %ne3A_1456 = arith.constant 0 : i32
      %ne3A_1457 = arith.cmpi ne, %rem3A_1455, %ne3A_1456 : i32
      %lt3A_1458 = arith.constant 0 : i32
      %lt3A_1459 = arith.cmpi slt, %rem3A_1455, %lt3A_1458 : i32
      %lt3A_1460 = arith.constant 0 : i32
      %lt3A_1461 = arith.cmpi slt, %select_n3A_1454, %lt3A_1460 : i32
      %ne3A_1462 = arith.xori %lt3A_1459, %lt3A_1461 : i1
      %and3A_1463 = arith.andi %ne3A_1462, %ne3A_1457 : i1
      %add3A_1464 = arith.addi %rem3A_1455, %select_n3A_1454 : i32
      %select_n3A_1465 = arith.select %and3A_1463, %add3A_1464, %rem3A_1455 : i32
      %broadcast_in_dim3A_1466 = vector.broadcast %select_n3A_1465 : i32 to vector<16xi32>
      %slice3A_1467 = vector.extract_strided_slice %get3A_770 {offsets = [3], sizes = [1], strides = [1]} : vector<16xi32> to vector<1xi32>
      %squeeze3A_1468 = vector.extract %slice3A_1467[0] : i32 from vector<1xi32>
      %jit3A_1469 = arith.constant 128 : i32
      %eq3A_1470 = arith.constant 0 : i32
      %eq3A_1471 = arith.cmpi eq, %jit3A_1469, %eq3A_1470 : i32
      %jit3A_1472 = arith.constant 1 : i32
      %select_n3A_1473 = arith.select %eq3A_1471, %jit3A_1472, %jit3A_1469 : i32
      %rem3A_1474 = arith.remsi %squeeze3A_1468, %select_n3A_1473 : i32
      %ne3A_1475 = arith.constant 0 : i32
      %ne3A_1476 = arith.cmpi ne, %rem3A_1474, %ne3A_1475 : i32
      %lt3A_1477 = arith.constant 0 : i32
      %lt3A_1478 = arith.cmpi slt, %rem3A_1474, %lt3A_1477 : i32
      %lt3A_1479 = arith.constant 0 : i32
      %lt3A_1480 = arith.cmpi slt, %select_n3A_1473, %lt3A_1479 : i32
      %ne3A_1481 = arith.xori %lt3A_1478, %lt3A_1480 : i1
      %and3A_1482 = arith.andi %ne3A_1481, %ne3A_1476 : i1
      %add3A_1483 = arith.addi %rem3A_1474, %select_n3A_1473 : i32
      %select_n3A_1484 = arith.select %and3A_1482, %add3A_1483, %rem3A_1474 : i32
      %broadcast_in_dim3A_1485 = vector.broadcast %select_n3A_1484 : i32 to vector<16xi32>
      %gather3A_1486 = arith.constant 3 : i32
      %gather3A_1487 = arith.constant 0 : i32
      %gather3A_1488 = arith.constant 0 : i32
      %gather3A_1489 = tpu.memref_slice %arg11[%gather3A_1486, %gather3A_1487, %gather3A_1488] : memref<8x32x128xf32, #tpu.memory_space<vmem>> -> memref<1x32x128xf32, #tpu.memory_space<vmem>>
      %gather3A_1490 = tpu.memref_squeeze %gather3A_1489 : memref<1x32x128xf32, #tpu.memory_space<vmem>> -> memref<32x128xf32, #tpu.memory_space<vmem>>
      %gather3A_1491 = tpu.vector_load_idx %gather3A_1490[%iota3A_66, %broadcast_in_dim3A_1466] : memref<32x128xf32, #tpu.memory_space<vmem>>[vector<16xi32>, vector<16xi32>], vector<16xf32>,
      %gather3A_1492 = arith.constant 3 : i32
      %gather3A_1493 = arith.constant 0 : i32
      %gather3A_1494 = arith.constant 0 : i32
      %gather3A_1495 = tpu.memref_slice %arg11[%gather3A_1492, %gather3A_1493, %gather3A_1494] : memref<8x32x128xf32, #tpu.memory_space<vmem>> -> memref<1x32x128xf32, #tpu.memory_space<vmem>>
      %gather3A_1496 = tpu.memref_squeeze %gather3A_1495 : memref<1x32x128xf32, #tpu.memory_space<vmem>> -> memref<32x128xf32, #tpu.memory_space<vmem>>
      %gather3A_1497 = tpu.vector_load_idx %gather3A_1496[%add3A_69, %broadcast_in_dim3A_1466] : memref<32x128xf32, #tpu.memory_space<vmem>>[vector<16xi32>, vector<16xi32>], vector<16xf32>,
      %gather3A_1498 = arith.constant 3 : i32
      %gather3A_1499 = arith.constant 0 : i32
      %gather3A_1500 = arith.constant 0 : i32
      %gather3A_1501 = tpu.memref_slice %arg12[%gather3A_1498, %gather3A_1499, %gather3A_1500] : memref<8x32x128xf32, #tpu.memory_space<vmem>> -> memref<1x32x128xf32, #tpu.memory_space<vmem>>
      %gather3A_1502 = tpu.memref_squeeze %gather3A_1501 : memref<1x32x128xf32, #tpu.memory_space<vmem>> -> memref<32x128xf32, #tpu.memory_space<vmem>>
      %gather3A_1503 = tpu.vector_load_idx %gather3A_1502[%iota3A_66, %broadcast_in_dim3A_1485] : memref<32x128xf32, #tpu.memory_space<vmem>>[vector<16xi32>, vector<16xi32>], vector<16xf32>,
      %gather3A_1504 = arith.constant 3 : i32
      %gather3A_1505 = arith.constant 0 : i32
      %gather3A_1506 = arith.constant 0 : i32
      %gather3A_1507 = tpu.memref_slice %arg12[%gather3A_1504, %gather3A_1505, %gather3A_1506] : memref<8x32x128xf32, #tpu.memory_space<vmem>> -> memref<1x32x128xf32, #tpu.memory_space<vmem>>
      %gather3A_1508 = tpu.memref_squeeze %gather3A_1507 : memref<1x32x128xf32, #tpu.memory_space<vmem>> -> memref<32x128xf32, #tpu.memory_space<vmem>>
      %gather3A_1509 = tpu.vector_load_idx %gather3A_1508[%add3A_69, %broadcast_in_dim3A_1485] : memref<32x128xf32, #tpu.memory_space<vmem>>[vector<16xi32>, vector<16xi32>], vector<16xf32>,
      %mul3A_1510 = arith.mulf %gather3A_1491, %gather3A_1503 : vector<16xf32>
      %mul3A_1511 = arith.mulf %gather3A_1497, %gather3A_1509 : vector<16xf32>
      %add3A_1512 = arith.addf %mul3A_1510, %mul3A_1511 : vector<16xf32>
      %reduce_sum3A_1513 = arith.constant true
      %reduce_sum3A_1514 = vector.broadcast %reduce_sum3A_1513 : i1 to vector<16xi1>
      %reduce_sum3A_1515 = tpu.scan <sum>, %add3A_1512 masked %reduce_sum3A_1514 : vector<16xf32>, vector<16xi1> -> vector<16xf32>
      %reduce_sum3A_1516 = vector.extract %reduce_sum3A_1515[15] : f32 from vector<16xf32>
      %eq3A_1517 = arith.constant 3 : i32
      %eq3A_1518 = vector.broadcast %eq3A_1517 : i32 to vector<16xi32>
      %eq3A_1519 = arith.cmpi eq, %iota3A, %eq3A_1518 : vector<16xi32>
      %broadcast_in_dim3A_1520 = vector.broadcast %reduce_sum3A_1516 : f32 to vector<16xf32>
      %select_n3A_1521 = arith.select %eq3A_1519, %broadcast_in_dim3A_1520, %select_n3A_1333 : vector<16xi1>, vector<16xf32>
      %slice3A_1522 = vector.extract_strided_slice %get3A_767 {offsets = [11], sizes = [1], strides = [1]} : vector<16xi32> to vector<1xi32>
      %squeeze3A_1523 = vector.extract %slice3A_1522[0] : i32 from vector<1xi32>
      %slice3A_1524 = vector.extract_strided_slice %get3A_770 {offsets = [11], sizes = [1], strides = [1]} : vector<16xi32> to vector<1xi32>
      %squeeze3A_1525 = vector.extract %slice3A_1524[0] : i32 from vector<1xi32>
      %jit3A_1526 = arith.constant 128 : i32
      %div3A_1527 = arith.divsi %squeeze3A_1523, %jit3A_1526 : i32
      %sign3A_1528 = arith.constant 0 : i32
      %sign3A_1529 = arith.cmpi sgt, %squeeze3A_1523, %sign3A_1528 : i32
      %sign3A_1530 = arith.extui %sign3A_1529 : i1 to i32
      %sign3A_1531 = arith.constant 0 : i32
      %sign3A_1532 = arith.cmpi slt, %squeeze3A_1523, %sign3A_1531 : i32
      %sign3A_1533 = arith.extui %sign3A_1532 : i1 to i32
      %sign3A_1534 = arith.subi %sign3A_1530, %sign3A_1533 : i32
      %sign3A_1535 = arith.constant 0 : i32
      %sign3A_1536 = arith.cmpi sgt, %jit3A_1526, %sign3A_1535 : i32
      %sign3A_1537 = arith.extui %sign3A_1536 : i1 to i32
      %sign3A_1538 = arith.constant 0 : i32
      %sign3A_1539 = arith.cmpi slt, %jit3A_1526, %sign3A_1538 : i32
      %sign3A_1540 = arith.extui %sign3A_1539 : i1 to i32
      %sign3A_1541 = arith.subi %sign3A_1537, %sign3A_1540 : i32
      %ne3A_1542 = arith.cmpi ne, %sign3A_1534, %sign3A_1541 : i32
      %rem3A_1543 = arith.remsi %squeeze3A_1523, %jit3A_1526 : i32
      %ne3A_1544 = arith.constant 0 : i32
      %ne3A_1545 = arith.cmpi ne, %rem3A_1543, %ne3A_1544 : i32
      %and3A_1546 = arith.andi %ne3A_1542, %ne3A_1545 : i1
      %sub3A_1547 = arith.constant 1 : i32
      %sub3A_1548 = arith.subi %div3A_1527, %sub3A_1547 : i32
      %select_n3A_1549 = arith.select %and3A_1546, %sub3A_1548, %div3A_1527 : i32
      %mul3A_1550 = arith.constant 128 : i32
      %mul3A_1551 = arith.muli %select_n3A_1549, %mul3A_1550 : i32
      %multiple_of3A_1552 = tpu.assume_multiple %mul3A_1551, 128 : i32
      %jit3A_1553 = arith.constant 128 : i32
      %div3A_1554 = arith.divsi %squeeze3A_1525, %jit3A_1553 : i32
      %sign3A_1555 = arith.constant 0 : i32
      %sign3A_1556 = arith.cmpi sgt, %squeeze3A_1525, %sign3A_1555 : i32
      %sign3A_1557 = arith.extui %sign3A_1556 : i1 to i32
      %sign3A_1558 = arith.constant 0 : i32
      %sign3A_1559 = arith.cmpi slt, %squeeze3A_1525, %sign3A_1558 : i32
      %sign3A_1560 = arith.extui %sign3A_1559 : i1 to i32
      %sign3A_1561 = arith.subi %sign3A_1557, %sign3A_1560 : i32
      %sign3A_1562 = arith.constant 0 : i32
      %sign3A_1563 = arith.cmpi sgt, %jit3A_1553, %sign3A_1562 : i32
      %sign3A_1564 = arith.extui %sign3A_1563 : i1 to i32
      %sign3A_1565 = arith.constant 0 : i32
      %sign3A_1566 = arith.cmpi slt, %jit3A_1553, %sign3A_1565 : i32
      %sign3A_1567 = arith.extui %sign3A_1566 : i1 to i32
      %sign3A_1568 = arith.subi %sign3A_1564, %sign3A_1567 : i32
      %ne3A_1569 = arith.cmpi ne, %sign3A_1561, %sign3A_1568 : i32
      %rem3A_1570 = arith.remsi %squeeze3A_1525, %jit3A_1553 : i32
      %ne3A_1571 = arith.constant 0 : i32
      %ne3A_1572 = arith.cmpi ne, %rem3A_1570, %ne3A_1571 : i32
      %and3A_1573 = arith.andi %ne3A_1569, %ne3A_1572 : i1
      %sub3A_1574 = arith.constant 1 : i32
      %sub3A_1575 = arith.subi %div3A_1554, %sub3A_1574 : i32
      %select_n3A_1576 = arith.select %and3A_1573, %sub3A_1575, %div3A_1554 : i32
      %mul3A_1577 = arith.constant 128 : i32
      %mul3A_1578 = arith.muli %select_n3A_1576, %mul3A_1577 : i32
      %multiple_of3A_1579 = tpu.assume_multiple %mul3A_1578, 128 : i32
      %dma_start3A_1580 = arith.constant 3 : i32
      %dma_start3A_1581 = arith.constant 0 : i32
      %dma_start3A_1582 = arith.constant 0 : i32
      %dma_start3A_1583 = tpu.memref_slice %arg11[%dma_start3A_1580, %dma_start3A_1581, %dma_start3A_1582] : memref<8x32x128xf32, #tpu.memory_space<vmem>> -> memref<1x32x128xf32, #tpu.memory_space<vmem>>
      %dma_start3A_1584 = tpu.memref_squeeze %dma_start3A_1583 : memref<1x32x128xf32, #tpu.memory_space<vmem>> -> memref<32x128xf32, #tpu.memory_space<vmem>>
      %dma_start3A_1585 = arith.constant 0 : i32
      %dma_start3A_1586 = tpu.memref_slice %arg4[%dma_start3A_1585, %multiple_of3A_1552] : memref<32x1000000xf32, #tpu.memory_space<hbm>> -> memref<32x128xf32, #tpu.memory_space<hbm>>
      %dma_start3A_1587 = arith.constant 0 : i32
      %dma_start3A_1588 = arith.constant 0 : i32
      %dma_start3A_1589 = tpu.memref_slice %arg11[%dma_start3A_1580, %dma_start3A_1587, %dma_start3A_1588] : memref<8x32x128xf32, #tpu.memory_space<vmem>> -> memref<1x32x128xf32, #tpu.memory_space<vmem>>
      %dma_start3A_1590 = tpu.memref_squeeze %dma_start3A_1589 : memref<1x32x128xf32, #tpu.memory_space<vmem>> -> memref<32x128xf32, #tpu.memory_space<vmem>>
      %dma_start3A_1591 = arith.constant 0 : i32
      %dma_start3A_1592 = tpu.memref_slice %arg4[%dma_start3A_1591, %multiple_of3A_1552] : memref<32x1000000xf32, #tpu.memory_space<hbm>> -> memref<32x128xf32, #tpu.memory_space<hbm>>
      tpu.enqueue_dma source(%dma_start3A_1592 : memref<32x128xf32, #tpu.memory_space<hbm>>) target(%dma_start3A_1590 : memref<32x128xf32, #tpu.memory_space<vmem>>) target_semaphore(%arg16 : memref<!tpu.dma_semaphore, #tpu.memory_space<semaphore_mem>>)
      %dma_start3A_1593 = arith.constant 3 : i32
      %dma_start3A_1594 = arith.constant 0 : i32
      %dma_start3A_1595 = arith.constant 0 : i32
      %dma_start3A_1596 = tpu.memref_slice %arg12[%dma_start3A_1593, %dma_start3A_1594, %dma_start3A_1595] : memref<8x32x128xf32, #tpu.memory_space<vmem>> -> memref<1x32x128xf32, #tpu.memory_space<vmem>>
      %dma_start3A_1597 = tpu.memref_squeeze %dma_start3A_1596 : memref<1x32x128xf32, #tpu.memory_space<vmem>> -> memref<32x128xf32, #tpu.memory_space<vmem>>
      %dma_start3A_1598 = arith.constant 0 : i32
      %dma_start3A_1599 = tpu.memref_slice %arg5[%dma_start3A_1598, %multiple_of3A_1579] : memref<32x1000000xf32, #tpu.memory_space<hbm>> -> memref<32x128xf32, #tpu.memory_space<hbm>>
      %dma_start3A_1600 = arith.constant 0 : i32
      %dma_start3A_1601 = arith.constant 0 : i32
      %dma_start3A_1602 = tpu.memref_slice %arg12[%dma_start3A_1593, %dma_start3A_1600, %dma_start3A_1601] : memref<8x32x128xf32, #tpu.memory_space<vmem>> -> memref<1x32x128xf32, #tpu.memory_space<vmem>>
      %dma_start3A_1603 = tpu.memref_squeeze %dma_start3A_1602 : memref<1x32x128xf32, #tpu.memory_space<vmem>> -> memref<32x128xf32, #tpu.memory_space<vmem>>
      %dma_start3A_1604 = arith.constant 0 : i32
      %dma_start3A_1605 = tpu.memref_slice %arg5[%dma_start3A_1604, %multiple_of3A_1579] : memref<32x1000000xf32, #tpu.memory_space<hbm>> -> memref<32x128xf32, #tpu.memory_space<hbm>>
      tpu.enqueue_dma source(%dma_start3A_1605 : memref<32x128xf32, #tpu.memory_space<hbm>>) target(%dma_start3A_1603 : memref<32x128xf32, #tpu.memory_space<vmem>>) target_semaphore(%arg17 : memref<!tpu.dma_semaphore, #tpu.memory_space<semaphore_mem>>)
      %dma_wait3A_1606 = arith.constant 4 : i32
      %dma_wait3A_1607 = arith.constant 0 : i32
      %dma_wait3A_1608 = arith.constant 0 : i32
      %dma_wait3A_1609 = tpu.memref_slice %arg11[%dma_wait3A_1606, %dma_wait3A_1607, %dma_wait3A_1608] : memref<8x32x128xf32, #tpu.memory_space<vmem>> -> memref<1x32x128xf32, #tpu.memory_space<vmem>>
      %dma_wait3A_1610 = tpu.memref_squeeze %dma_wait3A_1609 : memref<1x32x128xf32, #tpu.memory_space<vmem>> -> memref<32x128xf32, #tpu.memory_space<vmem>>
      %dma_wait3A_1611 = arith.constant 0 : i32
      %dma_wait3A_1612 = arith.constant 0 : i32
      %dma_wait3A_1613 = tpu.memref_slice %arg4[%dma_wait3A_1611, %dma_wait3A_1612] : memref<32x1000000xf32, #tpu.memory_space<hbm>> -> memref<32x128xf32, #tpu.memory_space<hbm>>
      %dma_wait3A_1614 = arith.constant 0 : i32
      %dma_wait3A_1615 = arith.constant 0 : i32
      %dma_wait3A_1616 = tpu.memref_slice %arg11[%dma_wait3A_1606, %dma_wait3A_1614, %dma_wait3A_1615] : memref<8x32x128xf32, #tpu.memory_space<vmem>> -> memref<1x32x128xf32, #tpu.memory_space<vmem>>
      %dma_wait3A_1617 = tpu.memref_squeeze %dma_wait3A_1616 : memref<1x32x128xf32, #tpu.memory_space<vmem>> -> memref<32x128xf32, #tpu.memory_space<vmem>>
      %dma_wait3A_1618 = arith.constant 0 : i32
      %dma_wait3A_1619 = arith.constant 0 : i32
      %dma_wait3A_1620 = tpu.memref_slice %arg4[%dma_wait3A_1618, %dma_wait3A_1619] : memref<32x1000000xf32, #tpu.memory_space<hbm>> -> memref<32x128xf32, #tpu.memory_space<hbm>>
      tpu.wait_dma2 semaphore(%arg16 : memref<!tpu.dma_semaphore, #tpu.memory_space<semaphore_mem>>) src(%dma_wait3A_1620 : memref<32x128xf32, #tpu.memory_space<hbm>>) dst(%dma_wait3A_1617 : memref<32x128xf32, #tpu.memory_space<vmem>>)
      %dma_wait3A_1621 = arith.constant 4 : i32
      %dma_wait3A_1622 = arith.constant 0 : i32
      %dma_wait3A_1623 = arith.constant 0 : i32
      %dma_wait3A_1624 = tpu.memref_slice %arg12[%dma_wait3A_1621, %dma_wait3A_1622, %dma_wait3A_1623] : memref<8x32x128xf32, #tpu.memory_space<vmem>> -> memref<1x32x128xf32, #tpu.memory_space<vmem>>
      %dma_wait3A_1625 = tpu.memref_squeeze %dma_wait3A_1624 : memref<1x32x128xf32, #tpu.memory_space<vmem>> -> memref<32x128xf32, #tpu.memory_space<vmem>>
      %dma_wait3A_1626 = arith.constant 0 : i32
      %dma_wait3A_1627 = arith.constant 0 : i32
      %dma_wait3A_1628 = tpu.memref_slice %arg5[%dma_wait3A_1626, %dma_wait3A_1627] : memref<32x1000000xf32, #tpu.memory_space<hbm>> -> memref<32x128xf32, #tpu.memory_space<hbm>>
      %dma_wait3A_1629 = arith.constant 0 : i32
      %dma_wait3A_1630 = arith.constant 0 : i32
      %dma_wait3A_1631 = tpu.memref_slice %arg12[%dma_wait3A_1621, %dma_wait3A_1629, %dma_wait3A_1630] : memref<8x32x128xf32, #tpu.memory_space<vmem>> -> memref<1x32x128xf32, #tpu.memory_space<vmem>>
      %dma_wait3A_1632 = tpu.memref_squeeze %dma_wait3A_1631 : memref<1x32x128xf32, #tpu.memory_space<vmem>> -> memref<32x128xf32, #tpu.memory_space<vmem>>
      %dma_wait3A_1633 = arith.constant 0 : i32
      %dma_wait3A_1634 = arith.constant 0 : i32
      %dma_wait3A_1635 = tpu.memref_slice %arg5[%dma_wait3A_1633, %dma_wait3A_1634] : memref<32x1000000xf32, #tpu.memory_space<hbm>> -> memref<32x128xf32, #tpu.memory_space<hbm>>
      tpu.wait_dma2 semaphore(%arg17 : memref<!tpu.dma_semaphore, #tpu.memory_space<semaphore_mem>>) src(%dma_wait3A_1635 : memref<32x128xf32, #tpu.memory_space<hbm>>) dst(%dma_wait3A_1632 : memref<32x128xf32, #tpu.memory_space<vmem>>)
      %slice3A_1636 = vector.extract_strided_slice %get3A_767 {offsets = [4], sizes = [1], strides = [1]} : vector<16xi32> to vector<1xi32>
      %squeeze3A_1637 = vector.extract %slice3A_1636[0] : i32 from vector<1xi32>
      %jit3A_1638 = arith.constant 128 : i32
      %eq3A_1639 = arith.constant 0 : i32
      %eq3A_1640 = arith.cmpi eq, %jit3A_1638, %eq3A_1639 : i32
      %jit3A_1641 = arith.constant 1 : i32
      %select_n3A_1642 = arith.select %eq3A_1640, %jit3A_1641, %jit3A_1638 : i32
      %rem3A_1643 = arith.remsi %squeeze3A_1637, %select_n3A_1642 : i32
      %ne3A_1644 = arith.constant 0 : i32
      %ne3A_1645 = arith.cmpi ne, %rem3A_1643, %ne3A_1644 : i32
      %lt3A_1646 = arith.constant 0 : i32
      %lt3A_1647 = arith.cmpi slt, %rem3A_1643, %lt3A_1646 : i32
      %lt3A_1648 = arith.constant 0 : i32
      %lt3A_1649 = arith.cmpi slt, %select_n3A_1642, %lt3A_1648 : i32
      %ne3A_1650 = arith.xori %lt3A_1647, %lt3A_1649 : i1
      %and3A_1651 = arith.andi %ne3A_1650, %ne3A_1645 : i1
      %add3A_1652 = arith.addi %rem3A_1643, %select_n3A_1642 : i32
      %select_n3A_1653 = arith.select %and3A_1651, %add3A_1652, %rem3A_1643 : i32
      %broadcast_in_dim3A_1654 = vector.broadcast %select_n3A_1653 : i32 to vector<16xi32>
      %slice3A_1655 = vector.extract_strided_slice %get3A_770 {offsets = [4], sizes = [1], strides = [1]} : vector<16xi32> to vector<1xi32>
      %squeeze3A_1656 = vector.extract %slice3A_1655[0] : i32 from vector<1xi32>
      %jit3A_1657 = arith.constant 128 : i32
      %eq3A_1658 = arith.constant 0 : i32
      %eq3A_1659 = arith.cmpi eq, %jit3A_1657, %eq3A_1658 : i32
      %jit3A_1660 = arith.constant 1 : i32
      %select_n3A_1661 = arith.select %eq3A_1659, %jit3A_1660, %jit3A_1657 : i32
      %rem3A_1662 = arith.remsi %squeeze3A_1656, %select_n3A_1661 : i32
      %ne3A_1663 = arith.constant 0 : i32
      %ne3A_1664 = arith.cmpi ne, %rem3A_1662, %ne3A_1663 : i32
      %lt3A_1665 = arith.constant 0 : i32
      %lt3A_1666 = arith.cmpi slt, %rem3A_1662, %lt3A_1665 : i32
      %lt3A_1667 = arith.constant 0 : i32
      %lt3A_1668 = arith.cmpi slt, %select_n3A_1661, %lt3A_1667 : i32
      %ne3A_1669 = arith.xori %lt3A_1666, %lt3A_1668 : i1
      %and3A_1670 = arith.andi %ne3A_1669, %ne3A_1664 : i1
      %add3A_1671 = arith.addi %rem3A_1662, %select_n3A_1661 : i32
      %select_n3A_1672 = arith.select %and3A_1670, %add3A_1671, %rem3A_1662 : i32
      %broadcast_in_dim3A_1673 = vector.broadcast %select_n3A_1672 : i32 to vector<16xi32>
      %gather3A_1674 = arith.constant 4 : i32
      %gather3A_1675 = arith.constant 0 : i32
      %gather3A_1676 = arith.constant 0 : i32
      %gather3A_1677 = tpu.memref_slice %arg11[%gather3A_1674, %gather3A_1675, %gather3A_1676] : memref<8x32x128xf32, #tpu.memory_space<vmem>> -> memref<1x32x128xf32, #tpu.memory_space<vmem>>
      %gather3A_1678 = tpu.memref_squeeze %gather3A_1677 : memref<1x32x128xf32, #tpu.memory_space<vmem>> -> memref<32x128xf32, #tpu.memory_space<vmem>>
      %gather3A_1679 = tpu.vector_load_idx %gather3A_1678[%iota3A_66, %broadcast_in_dim3A_1654] : memref<32x128xf32, #tpu.memory_space<vmem>>[vector<16xi32>, vector<16xi32>], vector<16xf32>,
      %gather3A_1680 = arith.constant 4 : i32
      %gather3A_1681 = arith.constant 0 : i32
      %gather3A_1682 = arith.constant 0 : i32
      %gather3A_1683 = tpu.memref_slice %arg11[%gather3A_1680, %gather3A_1681, %gather3A_1682] : memref<8x32x128xf32, #tpu.memory_space<vmem>> -> memref<1x32x128xf32, #tpu.memory_space<vmem>>
      %gather3A_1684 = tpu.memref_squeeze %gather3A_1683 : memref<1x32x128xf32, #tpu.memory_space<vmem>> -> memref<32x128xf32, #tpu.memory_space<vmem>>
      %gather3A_1685 = tpu.vector_load_idx %gather3A_1684[%add3A_69, %broadcast_in_dim3A_1654] : memref<32x128xf32, #tpu.memory_space<vmem>>[vector<16xi32>, vector<16xi32>], vector<16xf32>,
      %gather3A_1686 = arith.constant 4 : i32
      %gather3A_1687 = arith.constant 0 : i32
      %gather3A_1688 = arith.constant 0 : i32
      %gather3A_1689 = tpu.memref_slice %arg12[%gather3A_1686, %gather3A_1687, %gather3A_1688] : memref<8x32x128xf32, #tpu.memory_space<vmem>> -> memref<1x32x128xf32, #tpu.memory_space<vmem>>
      %gather3A_1690 = tpu.memref_squeeze %gather3A_1689 : memref<1x32x128xf32, #tpu.memory_space<vmem>> -> memref<32x128xf32, #tpu.memory_space<vmem>>
      %gather3A_1691 = tpu.vector_load_idx %gather3A_1690[%iota3A_66, %broadcast_in_dim3A_1673] : memref<32x128xf32, #tpu.memory_space<vmem>>[vector<16xi32>, vector<16xi32>], vector<16xf32>,
      %gather3A_1692 = arith.constant 4 : i32
      %gather3A_1693 = arith.constant 0 : i32
      %gather3A_1694 = arith.constant 0 : i32
      %gather3A_1695 = tpu.memref_slice %arg12[%gather3A_1692, %gather3A_1693, %gather3A_1694] : memref<8x32x128xf32, #tpu.memory_space<vmem>> -> memref<1x32x128xf32, #tpu.memory_space<vmem>>
      %gather3A_1696 = tpu.memref_squeeze %gather3A_1695 : memref<1x32x128xf32, #tpu.memory_space<vmem>> -> memref<32x128xf32, #tpu.memory_space<vmem>>
      %gather3A_1697 = tpu.vector_load_idx %gather3A_1696[%add3A_69, %broadcast_in_dim3A_1673] : memref<32x128xf32, #tpu.memory_space<vmem>>[vector<16xi32>, vector<16xi32>], vector<16xf32>,
      %mul3A_1698 = arith.mulf %gather3A_1679, %gather3A_1691 : vector<16xf32>
      %mul3A_1699 = arith.mulf %gather3A_1685, %gather3A_1697 : vector<16xf32>
      %add3A_1700 = arith.addf %mul3A_1698, %mul3A_1699 : vector<16xf32>
      %reduce_sum3A_1701 = arith.constant true
      %reduce_sum3A_1702 = vector.broadcast %reduce_sum3A_1701 : i1 to vector<16xi1>
      %reduce_sum3A_1703 = tpu.scan <sum>, %add3A_1700 masked %reduce_sum3A_1702 : vector<16xf32>, vector<16xi1> -> vector<16xf32>
      %reduce_sum3A_1704 = vector.extract %reduce_sum3A_1703[15] : f32 from vector<16xf32>
      %eq3A_1705 = arith.constant 4 : i32
      %eq3A_1706 = vector.broadcast %eq3A_1705 : i32 to vector<16xi32>
      %eq3A_1707 = arith.cmpi eq, %iota3A, %eq3A_1706 : vector<16xi32>
      %broadcast_in_dim3A_1708 = vector.broadcast %reduce_sum3A_1704 : f32 to vector<16xf32>
      %select_n3A_1709 = arith.select %eq3A_1707, %broadcast_in_dim3A_1708, %select_n3A_1521 : vector<16xi1>, vector<16xf32>
      %slice3A_1710 = vector.extract_strided_slice %get3A_767 {offsets = [12], sizes = [1], strides = [1]} : vector<16xi32> to vector<1xi32>
      %squeeze3A_1711 = vector.extract %slice3A_1710[0] : i32 from vector<1xi32>
      %slice3A_1712 = vector.extract_strided_slice %get3A_770 {offsets = [12], sizes = [1], strides = [1]} : vector<16xi32> to vector<1xi32>
      %squeeze3A_1713 = vector.extract %slice3A_1712[0] : i32 from vector<1xi32>
      %jit3A_1714 = arith.constant 128 : i32
      %div3A_1715 = arith.divsi %squeeze3A_1711, %jit3A_1714 : i32
      %sign3A_1716 = arith.constant 0 : i32
      %sign3A_1717 = arith.cmpi sgt, %squeeze3A_1711, %sign3A_1716 : i32
      %sign3A_1718 = arith.extui %sign3A_1717 : i1 to i32
      %sign3A_1719 = arith.constant 0 : i32
      %sign3A_1720 = arith.cmpi slt, %squeeze3A_1711, %sign3A_1719 : i32
      %sign3A_1721 = arith.extui %sign3A_1720 : i1 to i32
      %sign3A_1722 = arith.subi %sign3A_1718, %sign3A_1721 : i32
      %sign3A_1723 = arith.constant 0 : i32
      %sign3A_1724 = arith.cmpi sgt, %jit3A_1714, %sign3A_1723 : i32
      %sign3A_1725 = arith.extui %sign3A_1724 : i1 to i32
      %sign3A_1726 = arith.constant 0 : i32
      %sign3A_1727 = arith.cmpi slt, %jit3A_1714, %sign3A_1726 : i32
      %sign3A_1728 = arith.extui %sign3A_1727 : i1 to i32
      %sign3A_1729 = arith.subi %sign3A_1725, %sign3A_1728 : i32
      %ne3A_1730 = arith.cmpi ne, %sign3A_1722, %sign3A_1729 : i32
      %rem3A_1731 = arith.remsi %squeeze3A_1711, %jit3A_1714 : i32
      %ne3A_1732 = arith.constant 0 : i32
      %ne3A_1733 = arith.cmpi ne, %rem3A_1731, %ne3A_1732 : i32
      %and3A_1734 = arith.andi %ne3A_1730, %ne3A_1733 : i1
      %sub3A_1735 = arith.constant 1 : i32
      %sub3A_1736 = arith.subi %div3A_1715, %sub3A_1735 : i32
      %select_n3A_1737 = arith.select %and3A_1734, %sub3A_1736, %div3A_1715 : i32
      %mul3A_1738 = arith.constant 128 : i32
      %mul3A_1739 = arith.muli %select_n3A_1737, %mul3A_1738 : i32
      %multiple_of3A_1740 = tpu.assume_multiple %mul3A_1739, 128 : i32
      %jit3A_1741 = arith.constant 128 : i32
      %div3A_1742 = arith.divsi %squeeze3A_1713, %jit3A_1741 : i32
      %sign3A_1743 = arith.constant 0 : i32
      %sign3A_1744 = arith.cmpi sgt, %squeeze3A_1713, %sign3A_1743 : i32
      %sign3A_1745 = arith.extui %sign3A_1744 : i1 to i32
      %sign3A_1746 = arith.constant 0 : i32
      %sign3A_1747 = arith.cmpi slt, %squeeze3A_1713, %sign3A_1746 : i32
      %sign3A_1748 = arith.extui %sign3A_1747 : i1 to i32
      %sign3A_1749 = arith.subi %sign3A_1745, %sign3A_1748 : i32
      %sign3A_1750 = arith.constant 0 : i32
      %sign3A_1751 = arith.cmpi sgt, %jit3A_1741, %sign3A_1750 : i32
      %sign3A_1752 = arith.extui %sign3A_1751 : i1 to i32
      %sign3A_1753 = arith.constant 0 : i32
      %sign3A_1754 = arith.cmpi slt, %jit3A_1741, %sign3A_1753 : i32
      %sign3A_1755 = arith.extui %sign3A_1754 : i1 to i32
      %sign3A_1756 = arith.subi %sign3A_1752, %sign3A_1755 : i32
      %ne3A_1757 = arith.cmpi ne, %sign3A_1749, %sign3A_1756 : i32
      %rem3A_1758 = arith.remsi %squeeze3A_1713, %jit3A_1741 : i32
      %ne3A_1759 = arith.constant 0 : i32
      %ne3A_1760 = arith.cmpi ne, %rem3A_1758, %ne3A_1759 : i32
      %and3A_1761 = arith.andi %ne3A_1757, %ne3A_1760 : i1
      %sub3A_1762 = arith.constant 1 : i32
      %sub3A_1763 = arith.subi %div3A_1742, %sub3A_1762 : i32
      %select_n3A_1764 = arith.select %and3A_1761, %sub3A_1763, %div3A_1742 : i32
      %mul3A_1765 = arith.constant 128 : i32
      %mul3A_1766 = arith.muli %select_n3A_1764, %mul3A_1765 : i32
      %multiple_of3A_1767 = tpu.assume_multiple %mul3A_1766, 128 : i32
      %dma_start3A_1768 = arith.constant 4 : i32
      %dma_start3A_1769 = arith.constant 0 : i32
      %dma_start3A_1770 = arith.constant 0 : i32
      %dma_start3A_1771 = tpu.memref_slice %arg11[%dma_start3A_1768, %dma_start3A_1769, %dma_start3A_1770] : memref<8x32x128xf32, #tpu.memory_space<vmem>> -> memref<1x32x128xf32, #tpu.memory_space<vmem>>
      %dma_start3A_1772 = tpu.memref_squeeze %dma_start3A_1771 : memref<1x32x128xf32, #tpu.memory_space<vmem>> -> memref<32x128xf32, #tpu.memory_space<vmem>>
      %dma_start3A_1773 = arith.constant 0 : i32
      %dma_start3A_1774 = tpu.memref_slice %arg4[%dma_start3A_1773, %multiple_of3A_1740] : memref<32x1000000xf32, #tpu.memory_space<hbm>> -> memref<32x128xf32, #tpu.memory_space<hbm>>
      %dma_start3A_1775 = arith.constant 0 : i32
      %dma_start3A_1776 = arith.constant 0 : i32
      %dma_start3A_1777 = tpu.memref_slice %arg11[%dma_start3A_1768, %dma_start3A_1775, %dma_start3A_1776] : memref<8x32x128xf32, #tpu.memory_space<vmem>> -> memref<1x32x128xf32, #tpu.memory_space<vmem>>
      %dma_start3A_1778 = tpu.memref_squeeze %dma_start3A_1777 : memref<1x32x128xf32, #tpu.memory_space<vmem>> -> memref<32x128xf32, #tpu.memory_space<vmem>>
      %dma_start3A_1779 = arith.constant 0 : i32
      %dma_start3A_1780 = tpu.memref_slice %arg4[%dma_start3A_1779, %multiple_of3A_1740] : memref<32x1000000xf32, #tpu.memory_space<hbm>> -> memref<32x128xf32, #tpu.memory_space<hbm>>
      tpu.enqueue_dma source(%dma_start3A_1780 : memref<32x128xf32, #tpu.memory_space<hbm>>) target(%dma_start3A_1778 : memref<32x128xf32, #tpu.memory_space<vmem>>) target_semaphore(%arg16 : memref<!tpu.dma_semaphore, #tpu.memory_space<semaphore_mem>>)
      %dma_start3A_1781 = arith.constant 4 : i32
      %dma_start3A_1782 = arith.constant 0 : i32
      %dma_start3A_1783 = arith.constant 0 : i32
      %dma_start3A_1784 = tpu.memref_slice %arg12[%dma_start3A_1781, %dma_start3A_1782, %dma_start3A_1783] : memref<8x32x128xf32, #tpu.memory_space<vmem>> -> memref<1x32x128xf32, #tpu.memory_space<vmem>>
      %dma_start3A_1785 = tpu.memref_squeeze %dma_start3A_1784 : memref<1x32x128xf32, #tpu.memory_space<vmem>> -> memref<32x128xf32, #tpu.memory_space<vmem>>
      %dma_start3A_1786 = arith.constant 0 : i32
      %dma_start3A_1787 = tpu.memref_slice %arg5[%dma_start3A_1786, %multiple_of3A_1767] : memref<32x1000000xf32, #tpu.memory_space<hbm>> -> memref<32x128xf32, #tpu.memory_space<hbm>>
      %dma_start3A_1788 = arith.constant 0 : i32
      %dma_start3A_1789 = arith.constant 0 : i32
      %dma_start3A_1790 = tpu.memref_slice %arg12[%dma_start3A_1781, %dma_start3A_1788, %dma_start3A_1789] : memref<8x32x128xf32, #tpu.memory_space<vmem>> -> memref<1x32x128xf32, #tpu.memory_space<vmem>>
      %dma_start3A_1791 = tpu.memref_squeeze %dma_start3A_1790 : memref<1x32x128xf32, #tpu.memory_space<vmem>> -> memref<32x128xf32, #tpu.memory_space<vmem>>
      %dma_start3A_1792 = arith.constant 0 : i32
      %dma_start3A_1793 = tpu.memref_slice %arg5[%dma_start3A_1792, %multiple_of3A_1767] : memref<32x1000000xf32, #tpu.memory_space<hbm>> -> memref<32x128xf32, #tpu.memory_space<hbm>>
      tpu.enqueue_dma source(%dma_start3A_1793 : memref<32x128xf32, #tpu.memory_space<hbm>>) target(%dma_start3A_1791 : memref<32x128xf32, #tpu.memory_space<vmem>>) target_semaphore(%arg17 : memref<!tpu.dma_semaphore, #tpu.memory_space<semaphore_mem>>)
      %dma_wait3A_1794 = arith.constant 5 : i32
      %dma_wait3A_1795 = arith.constant 0 : i32
      %dma_wait3A_1796 = arith.constant 0 : i32
      %dma_wait3A_1797 = tpu.memref_slice %arg11[%dma_wait3A_1794, %dma_wait3A_1795, %dma_wait3A_1796] : memref<8x32x128xf32, #tpu.memory_space<vmem>> -> memref<1x32x128xf32, #tpu.memory_space<vmem>>
      %dma_wait3A_1798 = tpu.memref_squeeze %dma_wait3A_1797 : memref<1x32x128xf32, #tpu.memory_space<vmem>> -> memref<32x128xf32, #tpu.memory_space<vmem>>
      %dma_wait3A_1799 = arith.constant 0 : i32
      %dma_wait3A_1800 = arith.constant 0 : i32
      %dma_wait3A_1801 = tpu.memref_slice %arg4[%dma_wait3A_1799, %dma_wait3A_1800] : memref<32x1000000xf32, #tpu.memory_space<hbm>> -> memref<32x128xf32, #tpu.memory_space<hbm>>
      %dma_wait3A_1802 = arith.constant 0 : i32
      %dma_wait3A_1803 = arith.constant 0 : i32
      %dma_wait3A_1804 = tpu.memref_slice %arg11[%dma_wait3A_1794, %dma_wait3A_1802, %dma_wait3A_1803] : memref<8x32x128xf32, #tpu.memory_space<vmem>> -> memref<1x32x128xf32, #tpu.memory_space<vmem>>
      %dma_wait3A_1805 = tpu.memref_squeeze %dma_wait3A_1804 : memref<1x32x128xf32, #tpu.memory_space<vmem>> -> memref<32x128xf32, #tpu.memory_space<vmem>>
      %dma_wait3A_1806 = arith.constant 0 : i32
      %dma_wait3A_1807 = arith.constant 0 : i32
      %dma_wait3A_1808 = tpu.memref_slice %arg4[%dma_wait3A_1806, %dma_wait3A_1807] : memref<32x1000000xf32, #tpu.memory_space<hbm>> -> memref<32x128xf32, #tpu.memory_space<hbm>>
      tpu.wait_dma2 semaphore(%arg16 : memref<!tpu.dma_semaphore, #tpu.memory_space<semaphore_mem>>) src(%dma_wait3A_1808 : memref<32x128xf32, #tpu.memory_space<hbm>>) dst(%dma_wait3A_1805 : memref<32x128xf32, #tpu.memory_space<vmem>>)
      %dma_wait3A_1809 = arith.constant 5 : i32
      %dma_wait3A_1810 = arith.constant 0 : i32
      %dma_wait3A_1811 = arith.constant 0 : i32
      %dma_wait3A_1812 = tpu.memref_slice %arg12[%dma_wait3A_1809, %dma_wait3A_1810, %dma_wait3A_1811] : memref<8x32x128xf32, #tpu.memory_space<vmem>> -> memref<1x32x128xf32, #tpu.memory_space<vmem>>
      %dma_wait3A_1813 = tpu.memref_squeeze %dma_wait3A_1812 : memref<1x32x128xf32, #tpu.memory_space<vmem>> -> memref<32x128xf32, #tpu.memory_space<vmem>>
      %dma_wait3A_1814 = arith.constant 0 : i32
      %dma_wait3A_1815 = arith.constant 0 : i32
      %dma_wait3A_1816 = tpu.memref_slice %arg5[%dma_wait3A_1814, %dma_wait3A_1815] : memref<32x1000000xf32, #tpu.memory_space<hbm>> -> memref<32x128xf32, #tpu.memory_space<hbm>>
      %dma_wait3A_1817 = arith.constant 0 : i32
      %dma_wait3A_1818 = arith.constant 0 : i32
      %dma_wait3A_1819 = tpu.memref_slice %arg12[%dma_wait3A_1809, %dma_wait3A_1817, %dma_wait3A_1818] : memref<8x32x128xf32, #tpu.memory_space<vmem>> -> memref<1x32x128xf32, #tpu.memory_space<vmem>>
      %dma_wait3A_1820 = tpu.memref_squeeze %dma_wait3A_1819 : memref<1x32x128xf32, #tpu.memory_space<vmem>> -> memref<32x128xf32, #tpu.memory_space<vmem>>
      %dma_wait3A_1821 = arith.constant 0 : i32
      %dma_wait3A_1822 = arith.constant 0 : i32
      %dma_wait3A_1823 = tpu.memref_slice %arg5[%dma_wait3A_1821, %dma_wait3A_1822] : memref<32x1000000xf32, #tpu.memory_space<hbm>> -> memref<32x128xf32, #tpu.memory_space<hbm>>
      tpu.wait_dma2 semaphore(%arg17 : memref<!tpu.dma_semaphore, #tpu.memory_space<semaphore_mem>>) src(%dma_wait3A_1823 : memref<32x128xf32, #tpu.memory_space<hbm>>) dst(%dma_wait3A_1820 : memref<32x128xf32, #tpu.memory_space<vmem>>)
      %slice3A_1824 = vector.extract_strided_slice %get3A_767 {offsets = [5], sizes = [1], strides = [1]} : vector<16xi32> to vector<1xi32>
      %squeeze3A_1825 = vector.extract %slice3A_1824[0] : i32 from vector<1xi32>
      %jit3A_1826 = arith.constant 128 : i32
      %eq3A_1827 = arith.constant 0 : i32
      %eq3A_1828 = arith.cmpi eq, %jit3A_1826, %eq3A_1827 : i32
      %jit3A_1829 = arith.constant 1 : i32
      %select_n3A_1830 = arith.select %eq3A_1828, %jit3A_1829, %jit3A_1826 : i32
      %rem3A_1831 = arith.remsi %squeeze3A_1825, %select_n3A_1830 : i32
      %ne3A_1832 = arith.constant 0 : i32
      %ne3A_1833 = arith.cmpi ne, %rem3A_1831, %ne3A_1832 : i32
      %lt3A_1834 = arith.constant 0 : i32
      %lt3A_1835 = arith.cmpi slt, %rem3A_1831, %lt3A_1834 : i32
      %lt3A_1836 = arith.constant 0 : i32
      %lt3A_1837 = arith.cmpi slt, %select_n3A_1830, %lt3A_1836 : i32
      %ne3A_1838 = arith.xori %lt3A_1835, %lt3A_1837 : i1
      %and3A_1839 = arith.andi %ne3A_1838, %ne3A_1833 : i1
      %add3A_1840 = arith.addi %rem3A_1831, %select_n3A_1830 : i32
      %select_n3A_1841 = arith.select %and3A_1839, %add3A_1840, %rem3A_1831 : i32
      %broadcast_in_dim3A_1842 = vector.broadcast %select_n3A_1841 : i32 to vector<16xi32>
      %slice3A_1843 = vector.extract_strided_slice %get3A_770 {offsets = [5], sizes = [1], strides = [1]} : vector<16xi32> to vector<1xi32>
      %squeeze3A_1844 = vector.extract %slice3A_1843[0] : i32 from vector<1xi32>
      %jit3A_1845 = arith.constant 128 : i32
      %eq3A_1846 = arith.constant 0 : i32
      %eq3A_1847 = arith.cmpi eq, %jit3A_1845, %eq3A_1846 : i32
      %jit3A_1848 = arith.constant 1 : i32
      %select_n3A_1849 = arith.select %eq3A_1847, %jit3A_1848, %jit3A_1845 : i32
      %rem3A_1850 = arith.remsi %squeeze3A_1844, %select_n3A_1849 : i32
      %ne3A_1851 = arith.constant 0 : i32
      %ne3A_1852 = arith.cmpi ne, %rem3A_1850, %ne3A_1851 : i32
      %lt3A_1853 = arith.constant 0 : i32
      %lt3A_1854 = arith.cmpi slt, %rem3A_1850, %lt3A_1853 : i32
      %lt3A_1855 = arith.constant 0 : i32
      %lt3A_1856 = arith.cmpi slt, %select_n3A_1849, %lt3A_1855 : i32
      %ne3A_1857 = arith.xori %lt3A_1854, %lt3A_1856 : i1
      %and3A_1858 = arith.andi %ne3A_1857, %ne3A_1852 : i1
      %add3A_1859 = arith.addi %rem3A_1850, %select_n3A_1849 : i32
      %select_n3A_1860 = arith.select %and3A_1858, %add3A_1859, %rem3A_1850 : i32
      %broadcast_in_dim3A_1861 = vector.broadcast %select_n3A_1860 : i32 to vector<16xi32>
      %gather3A_1862 = arith.constant 5 : i32
      %gather3A_1863 = arith.constant 0 : i32
      %gather3A_1864 = arith.constant 0 : i32
      %gather3A_1865 = tpu.memref_slice %arg11[%gather3A_1862, %gather3A_1863, %gather3A_1864] : memref<8x32x128xf32, #tpu.memory_space<vmem>> -> memref<1x32x128xf32, #tpu.memory_space<vmem>>
      %gather3A_1866 = tpu.memref_squeeze %gather3A_1865 : memref<1x32x128xf32, #tpu.memory_space<vmem>> -> memref<32x128xf32, #tpu.memory_space<vmem>>
      %gather3A_1867 = tpu.vector_load_idx %gather3A_1866[%iota3A_66, %broadcast_in_dim3A_1842] : memref<32x128xf32, #tpu.memory_space<vmem>>[vector<16xi32>, vector<16xi32>], vector<16xf32>,
      %gather3A_1868 = arith.constant 5 : i32
      %gather3A_1869 = arith.constant 0 : i32
      %gather3A_1870 = arith.constant 0 : i32
      %gather3A_1871 = tpu.memref_slice %arg11[%gather3A_1868, %gather3A_1869, %gather3A_1870] : memref<8x32x128xf32, #tpu.memory_space<vmem>> -> memref<1x32x128xf32, #tpu.memory_space<vmem>>
      %gather3A_1872 = tpu.memref_squeeze %gather3A_1871 : memref<1x32x128xf32, #tpu.memory_space<vmem>> -> memref<32x128xf32, #tpu.memory_space<vmem>>
      %gather3A_1873 = tpu.vector_load_idx %gather3A_1872[%add3A_69, %broadcast_in_dim3A_1842] : memref<32x128xf32, #tpu.memory_space<vmem>>[vector<16xi32>, vector<16xi32>], vector<16xf32>,
      %gather3A_1874 = arith.constant 5 : i32
      %gather3A_1875 = arith.constant 0 : i32
      %gather3A_1876 = arith.constant 0 : i32
      %gather3A_1877 = tpu.memref_slice %arg12[%gather3A_1874, %gather3A_1875, %gather3A_1876] : memref<8x32x128xf32, #tpu.memory_space<vmem>> -> memref<1x32x128xf32, #tpu.memory_space<vmem>>
      %gather3A_1878 = tpu.memref_squeeze %gather3A_1877 : memref<1x32x128xf32, #tpu.memory_space<vmem>> -> memref<32x128xf32, #tpu.memory_space<vmem>>
      %gather3A_1879 = tpu.vector_load_idx %gather3A_1878[%iota3A_66, %broadcast_in_dim3A_1861] : memref<32x128xf32, #tpu.memory_space<vmem>>[vector<16xi32>, vector<16xi32>], vector<16xf32>,
      %gather3A_1880 = arith.constant 5 : i32
      %gather3A_1881 = arith.constant 0 : i32
      %gather3A_1882 = arith.constant 0 : i32
      %gather3A_1883 = tpu.memref_slice %arg12[%gather3A_1880, %gather3A_1881, %gather3A_1882] : memref<8x32x128xf32, #tpu.memory_space<vmem>> -> memref<1x32x128xf32, #tpu.memory_space<vmem>>
      %gather3A_1884 = tpu.memref_squeeze %gather3A_1883 : memref<1x32x128xf32, #tpu.memory_space<vmem>> -> memref<32x128xf32, #tpu.memory_space<vmem>>
      %gather3A_1885 = tpu.vector_load_idx %gather3A_1884[%add3A_69, %broadcast_in_dim3A_1861] : memref<32x128xf32, #tpu.memory_space<vmem>>[vector<16xi32>, vector<16xi32>], vector<16xf32>,
      %mul3A_1886 = arith.mulf %gather3A_1867, %gather3A_1879 : vector<16xf32>
      %mul3A_1887 = arith.mulf %gather3A_1873, %gather3A_1885 : vector<16xf32>
      %add3A_1888 = arith.addf %mul3A_1886, %mul3A_1887 : vector<16xf32>
      %reduce_sum3A_1889 = arith.constant true
      %reduce_sum3A_1890 = vector.broadcast %reduce_sum3A_1889 : i1 to vector<16xi1>
      %reduce_sum3A_1891 = tpu.scan <sum>, %add3A_1888 masked %reduce_sum3A_1890 : vector<16xf32>, vector<16xi1> -> vector<16xf32>
      %reduce_sum3A_1892 = vector.extract %reduce_sum3A_1891[15] : f32 from vector<16xf32>
      %eq3A_1893 = arith.constant 5 : i32
      %eq3A_1894 = vector.broadcast %eq3A_1893 : i32 to vector<16xi32>
      %eq3A_1895 = arith.cmpi eq, %iota3A, %eq3A_1894 : vector<16xi32>
      %broadcast_in_dim3A_1896 = vector.broadcast %reduce_sum3A_1892 : f32 to vector<16xf32>
      %select_n3A_1897 = arith.select %eq3A_1895, %broadcast_in_dim3A_1896, %select_n3A_1709 : vector<16xi1>, vector<16xf32>
      %slice3A_1898 = vector.extract_strided_slice %get3A_767 {offsets = [13], sizes = [1], strides = [1]} : vector<16xi32> to vector<1xi32>
      %squeeze3A_1899 = vector.extract %slice3A_1898[0] : i32 from vector<1xi32>
      %slice3A_1900 = vector.extract_strided_slice %get3A_770 {offsets = [13], sizes = [1], strides = [1]} : vector<16xi32> to vector<1xi32>
      %squeeze3A_1901 = vector.extract %slice3A_1900[0] : i32 from vector<1xi32>
      %jit3A_1902 = arith.constant 128 : i32
      %div3A_1903 = arith.divsi %squeeze3A_1899, %jit3A_1902 : i32
      %sign3A_1904 = arith.constant 0 : i32
      %sign3A_1905 = arith.cmpi sgt, %squeeze3A_1899, %sign3A_1904 : i32
      %sign3A_1906 = arith.extui %sign3A_1905 : i1 to i32
      %sign3A_1907 = arith.constant 0 : i32
      %sign3A_1908 = arith.cmpi slt, %squeeze3A_1899, %sign3A_1907 : i32
      %sign3A_1909 = arith.extui %sign3A_1908 : i1 to i32
      %sign3A_1910 = arith.subi %sign3A_1906, %sign3A_1909 : i32
      %sign3A_1911 = arith.constant 0 : i32
      %sign3A_1912 = arith.cmpi sgt, %jit3A_1902, %sign3A_1911 : i32
      %sign3A_1913 = arith.extui %sign3A_1912 : i1 to i32
      %sign3A_1914 = arith.constant 0 : i32
      %sign3A_1915 = arith.cmpi slt, %jit3A_1902, %sign3A_1914 : i32
      %sign3A_1916 = arith.extui %sign3A_1915 : i1 to i32
      %sign3A_1917 = arith.subi %sign3A_1913, %sign3A_1916 : i32
      %ne3A_1918 = arith.cmpi ne, %sign3A_1910, %sign3A_1917 : i32
      %rem3A_1919 = arith.remsi %squeeze3A_1899, %jit3A_1902 : i32
      %ne3A_1920 = arith.constant 0 : i32
      %ne3A_1921 = arith.cmpi ne, %rem3A_1919, %ne3A_1920 : i32
      %and3A_1922 = arith.andi %ne3A_1918, %ne3A_1921 : i1
      %sub3A_1923 = arith.constant 1 : i32
      %sub3A_1924 = arith.subi %div3A_1903, %sub3A_1923 : i32
      %select_n3A_1925 = arith.select %and3A_1922, %sub3A_1924, %div3A_1903 : i32
      %mul3A_1926 = arith.constant 128 : i32
      %mul3A_1927 = arith.muli %select_n3A_1925, %mul3A_1926 : i32
      %multiple_of3A_1928 = tpu.assume_multiple %mul3A_1927, 128 : i32
      %jit3A_1929 = arith.constant 128 : i32
      %div3A_1930 = arith.divsi %squeeze3A_1901, %jit3A_1929 : i32
      %sign3A_1931 = arith.constant 0 : i32
      %sign3A_1932 = arith.cmpi sgt, %squeeze3A_1901, %sign3A_1931 : i32
      %sign3A_1933 = arith.extui %sign3A_1932 : i1 to i32
      %sign3A_1934 = arith.constant 0 : i32
      %sign3A_1935 = arith.cmpi slt, %squeeze3A_1901, %sign3A_1934 : i32
      %sign3A_1936 = arith.extui %sign3A_1935 : i1 to i32
      %sign3A_1937 = arith.subi %sign3A_1933, %sign3A_1936 : i32
      %sign3A_1938 = arith.constant 0 : i32
      %sign3A_1939 = arith.cmpi sgt, %jit3A_1929, %sign3A_1938 : i32
      %sign3A_1940 = arith.extui %sign3A_1939 : i1 to i32
      %sign3A_1941 = arith.constant 0 : i32
      %sign3A_1942 = arith.cmpi slt, %jit3A_1929, %sign3A_1941 : i32
      %sign3A_1943 = arith.extui %sign3A_1942 : i1 to i32
      %sign3A_1944 = arith.subi %sign3A_1940, %sign3A_1943 : i32
      %ne3A_1945 = arith.cmpi ne, %sign3A_1937, %sign3A_1944 : i32
      %rem3A_1946 = arith.remsi %squeeze3A_1901, %jit3A_1929 : i32
      %ne3A_1947 = arith.constant 0 : i32
      %ne3A_1948 = arith.cmpi ne, %rem3A_1946, %ne3A_1947 : i32
      %and3A_1949 = arith.andi %ne3A_1945, %ne3A_1948 : i1
      %sub3A_1950 = arith.constant 1 : i32
      %sub3A_1951 = arith.subi %div3A_1930, %sub3A_1950 : i32
      %select_n3A_1952 = arith.select %and3A_1949, %sub3A_1951, %div3A_1930 : i32
      %mul3A_1953 = arith.constant 128 : i32
      %mul3A_1954 = arith.muli %select_n3A_1952, %mul3A_1953 : i32
      %multiple_of3A_1955 = tpu.assume_multiple %mul3A_1954, 128 : i32
      %dma_start3A_1956 = arith.constant 5 : i32
      %dma_start3A_1957 = arith.constant 0 : i32
      %dma_start3A_1958 = arith.constant 0 : i32
      %dma_start3A_1959 = tpu.memref_slice %arg11[%dma_start3A_1956, %dma_start3A_1957, %dma_start3A_1958] : memref<8x32x128xf32, #tpu.memory_space<vmem>> -> memref<1x32x128xf32, #tpu.memory_space<vmem>>
      %dma_start3A_1960 = tpu.memref_squeeze %dma_start3A_1959 : memref<1x32x128xf32, #tpu.memory_space<vmem>> -> memref<32x128xf32, #tpu.memory_space<vmem>>
      %dma_start3A_1961 = arith.constant 0 : i32
      %dma_start3A_1962 = tpu.memref_slice %arg4[%dma_start3A_1961, %multiple_of3A_1928] : memref<32x1000000xf32, #tpu.memory_space<hbm>> -> memref<32x128xf32, #tpu.memory_space<hbm>>
      %dma_start3A_1963 = arith.constant 0 : i32
      %dma_start3A_1964 = arith.constant 0 : i32
      %dma_start3A_1965 = tpu.memref_slice %arg11[%dma_start3A_1956, %dma_start3A_1963, %dma_start3A_1964] : memref<8x32x128xf32, #tpu.memory_space<vmem>> -> memref<1x32x128xf32, #tpu.memory_space<vmem>>
      %dma_start3A_1966 = tpu.memref_squeeze %dma_start3A_1965 : memref<1x32x128xf32, #tpu.memory_space<vmem>> -> memref<32x128xf32, #tpu.memory_space<vmem>>
      %dma_start3A_1967 = arith.constant 0 : i32
      %dma_start3A_1968 = tpu.memref_slice %arg4[%dma_start3A_1967, %multiple_of3A_1928] : memref<32x1000000xf32, #tpu.memory_space<hbm>> -> memref<32x128xf32, #tpu.memory_space<hbm>>
      tpu.enqueue_dma source(%dma_start3A_1968 : memref<32x128xf32, #tpu.memory_space<hbm>>) target(%dma_start3A_1966 : memref<32x128xf32, #tpu.memory_space<vmem>>) target_semaphore(%arg16 : memref<!tpu.dma_semaphore, #tpu.memory_space<semaphore_mem>>)
      %dma_start3A_1969 = arith.constant 5 : i32
      %dma_start3A_1970 = arith.constant 0 : i32
      %dma_start3A_1971 = arith.constant 0 : i32
      %dma_start3A_1972 = tpu.memref_slice %arg12[%dma_start3A_1969, %dma_start3A_1970, %dma_start3A_1971] : memref<8x32x128xf32, #tpu.memory_space<vmem>> -> memref<1x32x128xf32, #tpu.memory_space<vmem>>
      %dma_start3A_1973 = tpu.memref_squeeze %dma_start3A_1972 : memref<1x32x128xf32, #tpu.memory_space<vmem>> -> memref<32x128xf32, #tpu.memory_space<vmem>>
      %dma_start3A_1974 = arith.constant 0 : i32
      %dma_start3A_1975 = tpu.memref_slice %arg5[%dma_start3A_1974, %multiple_of3A_1955] : memref<32x1000000xf32, #tpu.memory_space<hbm>> -> memref<32x128xf32, #tpu.memory_space<hbm>>
      %dma_start3A_1976 = arith.constant 0 : i32
      %dma_start3A_1977 = arith.constant 0 : i32
      %dma_start3A_1978 = tpu.memref_slice %arg12[%dma_start3A_1969, %dma_start3A_1976, %dma_start3A_1977] : memref<8x32x128xf32, #tpu.memory_space<vmem>> -> memref<1x32x128xf32, #tpu.memory_space<vmem>>
      %dma_start3A_1979 = tpu.memref_squeeze %dma_start3A_1978 : memref<1x32x128xf32, #tpu.memory_space<vmem>> -> memref<32x128xf32, #tpu.memory_space<vmem>>
      %dma_start3A_1980 = arith.constant 0 : i32
      %dma_start3A_1981 = tpu.memref_slice %arg5[%dma_start3A_1980, %multiple_of3A_1955] : memref<32x1000000xf32, #tpu.memory_space<hbm>> -> memref<32x128xf32, #tpu.memory_space<hbm>>
      tpu.enqueue_dma source(%dma_start3A_1981 : memref<32x128xf32, #tpu.memory_space<hbm>>) target(%dma_start3A_1979 : memref<32x128xf32, #tpu.memory_space<vmem>>) target_semaphore(%arg17 : memref<!tpu.dma_semaphore, #tpu.memory_space<semaphore_mem>>)
      %dma_wait3A_1982 = arith.constant 6 : i32
      %dma_wait3A_1983 = arith.constant 0 : i32
      %dma_wait3A_1984 = arith.constant 0 : i32
      %dma_wait3A_1985 = tpu.memref_slice %arg11[%dma_wait3A_1982, %dma_wait3A_1983, %dma_wait3A_1984] : memref<8x32x128xf32, #tpu.memory_space<vmem>> -> memref<1x32x128xf32, #tpu.memory_space<vmem>>
      %dma_wait3A_1986 = tpu.memref_squeeze %dma_wait3A_1985 : memref<1x32x128xf32, #tpu.memory_space<vmem>> -> memref<32x128xf32, #tpu.memory_space<vmem>>
      %dma_wait3A_1987 = arith.constant 0 : i32
      %dma_wait3A_1988 = arith.constant 0 : i32
      %dma_wait3A_1989 = tpu.memref_slice %arg4[%dma_wait3A_1987, %dma_wait3A_1988] : memref<32x1000000xf32, #tpu.memory_space<hbm>> -> memref<32x128xf32, #tpu.memory_space<hbm>>
      %dma_wait3A_1990 = arith.constant 0 : i32
      %dma_wait3A_1991 = arith.constant 0 : i32
      %dma_wait3A_1992 = tpu.memref_slice %arg11[%dma_wait3A_1982, %dma_wait3A_1990, %dma_wait3A_1991] : memref<8x32x128xf32, #tpu.memory_space<vmem>> -> memref<1x32x128xf32, #tpu.memory_space<vmem>>
      %dma_wait3A_1993 = tpu.memref_squeeze %dma_wait3A_1992 : memref<1x32x128xf32, #tpu.memory_space<vmem>> -> memref<32x128xf32, #tpu.memory_space<vmem>>
      %dma_wait3A_1994 = arith.constant 0 : i32
      %dma_wait3A_1995 = arith.constant 0 : i32
      %dma_wait3A_1996 = tpu.memref_slice %arg4[%dma_wait3A_1994, %dma_wait3A_1995] : memref<32x1000000xf32, #tpu.memory_space<hbm>> -> memref<32x128xf32, #tpu.memory_space<hbm>>
      tpu.wait_dma2 semaphore(%arg16 : memref<!tpu.dma_semaphore, #tpu.memory_space<semaphore_mem>>) src(%dma_wait3A_1996 : memref<32x128xf32, #tpu.memory_space<hbm>>) dst(%dma_wait3A_1993 : memref<32x128xf32, #tpu.memory_space<vmem>>)
      %dma_wait3A_1997 = arith.constant 6 : i32
      %dma_wait3A_1998 = arith.constant 0 : i32
      %dma_wait3A_1999 = arith.constant 0 : i32
      %dma_wait3A_2000 = tpu.memref_slice %arg12[%dma_wait3A_1997, %dma_wait3A_1998, %dma_wait3A_1999] : memref<8x32x128xf32, #tpu.memory_space<vmem>> -> memref<1x32x128xf32, #tpu.memory_space<vmem>>
      %dma_wait3A_2001 = tpu.memref_squeeze %dma_wait3A_2000 : memref<1x32x128xf32, #tpu.memory_space<vmem>> -> memref<32x128xf32, #tpu.memory_space<vmem>>
      %dma_wait3A_2002 = arith.constant 0 : i32
      %dma_wait3A_2003 = arith.constant 0 : i32
      %dma_wait3A_2004 = tpu.memref_slice %arg5[%dma_wait3A_2002, %dma_wait3A_2003] : memref<32x1000000xf32, #tpu.memory_space<hbm>> -> memref<32x128xf32, #tpu.memory_space<hbm>>
      %dma_wait3A_2005 = arith.constant 0 : i32
      %dma_wait3A_2006 = arith.constant 0 : i32
      %dma_wait3A_2007 = tpu.memref_slice %arg12[%dma_wait3A_1997, %dma_wait3A_2005, %dma_wait3A_2006] : memref<8x32x128xf32, #tpu.memory_space<vmem>> -> memref<1x32x128xf32, #tpu.memory_space<vmem>>
      %dma_wait3A_2008 = tpu.memref_squeeze %dma_wait3A_2007 : memref<1x32x128xf32, #tpu.memory_space<vmem>> -> memref<32x128xf32, #tpu.memory_space<vmem>>
      %dma_wait3A_2009 = arith.constant 0 : i32
      %dma_wait3A_2010 = arith.constant 0 : i32
      %dma_wait3A_2011 = tpu.memref_slice %arg5[%dma_wait3A_2009, %dma_wait3A_2010] : memref<32x1000000xf32, #tpu.memory_space<hbm>> -> memref<32x128xf32, #tpu.memory_space<hbm>>
      tpu.wait_dma2 semaphore(%arg17 : memref<!tpu.dma_semaphore, #tpu.memory_space<semaphore_mem>>) src(%dma_wait3A_2011 : memref<32x128xf32, #tpu.memory_space<hbm>>) dst(%dma_wait3A_2008 : memref<32x128xf32, #tpu.memory_space<vmem>>)
      %slice3A_2012 = vector.extract_strided_slice %get3A_767 {offsets = [6], sizes = [1], strides = [1]} : vector<16xi32> to vector<1xi32>
      %squeeze3A_2013 = vector.extract %slice3A_2012[0] : i32 from vector<1xi32>
      %jit3A_2014 = arith.constant 128 : i32
      %eq3A_2015 = arith.constant 0 : i32
      %eq3A_2016 = arith.cmpi eq, %jit3A_2014, %eq3A_2015 : i32
      %jit3A_2017 = arith.constant 1 : i32
      %select_n3A_2018 = arith.select %eq3A_2016, %jit3A_2017, %jit3A_2014 : i32
      %rem3A_2019 = arith.remsi %squeeze3A_2013, %select_n3A_2018 : i32
      %ne3A_2020 = arith.constant 0 : i32
      %ne3A_2021 = arith.cmpi ne, %rem3A_2019, %ne3A_2020 : i32
      %lt3A_2022 = arith.constant 0 : i32
      %lt3A_2023 = arith.cmpi slt, %rem3A_2019, %lt3A_2022 : i32
      %lt3A_2024 = arith.constant 0 : i32
      %lt3A_2025 = arith.cmpi slt, %select_n3A_2018, %lt3A_2024 : i32
      %ne3A_2026 = arith.xori %lt3A_2023, %lt3A_2025 : i1
      %and3A_2027 = arith.andi %ne3A_2026, %ne3A_2021 : i1
      %add3A_2028 = arith.addi %rem3A_2019, %select_n3A_2018 : i32
      %select_n3A_2029 = arith.select %and3A_2027, %add3A_2028, %rem3A_2019 : i32
      %broadcast_in_dim3A_2030 = vector.broadcast %select_n3A_2029 : i32 to vector<16xi32>
      %slice3A_2031 = vector.extract_strided_slice %get3A_770 {offsets = [6], sizes = [1], strides = [1]} : vector<16xi32> to vector<1xi32>
      %squeeze3A_2032 = vector.extract %slice3A_2031[0] : i32 from vector<1xi32>
      %jit3A_2033 = arith.constant 128 : i32
      %eq3A_2034 = arith.constant 0 : i32
      %eq3A_2035 = arith.cmpi eq, %jit3A_2033, %eq3A_2034 : i32
      %jit3A_2036 = arith.constant 1 : i32
      %select_n3A_2037 = arith.select %eq3A_2035, %jit3A_2036, %jit3A_2033 : i32
      %rem3A_2038 = arith.remsi %squeeze3A_2032, %select_n3A_2037 : i32
      %ne3A_2039 = arith.constant 0 : i32
      %ne3A_2040 = arith.cmpi ne, %rem3A_2038, %ne3A_2039 : i32
      %lt3A_2041 = arith.constant 0 : i32
      %lt3A_2042 = arith.cmpi slt, %rem3A_2038, %lt3A_2041 : i32
      %lt3A_2043 = arith.constant 0 : i32
      %lt3A_2044 = arith.cmpi slt, %select_n3A_2037, %lt3A_2043 : i32
      %ne3A_2045 = arith.xori %lt3A_2042, %lt3A_2044 : i1
      %and3A_2046 = arith.andi %ne3A_2045, %ne3A_2040 : i1
      %add3A_2047 = arith.addi %rem3A_2038, %select_n3A_2037 : i32
      %select_n3A_2048 = arith.select %and3A_2046, %add3A_2047, %rem3A_2038 : i32
      %broadcast_in_dim3A_2049 = vector.broadcast %select_n3A_2048 : i32 to vector<16xi32>
      %gather3A_2050 = arith.constant 6 : i32
      %gather3A_2051 = arith.constant 0 : i32
      %gather3A_2052 = arith.constant 0 : i32
      %gather3A_2053 = tpu.memref_slice %arg11[%gather3A_2050, %gather3A_2051, %gather3A_2052] : memref<8x32x128xf32, #tpu.memory_space<vmem>> -> memref<1x32x128xf32, #tpu.memory_space<vmem>>
      %gather3A_2054 = tpu.memref_squeeze %gather3A_2053 : memref<1x32x128xf32, #tpu.memory_space<vmem>> -> memref<32x128xf32, #tpu.memory_space<vmem>>
      %gather3A_2055 = tpu.vector_load_idx %gather3A_2054[%iota3A_66, %broadcast_in_dim3A_2030] : memref<32x128xf32, #tpu.memory_space<vmem>>[vector<16xi32>, vector<16xi32>], vector<16xf32>,
      %gather3A_2056 = arith.constant 6 : i32
      %gather3A_2057 = arith.constant 0 : i32
      %gather3A_2058 = arith.constant 0 : i32
      %gather3A_2059 = tpu.memref_slice %arg11[%gather3A_2056, %gather3A_2057, %gather3A_2058] : memref<8x32x128xf32, #tpu.memory_space<vmem>> -> memref<1x32x128xf32, #tpu.memory_space<vmem>>
      %gather3A_2060 = tpu.memref_squeeze %gather3A_2059 : memref<1x32x128xf32, #tpu.memory_space<vmem>> -> memref<32x128xf32, #tpu.memory_space<vmem>>
      %gather3A_2061 = tpu.vector_load_idx %gather3A_2060[%add3A_69, %broadcast_in_dim3A_2030] : memref<32x128xf32, #tpu.memory_space<vmem>>[vector<16xi32>, vector<16xi32>], vector<16xf32>,
      %gather3A_2062 = arith.constant 6 : i32
      %gather3A_2063 = arith.constant 0 : i32
      %gather3A_2064 = arith.constant 0 : i32
      %gather3A_2065 = tpu.memref_slice %arg12[%gather3A_2062, %gather3A_2063, %gather3A_2064] : memref<8x32x128xf32, #tpu.memory_space<vmem>> -> memref<1x32x128xf32, #tpu.memory_space<vmem>>
      %gather3A_2066 = tpu.memref_squeeze %gather3A_2065 : memref<1x32x128xf32, #tpu.memory_space<vmem>> -> memref<32x128xf32, #tpu.memory_space<vmem>>
      %gather3A_2067 = tpu.vector_load_idx %gather3A_2066[%iota3A_66, %broadcast_in_dim3A_2049] : memref<32x128xf32, #tpu.memory_space<vmem>>[vector<16xi32>, vector<16xi32>], vector<16xf32>,
      %gather3A_2068 = arith.constant 6 : i32
      %gather3A_2069 = arith.constant 0 : i32
      %gather3A_2070 = arith.constant 0 : i32
      %gather3A_2071 = tpu.memref_slice %arg12[%gather3A_2068, %gather3A_2069, %gather3A_2070] : memref<8x32x128xf32, #tpu.memory_space<vmem>> -> memref<1x32x128xf32, #tpu.memory_space<vmem>>
      %gather3A_2072 = tpu.memref_squeeze %gather3A_2071 : memref<1x32x128xf32, #tpu.memory_space<vmem>> -> memref<32x128xf32, #tpu.memory_space<vmem>>
      %gather3A_2073 = tpu.vector_load_idx %gather3A_2072[%add3A_69, %broadcast_in_dim3A_2049] : memref<32x128xf32, #tpu.memory_space<vmem>>[vector<16xi32>, vector<16xi32>], vector<16xf32>,
      %mul3A_2074 = arith.mulf %gather3A_2055, %gather3A_2067 : vector<16xf32>
      %mul3A_2075 = arith.mulf %gather3A_2061, %gather3A_2073 : vector<16xf32>
      %add3A_2076 = arith.addf %mul3A_2074, %mul3A_2075 : vector<16xf32>
      %reduce_sum3A_2077 = arith.constant true
      %reduce_sum3A_2078 = vector.broadcast %reduce_sum3A_2077 : i1 to vector<16xi1>
      %reduce_sum3A_2079 = tpu.scan <sum>, %add3A_2076 masked %reduce_sum3A_2078 : vector<16xf32>, vector<16xi1> -> vector<16xf32>
      %reduce_sum3A_2080 = vector.extract %reduce_sum3A_2079[15] : f32 from vector<16xf32>
      %eq3A_2081 = arith.constant 6 : i32
      %eq3A_2082 = vector.broadcast %eq3A_2081 : i32 to vector<16xi32>
      %eq3A_2083 = arith.cmpi eq, %iota3A, %eq3A_2082 : vector<16xi32>
      %broadcast_in_dim3A_2084 = vector.broadcast %reduce_sum3A_2080 : f32 to vector<16xf32>
      %select_n3A_2085 = arith.select %eq3A_2083, %broadcast_in_dim3A_2084, %select_n3A_1897 : vector<16xi1>, vector<16xf32>
      %slice3A_2086 = vector.extract_strided_slice %get3A_767 {offsets = [14], sizes = [1], strides = [1]} : vector<16xi32> to vector<1xi32>
      %squeeze3A_2087 = vector.extract %slice3A_2086[0] : i32 from vector<1xi32>
      %slice3A_2088 = vector.extract_strided_slice %get3A_770 {offsets = [14], sizes = [1], strides = [1]} : vector<16xi32> to vector<1xi32>
      %squeeze3A_2089 = vector.extract %slice3A_2088[0] : i32 from vector<1xi32>
      %jit3A_2090 = arith.constant 128 : i32
      %div3A_2091 = arith.divsi %squeeze3A_2087, %jit3A_2090 : i32
      %sign3A_2092 = arith.constant 0 : i32
      %sign3A_2093 = arith.cmpi sgt, %squeeze3A_2087, %sign3A_2092 : i32
      %sign3A_2094 = arith.extui %sign3A_2093 : i1 to i32
      %sign3A_2095 = arith.constant 0 : i32
      %sign3A_2096 = arith.cmpi slt, %squeeze3A_2087, %sign3A_2095 : i32
      %sign3A_2097 = arith.extui %sign3A_2096 : i1 to i32
      %sign3A_2098 = arith.subi %sign3A_2094, %sign3A_2097 : i32
      %sign3A_2099 = arith.constant 0 : i32
      %sign3A_2100 = arith.cmpi sgt, %jit3A_2090, %sign3A_2099 : i32
      %sign3A_2101 = arith.extui %sign3A_2100 : i1 to i32
      %sign3A_2102 = arith.constant 0 : i32
      %sign3A_2103 = arith.cmpi slt, %jit3A_2090, %sign3A_2102 : i32
      %sign3A_2104 = arith.extui %sign3A_2103 : i1 to i32
      %sign3A_2105 = arith.subi %sign3A_2101, %sign3A_2104 : i32
      %ne3A_2106 = arith.cmpi ne, %sign3A_2098, %sign3A_2105 : i32
      %rem3A_2107 = arith.remsi %squeeze3A_2087, %jit3A_2090 : i32
      %ne3A_2108 = arith.constant 0 : i32
      %ne3A_2109 = arith.cmpi ne, %rem3A_2107, %ne3A_2108 : i32
      %and3A_2110 = arith.andi %ne3A_2106, %ne3A_2109 : i1
      %sub3A_2111 = arith.constant 1 : i32
      %sub3A_2112 = arith.subi %div3A_2091, %sub3A_2111 : i32
      %select_n3A_2113 = arith.select %and3A_2110, %sub3A_2112, %div3A_2091 : i32
      %mul3A_2114 = arith.constant 128 : i32
      %mul3A_2115 = arith.muli %select_n3A_2113, %mul3A_2114 : i32
      %multiple_of3A_2116 = tpu.assume_multiple %mul3A_2115, 128 : i32
      %jit3A_2117 = arith.constant 128 : i32
      %div3A_2118 = arith.divsi %squeeze3A_2089, %jit3A_2117 : i32
      %sign3A_2119 = arith.constant 0 : i32
      %sign3A_2120 = arith.cmpi sgt, %squeeze3A_2089, %sign3A_2119 : i32
      %sign3A_2121 = arith.extui %sign3A_2120 : i1 to i32
      %sign3A_2122 = arith.constant 0 : i32
      %sign3A_2123 = arith.cmpi slt, %squeeze3A_2089, %sign3A_2122 : i32
      %sign3A_2124 = arith.extui %sign3A_2123 : i1 to i32
      %sign3A_2125 = arith.subi %sign3A_2121, %sign3A_2124 : i32
      %sign3A_2126 = arith.constant 0 : i32
      %sign3A_2127 = arith.cmpi sgt, %jit3A_2117, %sign3A_2126 : i32
      %sign3A_2128 = arith.extui %sign3A_2127 : i1 to i32
      %sign3A_2129 = arith.constant 0 : i32
      %sign3A_2130 = arith.cmpi slt, %jit3A_2117, %sign3A_2129 : i32
      %sign3A_2131 = arith.extui %sign3A_2130 : i1 to i32
      %sign3A_2132 = arith.subi %sign3A_2128, %sign3A_2131 : i32
      %ne3A_2133 = arith.cmpi ne, %sign3A_2125, %sign3A_2132 : i32
      %rem3A_2134 = arith.remsi %squeeze3A_2089, %jit3A_2117 : i32
      %ne3A_2135 = arith.constant 0 : i32
      %ne3A_2136 = arith.cmpi ne, %rem3A_2134, %ne3A_2135 : i32
      %and3A_2137 = arith.andi %ne3A_2133, %ne3A_2136 : i1
      %sub3A_2138 = arith.constant 1 : i32
      %sub3A_2139 = arith.subi %div3A_2118, %sub3A_2138 : i32
      %select_n3A_2140 = arith.select %and3A_2137, %sub3A_2139, %div3A_2118 : i32
      %mul3A_2141 = arith.constant 128 : i32
      %mul3A_2142 = arith.muli %select_n3A_2140, %mul3A_2141 : i32
      %multiple_of3A_2143 = tpu.assume_multiple %mul3A_2142, 128 : i32
      %dma_start3A_2144 = arith.constant 6 : i32
      %dma_start3A_2145 = arith.constant 0 : i32
      %dma_start3A_2146 = arith.constant 0 : i32
      %dma_start3A_2147 = tpu.memref_slice %arg11[%dma_start3A_2144, %dma_start3A_2145, %dma_start3A_2146] : memref<8x32x128xf32, #tpu.memory_space<vmem>> -> memref<1x32x128xf32, #tpu.memory_space<vmem>>
      %dma_start3A_2148 = tpu.memref_squeeze %dma_start3A_2147 : memref<1x32x128xf32, #tpu.memory_space<vmem>> -> memref<32x128xf32, #tpu.memory_space<vmem>>
      %dma_start3A_2149 = arith.constant 0 : i32
      %dma_start3A_2150 = tpu.memref_slice %arg4[%dma_start3A_2149, %multiple_of3A_2116] : memref<32x1000000xf32, #tpu.memory_space<hbm>> -> memref<32x128xf32, #tpu.memory_space<hbm>>
      %dma_start3A_2151 = arith.constant 0 : i32
      %dma_start3A_2152 = arith.constant 0 : i32
      %dma_start3A_2153 = tpu.memref_slice %arg11[%dma_start3A_2144, %dma_start3A_2151, %dma_start3A_2152] : memref<8x32x128xf32, #tpu.memory_space<vmem>> -> memref<1x32x128xf32, #tpu.memory_space<vmem>>
      %dma_start3A_2154 = tpu.memref_squeeze %dma_start3A_2153 : memref<1x32x128xf32, #tpu.memory_space<vmem>> -> memref<32x128xf32, #tpu.memory_space<vmem>>
      %dma_start3A_2155 = arith.constant 0 : i32
      %dma_start3A_2156 = tpu.memref_slice %arg4[%dma_start3A_2155, %multiple_of3A_2116] : memref<32x1000000xf32, #tpu.memory_space<hbm>> -> memref<32x128xf32, #tpu.memory_space<hbm>>
      tpu.enqueue_dma source(%dma_start3A_2156 : memref<32x128xf32, #tpu.memory_space<hbm>>) target(%dma_start3A_2154 : memref<32x128xf32, #tpu.memory_space<vmem>>) target_semaphore(%arg16 : memref<!tpu.dma_semaphore, #tpu.memory_space<semaphore_mem>>)
      %dma_start3A_2157 = arith.constant 6 : i32
      %dma_start3A_2158 = arith.constant 0 : i32
      %dma_start3A_2159 = arith.constant 0 : i32
      %dma_start3A_2160 = tpu.memref_slice %arg12[%dma_start3A_2157, %dma_start3A_2158, %dma_start3A_2159] : memref<8x32x128xf32, #tpu.memory_space<vmem>> -> memref<1x32x128xf32, #tpu.memory_space<vmem>>
      %dma_start3A_2161 = tpu.memref_squeeze %dma_start3A_2160 : memref<1x32x128xf32, #tpu.memory_space<vmem>> -> memref<32x128xf32, #tpu.memory_space<vmem>>
      %dma_start3A_2162 = arith.constant 0 : i32
      %dma_start3A_2163 = tpu.memref_slice %arg5[%dma_start3A_2162, %multiple_of3A_2143] : memref<32x1000000xf32, #tpu.memory_space<hbm>> -> memref<32x128xf32, #tpu.memory_space<hbm>>
      %dma_start3A_2164 = arith.constant 0 : i32
      %dma_start3A_2165 = arith.constant 0 : i32
      %dma_start3A_2166 = tpu.memref_slice %arg12[%dma_start3A_2157, %dma_start3A_2164, %dma_start3A_2165] : memref<8x32x128xf32, #tpu.memory_space<vmem>> -> memref<1x32x128xf32, #tpu.memory_space<vmem>>
      %dma_start3A_2167 = tpu.memref_squeeze %dma_start3A_2166 : memref<1x32x128xf32, #tpu.memory_space<vmem>> -> memref<32x128xf32, #tpu.memory_space<vmem>>
      %dma_start3A_2168 = arith.constant 0 : i32
      %dma_start3A_2169 = tpu.memref_slice %arg5[%dma_start3A_2168, %multiple_of3A_2143] : memref<32x1000000xf32, #tpu.memory_space<hbm>> -> memref<32x128xf32, #tpu.memory_space<hbm>>
      tpu.enqueue_dma source(%dma_start3A_2169 : memref<32x128xf32, #tpu.memory_space<hbm>>) target(%dma_start3A_2167 : memref<32x128xf32, #tpu.memory_space<vmem>>) target_semaphore(%arg17 : memref<!tpu.dma_semaphore, #tpu.memory_space<semaphore_mem>>)
      %dma_wait3A_2170 = arith.constant 7 : i32
      %dma_wait3A_2171 = arith.constant 0 : i32
      %dma_wait3A_2172 = arith.constant 0 : i32
      %dma_wait3A_2173 = tpu.memref_slice %arg11[%dma_wait3A_2170, %dma_wait3A_2171, %dma_wait3A_2172] : memref<8x32x128xf32, #tpu.memory_space<vmem>> -> memref<1x32x128xf32, #tpu.memory_space<vmem>>
      %dma_wait3A_2174 = tpu.memref_squeeze %dma_wait3A_2173 : memref<1x32x128xf32, #tpu.memory_space<vmem>> -> memref<32x128xf32, #tpu.memory_space<vmem>>
      %dma_wait3A_2175 = arith.constant 0 : i32
      %dma_wait3A_2176 = arith.constant 0 : i32
      %dma_wait3A_2177 = tpu.memref_slice %arg4[%dma_wait3A_2175, %dma_wait3A_2176] : memref<32x1000000xf32, #tpu.memory_space<hbm>> -> memref<32x128xf32, #tpu.memory_space<hbm>>
      %dma_wait3A_2178 = arith.constant 0 : i32
      %dma_wait3A_2179 = arith.constant 0 : i32
      %dma_wait3A_2180 = tpu.memref_slice %arg11[%dma_wait3A_2170, %dma_wait3A_2178, %dma_wait3A_2179] : memref<8x32x128xf32, #tpu.memory_space<vmem>> -> memref<1x32x128xf32, #tpu.memory_space<vmem>>
      %dma_wait3A_2181 = tpu.memref_squeeze %dma_wait3A_2180 : memref<1x32x128xf32, #tpu.memory_space<vmem>> -> memref<32x128xf32, #tpu.memory_space<vmem>>
      %dma_wait3A_2182 = arith.constant 0 : i32
      %dma_wait3A_2183 = arith.constant 0 : i32
      %dma_wait3A_2184 = tpu.memref_slice %arg4[%dma_wait3A_2182, %dma_wait3A_2183] : memref<32x1000000xf32, #tpu.memory_space<hbm>> -> memref<32x128xf32, #tpu.memory_space<hbm>>
      tpu.wait_dma2 semaphore(%arg16 : memref<!tpu.dma_semaphore, #tpu.memory_space<semaphore_mem>>) src(%dma_wait3A_2184 : memref<32x128xf32, #tpu.memory_space<hbm>>) dst(%dma_wait3A_2181 : memref<32x128xf32, #tpu.memory_space<vmem>>)
      %dma_wait3A_2185 = arith.constant 7 : i32
      %dma_wait3A_2186 = arith.constant 0 : i32
      %dma_wait3A_2187 = arith.constant 0 : i32
      %dma_wait3A_2188 = tpu.memref_slice %arg12[%dma_wait3A_2185, %dma_wait3A_2186, %dma_wait3A_2187] : memref<8x32x128xf32, #tpu.memory_space<vmem>> -> memref<1x32x128xf32, #tpu.memory_space<vmem>>
      %dma_wait3A_2189 = tpu.memref_squeeze %dma_wait3A_2188 : memref<1x32x128xf32, #tpu.memory_space<vmem>> -> memref<32x128xf32, #tpu.memory_space<vmem>>
      %dma_wait3A_2190 = arith.constant 0 : i32
      %dma_wait3A_2191 = arith.constant 0 : i32
      %dma_wait3A_2192 = tpu.memref_slice %arg5[%dma_wait3A_2190, %dma_wait3A_2191] : memref<32x1000000xf32, #tpu.memory_space<hbm>> -> memref<32x128xf32, #tpu.memory_space<hbm>>
      %dma_wait3A_2193 = arith.constant 0 : i32
      %dma_wait3A_2194 = arith.constant 0 : i32
      %dma_wait3A_2195 = tpu.memref_slice %arg12[%dma_wait3A_2185, %dma_wait3A_2193, %dma_wait3A_2194] : memref<8x32x128xf32, #tpu.memory_space<vmem>> -> memref<1x32x128xf32, #tpu.memory_space<vmem>>
      %dma_wait3A_2196 = tpu.memref_squeeze %dma_wait3A_2195 : memref<1x32x128xf32, #tpu.memory_space<vmem>> -> memref<32x128xf32, #tpu.memory_space<vmem>>
      %dma_wait3A_2197 = arith.constant 0 : i32
      %dma_wait3A_2198 = arith.constant 0 : i32
      %dma_wait3A_2199 = tpu.memref_slice %arg5[%dma_wait3A_2197, %dma_wait3A_2198] : memref<32x1000000xf32, #tpu.memory_space<hbm>> -> memref<32x128xf32, #tpu.memory_space<hbm>>
      tpu.wait_dma2 semaphore(%arg17 : memref<!tpu.dma_semaphore, #tpu.memory_space<semaphore_mem>>) src(%dma_wait3A_2199 : memref<32x128xf32, #tpu.memory_space<hbm>>) dst(%dma_wait3A_2196 : memref<32x128xf32, #tpu.memory_space<vmem>>)
      %slice3A_2200 = vector.extract_strided_slice %get3A_767 {offsets = [7], sizes = [1], strides = [1]} : vector<16xi32> to vector<1xi32>
      %squeeze3A_2201 = vector.extract %slice3A_2200[0] : i32 from vector<1xi32>
      %jit3A_2202 = arith.constant 128 : i32
      %eq3A_2203 = arith.constant 0 : i32
      %eq3A_2204 = arith.cmpi eq, %jit3A_2202, %eq3A_2203 : i32
      %jit3A_2205 = arith.constant 1 : i32
      %select_n3A_2206 = arith.select %eq3A_2204, %jit3A_2205, %jit3A_2202 : i32
      %rem3A_2207 = arith.remsi %squeeze3A_2201, %select_n3A_2206 : i32
      %ne3A_2208 = arith.constant 0 : i32
      %ne3A_2209 = arith.cmpi ne, %rem3A_2207, %ne3A_2208 : i32
      %lt3A_2210 = arith.constant 0 : i32
      %lt3A_2211 = arith.cmpi slt, %rem3A_2207, %lt3A_2210 : i32
      %lt3A_2212 = arith.constant 0 : i32
      %lt3A_2213 = arith.cmpi slt, %select_n3A_2206, %lt3A_2212 : i32
      %ne3A_2214 = arith.xori %lt3A_2211, %lt3A_2213 : i1
      %and3A_2215 = arith.andi %ne3A_2214, %ne3A_2209 : i1
      %add3A_2216 = arith.addi %rem3A_2207, %select_n3A_2206 : i32
      %select_n3A_2217 = arith.select %and3A_2215, %add3A_2216, %rem3A_2207 : i32
      %broadcast_in_dim3A_2218 = vector.broadcast %select_n3A_2217 : i32 to vector<16xi32>
      %slice3A_2219 = vector.extract_strided_slice %get3A_770 {offsets = [7], sizes = [1], strides = [1]} : vector<16xi32> to vector<1xi32>
      %squeeze3A_2220 = vector.extract %slice3A_2219[0] : i32 from vector<1xi32>
      %jit3A_2221 = arith.constant 128 : i32
      %eq3A_2222 = arith.constant 0 : i32
      %eq3A_2223 = arith.cmpi eq, %jit3A_2221, %eq3A_2222 : i32
      %jit3A_2224 = arith.constant 1 : i32
      %select_n3A_2225 = arith.select %eq3A_2223, %jit3A_2224, %jit3A_2221 : i32
      %rem3A_2226 = arith.remsi %squeeze3A_2220, %select_n3A_2225 : i32
      %ne3A_2227 = arith.constant 0 : i32
      %ne3A_2228 = arith.cmpi ne, %rem3A_2226, %ne3A_2227 : i32
      %lt3A_2229 = arith.constant 0 : i32
      %lt3A_2230 = arith.cmpi slt, %rem3A_2226, %lt3A_2229 : i32
      %lt3A_2231 = arith.constant 0 : i32
      %lt3A_2232 = arith.cmpi slt, %select_n3A_2225, %lt3A_2231 : i32
      %ne3A_2233 = arith.xori %lt3A_2230, %lt3A_2232 : i1
      %and3A_2234 = arith.andi %ne3A_2233, %ne3A_2228 : i1
      %add3A_2235 = arith.addi %rem3A_2226, %select_n3A_2225 : i32
      %select_n3A_2236 = arith.select %and3A_2234, %add3A_2235, %rem3A_2226 : i32
      %broadcast_in_dim3A_2237 = vector.broadcast %select_n3A_2236 : i32 to vector<16xi32>
      %gather3A_2238 = arith.constant 7 : i32
      %gather3A_2239 = arith.constant 0 : i32
      %gather3A_2240 = arith.constant 0 : i32
      %gather3A_2241 = tpu.memref_slice %arg11[%gather3A_2238, %gather3A_2239, %gather3A_2240] : memref<8x32x128xf32, #tpu.memory_space<vmem>> -> memref<1x32x128xf32, #tpu.memory_space<vmem>>
      %gather3A_2242 = tpu.memref_squeeze %gather3A_2241 : memref<1x32x128xf32, #tpu.memory_space<vmem>> -> memref<32x128xf32, #tpu.memory_space<vmem>>
      %gather3A_2243 = tpu.vector_load_idx %gather3A_2242[%iota3A_66, %broadcast_in_dim3A_2218] : memref<32x128xf32, #tpu.memory_space<vmem>>[vector<16xi32>, vector<16xi32>], vector<16xf32>,
      %gather3A_2244 = arith.constant 7 : i32
      %gather3A_2245 = arith.constant 0 : i32
      %gather3A_2246 = arith.constant 0 : i32
      %gather3A_2247 = tpu.memref_slice %arg11[%gather3A_2244, %gather3A_2245, %gather3A_2246] : memref<8x32x128xf32, #tpu.memory_space<vmem>> -> memref<1x32x128xf32, #tpu.memory_space<vmem>>
      %gather3A_2248 = tpu.memref_squeeze %gather3A_2247 : memref<1x32x128xf32, #tpu.memory_space<vmem>> -> memref<32x128xf32, #tpu.memory_space<vmem>>
      %gather3A_2249 = tpu.vector_load_idx %gather3A_2248[%add3A_69, %broadcast_in_dim3A_2218] : memref<32x128xf32, #tpu.memory_space<vmem>>[vector<16xi32>, vector<16xi32>], vector<16xf32>,
      %gather3A_2250 = arith.constant 7 : i32
      %gather3A_2251 = arith.constant 0 : i32
      %gather3A_2252 = arith.constant 0 : i32
      %gather3A_2253 = tpu.memref_slice %arg12[%gather3A_2250, %gather3A_2251, %gather3A_2252] : memref<8x32x128xf32, #tpu.memory_space<vmem>> -> memref<1x32x128xf32, #tpu.memory_space<vmem>>
      %gather3A_2254 = tpu.memref_squeeze %gather3A_2253 : memref<1x32x128xf32, #tpu.memory_space<vmem>> -> memref<32x128xf32, #tpu.memory_space<vmem>>
      %gather3A_2255 = tpu.vector_load_idx %gather3A_2254[%iota3A_66, %broadcast_in_dim3A_2237] : memref<32x128xf32, #tpu.memory_space<vmem>>[vector<16xi32>, vector<16xi32>], vector<16xf32>,
      %gather3A_2256 = arith.constant 7 : i32
      %gather3A_2257 = arith.constant 0 : i32
      %gather3A_2258 = arith.constant 0 : i32
      %gather3A_2259 = tpu.memref_slice %arg12[%gather3A_2256, %gather3A_2257, %gather3A_2258] : memref<8x32x128xf32, #tpu.memory_space<vmem>> -> memref<1x32x128xf32, #tpu.memory_space<vmem>>
      %gather3A_2260 = tpu.memref_squeeze %gather3A_2259 : memref<1x32x128xf32, #tpu.memory_space<vmem>> -> memref<32x128xf32, #tpu.memory_space<vmem>>
      %gather3A_2261 = tpu.vector_load_idx %gather3A_2260[%add3A_69, %broadcast_in_dim3A_2237] : memref<32x128xf32, #tpu.memory_space<vmem>>[vector<16xi32>, vector<16xi32>], vector<16xf32>,
      %mul3A_2262 = arith.mulf %gather3A_2243, %gather3A_2255 : vector<16xf32>
      %mul3A_2263 = arith.mulf %gather3A_2249, %gather3A_2261 : vector<16xf32>
      %add3A_2264 = arith.addf %mul3A_2262, %mul3A_2263 : vector<16xf32>
      %reduce_sum3A_2265 = arith.constant true
      %reduce_sum3A_2266 = vector.broadcast %reduce_sum3A_2265 : i1 to vector<16xi1>
      %reduce_sum3A_2267 = tpu.scan <sum>, %add3A_2264 masked %reduce_sum3A_2266 : vector<16xf32>, vector<16xi1> -> vector<16xf32>
      %reduce_sum3A_2268 = vector.extract %reduce_sum3A_2267[15] : f32 from vector<16xf32>
      %eq3A_2269 = arith.constant 7 : i32
      %eq3A_2270 = vector.broadcast %eq3A_2269 : i32 to vector<16xi32>
      %eq3A_2271 = arith.cmpi eq, %iota3A, %eq3A_2270 : vector<16xi32>
      %broadcast_in_dim3A_2272 = vector.broadcast %reduce_sum3A_2268 : f32 to vector<16xf32>
      %select_n3A_2273 = arith.select %eq3A_2271, %broadcast_in_dim3A_2272, %select_n3A_2085 : vector<16xi1>, vector<16xf32>
      %slice3A_2274 = vector.extract_strided_slice %get3A_767 {offsets = [15], sizes = [1], strides = [1]} : vector<16xi32> to vector<1xi32>
      %squeeze3A_2275 = vector.extract %slice3A_2274[0] : i32 from vector<1xi32>
      %slice3A_2276 = vector.extract_strided_slice %get3A_770 {offsets = [15], sizes = [1], strides = [1]} : vector<16xi32> to vector<1xi32>
      %squeeze3A_2277 = vector.extract %slice3A_2276[0] : i32 from vector<1xi32>
      %jit3A_2278 = arith.constant 128 : i32
      %div3A_2279 = arith.divsi %squeeze3A_2275, %jit3A_2278 : i32
      %sign3A_2280 = arith.constant 0 : i32
      %sign3A_2281 = arith.cmpi sgt, %squeeze3A_2275, %sign3A_2280 : i32
      %sign3A_2282 = arith.extui %sign3A_2281 : i1 to i32
      %sign3A_2283 = arith.constant 0 : i32
      %sign3A_2284 = arith.cmpi slt, %squeeze3A_2275, %sign3A_2283 : i32
      %sign3A_2285 = arith.extui %sign3A_2284 : i1 to i32
      %sign3A_2286 = arith.subi %sign3A_2282, %sign3A_2285 : i32
      %sign3A_2287 = arith.constant 0 : i32
      %sign3A_2288 = arith.cmpi sgt, %jit3A_2278, %sign3A_2287 : i32
      %sign3A_2289 = arith.extui %sign3A_2288 : i1 to i32
      %sign3A_2290 = arith.constant 0 : i32
      %sign3A_2291 = arith.cmpi slt, %jit3A_2278, %sign3A_2290 : i32
      %sign3A_2292 = arith.extui %sign3A_2291 : i1 to i32
      %sign3A_2293 = arith.subi %sign3A_2289, %sign3A_2292 : i32
      %ne3A_2294 = arith.cmpi ne, %sign3A_2286, %sign3A_2293 : i32
      %rem3A_2295 = arith.remsi %squeeze3A_2275, %jit3A_2278 : i32
      %ne3A_2296 = arith.constant 0 : i32
      %ne3A_2297 = arith.cmpi ne, %rem3A_2295, %ne3A_2296 : i32
      %and3A_2298 = arith.andi %ne3A_2294, %ne3A_2297 : i1
      %sub3A_2299 = arith.constant 1 : i32
      %sub3A_2300 = arith.subi %div3A_2279, %sub3A_2299 : i32
      %select_n3A_2301 = arith.select %and3A_2298, %sub3A_2300, %div3A_2279 : i32
      %mul3A_2302 = arith.constant 128 : i32
      %mul3A_2303 = arith.muli %select_n3A_2301, %mul3A_2302 : i32
      %multiple_of3A_2304 = tpu.assume_multiple %mul3A_2303, 128 : i32
      %jit3A_2305 = arith.constant 128 : i32
      %div3A_2306 = arith.divsi %squeeze3A_2277, %jit3A_2305 : i32
      %sign3A_2307 = arith.constant 0 : i32
      %sign3A_2308 = arith.cmpi sgt, %squeeze3A_2277, %sign3A_2307 : i32
      %sign3A_2309 = arith.extui %sign3A_2308 : i1 to i32
      %sign3A_2310 = arith.constant 0 : i32
      %sign3A_2311 = arith.cmpi slt, %squeeze3A_2277, %sign3A_2310 : i32
      %sign3A_2312 = arith.extui %sign3A_2311 : i1 to i32
      %sign3A_2313 = arith.subi %sign3A_2309, %sign3A_2312 : i32
      %sign3A_2314 = arith.constant 0 : i32
      %sign3A_2315 = arith.cmpi sgt, %jit3A_2305, %sign3A_2314 : i32
      %sign3A_2316 = arith.extui %sign3A_2315 : i1 to i32
      %sign3A_2317 = arith.constant 0 : i32
      %sign3A_2318 = arith.cmpi slt, %jit3A_2305, %sign3A_2317 : i32
      %sign3A_2319 = arith.extui %sign3A_2318 : i1 to i32
      %sign3A_2320 = arith.subi %sign3A_2316, %sign3A_2319 : i32
      %ne3A_2321 = arith.cmpi ne, %sign3A_2313, %sign3A_2320 : i32
      %rem3A_2322 = arith.remsi %squeeze3A_2277, %jit3A_2305 : i32
      %ne3A_2323 = arith.constant 0 : i32
      %ne3A_2324 = arith.cmpi ne, %rem3A_2322, %ne3A_2323 : i32
      %and3A_2325 = arith.andi %ne3A_2321, %ne3A_2324 : i1
      %sub3A_2326 = arith.constant 1 : i32
      %sub3A_2327 = arith.subi %div3A_2306, %sub3A_2326 : i32
      %select_n3A_2328 = arith.select %and3A_2325, %sub3A_2327, %div3A_2306 : i32
      %mul3A_2329 = arith.constant 128 : i32
      %mul3A_2330 = arith.muli %select_n3A_2328, %mul3A_2329 : i32
      %multiple_of3A_2331 = tpu.assume_multiple %mul3A_2330, 128 : i32
      %dma_start3A_2332 = arith.constant 7 : i32
      %dma_start3A_2333 = arith.constant 0 : i32
      %dma_start3A_2334 = arith.constant 0 : i32
      %dma_start3A_2335 = tpu.memref_slice %arg11[%dma_start3A_2332, %dma_start3A_2333, %dma_start3A_2334] : memref<8x32x128xf32, #tpu.memory_space<vmem>> -> memref<1x32x128xf32, #tpu.memory_space<vmem>>
      %dma_start3A_2336 = tpu.memref_squeeze %dma_start3A_2335 : memref<1x32x128xf32, #tpu.memory_space<vmem>> -> memref<32x128xf32, #tpu.memory_space<vmem>>
      %dma_start3A_2337 = arith.constant 0 : i32
      %dma_start3A_2338 = tpu.memref_slice %arg4[%dma_start3A_2337, %multiple_of3A_2304] : memref<32x1000000xf32, #tpu.memory_space<hbm>> -> memref<32x128xf32, #tpu.memory_space<hbm>>
      %dma_start3A_2339 = arith.constant 0 : i32
      %dma_start3A_2340 = arith.constant 0 : i32
      %dma_start3A_2341 = tpu.memref_slice %arg11[%dma_start3A_2332, %dma_start3A_2339, %dma_start3A_2340] : memref<8x32x128xf32, #tpu.memory_space<vmem>> -> memref<1x32x128xf32, #tpu.memory_space<vmem>>
      %dma_start3A_2342 = tpu.memref_squeeze %dma_start3A_2341 : memref<1x32x128xf32, #tpu.memory_space<vmem>> -> memref<32x128xf32, #tpu.memory_space<vmem>>
      %dma_start3A_2343 = arith.constant 0 : i32
      %dma_start3A_2344 = tpu.memref_slice %arg4[%dma_start3A_2343, %multiple_of3A_2304] : memref<32x1000000xf32, #tpu.memory_space<hbm>> -> memref<32x128xf32, #tpu.memory_space<hbm>>
      tpu.enqueue_dma source(%dma_start3A_2344 : memref<32x128xf32, #tpu.memory_space<hbm>>) target(%dma_start3A_2342 : memref<32x128xf32, #tpu.memory_space<vmem>>) target_semaphore(%arg16 : memref<!tpu.dma_semaphore, #tpu.memory_space<semaphore_mem>>)
      %dma_start3A_2345 = arith.constant 7 : i32
      %dma_start3A_2346 = arith.constant 0 : i32
      %dma_start3A_2347 = arith.constant 0 : i32
      %dma_start3A_2348 = tpu.memref_slice %arg12[%dma_start3A_2345, %dma_start3A_2346, %dma_start3A_2347] : memref<8x32x128xf32, #tpu.memory_space<vmem>> -> memref<1x32x128xf32, #tpu.memory_space<vmem>>
      %dma_start3A_2349 = tpu.memref_squeeze %dma_start3A_2348 : memref<1x32x128xf32, #tpu.memory_space<vmem>> -> memref<32x128xf32, #tpu.memory_space<vmem>>
      %dma_start3A_2350 = arith.constant 0 : i32
      %dma_start3A_2351 = tpu.memref_slice %arg5[%dma_start3A_2350, %multiple_of3A_2331] : memref<32x1000000xf32, #tpu.memory_space<hbm>> -> memref<32x128xf32, #tpu.memory_space<hbm>>
      %dma_start3A_2352 = arith.constant 0 : i32
      %dma_start3A_2353 = arith.constant 0 : i32
      %dma_start3A_2354 = tpu.memref_slice %arg12[%dma_start3A_2345, %dma_start3A_2352, %dma_start3A_2353] : memref<8x32x128xf32, #tpu.memory_space<vmem>> -> memref<1x32x128xf32, #tpu.memory_space<vmem>>
      %dma_start3A_2355 = tpu.memref_squeeze %dma_start3A_2354 : memref<1x32x128xf32, #tpu.memory_space<vmem>> -> memref<32x128xf32, #tpu.memory_space<vmem>>
      %dma_start3A_2356 = arith.constant 0 : i32
      %dma_start3A_2357 = tpu.memref_slice %arg5[%dma_start3A_2356, %multiple_of3A_2331] : memref<32x1000000xf32, #tpu.memory_space<hbm>> -> memref<32x128xf32, #tpu.memory_space<hbm>>
      tpu.enqueue_dma source(%dma_start3A_2357 : memref<32x128xf32, #tpu.memory_space<hbm>>) target(%dma_start3A_2355 : memref<32x128xf32, #tpu.memory_space<vmem>>) target_semaphore(%arg17 : memref<!tpu.dma_semaphore, #tpu.memory_space<semaphore_mem>>)
      %dma_wait3A_2358 = arith.constant 0 : i32
      %dma_wait3A_2359 = arith.constant 0 : i32
      %dma_wait3A_2360 = arith.constant 0 : i32
      %dma_wait3A_2361 = tpu.memref_slice %arg11[%dma_wait3A_2358, %dma_wait3A_2359, %dma_wait3A_2360] : memref<8x32x128xf32, #tpu.memory_space<vmem>> -> memref<1x32x128xf32, #tpu.memory_space<vmem>>
      %dma_wait3A_2362 = tpu.memref_squeeze %dma_wait3A_2361 : memref<1x32x128xf32, #tpu.memory_space<vmem>> -> memref<32x128xf32, #tpu.memory_space<vmem>>
      %dma_wait3A_2363 = arith.constant 0 : i32
      %dma_wait3A_2364 = arith.constant 0 : i32
      %dma_wait3A_2365 = tpu.memref_slice %arg4[%dma_wait3A_2363, %dma_wait3A_2364] : memref<32x1000000xf32, #tpu.memory_space<hbm>> -> memref<32x128xf32, #tpu.memory_space<hbm>>
      %dma_wait3A_2366 = arith.constant 0 : i32
      %dma_wait3A_2367 = arith.constant 0 : i32
      %dma_wait3A_2368 = tpu.memref_slice %arg11[%dma_wait3A_2358, %dma_wait3A_2366, %dma_wait3A_2367] : memref<8x32x128xf32, #tpu.memory_space<vmem>> -> memref<1x32x128xf32, #tpu.memory_space<vmem>>
      %dma_wait3A_2369 = tpu.memref_squeeze %dma_wait3A_2368 : memref<1x32x128xf32, #tpu.memory_space<vmem>> -> memref<32x128xf32, #tpu.memory_space<vmem>>
      %dma_wait3A_2370 = arith.constant 0 : i32
      %dma_wait3A_2371 = arith.constant 0 : i32
      %dma_wait3A_2372 = tpu.memref_slice %arg4[%dma_wait3A_2370, %dma_wait3A_2371] : memref<32x1000000xf32, #tpu.memory_space<hbm>> -> memref<32x128xf32, #tpu.memory_space<hbm>>
      tpu.wait_dma2 semaphore(%arg16 : memref<!tpu.dma_semaphore, #tpu.memory_space<semaphore_mem>>) src(%dma_wait3A_2372 : memref<32x128xf32, #tpu.memory_space<hbm>>) dst(%dma_wait3A_2369 : memref<32x128xf32, #tpu.memory_space<vmem>>)
      %dma_wait3A_2373 = arith.constant 0 : i32
      %dma_wait3A_2374 = arith.constant 0 : i32
      %dma_wait3A_2375 = arith.constant 0 : i32
      %dma_wait3A_2376 = tpu.memref_slice %arg12[%dma_wait3A_2373, %dma_wait3A_2374, %dma_wait3A_2375] : memref<8x32x128xf32, #tpu.memory_space<vmem>> -> memref<1x32x128xf32, #tpu.memory_space<vmem>>
      %dma_wait3A_2377 = tpu.memref_squeeze %dma_wait3A_2376 : memref<1x32x128xf32, #tpu.memory_space<vmem>> -> memref<32x128xf32, #tpu.memory_space<vmem>>
      %dma_wait3A_2378 = arith.constant 0 : i32
      %dma_wait3A_2379 = arith.constant 0 : i32
      %dma_wait3A_2380 = tpu.memref_slice %arg5[%dma_wait3A_2378, %dma_wait3A_2379] : memref<32x1000000xf32, #tpu.memory_space<hbm>> -> memref<32x128xf32, #tpu.memory_space<hbm>>
      %dma_wait3A_2381 = arith.constant 0 : i32
      %dma_wait3A_2382 = arith.constant 0 : i32
      %dma_wait3A_2383 = tpu.memref_slice %arg12[%dma_wait3A_2373, %dma_wait3A_2381, %dma_wait3A_2382] : memref<8x32x128xf32, #tpu.memory_space<vmem>> -> memref<1x32x128xf32, #tpu.memory_space<vmem>>
      %dma_wait3A_2384 = tpu.memref_squeeze %dma_wait3A_2383 : memref<1x32x128xf32, #tpu.memory_space<vmem>> -> memref<32x128xf32, #tpu.memory_space<vmem>>
      %dma_wait3A_2385 = arith.constant 0 : i32
      %dma_wait3A_2386 = arith.constant 0 : i32
      %dma_wait3A_2387 = tpu.memref_slice %arg5[%dma_wait3A_2385, %dma_wait3A_2386] : memref<32x1000000xf32, #tpu.memory_space<hbm>> -> memref<32x128xf32, #tpu.memory_space<hbm>>
      tpu.wait_dma2 semaphore(%arg17 : memref<!tpu.dma_semaphore, #tpu.memory_space<semaphore_mem>>) src(%dma_wait3A_2387 : memref<32x128xf32, #tpu.memory_space<hbm>>) dst(%dma_wait3A_2384 : memref<32x128xf32, #tpu.memory_space<vmem>>)
      %slice3A_2388 = vector.extract_strided_slice %get3A_767 {offsets = [8], sizes = [1], strides = [1]} : vector<16xi32> to vector<1xi32>
      %squeeze3A_2389 = vector.extract %slice3A_2388[0] : i32 from vector<1xi32>
      %jit3A_2390 = arith.constant 128 : i32
      %eq3A_2391 = arith.constant 0 : i32
      %eq3A_2392 = arith.cmpi eq, %jit3A_2390, %eq3A_2391 : i32
      %jit3A_2393 = arith.constant 1 : i32
      %select_n3A_2394 = arith.select %eq3A_2392, %jit3A_2393, %jit3A_2390 : i32
      %rem3A_2395 = arith.remsi %squeeze3A_2389, %select_n3A_2394 : i32
      %ne3A_2396 = arith.constant 0 : i32
      %ne3A_2397 = arith.cmpi ne, %rem3A_2395, %ne3A_2396 : i32
      %lt3A_2398 = arith.constant 0 : i32
      %lt3A_2399 = arith.cmpi slt, %rem3A_2395, %lt3A_2398 : i32
      %lt3A_2400 = arith.constant 0 : i32
      %lt3A_2401 = arith.cmpi slt, %select_n3A_2394, %lt3A_2400 : i32
      %ne3A_2402 = arith.xori %lt3A_2399, %lt3A_2401 : i1
      %and3A_2403 = arith.andi %ne3A_2402, %ne3A_2397 : i1
      %add3A_2404 = arith.addi %rem3A_2395, %select_n3A_2394 : i32
      %select_n3A_2405 = arith.select %and3A_2403, %add3A_2404, %rem3A_2395 : i32
      %broadcast_in_dim3A_2406 = vector.broadcast %select_n3A_2405 : i32 to vector<16xi32>
      %slice3A_2407 = vector.extract_strided_slice %get3A_770 {offsets = [8], sizes = [1], strides = [1]} : vector<16xi32> to vector<1xi32>
      %squeeze3A_2408 = vector.extract %slice3A_2407[0] : i32 from vector<1xi32>
      %jit3A_2409 = arith.constant 128 : i32
      %eq3A_2410 = arith.constant 0 : i32
      %eq3A_2411 = arith.cmpi eq, %jit3A_2409, %eq3A_2410 : i32
      %jit3A_2412 = arith.constant 1 : i32
      %select_n3A_2413 = arith.select %eq3A_2411, %jit3A_2412, %jit3A_2409 : i32
      %rem3A_2414 = arith.remsi %squeeze3A_2408, %select_n3A_2413 : i32
      %ne3A_2415 = arith.constant 0 : i32
      %ne3A_2416 = arith.cmpi ne, %rem3A_2414, %ne3A_2415 : i32
      %lt3A_2417 = arith.constant 0 : i32
      %lt3A_2418 = arith.cmpi slt, %rem3A_2414, %lt3A_2417 : i32
      %lt3A_2419 = arith.constant 0 : i32
      %lt3A_2420 = arith.cmpi slt, %select_n3A_2413, %lt3A_2419 : i32
      %ne3A_2421 = arith.xori %lt3A_2418, %lt3A_2420 : i1
      %and3A_2422 = arith.andi %ne3A_2421, %ne3A_2416 : i1
      %add3A_2423 = arith.addi %rem3A_2414, %select_n3A_2413 : i32
      %select_n3A_2424 = arith.select %and3A_2422, %add3A_2423, %rem3A_2414 : i32
      %broadcast_in_dim3A_2425 = vector.broadcast %select_n3A_2424 : i32 to vector<16xi32>
      %gather3A_2426 = arith.constant 0 : i32
      %gather3A_2427 = arith.constant 0 : i32
      %gather3A_2428 = arith.constant 0 : i32
      %gather3A_2429 = tpu.memref_slice %arg11[%gather3A_2426, %gather3A_2427, %gather3A_2428] : memref<8x32x128xf32, #tpu.memory_space<vmem>> -> memref<1x32x128xf32, #tpu.memory_space<vmem>>
      %gather3A_2430 = tpu.memref_squeeze %gather3A_2429 : memref<1x32x128xf32, #tpu.memory_space<vmem>> -> memref<32x128xf32, #tpu.memory_space<vmem>>
      %gather3A_2431 = tpu.vector_load_idx %gather3A_2430[%iota3A_66, %broadcast_in_dim3A_2406] : memref<32x128xf32, #tpu.memory_space<vmem>>[vector<16xi32>, vector<16xi32>], vector<16xf32>,
      %gather3A_2432 = arith.constant 0 : i32
      %gather3A_2433 = arith.constant 0 : i32
      %gather3A_2434 = arith.constant 0 : i32
      %gather3A_2435 = tpu.memref_slice %arg11[%gather3A_2432, %gather3A_2433, %gather3A_2434] : memref<8x32x128xf32, #tpu.memory_space<vmem>> -> memref<1x32x128xf32, #tpu.memory_space<vmem>>
      %gather3A_2436 = tpu.memref_squeeze %gather3A_2435 : memref<1x32x128xf32, #tpu.memory_space<vmem>> -> memref<32x128xf32, #tpu.memory_space<vmem>>
      %gather3A_2437 = tpu.vector_load_idx %gather3A_2436[%add3A_69, %broadcast_in_dim3A_2406] : memref<32x128xf32, #tpu.memory_space<vmem>>[vector<16xi32>, vector<16xi32>], vector<16xf32>,
      %gather3A_2438 = arith.constant 0 : i32
      %gather3A_2439 = arith.constant 0 : i32
      %gather3A_2440 = arith.constant 0 : i32
      %gather3A_2441 = tpu.memref_slice %arg12[%gather3A_2438, %gather3A_2439, %gather3A_2440] : memref<8x32x128xf32, #tpu.memory_space<vmem>> -> memref<1x32x128xf32, #tpu.memory_space<vmem>>
      %gather3A_2442 = tpu.memref_squeeze %gather3A_2441 : memref<1x32x128xf32, #tpu.memory_space<vmem>> -> memref<32x128xf32, #tpu.memory_space<vmem>>
      %gather3A_2443 = tpu.vector_load_idx %gather3A_2442[%iota3A_66, %broadcast_in_dim3A_2425] : memref<32x128xf32, #tpu.memory_space<vmem>>[vector<16xi32>, vector<16xi32>], vector<16xf32>,
      %gather3A_2444 = arith.constant 0 : i32
      %gather3A_2445 = arith.constant 0 : i32
      %gather3A_2446 = arith.constant 0 : i32
      %gather3A_2447 = tpu.memref_slice %arg12[%gather3A_2444, %gather3A_2445, %gather3A_2446] : memref<8x32x128xf32, #tpu.memory_space<vmem>> -> memref<1x32x128xf32, #tpu.memory_space<vmem>>
      %gather3A_2448 = tpu.memref_squeeze %gather3A_2447 : memref<1x32x128xf32, #tpu.memory_space<vmem>> -> memref<32x128xf32, #tpu.memory_space<vmem>>
      %gather3A_2449 = tpu.vector_load_idx %gather3A_2448[%add3A_69, %broadcast_in_dim3A_2425] : memref<32x128xf32, #tpu.memory_space<vmem>>[vector<16xi32>, vector<16xi32>], vector<16xf32>,
      %mul3A_2450 = arith.mulf %gather3A_2431, %gather3A_2443 : vector<16xf32>
      %mul3A_2451 = arith.mulf %gather3A_2437, %gather3A_2449 : vector<16xf32>
      %add3A_2452 = arith.addf %mul3A_2450, %mul3A_2451 : vector<16xf32>
      %reduce_sum3A_2453 = arith.constant true
      %reduce_sum3A_2454 = vector.broadcast %reduce_sum3A_2453 : i1 to vector<16xi1>
      %reduce_sum3A_2455 = tpu.scan <sum>, %add3A_2452 masked %reduce_sum3A_2454 : vector<16xf32>, vector<16xi1> -> vector<16xf32>
      %reduce_sum3A_2456 = vector.extract %reduce_sum3A_2455[15] : f32 from vector<16xf32>
      %eq3A_2457 = arith.constant 8 : i32
      %eq3A_2458 = vector.broadcast %eq3A_2457 : i32 to vector<16xi32>
      %eq3A_2459 = arith.cmpi eq, %iota3A, %eq3A_2458 : vector<16xi32>
      %broadcast_in_dim3A_2460 = vector.broadcast %reduce_sum3A_2456 : f32 to vector<16xf32>
      %select_n3A_2461 = arith.select %eq3A_2459, %broadcast_in_dim3A_2460, %select_n3A_2273 : vector<16xi1>, vector<16xf32>
      %add3A_2462 = arith.constant 1 : i32
      %add3A_2463 = arith.addi %scan3A_724, %add3A_2462 : i32
      %lt3A_2464 = arith.constant 32 : i32
      %lt3A_2465 = arith.cmpi slt, %add3A_2463, %lt3A_2464 : i32
      %convert_element_type3A = arith.extui %lt3A_2465 : i1 to i32
      %cond3A = arith.constant 0 : i32
      %cond3A_2466 = arith.cmpi ne, %convert_element_type3A, %cond3A : i32
      scf.if %cond3A_2466 {
        %add3A_3257 = arith.constant 1 : i32
        %add3A_3258 = arith.addi %scan3A_724, %add3A_3257 : i32
        %jit3A_3259 = arith.constant 8 : i32
        %div3A_3260 = arith.divsi %add3A_3258, %jit3A_3259 : i32
        %sign3A_3261 = arith.constant 0 : i32
        %sign3A_3262 = arith.cmpi sgt, %add3A_3258, %sign3A_3261 : i32
        %sign3A_3263 = arith.extui %sign3A_3262 : i1 to i32
        %sign3A_3264 = arith.constant 0 : i32
        %sign3A_3265 = arith.cmpi slt, %add3A_3258, %sign3A_3264 : i32
        %sign3A_3266 = arith.extui %sign3A_3265 : i1 to i32
        %sign3A_3267 = arith.subi %sign3A_3263, %sign3A_3266 : i32
        %sign3A_3268 = arith.constant 0 : i32
        %sign3A_3269 = arith.cmpi sgt, %jit3A_3259, %sign3A_3268 : i32
        %sign3A_3270 = arith.extui %sign3A_3269 : i1 to i32
        %sign3A_3271 = arith.constant 0 : i32
        %sign3A_3272 = arith.cmpi slt, %jit3A_3259, %sign3A_3271 : i32
        %sign3A_3273 = arith.extui %sign3A_3272 : i1 to i32
        %sign3A_3274 = arith.subi %sign3A_3270, %sign3A_3273 : i32
        %ne3A_3275 = arith.cmpi ne, %sign3A_3267, %sign3A_3274 : i32
        %rem3A_3276 = arith.remsi %add3A_3258, %jit3A_3259 : i32
        %ne3A_3277 = arith.constant 0 : i32
        %ne3A_3278 = arith.cmpi ne, %rem3A_3276, %ne3A_3277 : i32
        %and3A_3279 = arith.andi %ne3A_3275, %ne3A_3278 : i1
        %sub3A_3280 = arith.constant 1 : i32
        %sub3A_3281 = arith.subi %div3A_3260, %sub3A_3280 : i32
        %select_n3A_3282 = arith.select %and3A_3279, %sub3A_3281, %div3A_3260 : i32
        %jit3A_3283 = arith.constant 8 : i32
        %eq3A_3284 = arith.constant 0 : i32
        %eq3A_3285 = arith.cmpi eq, %jit3A_3283, %eq3A_3284 : i32
        %jit3A_3286 = arith.constant 1 : i32
        %select_n3A_3287 = arith.select %eq3A_3285, %jit3A_3286, %jit3A_3283 : i32
        %rem3A_3288 = arith.remsi %add3A_3258, %select_n3A_3287 : i32
        %ne3A_3289 = arith.constant 0 : i32
        %ne3A_3290 = arith.cmpi ne, %rem3A_3288, %ne3A_3289 : i32
        %lt3A_3291 = arith.constant 0 : i32
        %lt3A_3292 = arith.cmpi slt, %rem3A_3288, %lt3A_3291 : i32
        %lt3A_3293 = arith.constant 0 : i32
        %lt3A_3294 = arith.cmpi slt, %select_n3A_3287, %lt3A_3293 : i32
        %ne3A_3295 = arith.xori %lt3A_3292, %lt3A_3294 : i1
        %and3A_3296 = arith.andi %ne3A_3295, %ne3A_3290 : i1
        %add3A_3297 = arith.addi %rem3A_3288, %select_n3A_3287 : i32
        %select_n3A_3298 = arith.select %and3A_3296, %add3A_3297, %rem3A_3288 : i32
        %mul3A_3299 = arith.constant 16 : i32
        %mul3A_3300 = arith.muli %select_n3A_3298, %mul3A_3299 : i32
        %get3A_3301 = arith.index_cast %select_n3A_3282 : i32 to index
        %get3A_3302 = arith.index_cast %mul3A_3300 : i32 to index
        %get3A_3303 = tpu.vector_load %arg9[%get3A_3301, %get3A_3302] {strides = array<i32>} : memref<4x128xi32, #tpu.memory_space<vmem>>, vector<16xi32>,
        %get3A_3304 = arith.index_cast %select_n3A_3282 : i32 to index
        %get3A_3305 = arith.index_cast %mul3A_3300 : i32 to index
        %get3A_3306 = tpu.vector_load %arg10[%get3A_3304, %get3A_3305] {strides = array<i32>} : memref<4x128xi32, #tpu.memory_space<vmem>>, vector<16xi32>,
        %slice3A_3307 = vector.extract_strided_slice %get3A_3303 {offsets = [0], sizes = [1], strides = [1]} : vector<16xi32> to vector<1xi32>
        %squeeze3A_3308 = vector.extract %slice3A_3307[0] : i32 from vector<1xi32>
        %slice3A_3309 = vector.extract_strided_slice %get3A_3306 {offsets = [0], sizes = [1], strides = [1]} : vector<16xi32> to vector<1xi32>
        %squeeze3A_3310 = vector.extract %slice3A_3309[0] : i32 from vector<1xi32>
        %jit3A_3311 = arith.constant 128 : i32
        %div3A_3312 = arith.divsi %squeeze3A_3308, %jit3A_3311 : i32
        %sign3A_3313 = arith.constant 0 : i32
        %sign3A_3314 = arith.cmpi sgt, %squeeze3A_3308, %sign3A_3313 : i32
        %sign3A_3315 = arith.extui %sign3A_3314 : i1 to i32
        %sign3A_3316 = arith.constant 0 : i32
        %sign3A_3317 = arith.cmpi slt, %squeeze3A_3308, %sign3A_3316 : i32
        %sign3A_3318 = arith.extui %sign3A_3317 : i1 to i32
        %sign3A_3319 = arith.subi %sign3A_3315, %sign3A_3318 : i32
        %sign3A_3320 = arith.constant 0 : i32
        %sign3A_3321 = arith.cmpi sgt, %jit3A_3311, %sign3A_3320 : i32
        %sign3A_3322 = arith.extui %sign3A_3321 : i1 to i32
        %sign3A_3323 = arith.constant 0 : i32
        %sign3A_3324 = arith.cmpi slt, %jit3A_3311, %sign3A_3323 : i32
        %sign3A_3325 = arith.extui %sign3A_3324 : i1 to i32
        %sign3A_3326 = arith.subi %sign3A_3322, %sign3A_3325 : i32
        %ne3A_3327 = arith.cmpi ne, %sign3A_3319, %sign3A_3326 : i32
        %rem3A_3328 = arith.remsi %squeeze3A_3308, %jit3A_3311 : i32
        %ne3A_3329 = arith.constant 0 : i32
        %ne3A_3330 = arith.cmpi ne, %rem3A_3328, %ne3A_3329 : i32
        %and3A_3331 = arith.andi %ne3A_3327, %ne3A_3330 : i1
        %sub3A_3332 = arith.constant 1 : i32
        %sub3A_3333 = arith.subi %div3A_3312, %sub3A_3332 : i32
        %select_n3A_3334 = arith.select %and3A_3331, %sub3A_3333, %div3A_3312 : i32
        %mul3A_3335 = arith.constant 128 : i32
        %mul3A_3336 = arith.muli %select_n3A_3334, %mul3A_3335 : i32
        %multiple_of3A_3337 = tpu.assume_multiple %mul3A_3336, 128 : i32
        %jit3A_3338 = arith.constant 128 : i32
        %div3A_3339 = arith.divsi %squeeze3A_3310, %jit3A_3338 : i32
        %sign3A_3340 = arith.constant 0 : i32
        %sign3A_3341 = arith.cmpi sgt, %squeeze3A_3310, %sign3A_3340 : i32
        %sign3A_3342 = arith.extui %sign3A_3341 : i1 to i32
        %sign3A_3343 = arith.constant 0 : i32
        %sign3A_3344 = arith.cmpi slt, %squeeze3A_3310, %sign3A_3343 : i32
        %sign3A_3345 = arith.extui %sign3A_3344 : i1 to i32
        %sign3A_3346 = arith.subi %sign3A_3342, %sign3A_3345 : i32
        %sign3A_3347 = arith.constant 0 : i32
        %sign3A_3348 = arith.cmpi sgt, %jit3A_3338, %sign3A_3347 : i32
        %sign3A_3349 = arith.extui %sign3A_3348 : i1 to i32
        %sign3A_3350 = arith.constant 0 : i32
        %sign3A_3351 = arith.cmpi slt, %jit3A_3338, %sign3A_3350 : i32
        %sign3A_3352 = arith.extui %sign3A_3351 : i1 to i32
        %sign3A_3353 = arith.subi %sign3A_3349, %sign3A_3352 : i32
        %ne3A_3354 = arith.cmpi ne, %sign3A_3346, %sign3A_3353 : i32
        %rem3A_3355 = arith.remsi %squeeze3A_3310, %jit3A_3338 : i32
        %ne3A_3356 = arith.constant 0 : i32
        %ne3A_3357 = arith.cmpi ne, %rem3A_3355, %ne3A_3356 : i32
        %and3A_3358 = arith.andi %ne3A_3354, %ne3A_3357 : i1
        %sub3A_3359 = arith.constant 1 : i32
        %sub3A_3360 = arith.subi %div3A_3339, %sub3A_3359 : i32
        %select_n3A_3361 = arith.select %and3A_3358, %sub3A_3360, %div3A_3339 : i32
        %mul3A_3362 = arith.constant 128 : i32
        %mul3A_3363 = arith.muli %select_n3A_3361, %mul3A_3362 : i32
        %multiple_of3A_3364 = tpu.assume_multiple %mul3A_3363, 128 : i32
        %dma_start3A_3365 = arith.constant 0 : i32
        %dma_start3A_3366 = arith.constant 0 : i32
        %dma_start3A_3367 = arith.constant 0 : i32
        %dma_start3A_3368 = tpu.memref_slice %arg11[%dma_start3A_3365, %dma_start3A_3366, %dma_start3A_3367] : memref<8x32x128xf32, #tpu.memory_space<vmem>> -> memref<1x32x128xf32, #tpu.memory_space<vmem>>
        %dma_start3A_3369 = tpu.memref_squeeze %dma_start3A_3368 : memref<1x32x128xf32, #tpu.memory_space<vmem>> -> memref<32x128xf32, #tpu.memory_space<vmem>>
        %dma_start3A_3370 = arith.constant 0 : i32
        %dma_start3A_3371 = tpu.memref_slice %arg4[%dma_start3A_3370, %multiple_of3A_3337] : memref<32x1000000xf32, #tpu.memory_space<hbm>> -> memref<32x128xf32, #tpu.memory_space<hbm>>
        %dma_start3A_3372 = arith.constant 0 : i32
        %dma_start3A_3373 = arith.constant 0 : i32
        %dma_start3A_3374 = tpu.memref_slice %arg11[%dma_start3A_3365, %dma_start3A_3372, %dma_start3A_3373] : memref<8x32x128xf32, #tpu.memory_space<vmem>> -> memref<1x32x128xf32, #tpu.memory_space<vmem>>
        %dma_start3A_3375 = tpu.memref_squeeze %dma_start3A_3374 : memref<1x32x128xf32, #tpu.memory_space<vmem>> -> memref<32x128xf32, #tpu.memory_space<vmem>>
        %dma_start3A_3376 = arith.constant 0 : i32
        %dma_start3A_3377 = tpu.memref_slice %arg4[%dma_start3A_3376, %multiple_of3A_3337] : memref<32x1000000xf32, #tpu.memory_space<hbm>> -> memref<32x128xf32, #tpu.memory_space<hbm>>
        tpu.enqueue_dma source(%dma_start3A_3377 : memref<32x128xf32, #tpu.memory_space<hbm>>) target(%dma_start3A_3375 : memref<32x128xf32, #tpu.memory_space<vmem>>) target_semaphore(%arg16 : memref<!tpu.dma_semaphore, #tpu.memory_space<semaphore_mem>>)
        %dma_start3A_3378 = arith.constant 0 : i32
        %dma_start3A_3379 = arith.constant 0 : i32
        %dma_start3A_3380 = arith.constant 0 : i32
        %dma_start3A_3381 = tpu.memref_slice %arg12[%dma_start3A_3378, %dma_start3A_3379, %dma_start3A_3380] : memref<8x32x128xf32, #tpu.memory_space<vmem>> -> memref<1x32x128xf32, #tpu.memory_space<vmem>>
        %dma_start3A_3382 = tpu.memref_squeeze %dma_start3A_3381 : memref<1x32x128xf32, #tpu.memory_space<vmem>> -> memref<32x128xf32, #tpu.memory_space<vmem>>
        %dma_start3A_3383 = arith.constant 0 : i32
        %dma_start3A_3384 = tpu.memref_slice %arg5[%dma_start3A_3383, %multiple_of3A_3364] : memref<32x1000000xf32, #tpu.memory_space<hbm>> -> memref<32x128xf32, #tpu.memory_space<hbm>>
        %dma_start3A_3385 = arith.constant 0 : i32
        %dma_start3A_3386 = arith.constant 0 : i32
        %dma_start3A_3387 = tpu.memref_slice %arg12[%dma_start3A_3378, %dma_start3A_3385, %dma_start3A_3386] : memref<8x32x128xf32, #tpu.memory_space<vmem>> -> memref<1x32x128xf32, #tpu.memory_space<vmem>>
        %dma_start3A_3388 = tpu.memref_squeeze %dma_start3A_3387 : memref<1x32x128xf32, #tpu.memory_space<vmem>> -> memref<32x128xf32, #tpu.memory_space<vmem>>
        %dma_start3A_3389 = arith.constant 0 : i32
        %dma_start3A_3390 = tpu.memref_slice %arg5[%dma_start3A_3389, %multiple_of3A_3364] : memref<32x1000000xf32, #tpu.memory_space<hbm>> -> memref<32x128xf32, #tpu.memory_space<hbm>>
        tpu.enqueue_dma source(%dma_start3A_3390 : memref<32x128xf32, #tpu.memory_space<hbm>>) target(%dma_start3A_3388 : memref<32x128xf32, #tpu.memory_space<vmem>>) target_semaphore(%arg17 : memref<!tpu.dma_semaphore, #tpu.memory_space<semaphore_mem>>)
      } else {
      }
      %dma_wait3A_2467 = arith.constant 1 : i32
      %dma_wait3A_2468 = arith.constant 0 : i32
      %dma_wait3A_2469 = arith.constant 0 : i32
      %dma_wait3A_2470 = tpu.memref_slice %arg11[%dma_wait3A_2467, %dma_wait3A_2468, %dma_wait3A_2469] : memref<8x32x128xf32, #tpu.memory_space<vmem>> -> memref<1x32x128xf32, #tpu.memory_space<vmem>>
      %dma_wait3A_2471 = tpu.memref_squeeze %dma_wait3A_2470 : memref<1x32x128xf32, #tpu.memory_space<vmem>> -> memref<32x128xf32, #tpu.memory_space<vmem>>
      %dma_wait3A_2472 = arith.constant 0 : i32
      %dma_wait3A_2473 = arith.constant 0 : i32
      %dma_wait3A_2474 = tpu.memref_slice %arg4[%dma_wait3A_2472, %dma_wait3A_2473] : memref<32x1000000xf32, #tpu.memory_space<hbm>> -> memref<32x128xf32, #tpu.memory_space<hbm>>
      %dma_wait3A_2475 = arith.constant 0 : i32
      %dma_wait3A_2476 = arith.constant 0 : i32
      %dma_wait3A_2477 = tpu.memref_slice %arg11[%dma_wait3A_2467, %dma_wait3A_2475, %dma_wait3A_2476] : memref<8x32x128xf32, #tpu.memory_space<vmem>> -> memref<1x32x128xf32, #tpu.memory_space<vmem>>
      %dma_wait3A_2478 = tpu.memref_squeeze %dma_wait3A_2477 : memref<1x32x128xf32, #tpu.memory_space<vmem>> -> memref<32x128xf32, #tpu.memory_space<vmem>>
      %dma_wait3A_2479 = arith.constant 0 : i32
      %dma_wait3A_2480 = arith.constant 0 : i32
      %dma_wait3A_2481 = tpu.memref_slice %arg4[%dma_wait3A_2479, %dma_wait3A_2480] : memref<32x1000000xf32, #tpu.memory_space<hbm>> -> memref<32x128xf32, #tpu.memory_space<hbm>>
      tpu.wait_dma2 semaphore(%arg16 : memref<!tpu.dma_semaphore, #tpu.memory_space<semaphore_mem>>) src(%dma_wait3A_2481 : memref<32x128xf32, #tpu.memory_space<hbm>>) dst(%dma_wait3A_2478 : memref<32x128xf32, #tpu.memory_space<vmem>>)
      %dma_wait3A_2482 = arith.constant 1 : i32
      %dma_wait3A_2483 = arith.constant 0 : i32
      %dma_wait3A_2484 = arith.constant 0 : i32
      %dma_wait3A_2485 = tpu.memref_slice %arg12[%dma_wait3A_2482, %dma_wait3A_2483, %dma_wait3A_2484] : memref<8x32x128xf32, #tpu.memory_space<vmem>> -> memref<1x32x128xf32, #tpu.memory_space<vmem>>
      %dma_wait3A_2486 = tpu.memref_squeeze %dma_wait3A_2485 : memref<1x32x128xf32, #tpu.memory_space<vmem>> -> memref<32x128xf32, #tpu.memory_space<vmem>>
      %dma_wait3A_2487 = arith.constant 0 : i32
      %dma_wait3A_2488 = arith.constant 0 : i32
      %dma_wait3A_2489 = tpu.memref_slice %arg5[%dma_wait3A_2487, %dma_wait3A_2488] : memref<32x1000000xf32, #tpu.memory_space<hbm>> -> memref<32x128xf32, #tpu.memory_space<hbm>>
      %dma_wait3A_2490 = arith.constant 0 : i32
      %dma_wait3A_2491 = arith.constant 0 : i32
      %dma_wait3A_2492 = tpu.memref_slice %arg12[%dma_wait3A_2482, %dma_wait3A_2490, %dma_wait3A_2491] : memref<8x32x128xf32, #tpu.memory_space<vmem>> -> memref<1x32x128xf32, #tpu.memory_space<vmem>>
      %dma_wait3A_2493 = tpu.memref_squeeze %dma_wait3A_2492 : memref<1x32x128xf32, #tpu.memory_space<vmem>> -> memref<32x128xf32, #tpu.memory_space<vmem>>
      %dma_wait3A_2494 = arith.constant 0 : i32
      %dma_wait3A_2495 = arith.constant 0 : i32
      %dma_wait3A_2496 = tpu.memref_slice %arg5[%dma_wait3A_2494, %dma_wait3A_2495] : memref<32x1000000xf32, #tpu.memory_space<hbm>> -> memref<32x128xf32, #tpu.memory_space<hbm>>
      tpu.wait_dma2 semaphore(%arg17 : memref<!tpu.dma_semaphore, #tpu.memory_space<semaphore_mem>>) src(%dma_wait3A_2496 : memref<32x128xf32, #tpu.memory_space<hbm>>) dst(%dma_wait3A_2493 : memref<32x128xf32, #tpu.memory_space<vmem>>)
      %slice3A_2497 = vector.extract_strided_slice %get3A_767 {offsets = [9], sizes = [1], strides = [1]} : vector<16xi32> to vector<1xi32>
      %squeeze3A_2498 = vector.extract %slice3A_2497[0] : i32 from vector<1xi32>
      %jit3A_2499 = arith.constant 128 : i32
      %eq3A_2500 = arith.constant 0 : i32
      %eq3A_2501 = arith.cmpi eq, %jit3A_2499, %eq3A_2500 : i32
      %jit3A_2502 = arith.constant 1 : i32
      %select_n3A_2503 = arith.select %eq3A_2501, %jit3A_2502, %jit3A_2499 : i32
      %rem3A_2504 = arith.remsi %squeeze3A_2498, %select_n3A_2503 : i32
      %ne3A_2505 = arith.constant 0 : i32
      %ne3A_2506 = arith.cmpi ne, %rem3A_2504, %ne3A_2505 : i32
      %lt3A_2507 = arith.constant 0 : i32
      %lt3A_2508 = arith.cmpi slt, %rem3A_2504, %lt3A_2507 : i32
      %lt3A_2509 = arith.constant 0 : i32
      %lt3A_2510 = arith.cmpi slt, %select_n3A_2503, %lt3A_2509 : i32
      %ne3A_2511 = arith.xori %lt3A_2508, %lt3A_2510 : i1
      %and3A_2512 = arith.andi %ne3A_2511, %ne3A_2506 : i1
      %add3A_2513 = arith.addi %rem3A_2504, %select_n3A_2503 : i32
      %select_n3A_2514 = arith.select %and3A_2512, %add3A_2513, %rem3A_2504 : i32
      %broadcast_in_dim3A_2515 = vector.broadcast %select_n3A_2514 : i32 to vector<16xi32>
      %slice3A_2516 = vector.extract_strided_slice %get3A_770 {offsets = [9], sizes = [1], strides = [1]} : vector<16xi32> to vector<1xi32>
      %squeeze3A_2517 = vector.extract %slice3A_2516[0] : i32 from vector<1xi32>
      %jit3A_2518 = arith.constant 128 : i32
      %eq3A_2519 = arith.constant 0 : i32
      %eq3A_2520 = arith.cmpi eq, %jit3A_2518, %eq3A_2519 : i32
      %jit3A_2521 = arith.constant 1 : i32
      %select_n3A_2522 = arith.select %eq3A_2520, %jit3A_2521, %jit3A_2518 : i32
      %rem3A_2523 = arith.remsi %squeeze3A_2517, %select_n3A_2522 : i32
      %ne3A_2524 = arith.constant 0 : i32
      %ne3A_2525 = arith.cmpi ne, %rem3A_2523, %ne3A_2524 : i32
      %lt3A_2526 = arith.constant 0 : i32
      %lt3A_2527 = arith.cmpi slt, %rem3A_2523, %lt3A_2526 : i32
      %lt3A_2528 = arith.constant 0 : i32
      %lt3A_2529 = arith.cmpi slt, %select_n3A_2522, %lt3A_2528 : i32
      %ne3A_2530 = arith.xori %lt3A_2527, %lt3A_2529 : i1
      %and3A_2531 = arith.andi %ne3A_2530, %ne3A_2525 : i1
      %add3A_2532 = arith.addi %rem3A_2523, %select_n3A_2522 : i32
      %select_n3A_2533 = arith.select %and3A_2531, %add3A_2532, %rem3A_2523 : i32
      %broadcast_in_dim3A_2534 = vector.broadcast %select_n3A_2533 : i32 to vector<16xi32>
      %gather3A_2535 = arith.constant 1 : i32
      %gather3A_2536 = arith.constant 0 : i32
      %gather3A_2537 = arith.constant 0 : i32
      %gather3A_2538 = tpu.memref_slice %arg11[%gather3A_2535, %gather3A_2536, %gather3A_2537] : memref<8x32x128xf32, #tpu.memory_space<vmem>> -> memref<1x32x128xf32, #tpu.memory_space<vmem>>
      %gather3A_2539 = tpu.memref_squeeze %gather3A_2538 : memref<1x32x128xf32, #tpu.memory_space<vmem>> -> memref<32x128xf32, #tpu.memory_space<vmem>>
      %gather3A_2540 = tpu.vector_load_idx %gather3A_2539[%iota3A_66, %broadcast_in_dim3A_2515] : memref<32x128xf32, #tpu.memory_space<vmem>>[vector<16xi32>, vector<16xi32>], vector<16xf32>,
      %gather3A_2541 = arith.constant 1 : i32
      %gather3A_2542 = arith.constant 0 : i32
      %gather3A_2543 = arith.constant 0 : i32
      %gather3A_2544 = tpu.memref_slice %arg11[%gather3A_2541, %gather3A_2542, %gather3A_2543] : memref<8x32x128xf32, #tpu.memory_space<vmem>> -> memref<1x32x128xf32, #tpu.memory_space<vmem>>
      %gather3A_2545 = tpu.memref_squeeze %gather3A_2544 : memref<1x32x128xf32, #tpu.memory_space<vmem>> -> memref<32x128xf32, #tpu.memory_space<vmem>>
      %gather3A_2546 = tpu.vector_load_idx %gather3A_2545[%add3A_69, %broadcast_in_dim3A_2515] : memref<32x128xf32, #tpu.memory_space<vmem>>[vector<16xi32>, vector<16xi32>], vector<16xf32>,
      %gather3A_2547 = arith.constant 1 : i32
      %gather3A_2548 = arith.constant 0 : i32
      %gather3A_2549 = arith.constant 0 : i32
      %gather3A_2550 = tpu.memref_slice %arg12[%gather3A_2547, %gather3A_2548, %gather3A_2549] : memref<8x32x128xf32, #tpu.memory_space<vmem>> -> memref<1x32x128xf32, #tpu.memory_space<vmem>>
      %gather3A_2551 = tpu.memref_squeeze %gather3A_2550 : memref<1x32x128xf32, #tpu.memory_space<vmem>> -> memref<32x128xf32, #tpu.memory_space<vmem>>
      %gather3A_2552 = tpu.vector_load_idx %gather3A_2551[%iota3A_66, %broadcast_in_dim3A_2534] : memref<32x128xf32, #tpu.memory_space<vmem>>[vector<16xi32>, vector<16xi32>], vector<16xf32>,
      %gather3A_2553 = arith.constant 1 : i32
      %gather3A_2554 = arith.constant 0 : i32
      %gather3A_2555 = arith.constant 0 : i32
      %gather3A_2556 = tpu.memref_slice %arg12[%gather3A_2553, %gather3A_2554, %gather3A_2555] : memref<8x32x128xf32, #tpu.memory_space<vmem>> -> memref<1x32x128xf32, #tpu.memory_space<vmem>>
      %gather3A_2557 = tpu.memref_squeeze %gather3A_2556 : memref<1x32x128xf32, #tpu.memory_space<vmem>> -> memref<32x128xf32, #tpu.memory_space<vmem>>
      %gather3A_2558 = tpu.vector_load_idx %gather3A_2557[%add3A_69, %broadcast_in_dim3A_2534] : memref<32x128xf32, #tpu.memory_space<vmem>>[vector<16xi32>, vector<16xi32>], vector<16xf32>,
      %mul3A_2559 = arith.mulf %gather3A_2540, %gather3A_2552 : vector<16xf32>
      %mul3A_2560 = arith.mulf %gather3A_2546, %gather3A_2558 : vector<16xf32>
      %add3A_2561 = arith.addf %mul3A_2559, %mul3A_2560 : vector<16xf32>
      %reduce_sum3A_2562 = arith.constant true
      %reduce_sum3A_2563 = vector.broadcast %reduce_sum3A_2562 : i1 to vector<16xi1>
      %reduce_sum3A_2564 = tpu.scan <sum>, %add3A_2561 masked %reduce_sum3A_2563 : vector<16xf32>, vector<16xi1> -> vector<16xf32>
      %reduce_sum3A_2565 = vector.extract %reduce_sum3A_2564[15] : f32 from vector<16xf32>
      %eq3A_2566 = arith.constant 9 : i32
      %eq3A_2567 = vector.broadcast %eq3A_2566 : i32 to vector<16xi32>
      %eq3A_2568 = arith.cmpi eq, %iota3A, %eq3A_2567 : vector<16xi32>
      %broadcast_in_dim3A_2569 = vector.broadcast %reduce_sum3A_2565 : f32 to vector<16xf32>
      %select_n3A_2570 = arith.select %eq3A_2568, %broadcast_in_dim3A_2569, %select_n3A_2461 : vector<16xi1>, vector<16xf32>
      %add3A_2571 = arith.constant 1 : i32
      %add3A_2572 = arith.addi %scan3A_724, %add3A_2571 : i32
      %lt3A_2573 = arith.constant 32 : i32
      %lt3A_2574 = arith.cmpi slt, %add3A_2572, %lt3A_2573 : i32
      %convert_element_type3A_2575 = arith.extui %lt3A_2574 : i1 to i32
      %cond3A_2576 = arith.constant 0 : i32
      %cond3A_2577 = arith.cmpi ne, %convert_element_type3A_2575, %cond3A_2576 : i32
      scf.if %cond3A_2577 {
        %add3A_3257 = arith.constant 1 : i32
        %add3A_3258 = arith.addi %scan3A_724, %add3A_3257 : i32
        %jit3A_3259 = arith.constant 8 : i32
        %div3A_3260 = arith.divsi %add3A_3258, %jit3A_3259 : i32
        %sign3A_3261 = arith.constant 0 : i32
        %sign3A_3262 = arith.cmpi sgt, %add3A_3258, %sign3A_3261 : i32
        %sign3A_3263 = arith.extui %sign3A_3262 : i1 to i32
        %sign3A_3264 = arith.constant 0 : i32
        %sign3A_3265 = arith.cmpi slt, %add3A_3258, %sign3A_3264 : i32
        %sign3A_3266 = arith.extui %sign3A_3265 : i1 to i32
        %sign3A_3267 = arith.subi %sign3A_3263, %sign3A_3266 : i32
        %sign3A_3268 = arith.constant 0 : i32
        %sign3A_3269 = arith.cmpi sgt, %jit3A_3259, %sign3A_3268 : i32
        %sign3A_3270 = arith.extui %sign3A_3269 : i1 to i32
        %sign3A_3271 = arith.constant 0 : i32
        %sign3A_3272 = arith.cmpi slt, %jit3A_3259, %sign3A_3271 : i32
        %sign3A_3273 = arith.extui %sign3A_3272 : i1 to i32
        %sign3A_3274 = arith.subi %sign3A_3270, %sign3A_3273 : i32
        %ne3A_3275 = arith.cmpi ne, %sign3A_3267, %sign3A_3274 : i32
        %rem3A_3276 = arith.remsi %add3A_3258, %jit3A_3259 : i32
        %ne3A_3277 = arith.constant 0 : i32
        %ne3A_3278 = arith.cmpi ne, %rem3A_3276, %ne3A_3277 : i32
        %and3A_3279 = arith.andi %ne3A_3275, %ne3A_3278 : i1
        %sub3A_3280 = arith.constant 1 : i32
        %sub3A_3281 = arith.subi %div3A_3260, %sub3A_3280 : i32
        %select_n3A_3282 = arith.select %and3A_3279, %sub3A_3281, %div3A_3260 : i32
        %jit3A_3283 = arith.constant 8 : i32
        %eq3A_3284 = arith.constant 0 : i32
        %eq3A_3285 = arith.cmpi eq, %jit3A_3283, %eq3A_3284 : i32
        %jit3A_3286 = arith.constant 1 : i32
        %select_n3A_3287 = arith.select %eq3A_3285, %jit3A_3286, %jit3A_3283 : i32
        %rem3A_3288 = arith.remsi %add3A_3258, %select_n3A_3287 : i32
        %ne3A_3289 = arith.constant 0 : i32
        %ne3A_3290 = arith.cmpi ne, %rem3A_3288, %ne3A_3289 : i32
        %lt3A_3291 = arith.constant 0 : i32
        %lt3A_3292 = arith.cmpi slt, %rem3A_3288, %lt3A_3291 : i32
        %lt3A_3293 = arith.constant 0 : i32
        %lt3A_3294 = arith.cmpi slt, %select_n3A_3287, %lt3A_3293 : i32
        %ne3A_3295 = arith.xori %lt3A_3292, %lt3A_3294 : i1
        %and3A_3296 = arith.andi %ne3A_3295, %ne3A_3290 : i1
        %add3A_3297 = arith.addi %rem3A_3288, %select_n3A_3287 : i32
        %select_n3A_3298 = arith.select %and3A_3296, %add3A_3297, %rem3A_3288 : i32
        %mul3A_3299 = arith.constant 16 : i32
        %mul3A_3300 = arith.muli %select_n3A_3298, %mul3A_3299 : i32
        %get3A_3301 = arith.index_cast %select_n3A_3282 : i32 to index
        %get3A_3302 = arith.index_cast %mul3A_3300 : i32 to index
        %get3A_3303 = tpu.vector_load %arg9[%get3A_3301, %get3A_3302] {strides = array<i32>} : memref<4x128xi32, #tpu.memory_space<vmem>>, vector<16xi32>,
        %get3A_3304 = arith.index_cast %select_n3A_3282 : i32 to index
        %get3A_3305 = arith.index_cast %mul3A_3300 : i32 to index
        %get3A_3306 = tpu.vector_load %arg10[%get3A_3304, %get3A_3305] {strides = array<i32>} : memref<4x128xi32, #tpu.memory_space<vmem>>, vector<16xi32>,
        %slice3A_3307 = vector.extract_strided_slice %get3A_3303 {offsets = [1], sizes = [1], strides = [1]} : vector<16xi32> to vector<1xi32>
        %squeeze3A_3308 = vector.extract %slice3A_3307[0] : i32 from vector<1xi32>
        %slice3A_3309 = vector.extract_strided_slice %get3A_3306 {offsets = [1], sizes = [1], strides = [1]} : vector<16xi32> to vector<1xi32>
        %squeeze3A_3310 = vector.extract %slice3A_3309[0] : i32 from vector<1xi32>
        %jit3A_3311 = arith.constant 128 : i32
        %div3A_3312 = arith.divsi %squeeze3A_3308, %jit3A_3311 : i32
        %sign3A_3313 = arith.constant 0 : i32
        %sign3A_3314 = arith.cmpi sgt, %squeeze3A_3308, %sign3A_3313 : i32
        %sign3A_3315 = arith.extui %sign3A_3314 : i1 to i32
        %sign3A_3316 = arith.constant 0 : i32
        %sign3A_3317 = arith.cmpi slt, %squeeze3A_3308, %sign3A_3316 : i32
        %sign3A_3318 = arith.extui %sign3A_3317 : i1 to i32
        %sign3A_3319 = arith.subi %sign3A_3315, %sign3A_3318 : i32
        %sign3A_3320 = arith.constant 0 : i32
        %sign3A_3321 = arith.cmpi sgt, %jit3A_3311, %sign3A_3320 : i32
        %sign3A_3322 = arith.extui %sign3A_3321 : i1 to i32
        %sign3A_3323 = arith.constant 0 : i32
        %sign3A_3324 = arith.cmpi slt, %jit3A_3311, %sign3A_3323 : i32
        %sign3A_3325 = arith.extui %sign3A_3324 : i1 to i32
        %sign3A_3326 = arith.subi %sign3A_3322, %sign3A_3325 : i32
        %ne3A_3327 = arith.cmpi ne, %sign3A_3319, %sign3A_3326 : i32
        %rem3A_3328 = arith.remsi %squeeze3A_3308, %jit3A_3311 : i32
        %ne3A_3329 = arith.constant 0 : i32
        %ne3A_3330 = arith.cmpi ne, %rem3A_3328, %ne3A_3329 : i32
        %and3A_3331 = arith.andi %ne3A_3327, %ne3A_3330 : i1
        %sub3A_3332 = arith.constant 1 : i32
        %sub3A_3333 = arith.subi %div3A_3312, %sub3A_3332 : i32
        %select_n3A_3334 = arith.select %and3A_3331, %sub3A_3333, %div3A_3312 : i32
        %mul3A_3335 = arith.constant 128 : i32
        %mul3A_3336 = arith.muli %select_n3A_3334, %mul3A_3335 : i32
        %multiple_of3A_3337 = tpu.assume_multiple %mul3A_3336, 128 : i32
        %jit3A_3338 = arith.constant 128 : i32
        %div3A_3339 = arith.divsi %squeeze3A_3310, %jit3A_3338 : i32
        %sign3A_3340 = arith.constant 0 : i32
        %sign3A_3341 = arith.cmpi sgt, %squeeze3A_3310, %sign3A_3340 : i32
        %sign3A_3342 = arith.extui %sign3A_3341 : i1 to i32
        %sign3A_3343 = arith.constant 0 : i32
        %sign3A_3344 = arith.cmpi slt, %squeeze3A_3310, %sign3A_3343 : i32
        %sign3A_3345 = arith.extui %sign3A_3344 : i1 to i32
        %sign3A_3346 = arith.subi %sign3A_3342, %sign3A_3345 : i32
        %sign3A_3347 = arith.constant 0 : i32
        %sign3A_3348 = arith.cmpi sgt, %jit3A_3338, %sign3A_3347 : i32
        %sign3A_3349 = arith.extui %sign3A_3348 : i1 to i32
        %sign3A_3350 = arith.constant 0 : i32
        %sign3A_3351 = arith.cmpi slt, %jit3A_3338, %sign3A_3350 : i32
        %sign3A_3352 = arith.extui %sign3A_3351 : i1 to i32
        %sign3A_3353 = arith.subi %sign3A_3349, %sign3A_3352 : i32
        %ne3A_3354 = arith.cmpi ne, %sign3A_3346, %sign3A_3353 : i32
        %rem3A_3355 = arith.remsi %squeeze3A_3310, %jit3A_3338 : i32
        %ne3A_3356 = arith.constant 0 : i32
        %ne3A_3357 = arith.cmpi ne, %rem3A_3355, %ne3A_3356 : i32
        %and3A_3358 = arith.andi %ne3A_3354, %ne3A_3357 : i1
        %sub3A_3359 = arith.constant 1 : i32
        %sub3A_3360 = arith.subi %div3A_3339, %sub3A_3359 : i32
        %select_n3A_3361 = arith.select %and3A_3358, %sub3A_3360, %div3A_3339 : i32
        %mul3A_3362 = arith.constant 128 : i32
        %mul3A_3363 = arith.muli %select_n3A_3361, %mul3A_3362 : i32
        %multiple_of3A_3364 = tpu.assume_multiple %mul3A_3363, 128 : i32
        %dma_start3A_3365 = arith.constant 1 : i32
        %dma_start3A_3366 = arith.constant 0 : i32
        %dma_start3A_3367 = arith.constant 0 : i32
        %dma_start3A_3368 = tpu.memref_slice %arg11[%dma_start3A_3365, %dma_start3A_3366, %dma_start3A_3367] : memref<8x32x128xf32, #tpu.memory_space<vmem>> -> memref<1x32x128xf32, #tpu.memory_space<vmem>>
        %dma_start3A_3369 = tpu.memref_squeeze %dma_start3A_3368 : memref<1x32x128xf32, #tpu.memory_space<vmem>> -> memref<32x128xf32, #tpu.memory_space<vmem>>
        %dma_start3A_3370 = arith.constant 0 : i32
        %dma_start3A_3371 = tpu.memref_slice %arg4[%dma_start3A_3370, %multiple_of3A_3337] : memref<32x1000000xf32, #tpu.memory_space<hbm>> -> memref<32x128xf32, #tpu.memory_space<hbm>>
        %dma_start3A_3372 = arith.constant 0 : i32
        %dma_start3A_3373 = arith.constant 0 : i32
        %dma_start3A_3374 = tpu.memref_slice %arg11[%dma_start3A_3365, %dma_start3A_3372, %dma_start3A_3373] : memref<8x32x128xf32, #tpu.memory_space<vmem>> -> memref<1x32x128xf32, #tpu.memory_space<vmem>>
        %dma_start3A_3375 = tpu.memref_squeeze %dma_start3A_3374 : memref<1x32x128xf32, #tpu.memory_space<vmem>> -> memref<32x128xf32, #tpu.memory_space<vmem>>
        %dma_start3A_3376 = arith.constant 0 : i32
        %dma_start3A_3377 = tpu.memref_slice %arg4[%dma_start3A_3376, %multiple_of3A_3337] : memref<32x1000000xf32, #tpu.memory_space<hbm>> -> memref<32x128xf32, #tpu.memory_space<hbm>>
        tpu.enqueue_dma source(%dma_start3A_3377 : memref<32x128xf32, #tpu.memory_space<hbm>>) target(%dma_start3A_3375 : memref<32x128xf32, #tpu.memory_space<vmem>>) target_semaphore(%arg16 : memref<!tpu.dma_semaphore, #tpu.memory_space<semaphore_mem>>)
        %dma_start3A_3378 = arith.constant 1 : i32
        %dma_start3A_3379 = arith.constant 0 : i32
        %dma_start3A_3380 = arith.constant 0 : i32
        %dma_start3A_3381 = tpu.memref_slice %arg12[%dma_start3A_3378, %dma_start3A_3379, %dma_start3A_3380] : memref<8x32x128xf32, #tpu.memory_space<vmem>> -> memref<1x32x128xf32, #tpu.memory_space<vmem>>
        %dma_start3A_3382 = tpu.memref_squeeze %dma_start3A_3381 : memref<1x32x128xf32, #tpu.memory_space<vmem>> -> memref<32x128xf32, #tpu.memory_space<vmem>>
        %dma_start3A_3383 = arith.constant 0 : i32
        %dma_start3A_3384 = tpu.memref_slice %arg5[%dma_start3A_3383, %multiple_of3A_3364] : memref<32x1000000xf32, #tpu.memory_space<hbm>> -> memref<32x128xf32, #tpu.memory_space<hbm>>
        %dma_start3A_3385 = arith.constant 0 : i32
        %dma_start3A_3386 = arith.constant 0 : i32
        %dma_start3A_3387 = tpu.memref_slice %arg12[%dma_start3A_3378, %dma_start3A_3385, %dma_start3A_3386] : memref<8x32x128xf32, #tpu.memory_space<vmem>> -> memref<1x32x128xf32, #tpu.memory_space<vmem>>
        %dma_start3A_3388 = tpu.memref_squeeze %dma_start3A_3387 : memref<1x32x128xf32, #tpu.memory_space<vmem>> -> memref<32x128xf32, #tpu.memory_space<vmem>>
        %dma_start3A_3389 = arith.constant 0 : i32
        %dma_start3A_3390 = tpu.memref_slice %arg5[%dma_start3A_3389, %multiple_of3A_3364] : memref<32x1000000xf32, #tpu.memory_space<hbm>> -> memref<32x128xf32, #tpu.memory_space<hbm>>
        tpu.enqueue_dma source(%dma_start3A_3390 : memref<32x128xf32, #tpu.memory_space<hbm>>) target(%dma_start3A_3388 : memref<32x128xf32, #tpu.memory_space<vmem>>) target_semaphore(%arg17 : memref<!tpu.dma_semaphore, #tpu.memory_space<semaphore_mem>>)
      } else {
      }
      %dma_wait3A_2578 = arith.constant 2 : i32
      %dma_wait3A_2579 = arith.constant 0 : i32
      %dma_wait3A_2580 = arith.constant 0 : i32
      %dma_wait3A_2581 = tpu.memref_slice %arg11[%dma_wait3A_2578, %dma_wait3A_2579, %dma_wait3A_2580] : memref<8x32x128xf32, #tpu.memory_space<vmem>> -> memref<1x32x128xf32, #tpu.memory_space<vmem>>
      %dma_wait3A_2582 = tpu.memref_squeeze %dma_wait3A_2581 : memref<1x32x128xf32, #tpu.memory_space<vmem>> -> memref<32x128xf32, #tpu.memory_space<vmem>>
      %dma_wait3A_2583 = arith.constant 0 : i32
      %dma_wait3A_2584 = arith.constant 0 : i32
      %dma_wait3A_2585 = tpu.memref_slice %arg4[%dma_wait3A_2583, %dma_wait3A_2584] : memref<32x1000000xf32, #tpu.memory_space<hbm>> -> memref<32x128xf32, #tpu.memory_space<hbm>>
      %dma_wait3A_2586 = arith.constant 0 : i32
      %dma_wait3A_2587 = arith.constant 0 : i32
      %dma_wait3A_2588 = tpu.memref_slice %arg11[%dma_wait3A_2578, %dma_wait3A_2586, %dma_wait3A_2587] : memref<8x32x128xf32, #tpu.memory_space<vmem>> -> memref<1x32x128xf32, #tpu.memory_space<vmem>>
      %dma_wait3A_2589 = tpu.memref_squeeze %dma_wait3A_2588 : memref<1x32x128xf32, #tpu.memory_space<vmem>> -> memref<32x128xf32, #tpu.memory_space<vmem>>
      %dma_wait3A_2590 = arith.constant 0 : i32
      %dma_wait3A_2591 = arith.constant 0 : i32
      %dma_wait3A_2592 = tpu.memref_slice %arg4[%dma_wait3A_2590, %dma_wait3A_2591] : memref<32x1000000xf32, #tpu.memory_space<hbm>> -> memref<32x128xf32, #tpu.memory_space<hbm>>
      tpu.wait_dma2 semaphore(%arg16 : memref<!tpu.dma_semaphore, #tpu.memory_space<semaphore_mem>>) src(%dma_wait3A_2592 : memref<32x128xf32, #tpu.memory_space<hbm>>) dst(%dma_wait3A_2589 : memref<32x128xf32, #tpu.memory_space<vmem>>)
      %dma_wait3A_2593 = arith.constant 2 : i32
      %dma_wait3A_2594 = arith.constant 0 : i32
      %dma_wait3A_2595 = arith.constant 0 : i32
      %dma_wait3A_2596 = tpu.memref_slice %arg12[%dma_wait3A_2593, %dma_wait3A_2594, %dma_wait3A_2595] : memref<8x32x128xf32, #tpu.memory_space<vmem>> -> memref<1x32x128xf32, #tpu.memory_space<vmem>>
      %dma_wait3A_2597 = tpu.memref_squeeze %dma_wait3A_2596 : memref<1x32x128xf32, #tpu.memory_space<vmem>> -> memref<32x128xf32, #tpu.memory_space<vmem>>
      %dma_wait3A_2598 = arith.constant 0 : i32
      %dma_wait3A_2599 = arith.constant 0 : i32
      %dma_wait3A_2600 = tpu.memref_slice %arg5[%dma_wait3A_2598, %dma_wait3A_2599] : memref<32x1000000xf32, #tpu.memory_space<hbm>> -> memref<32x128xf32, #tpu.memory_space<hbm>>
      %dma_wait3A_2601 = arith.constant 0 : i32
      %dma_wait3A_2602 = arith.constant 0 : i32
      %dma_wait3A_2603 = tpu.memref_slice %arg12[%dma_wait3A_2593, %dma_wait3A_2601, %dma_wait3A_2602] : memref<8x32x128xf32, #tpu.memory_space<vmem>> -> memref<1x32x128xf32, #tpu.memory_space<vmem>>
      %dma_wait3A_2604 = tpu.memref_squeeze %dma_wait3A_2603 : memref<1x32x128xf32, #tpu.memory_space<vmem>> -> memref<32x128xf32, #tpu.memory_space<vmem>>
      %dma_wait3A_2605 = arith.constant 0 : i32
      %dma_wait3A_2606 = arith.constant 0 : i32
      %dma_wait3A_2607 = tpu.memref_slice %arg5[%dma_wait3A_2605, %dma_wait3A_2606] : memref<32x1000000xf32, #tpu.memory_space<hbm>> -> memref<32x128xf32, #tpu.memory_space<hbm>>
      tpu.wait_dma2 semaphore(%arg17 : memref<!tpu.dma_semaphore, #tpu.memory_space<semaphore_mem>>) src(%dma_wait3A_2607 : memref<32x128xf32, #tpu.memory_space<hbm>>) dst(%dma_wait3A_2604 : memref<32x128xf32, #tpu.memory_space<vmem>>)
      %slice3A_2608 = vector.extract_strided_slice %get3A_767 {offsets = [10], sizes = [1], strides = [1]} : vector<16xi32> to vector<1xi32>
      %squeeze3A_2609 = vector.extract %slice3A_2608[0] : i32 from vector<1xi32>
      %jit3A_2610 = arith.constant 128 : i32
      %eq3A_2611 = arith.constant 0 : i32
      %eq3A_2612 = arith.cmpi eq, %jit3A_2610, %eq3A_2611 : i32
      %jit3A_2613 = arith.constant 1 : i32
      %select_n3A_2614 = arith.select %eq3A_2612, %jit3A_2613, %jit3A_2610 : i32
      %rem3A_2615 = arith.remsi %squeeze3A_2609, %select_n3A_2614 : i32
      %ne3A_2616 = arith.constant 0 : i32
      %ne3A_2617 = arith.cmpi ne, %rem3A_2615, %ne3A_2616 : i32
      %lt3A_2618 = arith.constant 0 : i32
      %lt3A_2619 = arith.cmpi slt, %rem3A_2615, %lt3A_2618 : i32
      %lt3A_2620 = arith.constant 0 : i32
      %lt3A_2621 = arith.cmpi slt, %select_n3A_2614, %lt3A_2620 : i32
      %ne3A_2622 = arith.xori %lt3A_2619, %lt3A_2621 : i1
      %and3A_2623 = arith.andi %ne3A_2622, %ne3A_2617 : i1
      %add3A_2624 = arith.addi %rem3A_2615, %select_n3A_2614 : i32
      %select_n3A_2625 = arith.select %and3A_2623, %add3A_2624, %rem3A_2615 : i32
      %broadcast_in_dim3A_2626 = vector.broadcast %select_n3A_2625 : i32 to vector<16xi32>
      %slice3A_2627 = vector.extract_strided_slice %get3A_770 {offsets = [10], sizes = [1], strides = [1]} : vector<16xi32> to vector<1xi32>
      %squeeze3A_2628 = vector.extract %slice3A_2627[0] : i32 from vector<1xi32>
      %jit3A_2629 = arith.constant 128 : i32
      %eq3A_2630 = arith.constant 0 : i32
      %eq3A_2631 = arith.cmpi eq, %jit3A_2629, %eq3A_2630 : i32
      %jit3A_2632 = arith.constant 1 : i32
      %select_n3A_2633 = arith.select %eq3A_2631, %jit3A_2632, %jit3A_2629 : i32
      %rem3A_2634 = arith.remsi %squeeze3A_2628, %select_n3A_2633 : i32
      %ne3A_2635 = arith.constant 0 : i32
      %ne3A_2636 = arith.cmpi ne, %rem3A_2634, %ne3A_2635 : i32
      %lt3A_2637 = arith.constant 0 : i32
      %lt3A_2638 = arith.cmpi slt, %rem3A_2634, %lt3A_2637 : i32
      %lt3A_2639 = arith.constant 0 : i32
      %lt3A_2640 = arith.cmpi slt, %select_n3A_2633, %lt3A_2639 : i32
      %ne3A_2641 = arith.xori %lt3A_2638, %lt3A_2640 : i1
      %and3A_2642 = arith.andi %ne3A_2641, %ne3A_2636 : i1
      %add3A_2643 = arith.addi %rem3A_2634, %select_n3A_2633 : i32
      %select_n3A_2644 = arith.select %and3A_2642, %add3A_2643, %rem3A_2634 : i32
      %broadcast_in_dim3A_2645 = vector.broadcast %select_n3A_2644 : i32 to vector<16xi32>
      %gather3A_2646 = arith.constant 2 : i32
      %gather3A_2647 = arith.constant 0 : i32
      %gather3A_2648 = arith.constant 0 : i32
      %gather3A_2649 = tpu.memref_slice %arg11[%gather3A_2646, %gather3A_2647, %gather3A_2648] : memref<8x32x128xf32, #tpu.memory_space<vmem>> -> memref<1x32x128xf32, #tpu.memory_space<vmem>>
      %gather3A_2650 = tpu.memref_squeeze %gather3A_2649 : memref<1x32x128xf32, #tpu.memory_space<vmem>> -> memref<32x128xf32, #tpu.memory_space<vmem>>
      %gather3A_2651 = tpu.vector_load_idx %gather3A_2650[%iota3A_66, %broadcast_in_dim3A_2626] : memref<32x128xf32, #tpu.memory_space<vmem>>[vector<16xi32>, vector<16xi32>], vector<16xf32>,
      %gather3A_2652 = arith.constant 2 : i32
      %gather3A_2653 = arith.constant 0 : i32
      %gather3A_2654 = arith.constant 0 : i32
      %gather3A_2655 = tpu.memref_slice %arg11[%gather3A_2652, %gather3A_2653, %gather3A_2654] : memref<8x32x128xf32, #tpu.memory_space<vmem>> -> memref<1x32x128xf32, #tpu.memory_space<vmem>>
      %gather3A_2656 = tpu.memref_squeeze %gather3A_2655 : memref<1x32x128xf32, #tpu.memory_space<vmem>> -> memref<32x128xf32, #tpu.memory_space<vmem>>
      %gather3A_2657 = tpu.vector_load_idx %gather3A_2656[%add3A_69, %broadcast_in_dim3A_2626] : memref<32x128xf32, #tpu.memory_space<vmem>>[vector<16xi32>, vector<16xi32>], vector<16xf32>,
      %gather3A_2658 = arith.constant 2 : i32
      %gather3A_2659 = arith.constant 0 : i32
      %gather3A_2660 = arith.constant 0 : i32
      %gather3A_2661 = tpu.memref_slice %arg12[%gather3A_2658, %gather3A_2659, %gather3A_2660] : memref<8x32x128xf32, #tpu.memory_space<vmem>> -> memref<1x32x128xf32, #tpu.memory_space<vmem>>
      %gather3A_2662 = tpu.memref_squeeze %gather3A_2661 : memref<1x32x128xf32, #tpu.memory_space<vmem>> -> memref<32x128xf32, #tpu.memory_space<vmem>>
      %gather3A_2663 = tpu.vector_load_idx %gather3A_2662[%iota3A_66, %broadcast_in_dim3A_2645] : memref<32x128xf32, #tpu.memory_space<vmem>>[vector<16xi32>, vector<16xi32>], vector<16xf32>,
      %gather3A_2664 = arith.constant 2 : i32
      %gather3A_2665 = arith.constant 0 : i32
      %gather3A_2666 = arith.constant 0 : i32
      %gather3A_2667 = tpu.memref_slice %arg12[%gather3A_2664, %gather3A_2665, %gather3A_2666] : memref<8x32x128xf32, #tpu.memory_space<vmem>> -> memref<1x32x128xf32, #tpu.memory_space<vmem>>
      %gather3A_2668 = tpu.memref_squeeze %gather3A_2667 : memref<1x32x128xf32, #tpu.memory_space<vmem>> -> memref<32x128xf32, #tpu.memory_space<vmem>>
      %gather3A_2669 = tpu.vector_load_idx %gather3A_2668[%add3A_69, %broadcast_in_dim3A_2645] : memref<32x128xf32, #tpu.memory_space<vmem>>[vector<16xi32>, vector<16xi32>], vector<16xf32>,
      %mul3A_2670 = arith.mulf %gather3A_2651, %gather3A_2663 : vector<16xf32>
      %mul3A_2671 = arith.mulf %gather3A_2657, %gather3A_2669 : vector<16xf32>
      %add3A_2672 = arith.addf %mul3A_2670, %mul3A_2671 : vector<16xf32>
      %reduce_sum3A_2673 = arith.constant true
      %reduce_sum3A_2674 = vector.broadcast %reduce_sum3A_2673 : i1 to vector<16xi1>
      %reduce_sum3A_2675 = tpu.scan <sum>, %add3A_2672 masked %reduce_sum3A_2674 : vector<16xf32>, vector<16xi1> -> vector<16xf32>
      %reduce_sum3A_2676 = vector.extract %reduce_sum3A_2675[15] : f32 from vector<16xf32>
      %eq3A_2677 = arith.constant 10 : i32
      %eq3A_2678 = vector.broadcast %eq3A_2677 : i32 to vector<16xi32>
      %eq3A_2679 = arith.cmpi eq, %iota3A, %eq3A_2678 : vector<16xi32>
      %broadcast_in_dim3A_2680 = vector.broadcast %reduce_sum3A_2676 : f32 to vector<16xf32>
      %select_n3A_2681 = arith.select %eq3A_2679, %broadcast_in_dim3A_2680, %select_n3A_2570 : vector<16xi1>, vector<16xf32>
      %add3A_2682 = arith.constant 1 : i32
      %add3A_2683 = arith.addi %scan3A_724, %add3A_2682 : i32
      %lt3A_2684 = arith.constant 32 : i32
      %lt3A_2685 = arith.cmpi slt, %add3A_2683, %lt3A_2684 : i32
      %convert_element_type3A_2686 = arith.extui %lt3A_2685 : i1 to i32
      %cond3A_2687 = arith.constant 0 : i32
      %cond3A_2688 = arith.cmpi ne, %convert_element_type3A_2686, %cond3A_2687 : i32
      scf.if %cond3A_2688 {
        %add3A_3257 = arith.constant 1 : i32
        %add3A_3258 = arith.addi %scan3A_724, %add3A_3257 : i32
        %jit3A_3259 = arith.constant 8 : i32
        %div3A_3260 = arith.divsi %add3A_3258, %jit3A_3259 : i32
        %sign3A_3261 = arith.constant 0 : i32
        %sign3A_3262 = arith.cmpi sgt, %add3A_3258, %sign3A_3261 : i32
        %sign3A_3263 = arith.extui %sign3A_3262 : i1 to i32
        %sign3A_3264 = arith.constant 0 : i32
        %sign3A_3265 = arith.cmpi slt, %add3A_3258, %sign3A_3264 : i32
        %sign3A_3266 = arith.extui %sign3A_3265 : i1 to i32
        %sign3A_3267 = arith.subi %sign3A_3263, %sign3A_3266 : i32
        %sign3A_3268 = arith.constant 0 : i32
        %sign3A_3269 = arith.cmpi sgt, %jit3A_3259, %sign3A_3268 : i32
        %sign3A_3270 = arith.extui %sign3A_3269 : i1 to i32
        %sign3A_3271 = arith.constant 0 : i32
        %sign3A_3272 = arith.cmpi slt, %jit3A_3259, %sign3A_3271 : i32
        %sign3A_3273 = arith.extui %sign3A_3272 : i1 to i32
        %sign3A_3274 = arith.subi %sign3A_3270, %sign3A_3273 : i32
        %ne3A_3275 = arith.cmpi ne, %sign3A_3267, %sign3A_3274 : i32
        %rem3A_3276 = arith.remsi %add3A_3258, %jit3A_3259 : i32
        %ne3A_3277 = arith.constant 0 : i32
        %ne3A_3278 = arith.cmpi ne, %rem3A_3276, %ne3A_3277 : i32
        %and3A_3279 = arith.andi %ne3A_3275, %ne3A_3278 : i1
        %sub3A_3280 = arith.constant 1 : i32
        %sub3A_3281 = arith.subi %div3A_3260, %sub3A_3280 : i32
        %select_n3A_3282 = arith.select %and3A_3279, %sub3A_3281, %div3A_3260 : i32
        %jit3A_3283 = arith.constant 8 : i32
        %eq3A_3284 = arith.constant 0 : i32
        %eq3A_3285 = arith.cmpi eq, %jit3A_3283, %eq3A_3284 : i32
        %jit3A_3286 = arith.constant 1 : i32
        %select_n3A_3287 = arith.select %eq3A_3285, %jit3A_3286, %jit3A_3283 : i32
        %rem3A_3288 = arith.remsi %add3A_3258, %select_n3A_3287 : i32
        %ne3A_3289 = arith.constant 0 : i32
        %ne3A_3290 = arith.cmpi ne, %rem3A_3288, %ne3A_3289 : i32
        %lt3A_3291 = arith.constant 0 : i32
        %lt3A_3292 = arith.cmpi slt, %rem3A_3288, %lt3A_3291 : i32
        %lt3A_3293 = arith.constant 0 : i32
        %lt3A_3294 = arith.cmpi slt, %select_n3A_3287, %lt3A_3293 : i32
        %ne3A_3295 = arith.xori %lt3A_3292, %lt3A_3294 : i1
        %and3A_3296 = arith.andi %ne3A_3295, %ne3A_3290 : i1
        %add3A_3297 = arith.addi %rem3A_3288, %select_n3A_3287 : i32
        %select_n3A_3298 = arith.select %and3A_3296, %add3A_3297, %rem3A_3288 : i32
        %mul3A_3299 = arith.constant 16 : i32
        %mul3A_3300 = arith.muli %select_n3A_3298, %mul3A_3299 : i32
        %get3A_3301 = arith.index_cast %select_n3A_3282 : i32 to index
        %get3A_3302 = arith.index_cast %mul3A_3300 : i32 to index
        %get3A_3303 = tpu.vector_load %arg9[%get3A_3301, %get3A_3302] {strides = array<i32>} : memref<4x128xi32, #tpu.memory_space<vmem>>, vector<16xi32>,
        %get3A_3304 = arith.index_cast %select_n3A_3282 : i32 to index
        %get3A_3305 = arith.index_cast %mul3A_3300 : i32 to index
        %get3A_3306 = tpu.vector_load %arg10[%get3A_3304, %get3A_3305] {strides = array<i32>} : memref<4x128xi32, #tpu.memory_space<vmem>>, vector<16xi32>,
        %slice3A_3307 = vector.extract_strided_slice %get3A_3303 {offsets = [2], sizes = [1], strides = [1]} : vector<16xi32> to vector<1xi32>
        %squeeze3A_3308 = vector.extract %slice3A_3307[0] : i32 from vector<1xi32>
        %slice3A_3309 = vector.extract_strided_slice %get3A_3306 {offsets = [2], sizes = [1], strides = [1]} : vector<16xi32> to vector<1xi32>
        %squeeze3A_3310 = vector.extract %slice3A_3309[0] : i32 from vector<1xi32>
        %jit3A_3311 = arith.constant 128 : i32
        %div3A_3312 = arith.divsi %squeeze3A_3308, %jit3A_3311 : i32
        %sign3A_3313 = arith.constant 0 : i32
        %sign3A_3314 = arith.cmpi sgt, %squeeze3A_3308, %sign3A_3313 : i32
        %sign3A_3315 = arith.extui %sign3A_3314 : i1 to i32
        %sign3A_3316 = arith.constant 0 : i32
        %sign3A_3317 = arith.cmpi slt, %squeeze3A_3308, %sign3A_3316 : i32
        %sign3A_3318 = arith.extui %sign3A_3317 : i1 to i32
        %sign3A_3319 = arith.subi %sign3A_3315, %sign3A_3318 : i32
        %sign3A_3320 = arith.constant 0 : i32
        %sign3A_3321 = arith.cmpi sgt, %jit3A_3311, %sign3A_3320 : i32
        %sign3A_3322 = arith.extui %sign3A_3321 : i1 to i32
        %sign3A_3323 = arith.constant 0 : i32
        %sign3A_3324 = arith.cmpi slt, %jit3A_3311, %sign3A_3323 : i32
        %sign3A_3325 = arith.extui %sign3A_3324 : i1 to i32
        %sign3A_3326 = arith.subi %sign3A_3322, %sign3A_3325 : i32
        %ne3A_3327 = arith.cmpi ne, %sign3A_3319, %sign3A_3326 : i32
        %rem3A_3328 = arith.remsi %squeeze3A_3308, %jit3A_3311 : i32
        %ne3A_3329 = arith.constant 0 : i32
        %ne3A_3330 = arith.cmpi ne, %rem3A_3328, %ne3A_3329 : i32
        %and3A_3331 = arith.andi %ne3A_3327, %ne3A_3330 : i1
        %sub3A_3332 = arith.constant 1 : i32
        %sub3A_3333 = arith.subi %div3A_3312, %sub3A_3332 : i32
        %select_n3A_3334 = arith.select %and3A_3331, %sub3A_3333, %div3A_3312 : i32
        %mul3A_3335 = arith.constant 128 : i32
        %mul3A_3336 = arith.muli %select_n3A_3334, %mul3A_3335 : i32
        %multiple_of3A_3337 = tpu.assume_multiple %mul3A_3336, 128 : i32
        %jit3A_3338 = arith.constant 128 : i32
        %div3A_3339 = arith.divsi %squeeze3A_3310, %jit3A_3338 : i32
        %sign3A_3340 = arith.constant 0 : i32
        %sign3A_3341 = arith.cmpi sgt, %squeeze3A_3310, %sign3A_3340 : i32
        %sign3A_3342 = arith.extui %sign3A_3341 : i1 to i32
        %sign3A_3343 = arith.constant 0 : i32
        %sign3A_3344 = arith.cmpi slt, %squeeze3A_3310, %sign3A_3343 : i32
        %sign3A_3345 = arith.extui %sign3A_3344 : i1 to i32
        %sign3A_3346 = arith.subi %sign3A_3342, %sign3A_3345 : i32
        %sign3A_3347 = arith.constant 0 : i32
        %sign3A_3348 = arith.cmpi sgt, %jit3A_3338, %sign3A_3347 : i32
        %sign3A_3349 = arith.extui %sign3A_3348 : i1 to i32
        %sign3A_3350 = arith.constant 0 : i32
        %sign3A_3351 = arith.cmpi slt, %jit3A_3338, %sign3A_3350 : i32
        %sign3A_3352 = arith.extui %sign3A_3351 : i1 to i32
        %sign3A_3353 = arith.subi %sign3A_3349, %sign3A_3352 : i32
        %ne3A_3354 = arith.cmpi ne, %sign3A_3346, %sign3A_3353 : i32
        %rem3A_3355 = arith.remsi %squeeze3A_3310, %jit3A_3338 : i32
        %ne3A_3356 = arith.constant 0 : i32
        %ne3A_3357 = arith.cmpi ne, %rem3A_3355, %ne3A_3356 : i32
        %and3A_3358 = arith.andi %ne3A_3354, %ne3A_3357 : i1
        %sub3A_3359 = arith.constant 1 : i32
        %sub3A_3360 = arith.subi %div3A_3339, %sub3A_3359 : i32
        %select_n3A_3361 = arith.select %and3A_3358, %sub3A_3360, %div3A_3339 : i32
        %mul3A_3362 = arith.constant 128 : i32
        %mul3A_3363 = arith.muli %select_n3A_3361, %mul3A_3362 : i32
        %multiple_of3A_3364 = tpu.assume_multiple %mul3A_3363, 128 : i32
        %dma_start3A_3365 = arith.constant 2 : i32
        %dma_start3A_3366 = arith.constant 0 : i32
        %dma_start3A_3367 = arith.constant 0 : i32
        %dma_start3A_3368 = tpu.memref_slice %arg11[%dma_start3A_3365, %dma_start3A_3366, %dma_start3A_3367] : memref<8x32x128xf32, #tpu.memory_space<vmem>> -> memref<1x32x128xf32, #tpu.memory_space<vmem>>
        %dma_start3A_3369 = tpu.memref_squeeze %dma_start3A_3368 : memref<1x32x128xf32, #tpu.memory_space<vmem>> -> memref<32x128xf32, #tpu.memory_space<vmem>>
        %dma_start3A_3370 = arith.constant 0 : i32
        %dma_start3A_3371 = tpu.memref_slice %arg4[%dma_start3A_3370, %multiple_of3A_3337] : memref<32x1000000xf32, #tpu.memory_space<hbm>> -> memref<32x128xf32, #tpu.memory_space<hbm>>
        %dma_start3A_3372 = arith.constant 0 : i32
        %dma_start3A_3373 = arith.constant 0 : i32
        %dma_start3A_3374 = tpu.memref_slice %arg11[%dma_start3A_3365, %dma_start3A_3372, %dma_start3A_3373] : memref<8x32x128xf32, #tpu.memory_space<vmem>> -> memref<1x32x128xf32, #tpu.memory_space<vmem>>
        %dma_start3A_3375 = tpu.memref_squeeze %dma_start3A_3374 : memref<1x32x128xf32, #tpu.memory_space<vmem>> -> memref<32x128xf32, #tpu.memory_space<vmem>>
        %dma_start3A_3376 = arith.constant 0 : i32
        %dma_start3A_3377 = tpu.memref_slice %arg4[%dma_start3A_3376, %multiple_of3A_3337] : memref<32x1000000xf32, #tpu.memory_space<hbm>> -> memref<32x128xf32, #tpu.memory_space<hbm>>
        tpu.enqueue_dma source(%dma_start3A_3377 : memref<32x128xf32, #tpu.memory_space<hbm>>) target(%dma_start3A_3375 : memref<32x128xf32, #tpu.memory_space<vmem>>) target_semaphore(%arg16 : memref<!tpu.dma_semaphore, #tpu.memory_space<semaphore_mem>>)
        %dma_start3A_3378 = arith.constant 2 : i32
        %dma_start3A_3379 = arith.constant 0 : i32
        %dma_start3A_3380 = arith.constant 0 : i32
        %dma_start3A_3381 = tpu.memref_slice %arg12[%dma_start3A_3378, %dma_start3A_3379, %dma_start3A_3380] : memref<8x32x128xf32, #tpu.memory_space<vmem>> -> memref<1x32x128xf32, #tpu.memory_space<vmem>>
        %dma_start3A_3382 = tpu.memref_squeeze %dma_start3A_3381 : memref<1x32x128xf32, #tpu.memory_space<vmem>> -> memref<32x128xf32, #tpu.memory_space<vmem>>
        %dma_start3A_3383 = arith.constant 0 : i32
        %dma_start3A_3384 = tpu.memref_slice %arg5[%dma_start3A_3383, %multiple_of3A_3364] : memref<32x1000000xf32, #tpu.memory_space<hbm>> -> memref<32x128xf32, #tpu.memory_space<hbm>>
        %dma_start3A_3385 = arith.constant 0 : i32
        %dma_start3A_3386 = arith.constant 0 : i32
        %dma_start3A_3387 = tpu.memref_slice %arg12[%dma_start3A_3378, %dma_start3A_3385, %dma_start3A_3386] : memref<8x32x128xf32, #tpu.memory_space<vmem>> -> memref<1x32x128xf32, #tpu.memory_space<vmem>>
        %dma_start3A_3388 = tpu.memref_squeeze %dma_start3A_3387 : memref<1x32x128xf32, #tpu.memory_space<vmem>> -> memref<32x128xf32, #tpu.memory_space<vmem>>
        %dma_start3A_3389 = arith.constant 0 : i32
        %dma_start3A_3390 = tpu.memref_slice %arg5[%dma_start3A_3389, %multiple_of3A_3364] : memref<32x1000000xf32, #tpu.memory_space<hbm>> -> memref<32x128xf32, #tpu.memory_space<hbm>>
        tpu.enqueue_dma source(%dma_start3A_3390 : memref<32x128xf32, #tpu.memory_space<hbm>>) target(%dma_start3A_3388 : memref<32x128xf32, #tpu.memory_space<vmem>>) target_semaphore(%arg17 : memref<!tpu.dma_semaphore, #tpu.memory_space<semaphore_mem>>)
      } else {
      }
      %dma_wait3A_2689 = arith.constant 3 : i32
      %dma_wait3A_2690 = arith.constant 0 : i32
      %dma_wait3A_2691 = arith.constant 0 : i32
      %dma_wait3A_2692 = tpu.memref_slice %arg11[%dma_wait3A_2689, %dma_wait3A_2690, %dma_wait3A_2691] : memref<8x32x128xf32, #tpu.memory_space<vmem>> -> memref<1x32x128xf32, #tpu.memory_space<vmem>>
      %dma_wait3A_2693 = tpu.memref_squeeze %dma_wait3A_2692 : memref<1x32x128xf32, #tpu.memory_space<vmem>> -> memref<32x128xf32, #tpu.memory_space<vmem>>
      %dma_wait3A_2694 = arith.constant 0 : i32
      %dma_wait3A_2695 = arith.constant 0 : i32
      %dma_wait3A_2696 = tpu.memref_slice %arg4[%dma_wait3A_2694, %dma_wait3A_2695] : memref<32x1000000xf32, #tpu.memory_space<hbm>> -> memref<32x128xf32, #tpu.memory_space<hbm>>
      %dma_wait3A_2697 = arith.constant 0 : i32
      %dma_wait3A_2698 = arith.constant 0 : i32
      %dma_wait3A_2699 = tpu.memref_slice %arg11[%dma_wait3A_2689, %dma_wait3A_2697, %dma_wait3A_2698] : memref<8x32x128xf32, #tpu.memory_space<vmem>> -> memref<1x32x128xf32, #tpu.memory_space<vmem>>
      %dma_wait3A_2700 = tpu.memref_squeeze %dma_wait3A_2699 : memref<1x32x128xf32, #tpu.memory_space<vmem>> -> memref<32x128xf32, #tpu.memory_space<vmem>>
      %dma_wait3A_2701 = arith.constant 0 : i32
      %dma_wait3A_2702 = arith.constant 0 : i32
      %dma_wait3A_2703 = tpu.memref_slice %arg4[%dma_wait3A_2701, %dma_wait3A_2702] : memref<32x1000000xf32, #tpu.memory_space<hbm>> -> memref<32x128xf32, #tpu.memory_space<hbm>>
      tpu.wait_dma2 semaphore(%arg16 : memref<!tpu.dma_semaphore, #tpu.memory_space<semaphore_mem>>) src(%dma_wait3A_2703 : memref<32x128xf32, #tpu.memory_space<hbm>>) dst(%dma_wait3A_2700 : memref<32x128xf32, #tpu.memory_space<vmem>>)
      %dma_wait3A_2704 = arith.constant 3 : i32
      %dma_wait3A_2705 = arith.constant 0 : i32
      %dma_wait3A_2706 = arith.constant 0 : i32
      %dma_wait3A_2707 = tpu.memref_slice %arg12[%dma_wait3A_2704, %dma_wait3A_2705, %dma_wait3A_2706] : memref<8x32x128xf32, #tpu.memory_space<vmem>> -> memref<1x32x128xf32, #tpu.memory_space<vmem>>
      %dma_wait3A_2708 = tpu.memref_squeeze %dma_wait3A_2707 : memref<1x32x128xf32, #tpu.memory_space<vmem>> -> memref<32x128xf32, #tpu.memory_space<vmem>>
      %dma_wait3A_2709 = arith.constant 0 : i32
      %dma_wait3A_2710 = arith.constant 0 : i32
      %dma_wait3A_2711 = tpu.memref_slice %arg5[%dma_wait3A_2709, %dma_wait3A_2710] : memref<32x1000000xf32, #tpu.memory_space<hbm>> -> memref<32x128xf32, #tpu.memory_space<hbm>>
      %dma_wait3A_2712 = arith.constant 0 : i32
      %dma_wait3A_2713 = arith.constant 0 : i32
      %dma_wait3A_2714 = tpu.memref_slice %arg12[%dma_wait3A_2704, %dma_wait3A_2712, %dma_wait3A_2713] : memref<8x32x128xf32, #tpu.memory_space<vmem>> -> memref<1x32x128xf32, #tpu.memory_space<vmem>>
      %dma_wait3A_2715 = tpu.memref_squeeze %dma_wait3A_2714 : memref<1x32x128xf32, #tpu.memory_space<vmem>> -> memref<32x128xf32, #tpu.memory_space<vmem>>
      %dma_wait3A_2716 = arith.constant 0 : i32
      %dma_wait3A_2717 = arith.constant 0 : i32
      %dma_wait3A_2718 = tpu.memref_slice %arg5[%dma_wait3A_2716, %dma_wait3A_2717] : memref<32x1000000xf32, #tpu.memory_space<hbm>> -> memref<32x128xf32, #tpu.memory_space<hbm>>
      tpu.wait_dma2 semaphore(%arg17 : memref<!tpu.dma_semaphore, #tpu.memory_space<semaphore_mem>>) src(%dma_wait3A_2718 : memref<32x128xf32, #tpu.memory_space<hbm>>) dst(%dma_wait3A_2715 : memref<32x128xf32, #tpu.memory_space<vmem>>)
      %slice3A_2719 = vector.extract_strided_slice %get3A_767 {offsets = [11], sizes = [1], strides = [1]} : vector<16xi32> to vector<1xi32>
      %squeeze3A_2720 = vector.extract %slice3A_2719[0] : i32 from vector<1xi32>
      %jit3A_2721 = arith.constant 128 : i32
      %eq3A_2722 = arith.constant 0 : i32
      %eq3A_2723 = arith.cmpi eq, %jit3A_2721, %eq3A_2722 : i32
      %jit3A_2724 = arith.constant 1 : i32
      %select_n3A_2725 = arith.select %eq3A_2723, %jit3A_2724, %jit3A_2721 : i32
      %rem3A_2726 = arith.remsi %squeeze3A_2720, %select_n3A_2725 : i32
      %ne3A_2727 = arith.constant 0 : i32
      %ne3A_2728 = arith.cmpi ne, %rem3A_2726, %ne3A_2727 : i32
      %lt3A_2729 = arith.constant 0 : i32
      %lt3A_2730 = arith.cmpi slt, %rem3A_2726, %lt3A_2729 : i32
      %lt3A_2731 = arith.constant 0 : i32
      %lt3A_2732 = arith.cmpi slt, %select_n3A_2725, %lt3A_2731 : i32
      %ne3A_2733 = arith.xori %lt3A_2730, %lt3A_2732 : i1
      %and3A_2734 = arith.andi %ne3A_2733, %ne3A_2728 : i1
      %add3A_2735 = arith.addi %rem3A_2726, %select_n3A_2725 : i32
      %select_n3A_2736 = arith.select %and3A_2734, %add3A_2735, %rem3A_2726 : i32
      %broadcast_in_dim3A_2737 = vector.broadcast %select_n3A_2736 : i32 to vector<16xi32>
      %slice3A_2738 = vector.extract_strided_slice %get3A_770 {offsets = [11], sizes = [1], strides = [1]} : vector<16xi32> to vector<1xi32>
      %squeeze3A_2739 = vector.extract %slice3A_2738[0] : i32 from vector<1xi32>
      %jit3A_2740 = arith.constant 128 : i32
      %eq3A_2741 = arith.constant 0 : i32
      %eq3A_2742 = arith.cmpi eq, %jit3A_2740, %eq3A_2741 : i32
      %jit3A_2743 = arith.constant 1 : i32
      %select_n3A_2744 = arith.select %eq3A_2742, %jit3A_2743, %jit3A_2740 : i32
      %rem3A_2745 = arith.remsi %squeeze3A_2739, %select_n3A_2744 : i32
      %ne3A_2746 = arith.constant 0 : i32
      %ne3A_2747 = arith.cmpi ne, %rem3A_2745, %ne3A_2746 : i32
      %lt3A_2748 = arith.constant 0 : i32
      %lt3A_2749 = arith.cmpi slt, %rem3A_2745, %lt3A_2748 : i32
      %lt3A_2750 = arith.constant 0 : i32
      %lt3A_2751 = arith.cmpi slt, %select_n3A_2744, %lt3A_2750 : i32
      %ne3A_2752 = arith.xori %lt3A_2749, %lt3A_2751 : i1
      %and3A_2753 = arith.andi %ne3A_2752, %ne3A_2747 : i1
      %add3A_2754 = arith.addi %rem3A_2745, %select_n3A_2744 : i32
      %select_n3A_2755 = arith.select %and3A_2753, %add3A_2754, %rem3A_2745 : i32
      %broadcast_in_dim3A_2756 = vector.broadcast %select_n3A_2755 : i32 to vector<16xi32>
      %gather3A_2757 = arith.constant 3 : i32
      %gather3A_2758 = arith.constant 0 : i32
      %gather3A_2759 = arith.constant 0 : i32
      %gather3A_2760 = tpu.memref_slice %arg11[%gather3A_2757, %gather3A_2758, %gather3A_2759] : memref<8x32x128xf32, #tpu.memory_space<vmem>> -> memref<1x32x128xf32, #tpu.memory_space<vmem>>
      %gather3A_2761 = tpu.memref_squeeze %gather3A_2760 : memref<1x32x128xf32, #tpu.memory_space<vmem>> -> memref<32x128xf32, #tpu.memory_space<vmem>>
      %gather3A_2762 = tpu.vector_load_idx %gather3A_2761[%iota3A_66, %broadcast_in_dim3A_2737] : memref<32x128xf32, #tpu.memory_space<vmem>>[vector<16xi32>, vector<16xi32>], vector<16xf32>,
      %gather3A_2763 = arith.constant 3 : i32
      %gather3A_2764 = arith.constant 0 : i32
      %gather3A_2765 = arith.constant 0 : i32
      %gather3A_2766 = tpu.memref_slice %arg11[%gather3A_2763, %gather3A_2764, %gather3A_2765] : memref<8x32x128xf32, #tpu.memory_space<vmem>> -> memref<1x32x128xf32, #tpu.memory_space<vmem>>
      %gather3A_2767 = tpu.memref_squeeze %gather3A_2766 : memref<1x32x128xf32, #tpu.memory_space<vmem>> -> memref<32x128xf32, #tpu.memory_space<vmem>>
      %gather3A_2768 = tpu.vector_load_idx %gather3A_2767[%add3A_69, %broadcast_in_dim3A_2737] : memref<32x128xf32, #tpu.memory_space<vmem>>[vector<16xi32>, vector<16xi32>], vector<16xf32>,
      %gather3A_2769 = arith.constant 3 : i32
      %gather3A_2770 = arith.constant 0 : i32
      %gather3A_2771 = arith.constant 0 : i32
      %gather3A_2772 = tpu.memref_slice %arg12[%gather3A_2769, %gather3A_2770, %gather3A_2771] : memref<8x32x128xf32, #tpu.memory_space<vmem>> -> memref<1x32x128xf32, #tpu.memory_space<vmem>>
      %gather3A_2773 = tpu.memref_squeeze %gather3A_2772 : memref<1x32x128xf32, #tpu.memory_space<vmem>> -> memref<32x128xf32, #tpu.memory_space<vmem>>
      %gather3A_2774 = tpu.vector_load_idx %gather3A_2773[%iota3A_66, %broadcast_in_dim3A_2756] : memref<32x128xf32, #tpu.memory_space<vmem>>[vector<16xi32>, vector<16xi32>], vector<16xf32>,
      %gather3A_2775 = arith.constant 3 : i32
      %gather3A_2776 = arith.constant 0 : i32
      %gather3A_2777 = arith.constant 0 : i32
      %gather3A_2778 = tpu.memref_slice %arg12[%gather3A_2775, %gather3A_2776, %gather3A_2777] : memref<8x32x128xf32, #tpu.memory_space<vmem>> -> memref<1x32x128xf32, #tpu.memory_space<vmem>>
      %gather3A_2779 = tpu.memref_squeeze %gather3A_2778 : memref<1x32x128xf32, #tpu.memory_space<vmem>> -> memref<32x128xf32, #tpu.memory_space<vmem>>
      %gather3A_2780 = tpu.vector_load_idx %gather3A_2779[%add3A_69, %broadcast_in_dim3A_2756] : memref<32x128xf32, #tpu.memory_space<vmem>>[vector<16xi32>, vector<16xi32>], vector<16xf32>,
      %mul3A_2781 = arith.mulf %gather3A_2762, %gather3A_2774 : vector<16xf32>
      %mul3A_2782 = arith.mulf %gather3A_2768, %gather3A_2780 : vector<16xf32>
      %add3A_2783 = arith.addf %mul3A_2781, %mul3A_2782 : vector<16xf32>
      %reduce_sum3A_2784 = arith.constant true
      %reduce_sum3A_2785 = vector.broadcast %reduce_sum3A_2784 : i1 to vector<16xi1>
      %reduce_sum3A_2786 = tpu.scan <sum>, %add3A_2783 masked %reduce_sum3A_2785 : vector<16xf32>, vector<16xi1> -> vector<16xf32>
      %reduce_sum3A_2787 = vector.extract %reduce_sum3A_2786[15] : f32 from vector<16xf32>
      %eq3A_2788 = arith.constant 11 : i32
      %eq3A_2789 = vector.broadcast %eq3A_2788 : i32 to vector<16xi32>
      %eq3A_2790 = arith.cmpi eq, %iota3A, %eq3A_2789 : vector<16xi32>
      %broadcast_in_dim3A_2791 = vector.broadcast %reduce_sum3A_2787 : f32 to vector<16xf32>
      %select_n3A_2792 = arith.select %eq3A_2790, %broadcast_in_dim3A_2791, %select_n3A_2681 : vector<16xi1>, vector<16xf32>
      %add3A_2793 = arith.constant 1 : i32
      %add3A_2794 = arith.addi %scan3A_724, %add3A_2793 : i32
      %lt3A_2795 = arith.constant 32 : i32
      %lt3A_2796 = arith.cmpi slt, %add3A_2794, %lt3A_2795 : i32
      %convert_element_type3A_2797 = arith.extui %lt3A_2796 : i1 to i32
      %cond3A_2798 = arith.constant 0 : i32
      %cond3A_2799 = arith.cmpi ne, %convert_element_type3A_2797, %cond3A_2798 : i32
      scf.if %cond3A_2799 {
        %add3A_3257 = arith.constant 1 : i32
        %add3A_3258 = arith.addi %scan3A_724, %add3A_3257 : i32
        %jit3A_3259 = arith.constant 8 : i32
        %div3A_3260 = arith.divsi %add3A_3258, %jit3A_3259 : i32
        %sign3A_3261 = arith.constant 0 : i32
        %sign3A_3262 = arith.cmpi sgt, %add3A_3258, %sign3A_3261 : i32
        %sign3A_3263 = arith.extui %sign3A_3262 : i1 to i32
        %sign3A_3264 = arith.constant 0 : i32
        %sign3A_3265 = arith.cmpi slt, %add3A_3258, %sign3A_3264 : i32
        %sign3A_3266 = arith.extui %sign3A_3265 : i1 to i32
        %sign3A_3267 = arith.subi %sign3A_3263, %sign3A_3266 : i32
        %sign3A_3268 = arith.constant 0 : i32
        %sign3A_3269 = arith.cmpi sgt, %jit3A_3259, %sign3A_3268 : i32
        %sign3A_3270 = arith.extui %sign3A_3269 : i1 to i32
        %sign3A_3271 = arith.constant 0 : i32
        %sign3A_3272 = arith.cmpi slt, %jit3A_3259, %sign3A_3271 : i32
        %sign3A_3273 = arith.extui %sign3A_3272 : i1 to i32
        %sign3A_3274 = arith.subi %sign3A_3270, %sign3A_3273 : i32
        %ne3A_3275 = arith.cmpi ne, %sign3A_3267, %sign3A_3274 : i32
        %rem3A_3276 = arith.remsi %add3A_3258, %jit3A_3259 : i32
        %ne3A_3277 = arith.constant 0 : i32
        %ne3A_3278 = arith.cmpi ne, %rem3A_3276, %ne3A_3277 : i32
        %and3A_3279 = arith.andi %ne3A_3275, %ne3A_3278 : i1
        %sub3A_3280 = arith.constant 1 : i32
        %sub3A_3281 = arith.subi %div3A_3260, %sub3A_3280 : i32
        %select_n3A_3282 = arith.select %and3A_3279, %sub3A_3281, %div3A_3260 : i32
        %jit3A_3283 = arith.constant 8 : i32
        %eq3A_3284 = arith.constant 0 : i32
        %eq3A_3285 = arith.cmpi eq, %jit3A_3283, %eq3A_3284 : i32
        %jit3A_3286 = arith.constant 1 : i32
        %select_n3A_3287 = arith.select %eq3A_3285, %jit3A_3286, %jit3A_3283 : i32
        %rem3A_3288 = arith.remsi %add3A_3258, %select_n3A_3287 : i32
        %ne3A_3289 = arith.constant 0 : i32
        %ne3A_3290 = arith.cmpi ne, %rem3A_3288, %ne3A_3289 : i32
        %lt3A_3291 = arith.constant 0 : i32
        %lt3A_3292 = arith.cmpi slt, %rem3A_3288, %lt3A_3291 : i32
        %lt3A_3293 = arith.constant 0 : i32
        %lt3A_3294 = arith.cmpi slt, %select_n3A_3287, %lt3A_3293 : i32
        %ne3A_3295 = arith.xori %lt3A_3292, %lt3A_3294 : i1
        %and3A_3296 = arith.andi %ne3A_3295, %ne3A_3290 : i1
        %add3A_3297 = arith.addi %rem3A_3288, %select_n3A_3287 : i32
        %select_n3A_3298 = arith.select %and3A_3296, %add3A_3297, %rem3A_3288 : i32
        %mul3A_3299 = arith.constant 16 : i32
        %mul3A_3300 = arith.muli %select_n3A_3298, %mul3A_3299 : i32
        %get3A_3301 = arith.index_cast %select_n3A_3282 : i32 to index
        %get3A_3302 = arith.index_cast %mul3A_3300 : i32 to index
        %get3A_3303 = tpu.vector_load %arg9[%get3A_3301, %get3A_3302] {strides = array<i32>} : memref<4x128xi32, #tpu.memory_space<vmem>>, vector<16xi32>,
        %get3A_3304 = arith.index_cast %select_n3A_3282 : i32 to index
        %get3A_3305 = arith.index_cast %mul3A_3300 : i32 to index
        %get3A_3306 = tpu.vector_load %arg10[%get3A_3304, %get3A_3305] {strides = array<i32>} : memref<4x128xi32, #tpu.memory_space<vmem>>, vector<16xi32>,
        %slice3A_3307 = vector.extract_strided_slice %get3A_3303 {offsets = [3], sizes = [1], strides = [1]} : vector<16xi32> to vector<1xi32>
        %squeeze3A_3308 = vector.extract %slice3A_3307[0] : i32 from vector<1xi32>
        %slice3A_3309 = vector.extract_strided_slice %get3A_3306 {offsets = [3], sizes = [1], strides = [1]} : vector<16xi32> to vector<1xi32>
        %squeeze3A_3310 = vector.extract %slice3A_3309[0] : i32 from vector<1xi32>
        %jit3A_3311 = arith.constant 128 : i32
        %div3A_3312 = arith.divsi %squeeze3A_3308, %jit3A_3311 : i32
        %sign3A_3313 = arith.constant 0 : i32
        %sign3A_3314 = arith.cmpi sgt, %squeeze3A_3308, %sign3A_3313 : i32
        %sign3A_3315 = arith.extui %sign3A_3314 : i1 to i32
        %sign3A_3316 = arith.constant 0 : i32
        %sign3A_3317 = arith.cmpi slt, %squeeze3A_3308, %sign3A_3316 : i32
        %sign3A_3318 = arith.extui %sign3A_3317 : i1 to i32
        %sign3A_3319 = arith.subi %sign3A_3315, %sign3A_3318 : i32
        %sign3A_3320 = arith.constant 0 : i32
        %sign3A_3321 = arith.cmpi sgt, %jit3A_3311, %sign3A_3320 : i32
        %sign3A_3322 = arith.extui %sign3A_3321 : i1 to i32
        %sign3A_3323 = arith.constant 0 : i32
        %sign3A_3324 = arith.cmpi slt, %jit3A_3311, %sign3A_3323 : i32
        %sign3A_3325 = arith.extui %sign3A_3324 : i1 to i32
        %sign3A_3326 = arith.subi %sign3A_3322, %sign3A_3325 : i32
        %ne3A_3327 = arith.cmpi ne, %sign3A_3319, %sign3A_3326 : i32
        %rem3A_3328 = arith.remsi %squeeze3A_3308, %jit3A_3311 : i32
        %ne3A_3329 = arith.constant 0 : i32
        %ne3A_3330 = arith.cmpi ne, %rem3A_3328, %ne3A_3329 : i32
        %and3A_3331 = arith.andi %ne3A_3327, %ne3A_3330 : i1
        %sub3A_3332 = arith.constant 1 : i32
        %sub3A_3333 = arith.subi %div3A_3312, %sub3A_3332 : i32
        %select_n3A_3334 = arith.select %and3A_3331, %sub3A_3333, %div3A_3312 : i32
        %mul3A_3335 = arith.constant 128 : i32
        %mul3A_3336 = arith.muli %select_n3A_3334, %mul3A_3335 : i32
        %multiple_of3A_3337 = tpu.assume_multiple %mul3A_3336, 128 : i32
        %jit3A_3338 = arith.constant 128 : i32
        %div3A_3339 = arith.divsi %squeeze3A_3310, %jit3A_3338 : i32
        %sign3A_3340 = arith.constant 0 : i32
        %sign3A_3341 = arith.cmpi sgt, %squeeze3A_3310, %sign3A_3340 : i32
        %sign3A_3342 = arith.extui %sign3A_3341 : i1 to i32
        %sign3A_3343 = arith.constant 0 : i32
        %sign3A_3344 = arith.cmpi slt, %squeeze3A_3310, %sign3A_3343 : i32
        %sign3A_3345 = arith.extui %sign3A_3344 : i1 to i32
        %sign3A_3346 = arith.subi %sign3A_3342, %sign3A_3345 : i32
        %sign3A_3347 = arith.constant 0 : i32
        %sign3A_3348 = arith.cmpi sgt, %jit3A_3338, %sign3A_3347 : i32
        %sign3A_3349 = arith.extui %sign3A_3348 : i1 to i32
        %sign3A_3350 = arith.constant 0 : i32
        %sign3A_3351 = arith.cmpi slt, %jit3A_3338, %sign3A_3350 : i32
        %sign3A_3352 = arith.extui %sign3A_3351 : i1 to i32
        %sign3A_3353 = arith.subi %sign3A_3349, %sign3A_3352 : i32
        %ne3A_3354 = arith.cmpi ne, %sign3A_3346, %sign3A_3353 : i32
        %rem3A_3355 = arith.remsi %squeeze3A_3310, %jit3A_3338 : i32
        %ne3A_3356 = arith.constant 0 : i32
        %ne3A_3357 = arith.cmpi ne, %rem3A_3355, %ne3A_3356 : i32
        %and3A_3358 = arith.andi %ne3A_3354, %ne3A_3357 : i1
        %sub3A_3359 = arith.constant 1 : i32
        %sub3A_3360 = arith.subi %div3A_3339, %sub3A_3359 : i32
        %select_n3A_3361 = arith.select %and3A_3358, %sub3A_3360, %div3A_3339 : i32
        %mul3A_3362 = arith.constant 128 : i32
        %mul3A_3363 = arith.muli %select_n3A_3361, %mul3A_3362 : i32
        %multiple_of3A_3364 = tpu.assume_multiple %mul3A_3363, 128 : i32
        %dma_start3A_3365 = arith.constant 3 : i32
        %dma_start3A_3366 = arith.constant 0 : i32
        %dma_start3A_3367 = arith.constant 0 : i32
        %dma_start3A_3368 = tpu.memref_slice %arg11[%dma_start3A_3365, %dma_start3A_3366, %dma_start3A_3367] : memref<8x32x128xf32, #tpu.memory_space<vmem>> -> memref<1x32x128xf32, #tpu.memory_space<vmem>>
        %dma_start3A_3369 = tpu.memref_squeeze %dma_start3A_3368 : memref<1x32x128xf32, #tpu.memory_space<vmem>> -> memref<32x128xf32, #tpu.memory_space<vmem>>
        %dma_start3A_3370 = arith.constant 0 : i32
        %dma_start3A_3371 = tpu.memref_slice %arg4[%dma_start3A_3370, %multiple_of3A_3337] : memref<32x1000000xf32, #tpu.memory_space<hbm>> -> memref<32x128xf32, #tpu.memory_space<hbm>>
        %dma_start3A_3372 = arith.constant 0 : i32
        %dma_start3A_3373 = arith.constant 0 : i32
        %dma_start3A_3374 = tpu.memref_slice %arg11[%dma_start3A_3365, %dma_start3A_3372, %dma_start3A_3373] : memref<8x32x128xf32, #tpu.memory_space<vmem>> -> memref<1x32x128xf32, #tpu.memory_space<vmem>>
        %dma_start3A_3375 = tpu.memref_squeeze %dma_start3A_3374 : memref<1x32x128xf32, #tpu.memory_space<vmem>> -> memref<32x128xf32, #tpu.memory_space<vmem>>
        %dma_start3A_3376 = arith.constant 0 : i32
        %dma_start3A_3377 = tpu.memref_slice %arg4[%dma_start3A_3376, %multiple_of3A_3337] : memref<32x1000000xf32, #tpu.memory_space<hbm>> -> memref<32x128xf32, #tpu.memory_space<hbm>>
        tpu.enqueue_dma source(%dma_start3A_3377 : memref<32x128xf32, #tpu.memory_space<hbm>>) target(%dma_start3A_3375 : memref<32x128xf32, #tpu.memory_space<vmem>>) target_semaphore(%arg16 : memref<!tpu.dma_semaphore, #tpu.memory_space<semaphore_mem>>)
        %dma_start3A_3378 = arith.constant 3 : i32
        %dma_start3A_3379 = arith.constant 0 : i32
        %dma_start3A_3380 = arith.constant 0 : i32
        %dma_start3A_3381 = tpu.memref_slice %arg12[%dma_start3A_3378, %dma_start3A_3379, %dma_start3A_3380] : memref<8x32x128xf32, #tpu.memory_space<vmem>> -> memref<1x32x128xf32, #tpu.memory_space<vmem>>
        %dma_start3A_3382 = tpu.memref_squeeze %dma_start3A_3381 : memref<1x32x128xf32, #tpu.memory_space<vmem>> -> memref<32x128xf32, #tpu.memory_space<vmem>>
        %dma_start3A_3383 = arith.constant 0 : i32
        %dma_start3A_3384 = tpu.memref_slice %arg5[%dma_start3A_3383, %multiple_of3A_3364] : memref<32x1000000xf32, #tpu.memory_space<hbm>> -> memref<32x128xf32, #tpu.memory_space<hbm>>
        %dma_start3A_3385 = arith.constant 0 : i32
        %dma_start3A_3386 = arith.constant 0 : i32
        %dma_start3A_3387 = tpu.memref_slice %arg12[%dma_start3A_3378, %dma_start3A_3385, %dma_start3A_3386] : memref<8x32x128xf32, #tpu.memory_space<vmem>> -> memref<1x32x128xf32, #tpu.memory_space<vmem>>
        %dma_start3A_3388 = tpu.memref_squeeze %dma_start3A_3387 : memref<1x32x128xf32, #tpu.memory_space<vmem>> -> memref<32x128xf32, #tpu.memory_space<vmem>>
        %dma_start3A_3389 = arith.constant 0 : i32
        %dma_start3A_3390 = tpu.memref_slice %arg5[%dma_start3A_3389, %multiple_of3A_3364] : memref<32x1000000xf32, #tpu.memory_space<hbm>> -> memref<32x128xf32, #tpu.memory_space<hbm>>
        tpu.enqueue_dma source(%dma_start3A_3390 : memref<32x128xf32, #tpu.memory_space<hbm>>) target(%dma_start3A_3388 : memref<32x128xf32, #tpu.memory_space<vmem>>) target_semaphore(%arg17 : memref<!tpu.dma_semaphore, #tpu.memory_space<semaphore_mem>>)
      } else {
      }
      %dma_wait3A_2800 = arith.constant 4 : i32
      %dma_wait3A_2801 = arith.constant 0 : i32
      %dma_wait3A_2802 = arith.constant 0 : i32
      %dma_wait3A_2803 = tpu.memref_slice %arg11[%dma_wait3A_2800, %dma_wait3A_2801, %dma_wait3A_2802] : memref<8x32x128xf32, #tpu.memory_space<vmem>> -> memref<1x32x128xf32, #tpu.memory_space<vmem>>
      %dma_wait3A_2804 = tpu.memref_squeeze %dma_wait3A_2803 : memref<1x32x128xf32, #tpu.memory_space<vmem>> -> memref<32x128xf32, #tpu.memory_space<vmem>>
      %dma_wait3A_2805 = arith.constant 0 : i32
      %dma_wait3A_2806 = arith.constant 0 : i32
      %dma_wait3A_2807 = tpu.memref_slice %arg4[%dma_wait3A_2805, %dma_wait3A_2806] : memref<32x1000000xf32, #tpu.memory_space<hbm>> -> memref<32x128xf32, #tpu.memory_space<hbm>>
      %dma_wait3A_2808 = arith.constant 0 : i32
      %dma_wait3A_2809 = arith.constant 0 : i32
      %dma_wait3A_2810 = tpu.memref_slice %arg11[%dma_wait3A_2800, %dma_wait3A_2808, %dma_wait3A_2809] : memref<8x32x128xf32, #tpu.memory_space<vmem>> -> memref<1x32x128xf32, #tpu.memory_space<vmem>>
      %dma_wait3A_2811 = tpu.memref_squeeze %dma_wait3A_2810 : memref<1x32x128xf32, #tpu.memory_space<vmem>> -> memref<32x128xf32, #tpu.memory_space<vmem>>
      %dma_wait3A_2812 = arith.constant 0 : i32
      %dma_wait3A_2813 = arith.constant 0 : i32
      %dma_wait3A_2814 = tpu.memref_slice %arg4[%dma_wait3A_2812, %dma_wait3A_2813] : memref<32x1000000xf32, #tpu.memory_space<hbm>> -> memref<32x128xf32, #tpu.memory_space<hbm>>
      tpu.wait_dma2 semaphore(%arg16 : memref<!tpu.dma_semaphore, #tpu.memory_space<semaphore_mem>>) src(%dma_wait3A_2814 : memref<32x128xf32, #tpu.memory_space<hbm>>) dst(%dma_wait3A_2811 : memref<32x128xf32, #tpu.memory_space<vmem>>)
      %dma_wait3A_2815 = arith.constant 4 : i32
      %dma_wait3A_2816 = arith.constant 0 : i32
      %dma_wait3A_2817 = arith.constant 0 : i32
      %dma_wait3A_2818 = tpu.memref_slice %arg12[%dma_wait3A_2815, %dma_wait3A_2816, %dma_wait3A_2817] : memref<8x32x128xf32, #tpu.memory_space<vmem>> -> memref<1x32x128xf32, #tpu.memory_space<vmem>>
      %dma_wait3A_2819 = tpu.memref_squeeze %dma_wait3A_2818 : memref<1x32x128xf32, #tpu.memory_space<vmem>> -> memref<32x128xf32, #tpu.memory_space<vmem>>
      %dma_wait3A_2820 = arith.constant 0 : i32
      %dma_wait3A_2821 = arith.constant 0 : i32
      %dma_wait3A_2822 = tpu.memref_slice %arg5[%dma_wait3A_2820, %dma_wait3A_2821] : memref<32x1000000xf32, #tpu.memory_space<hbm>> -> memref<32x128xf32, #tpu.memory_space<hbm>>
      %dma_wait3A_2823 = arith.constant 0 : i32
      %dma_wait3A_2824 = arith.constant 0 : i32
      %dma_wait3A_2825 = tpu.memref_slice %arg12[%dma_wait3A_2815, %dma_wait3A_2823, %dma_wait3A_2824] : memref<8x32x128xf32, #tpu.memory_space<vmem>> -> memref<1x32x128xf32, #tpu.memory_space<vmem>>
      %dma_wait3A_2826 = tpu.memref_squeeze %dma_wait3A_2825 : memref<1x32x128xf32, #tpu.memory_space<vmem>> -> memref<32x128xf32, #tpu.memory_space<vmem>>
      %dma_wait3A_2827 = arith.constant 0 : i32
      %dma_wait3A_2828 = arith.constant 0 : i32
      %dma_wait3A_2829 = tpu.memref_slice %arg5[%dma_wait3A_2827, %dma_wait3A_2828] : memref<32x1000000xf32, #tpu.memory_space<hbm>> -> memref<32x128xf32, #tpu.memory_space<hbm>>
      tpu.wait_dma2 semaphore(%arg17 : memref<!tpu.dma_semaphore, #tpu.memory_space<semaphore_mem>>) src(%dma_wait3A_2829 : memref<32x128xf32, #tpu.memory_space<hbm>>) dst(%dma_wait3A_2826 : memref<32x128xf32, #tpu.memory_space<vmem>>)
      %slice3A_2830 = vector.extract_strided_slice %get3A_767 {offsets = [12], sizes = [1], strides = [1]} : vector<16xi32> to vector<1xi32>
      %squeeze3A_2831 = vector.extract %slice3A_2830[0] : i32 from vector<1xi32>
      %jit3A_2832 = arith.constant 128 : i32
      %eq3A_2833 = arith.constant 0 : i32
      %eq3A_2834 = arith.cmpi eq, %jit3A_2832, %eq3A_2833 : i32
      %jit3A_2835 = arith.constant 1 : i32
      %select_n3A_2836 = arith.select %eq3A_2834, %jit3A_2835, %jit3A_2832 : i32
      %rem3A_2837 = arith.remsi %squeeze3A_2831, %select_n3A_2836 : i32
      %ne3A_2838 = arith.constant 0 : i32
      %ne3A_2839 = arith.cmpi ne, %rem3A_2837, %ne3A_2838 : i32
      %lt3A_2840 = arith.constant 0 : i32
      %lt3A_2841 = arith.cmpi slt, %rem3A_2837, %lt3A_2840 : i32
      %lt3A_2842 = arith.constant 0 : i32
      %lt3A_2843 = arith.cmpi slt, %select_n3A_2836, %lt3A_2842 : i32
      %ne3A_2844 = arith.xori %lt3A_2841, %lt3A_2843 : i1
      %and3A_2845 = arith.andi %ne3A_2844, %ne3A_2839 : i1
      %add3A_2846 = arith.addi %rem3A_2837, %select_n3A_2836 : i32
      %select_n3A_2847 = arith.select %and3A_2845, %add3A_2846, %rem3A_2837 : i32
      %broadcast_in_dim3A_2848 = vector.broadcast %select_n3A_2847 : i32 to vector<16xi32>
      %slice3A_2849 = vector.extract_strided_slice %get3A_770 {offsets = [12], sizes = [1], strides = [1]} : vector<16xi32> to vector<1xi32>
      %squeeze3A_2850 = vector.extract %slice3A_2849[0] : i32 from vector<1xi32>
      %jit3A_2851 = arith.constant 128 : i32
      %eq3A_2852 = arith.constant 0 : i32
      %eq3A_2853 = arith.cmpi eq, %jit3A_2851, %eq3A_2852 : i32
      %jit3A_2854 = arith.constant 1 : i32
      %select_n3A_2855 = arith.select %eq3A_2853, %jit3A_2854, %jit3A_2851 : i32
      %rem3A_2856 = arith.remsi %squeeze3A_2850, %select_n3A_2855 : i32
      %ne3A_2857 = arith.constant 0 : i32
      %ne3A_2858 = arith.cmpi ne, %rem3A_2856, %ne3A_2857 : i32
      %lt3A_2859 = arith.constant 0 : i32
      %lt3A_2860 = arith.cmpi slt, %rem3A_2856, %lt3A_2859 : i32
      %lt3A_2861 = arith.constant 0 : i32
      %lt3A_2862 = arith.cmpi slt, %select_n3A_2855, %lt3A_2861 : i32
      %ne3A_2863 = arith.xori %lt3A_2860, %lt3A_2862 : i1
      %and3A_2864 = arith.andi %ne3A_2863, %ne3A_2858 : i1
      %add3A_2865 = arith.addi %rem3A_2856, %select_n3A_2855 : i32
      %select_n3A_2866 = arith.select %and3A_2864, %add3A_2865, %rem3A_2856 : i32
      %broadcast_in_dim3A_2867 = vector.broadcast %select_n3A_2866 : i32 to vector<16xi32>
      %gather3A_2868 = arith.constant 4 : i32
      %gather3A_2869 = arith.constant 0 : i32
      %gather3A_2870 = arith.constant 0 : i32
      %gather3A_2871 = tpu.memref_slice %arg11[%gather3A_2868, %gather3A_2869, %gather3A_2870] : memref<8x32x128xf32, #tpu.memory_space<vmem>> -> memref<1x32x128xf32, #tpu.memory_space<vmem>>
      %gather3A_2872 = tpu.memref_squeeze %gather3A_2871 : memref<1x32x128xf32, #tpu.memory_space<vmem>> -> memref<32x128xf32, #tpu.memory_space<vmem>>
      %gather3A_2873 = tpu.vector_load_idx %gather3A_2872[%iota3A_66, %broadcast_in_dim3A_2848] : memref<32x128xf32, #tpu.memory_space<vmem>>[vector<16xi32>, vector<16xi32>], vector<16xf32>,
      %gather3A_2874 = arith.constant 4 : i32
      %gather3A_2875 = arith.constant 0 : i32
      %gather3A_2876 = arith.constant 0 : i32
      %gather3A_2877 = tpu.memref_slice %arg11[%gather3A_2874, %gather3A_2875, %gather3A_2876] : memref<8x32x128xf32, #tpu.memory_space<vmem>> -> memref<1x32x128xf32, #tpu.memory_space<vmem>>
      %gather3A_2878 = tpu.memref_squeeze %gather3A_2877 : memref<1x32x128xf32, #tpu.memory_space<vmem>> -> memref<32x128xf32, #tpu.memory_space<vmem>>
      %gather3A_2879 = tpu.vector_load_idx %gather3A_2878[%add3A_69, %broadcast_in_dim3A_2848] : memref<32x128xf32, #tpu.memory_space<vmem>>[vector<16xi32>, vector<16xi32>], vector<16xf32>,
      %gather3A_2880 = arith.constant 4 : i32
      %gather3A_2881 = arith.constant 0 : i32
      %gather3A_2882 = arith.constant 0 : i32
      %gather3A_2883 = tpu.memref_slice %arg12[%gather3A_2880, %gather3A_2881, %gather3A_2882] : memref<8x32x128xf32, #tpu.memory_space<vmem>> -> memref<1x32x128xf32, #tpu.memory_space<vmem>>
      %gather3A_2884 = tpu.memref_squeeze %gather3A_2883 : memref<1x32x128xf32, #tpu.memory_space<vmem>> -> memref<32x128xf32, #tpu.memory_space<vmem>>
      %gather3A_2885 = tpu.vector_load_idx %gather3A_2884[%iota3A_66, %broadcast_in_dim3A_2867] : memref<32x128xf32, #tpu.memory_space<vmem>>[vector<16xi32>, vector<16xi32>], vector<16xf32>,
      %gather3A_2886 = arith.constant 4 : i32
      %gather3A_2887 = arith.constant 0 : i32
      %gather3A_2888 = arith.constant 0 : i32
      %gather3A_2889 = tpu.memref_slice %arg12[%gather3A_2886, %gather3A_2887, %gather3A_2888] : memref<8x32x128xf32, #tpu.memory_space<vmem>> -> memref<1x32x128xf32, #tpu.memory_space<vmem>>
      %gather3A_2890 = tpu.memref_squeeze %gather3A_2889 : memref<1x32x128xf32, #tpu.memory_space<vmem>> -> memref<32x128xf32, #tpu.memory_space<vmem>>
      %gather3A_2891 = tpu.vector_load_idx %gather3A_2890[%add3A_69, %broadcast_in_dim3A_2867] : memref<32x128xf32, #tpu.memory_space<vmem>>[vector<16xi32>, vector<16xi32>], vector<16xf32>,
      %mul3A_2892 = arith.mulf %gather3A_2873, %gather3A_2885 : vector<16xf32>
      %mul3A_2893 = arith.mulf %gather3A_2879, %gather3A_2891 : vector<16xf32>
      %add3A_2894 = arith.addf %mul3A_2892, %mul3A_2893 : vector<16xf32>
      %reduce_sum3A_2895 = arith.constant true
      %reduce_sum3A_2896 = vector.broadcast %reduce_sum3A_2895 : i1 to vector<16xi1>
      %reduce_sum3A_2897 = tpu.scan <sum>, %add3A_2894 masked %reduce_sum3A_2896 : vector<16xf32>, vector<16xi1> -> vector<16xf32>
      %reduce_sum3A_2898 = vector.extract %reduce_sum3A_2897[15] : f32 from vector<16xf32>
      %eq3A_2899 = arith.constant 12 : i32
      %eq3A_2900 = vector.broadcast %eq3A_2899 : i32 to vector<16xi32>
      %eq3A_2901 = arith.cmpi eq, %iota3A, %eq3A_2900 : vector<16xi32>
      %broadcast_in_dim3A_2902 = vector.broadcast %reduce_sum3A_2898 : f32 to vector<16xf32>
      %select_n3A_2903 = arith.select %eq3A_2901, %broadcast_in_dim3A_2902, %select_n3A_2792 : vector<16xi1>, vector<16xf32>
      %add3A_2904 = arith.constant 1 : i32
      %add3A_2905 = arith.addi %scan3A_724, %add3A_2904 : i32
      %lt3A_2906 = arith.constant 32 : i32
      %lt3A_2907 = arith.cmpi slt, %add3A_2905, %lt3A_2906 : i32
      %convert_element_type3A_2908 = arith.extui %lt3A_2907 : i1 to i32
      %cond3A_2909 = arith.constant 0 : i32
      %cond3A_2910 = arith.cmpi ne, %convert_element_type3A_2908, %cond3A_2909 : i32
      scf.if %cond3A_2910 {
        %add3A_3257 = arith.constant 1 : i32
        %add3A_3258 = arith.addi %scan3A_724, %add3A_3257 : i32
        %jit3A_3259 = arith.constant 8 : i32
        %div3A_3260 = arith.divsi %add3A_3258, %jit3A_3259 : i32
        %sign3A_3261 = arith.constant 0 : i32
        %sign3A_3262 = arith.cmpi sgt, %add3A_3258, %sign3A_3261 : i32
        %sign3A_3263 = arith.extui %sign3A_3262 : i1 to i32
        %sign3A_3264 = arith.constant 0 : i32
        %sign3A_3265 = arith.cmpi slt, %add3A_3258, %sign3A_3264 : i32
        %sign3A_3266 = arith.extui %sign3A_3265 : i1 to i32
        %sign3A_3267 = arith.subi %sign3A_3263, %sign3A_3266 : i32
        %sign3A_3268 = arith.constant 0 : i32
        %sign3A_3269 = arith.cmpi sgt, %jit3A_3259, %sign3A_3268 : i32
        %sign3A_3270 = arith.extui %sign3A_3269 : i1 to i32
        %sign3A_3271 = arith.constant 0 : i32
        %sign3A_3272 = arith.cmpi slt, %jit3A_3259, %sign3A_3271 : i32
        %sign3A_3273 = arith.extui %sign3A_3272 : i1 to i32
        %sign3A_3274 = arith.subi %sign3A_3270, %sign3A_3273 : i32
        %ne3A_3275 = arith.cmpi ne, %sign3A_3267, %sign3A_3274 : i32
        %rem3A_3276 = arith.remsi %add3A_3258, %jit3A_3259 : i32
        %ne3A_3277 = arith.constant 0 : i32
        %ne3A_3278 = arith.cmpi ne, %rem3A_3276, %ne3A_3277 : i32
        %and3A_3279 = arith.andi %ne3A_3275, %ne3A_3278 : i1
        %sub3A_3280 = arith.constant 1 : i32
        %sub3A_3281 = arith.subi %div3A_3260, %sub3A_3280 : i32
        %select_n3A_3282 = arith.select %and3A_3279, %sub3A_3281, %div3A_3260 : i32
        %jit3A_3283 = arith.constant 8 : i32
        %eq3A_3284 = arith.constant 0 : i32
        %eq3A_3285 = arith.cmpi eq, %jit3A_3283, %eq3A_3284 : i32
        %jit3A_3286 = arith.constant 1 : i32
        %select_n3A_3287 = arith.select %eq3A_3285, %jit3A_3286, %jit3A_3283 : i32
        %rem3A_3288 = arith.remsi %add3A_3258, %select_n3A_3287 : i32
        %ne3A_3289 = arith.constant 0 : i32
        %ne3A_3290 = arith.cmpi ne, %rem3A_3288, %ne3A_3289 : i32
        %lt3A_3291 = arith.constant 0 : i32
        %lt3A_3292 = arith.cmpi slt, %rem3A_3288, %lt3A_3291 : i32
        %lt3A_3293 = arith.constant 0 : i32
        %lt3A_3294 = arith.cmpi slt, %select_n3A_3287, %lt3A_3293 : i32
        %ne3A_3295 = arith.xori %lt3A_3292, %lt3A_3294 : i1
        %and3A_3296 = arith.andi %ne3A_3295, %ne3A_3290 : i1
        %add3A_3297 = arith.addi %rem3A_3288, %select_n3A_3287 : i32
        %select_n3A_3298 = arith.select %and3A_3296, %add3A_3297, %rem3A_3288 : i32
        %mul3A_3299 = arith.constant 16 : i32
        %mul3A_3300 = arith.muli %select_n3A_3298, %mul3A_3299 : i32
        %get3A_3301 = arith.index_cast %select_n3A_3282 : i32 to index
        %get3A_3302 = arith.index_cast %mul3A_3300 : i32 to index
        %get3A_3303 = tpu.vector_load %arg9[%get3A_3301, %get3A_3302] {strides = array<i32>} : memref<4x128xi32, #tpu.memory_space<vmem>>, vector<16xi32>,
        %get3A_3304 = arith.index_cast %select_n3A_3282 : i32 to index
        %get3A_3305 = arith.index_cast %mul3A_3300 : i32 to index
        %get3A_3306 = tpu.vector_load %arg10[%get3A_3304, %get3A_3305] {strides = array<i32>} : memref<4x128xi32, #tpu.memory_space<vmem>>, vector<16xi32>,
        %slice3A_3307 = vector.extract_strided_slice %get3A_3303 {offsets = [4], sizes = [1], strides = [1]} : vector<16xi32> to vector<1xi32>
        %squeeze3A_3308 = vector.extract %slice3A_3307[0] : i32 from vector<1xi32>
        %slice3A_3309 = vector.extract_strided_slice %get3A_3306 {offsets = [4], sizes = [1], strides = [1]} : vector<16xi32> to vector<1xi32>
        %squeeze3A_3310 = vector.extract %slice3A_3309[0] : i32 from vector<1xi32>
        %jit3A_3311 = arith.constant 128 : i32
        %div3A_3312 = arith.divsi %squeeze3A_3308, %jit3A_3311 : i32
        %sign3A_3313 = arith.constant 0 : i32
        %sign3A_3314 = arith.cmpi sgt, %squeeze3A_3308, %sign3A_3313 : i32
        %sign3A_3315 = arith.extui %sign3A_3314 : i1 to i32
        %sign3A_3316 = arith.constant 0 : i32
        %sign3A_3317 = arith.cmpi slt, %squeeze3A_3308, %sign3A_3316 : i32
        %sign3A_3318 = arith.extui %sign3A_3317 : i1 to i32
        %sign3A_3319 = arith.subi %sign3A_3315, %sign3A_3318 : i32
        %sign3A_3320 = arith.constant 0 : i32
        %sign3A_3321 = arith.cmpi sgt, %jit3A_3311, %sign3A_3320 : i32
        %sign3A_3322 = arith.extui %sign3A_3321 : i1 to i32
        %sign3A_3323 = arith.constant 0 : i32
        %sign3A_3324 = arith.cmpi slt, %jit3A_3311, %sign3A_3323 : i32
        %sign3A_3325 = arith.extui %sign3A_3324 : i1 to i32
        %sign3A_3326 = arith.subi %sign3A_3322, %sign3A_3325 : i32
        %ne3A_3327 = arith.cmpi ne, %sign3A_3319, %sign3A_3326 : i32
        %rem3A_3328 = arith.remsi %squeeze3A_3308, %jit3A_3311 : i32
        %ne3A_3329 = arith.constant 0 : i32
        %ne3A_3330 = arith.cmpi ne, %rem3A_3328, %ne3A_3329 : i32
        %and3A_3331 = arith.andi %ne3A_3327, %ne3A_3330 : i1
        %sub3A_3332 = arith.constant 1 : i32
        %sub3A_3333 = arith.subi %div3A_3312, %sub3A_3332 : i32
        %select_n3A_3334 = arith.select %and3A_3331, %sub3A_3333, %div3A_3312 : i32
        %mul3A_3335 = arith.constant 128 : i32
        %mul3A_3336 = arith.muli %select_n3A_3334, %mul3A_3335 : i32
        %multiple_of3A_3337 = tpu.assume_multiple %mul3A_3336, 128 : i32
        %jit3A_3338 = arith.constant 128 : i32
        %div3A_3339 = arith.divsi %squeeze3A_3310, %jit3A_3338 : i32
        %sign3A_3340 = arith.constant 0 : i32
        %sign3A_3341 = arith.cmpi sgt, %squeeze3A_3310, %sign3A_3340 : i32
        %sign3A_3342 = arith.extui %sign3A_3341 : i1 to i32
        %sign3A_3343 = arith.constant 0 : i32
        %sign3A_3344 = arith.cmpi slt, %squeeze3A_3310, %sign3A_3343 : i32
        %sign3A_3345 = arith.extui %sign3A_3344 : i1 to i32
        %sign3A_3346 = arith.subi %sign3A_3342, %sign3A_3345 : i32
        %sign3A_3347 = arith.constant 0 : i32
        %sign3A_3348 = arith.cmpi sgt, %jit3A_3338, %sign3A_3347 : i32
        %sign3A_3349 = arith.extui %sign3A_3348 : i1 to i32
        %sign3A_3350 = arith.constant 0 : i32
        %sign3A_3351 = arith.cmpi slt, %jit3A_3338, %sign3A_3350 : i32
        %sign3A_3352 = arith.extui %sign3A_3351 : i1 to i32
        %sign3A_3353 = arith.subi %sign3A_3349, %sign3A_3352 : i32
        %ne3A_3354 = arith.cmpi ne, %sign3A_3346, %sign3A_3353 : i32
        %rem3A_3355 = arith.remsi %squeeze3A_3310, %jit3A_3338 : i32
        %ne3A_3356 = arith.constant 0 : i32
        %ne3A_3357 = arith.cmpi ne, %rem3A_3355, %ne3A_3356 : i32
        %and3A_3358 = arith.andi %ne3A_3354, %ne3A_3357 : i1
        %sub3A_3359 = arith.constant 1 : i32
        %sub3A_3360 = arith.subi %div3A_3339, %sub3A_3359 : i32
        %select_n3A_3361 = arith.select %and3A_3358, %sub3A_3360, %div3A_3339 : i32
        %mul3A_3362 = arith.constant 128 : i32
        %mul3A_3363 = arith.muli %select_n3A_3361, %mul3A_3362 : i32
        %multiple_of3A_3364 = tpu.assume_multiple %mul3A_3363, 128 : i32
        %dma_start3A_3365 = arith.constant 4 : i32
        %dma_start3A_3366 = arith.constant 0 : i32
        %dma_start3A_3367 = arith.constant 0 : i32
        %dma_start3A_3368 = tpu.memref_slice %arg11[%dma_start3A_3365, %dma_start3A_3366, %dma_start3A_3367] : memref<8x32x128xf32, #tpu.memory_space<vmem>> -> memref<1x32x128xf32, #tpu.memory_space<vmem>>
        %dma_start3A_3369 = tpu.memref_squeeze %dma_start3A_3368 : memref<1x32x128xf32, #tpu.memory_space<vmem>> -> memref<32x128xf32, #tpu.memory_space<vmem>>
        %dma_start3A_3370 = arith.constant 0 : i32
        %dma_start3A_3371 = tpu.memref_slice %arg4[%dma_start3A_3370, %multiple_of3A_3337] : memref<32x1000000xf32, #tpu.memory_space<hbm>> -> memref<32x128xf32, #tpu.memory_space<hbm>>
        %dma_start3A_3372 = arith.constant 0 : i32
        %dma_start3A_3373 = arith.constant 0 : i32
        %dma_start3A_3374 = tpu.memref_slice %arg11[%dma_start3A_3365, %dma_start3A_3372, %dma_start3A_3373] : memref<8x32x128xf32, #tpu.memory_space<vmem>> -> memref<1x32x128xf32, #tpu.memory_space<vmem>>
        %dma_start3A_3375 = tpu.memref_squeeze %dma_start3A_3374 : memref<1x32x128xf32, #tpu.memory_space<vmem>> -> memref<32x128xf32, #tpu.memory_space<vmem>>
        %dma_start3A_3376 = arith.constant 0 : i32
        %dma_start3A_3377 = tpu.memref_slice %arg4[%dma_start3A_3376, %multiple_of3A_3337] : memref<32x1000000xf32, #tpu.memory_space<hbm>> -> memref<32x128xf32, #tpu.memory_space<hbm>>
        tpu.enqueue_dma source(%dma_start3A_3377 : memref<32x128xf32, #tpu.memory_space<hbm>>) target(%dma_start3A_3375 : memref<32x128xf32, #tpu.memory_space<vmem>>) target_semaphore(%arg16 : memref<!tpu.dma_semaphore, #tpu.memory_space<semaphore_mem>>)
        %dma_start3A_3378 = arith.constant 4 : i32
        %dma_start3A_3379 = arith.constant 0 : i32
        %dma_start3A_3380 = arith.constant 0 : i32
        %dma_start3A_3381 = tpu.memref_slice %arg12[%dma_start3A_3378, %dma_start3A_3379, %dma_start3A_3380] : memref<8x32x128xf32, #tpu.memory_space<vmem>> -> memref<1x32x128xf32, #tpu.memory_space<vmem>>
        %dma_start3A_3382 = tpu.memref_squeeze %dma_start3A_3381 : memref<1x32x128xf32, #tpu.memory_space<vmem>> -> memref<32x128xf32, #tpu.memory_space<vmem>>
        %dma_start3A_3383 = arith.constant 0 : i32
        %dma_start3A_3384 = tpu.memref_slice %arg5[%dma_start3A_3383, %multiple_of3A_3364] : memref<32x1000000xf32, #tpu.memory_space<hbm>> -> memref<32x128xf32, #tpu.memory_space<hbm>>
        %dma_start3A_3385 = arith.constant 0 : i32
        %dma_start3A_3386 = arith.constant 0 : i32
        %dma_start3A_3387 = tpu.memref_slice %arg12[%dma_start3A_3378, %dma_start3A_3385, %dma_start3A_3386] : memref<8x32x128xf32, #tpu.memory_space<vmem>> -> memref<1x32x128xf32, #tpu.memory_space<vmem>>
        %dma_start3A_3388 = tpu.memref_squeeze %dma_start3A_3387 : memref<1x32x128xf32, #tpu.memory_space<vmem>> -> memref<32x128xf32, #tpu.memory_space<vmem>>
        %dma_start3A_3389 = arith.constant 0 : i32
        %dma_start3A_3390 = tpu.memref_slice %arg5[%dma_start3A_3389, %multiple_of3A_3364] : memref<32x1000000xf32, #tpu.memory_space<hbm>> -> memref<32x128xf32, #tpu.memory_space<hbm>>
        tpu.enqueue_dma source(%dma_start3A_3390 : memref<32x128xf32, #tpu.memory_space<hbm>>) target(%dma_start3A_3388 : memref<32x128xf32, #tpu.memory_space<vmem>>) target_semaphore(%arg17 : memref<!tpu.dma_semaphore, #tpu.memory_space<semaphore_mem>>)
      } else {
      }
      %dma_wait3A_2911 = arith.constant 5 : i32
      %dma_wait3A_2912 = arith.constant 0 : i32
      %dma_wait3A_2913 = arith.constant 0 : i32
      %dma_wait3A_2914 = tpu.memref_slice %arg11[%dma_wait3A_2911, %dma_wait3A_2912, %dma_wait3A_2913] : memref<8x32x128xf32, #tpu.memory_space<vmem>> -> memref<1x32x128xf32, #tpu.memory_space<vmem>>
      %dma_wait3A_2915 = tpu.memref_squeeze %dma_wait3A_2914 : memref<1x32x128xf32, #tpu.memory_space<vmem>> -> memref<32x128xf32, #tpu.memory_space<vmem>>
      %dma_wait3A_2916 = arith.constant 0 : i32
      %dma_wait3A_2917 = arith.constant 0 : i32
      %dma_wait3A_2918 = tpu.memref_slice %arg4[%dma_wait3A_2916, %dma_wait3A_2917] : memref<32x1000000xf32, #tpu.memory_space<hbm>> -> memref<32x128xf32, #tpu.memory_space<hbm>>
      %dma_wait3A_2919 = arith.constant 0 : i32
      %dma_wait3A_2920 = arith.constant 0 : i32
      %dma_wait3A_2921 = tpu.memref_slice %arg11[%dma_wait3A_2911, %dma_wait3A_2919, %dma_wait3A_2920] : memref<8x32x128xf32, #tpu.memory_space<vmem>> -> memref<1x32x128xf32, #tpu.memory_space<vmem>>
      %dma_wait3A_2922 = tpu.memref_squeeze %dma_wait3A_2921 : memref<1x32x128xf32, #tpu.memory_space<vmem>> -> memref<32x128xf32, #tpu.memory_space<vmem>>
      %dma_wait3A_2923 = arith.constant 0 : i32
      %dma_wait3A_2924 = arith.constant 0 : i32
      %dma_wait3A_2925 = tpu.memref_slice %arg4[%dma_wait3A_2923, %dma_wait3A_2924] : memref<32x1000000xf32, #tpu.memory_space<hbm>> -> memref<32x128xf32, #tpu.memory_space<hbm>>
      tpu.wait_dma2 semaphore(%arg16 : memref<!tpu.dma_semaphore, #tpu.memory_space<semaphore_mem>>) src(%dma_wait3A_2925 : memref<32x128xf32, #tpu.memory_space<hbm>>) dst(%dma_wait3A_2922 : memref<32x128xf32, #tpu.memory_space<vmem>>)
      %dma_wait3A_2926 = arith.constant 5 : i32
      %dma_wait3A_2927 = arith.constant 0 : i32
      %dma_wait3A_2928 = arith.constant 0 : i32
      %dma_wait3A_2929 = tpu.memref_slice %arg12[%dma_wait3A_2926, %dma_wait3A_2927, %dma_wait3A_2928] : memref<8x32x128xf32, #tpu.memory_space<vmem>> -> memref<1x32x128xf32, #tpu.memory_space<vmem>>
      %dma_wait3A_2930 = tpu.memref_squeeze %dma_wait3A_2929 : memref<1x32x128xf32, #tpu.memory_space<vmem>> -> memref<32x128xf32, #tpu.memory_space<vmem>>
      %dma_wait3A_2931 = arith.constant 0 : i32
      %dma_wait3A_2932 = arith.constant 0 : i32
      %dma_wait3A_2933 = tpu.memref_slice %arg5[%dma_wait3A_2931, %dma_wait3A_2932] : memref<32x1000000xf32, #tpu.memory_space<hbm>> -> memref<32x128xf32, #tpu.memory_space<hbm>>
      %dma_wait3A_2934 = arith.constant 0 : i32
      %dma_wait3A_2935 = arith.constant 0 : i32
      %dma_wait3A_2936 = tpu.memref_slice %arg12[%dma_wait3A_2926, %dma_wait3A_2934, %dma_wait3A_2935] : memref<8x32x128xf32, #tpu.memory_space<vmem>> -> memref<1x32x128xf32, #tpu.memory_space<vmem>>
      %dma_wait3A_2937 = tpu.memref_squeeze %dma_wait3A_2936 : memref<1x32x128xf32, #tpu.memory_space<vmem>> -> memref<32x128xf32, #tpu.memory_space<vmem>>
      %dma_wait3A_2938 = arith.constant 0 : i32
      %dma_wait3A_2939 = arith.constant 0 : i32
      %dma_wait3A_2940 = tpu.memref_slice %arg5[%dma_wait3A_2938, %dma_wait3A_2939] : memref<32x1000000xf32, #tpu.memory_space<hbm>> -> memref<32x128xf32, #tpu.memory_space<hbm>>
      tpu.wait_dma2 semaphore(%arg17 : memref<!tpu.dma_semaphore, #tpu.memory_space<semaphore_mem>>) src(%dma_wait3A_2940 : memref<32x128xf32, #tpu.memory_space<hbm>>) dst(%dma_wait3A_2937 : memref<32x128xf32, #tpu.memory_space<vmem>>)
      %slice3A_2941 = vector.extract_strided_slice %get3A_767 {offsets = [13], sizes = [1], strides = [1]} : vector<16xi32> to vector<1xi32>
      %squeeze3A_2942 = vector.extract %slice3A_2941[0] : i32 from vector<1xi32>
      %jit3A_2943 = arith.constant 128 : i32
      %eq3A_2944 = arith.constant 0 : i32
      %eq3A_2945 = arith.cmpi eq, %jit3A_2943, %eq3A_2944 : i32
      %jit3A_2946 = arith.constant 1 : i32
      %select_n3A_2947 = arith.select %eq3A_2945, %jit3A_2946, %jit3A_2943 : i32
      %rem3A_2948 = arith.remsi %squeeze3A_2942, %select_n3A_2947 : i32
      %ne3A_2949 = arith.constant 0 : i32
      %ne3A_2950 = arith.cmpi ne, %rem3A_2948, %ne3A_2949 : i32
      %lt3A_2951 = arith.constant 0 : i32
      %lt3A_2952 = arith.cmpi slt, %rem3A_2948, %lt3A_2951 : i32
      %lt3A_2953 = arith.constant 0 : i32
      %lt3A_2954 = arith.cmpi slt, %select_n3A_2947, %lt3A_2953 : i32
      %ne3A_2955 = arith.xori %lt3A_2952, %lt3A_2954 : i1
      %and3A_2956 = arith.andi %ne3A_2955, %ne3A_2950 : i1
      %add3A_2957 = arith.addi %rem3A_2948, %select_n3A_2947 : i32
      %select_n3A_2958 = arith.select %and3A_2956, %add3A_2957, %rem3A_2948 : i32
      %broadcast_in_dim3A_2959 = vector.broadcast %select_n3A_2958 : i32 to vector<16xi32>
      %slice3A_2960 = vector.extract_strided_slice %get3A_770 {offsets = [13], sizes = [1], strides = [1]} : vector<16xi32> to vector<1xi32>
      %squeeze3A_2961 = vector.extract %slice3A_2960[0] : i32 from vector<1xi32>
      %jit3A_2962 = arith.constant 128 : i32
      %eq3A_2963 = arith.constant 0 : i32
      %eq3A_2964 = arith.cmpi eq, %jit3A_2962, %eq3A_2963 : i32
      %jit3A_2965 = arith.constant 1 : i32
      %select_n3A_2966 = arith.select %eq3A_2964, %jit3A_2965, %jit3A_2962 : i32
      %rem3A_2967 = arith.remsi %squeeze3A_2961, %select_n3A_2966 : i32
      %ne3A_2968 = arith.constant 0 : i32
      %ne3A_2969 = arith.cmpi ne, %rem3A_2967, %ne3A_2968 : i32
      %lt3A_2970 = arith.constant 0 : i32
      %lt3A_2971 = arith.cmpi slt, %rem3A_2967, %lt3A_2970 : i32
      %lt3A_2972 = arith.constant 0 : i32
      %lt3A_2973 = arith.cmpi slt, %select_n3A_2966, %lt3A_2972 : i32
      %ne3A_2974 = arith.xori %lt3A_2971, %lt3A_2973 : i1
      %and3A_2975 = arith.andi %ne3A_2974, %ne3A_2969 : i1
      %add3A_2976 = arith.addi %rem3A_2967, %select_n3A_2966 : i32
      %select_n3A_2977 = arith.select %and3A_2975, %add3A_2976, %rem3A_2967 : i32
      %broadcast_in_dim3A_2978 = vector.broadcast %select_n3A_2977 : i32 to vector<16xi32>
      %gather3A_2979 = arith.constant 5 : i32
      %gather3A_2980 = arith.constant 0 : i32
      %gather3A_2981 = arith.constant 0 : i32
      %gather3A_2982 = tpu.memref_slice %arg11[%gather3A_2979, %gather3A_2980, %gather3A_2981] : memref<8x32x128xf32, #tpu.memory_space<vmem>> -> memref<1x32x128xf32, #tpu.memory_space<vmem>>
      %gather3A_2983 = tpu.memref_squeeze %gather3A_2982 : memref<1x32x128xf32, #tpu.memory_space<vmem>> -> memref<32x128xf32, #tpu.memory_space<vmem>>
      %gather3A_2984 = tpu.vector_load_idx %gather3A_2983[%iota3A_66, %broadcast_in_dim3A_2959] : memref<32x128xf32, #tpu.memory_space<vmem>>[vector<16xi32>, vector<16xi32>], vector<16xf32>,
      %gather3A_2985 = arith.constant 5 : i32
      %gather3A_2986 = arith.constant 0 : i32
      %gather3A_2987 = arith.constant 0 : i32
      %gather3A_2988 = tpu.memref_slice %arg11[%gather3A_2985, %gather3A_2986, %gather3A_2987] : memref<8x32x128xf32, #tpu.memory_space<vmem>> -> memref<1x32x128xf32, #tpu.memory_space<vmem>>
      %gather3A_2989 = tpu.memref_squeeze %gather3A_2988 : memref<1x32x128xf32, #tpu.memory_space<vmem>> -> memref<32x128xf32, #tpu.memory_space<vmem>>
      %gather3A_2990 = tpu.vector_load_idx %gather3A_2989[%add3A_69, %broadcast_in_dim3A_2959] : memref<32x128xf32, #tpu.memory_space<vmem>>[vector<16xi32>, vector<16xi32>], vector<16xf32>,
      %gather3A_2991 = arith.constant 5 : i32
      %gather3A_2992 = arith.constant 0 : i32
      %gather3A_2993 = arith.constant 0 : i32
      %gather3A_2994 = tpu.memref_slice %arg12[%gather3A_2991, %gather3A_2992, %gather3A_2993] : memref<8x32x128xf32, #tpu.memory_space<vmem>> -> memref<1x32x128xf32, #tpu.memory_space<vmem>>
      %gather3A_2995 = tpu.memref_squeeze %gather3A_2994 : memref<1x32x128xf32, #tpu.memory_space<vmem>> -> memref<32x128xf32, #tpu.memory_space<vmem>>
      %gather3A_2996 = tpu.vector_load_idx %gather3A_2995[%iota3A_66, %broadcast_in_dim3A_2978] : memref<32x128xf32, #tpu.memory_space<vmem>>[vector<16xi32>, vector<16xi32>], vector<16xf32>,
      %gather3A_2997 = arith.constant 5 : i32
      %gather3A_2998 = arith.constant 0 : i32
      %gather3A_2999 = arith.constant 0 : i32
      %gather3A_3000 = tpu.memref_slice %arg12[%gather3A_2997, %gather3A_2998, %gather3A_2999] : memref<8x32x128xf32, #tpu.memory_space<vmem>> -> memref<1x32x128xf32, #tpu.memory_space<vmem>>
      %gather3A_3001 = tpu.memref_squeeze %gather3A_3000 : memref<1x32x128xf32, #tpu.memory_space<vmem>> -> memref<32x128xf32, #tpu.memory_space<vmem>>
      %gather3A_3002 = tpu.vector_load_idx %gather3A_3001[%add3A_69, %broadcast_in_dim3A_2978] : memref<32x128xf32, #tpu.memory_space<vmem>>[vector<16xi32>, vector<16xi32>], vector<16xf32>,
      %mul3A_3003 = arith.mulf %gather3A_2984, %gather3A_2996 : vector<16xf32>
      %mul3A_3004 = arith.mulf %gather3A_2990, %gather3A_3002 : vector<16xf32>
      %add3A_3005 = arith.addf %mul3A_3003, %mul3A_3004 : vector<16xf32>
      %reduce_sum3A_3006 = arith.constant true
      %reduce_sum3A_3007 = vector.broadcast %reduce_sum3A_3006 : i1 to vector<16xi1>
      %reduce_sum3A_3008 = tpu.scan <sum>, %add3A_3005 masked %reduce_sum3A_3007 : vector<16xf32>, vector<16xi1> -> vector<16xf32>
      %reduce_sum3A_3009 = vector.extract %reduce_sum3A_3008[15] : f32 from vector<16xf32>
      %eq3A_3010 = arith.constant 13 : i32
      %eq3A_3011 = vector.broadcast %eq3A_3010 : i32 to vector<16xi32>
      %eq3A_3012 = arith.cmpi eq, %iota3A, %eq3A_3011 : vector<16xi32>
      %broadcast_in_dim3A_3013 = vector.broadcast %reduce_sum3A_3009 : f32 to vector<16xf32>
      %select_n3A_3014 = arith.select %eq3A_3012, %broadcast_in_dim3A_3013, %select_n3A_2903 : vector<16xi1>, vector<16xf32>
      %add3A_3015 = arith.constant 1 : i32
      %add3A_3016 = arith.addi %scan3A_724, %add3A_3015 : i32
      %lt3A_3017 = arith.constant 32 : i32
      %lt3A_3018 = arith.cmpi slt, %add3A_3016, %lt3A_3017 : i32
      %convert_element_type3A_3019 = arith.extui %lt3A_3018 : i1 to i32
      %cond3A_3020 = arith.constant 0 : i32
      %cond3A_3021 = arith.cmpi ne, %convert_element_type3A_3019, %cond3A_3020 : i32
      scf.if %cond3A_3021 {
        %add3A_3257 = arith.constant 1 : i32
        %add3A_3258 = arith.addi %scan3A_724, %add3A_3257 : i32
        %jit3A_3259 = arith.constant 8 : i32
        %div3A_3260 = arith.divsi %add3A_3258, %jit3A_3259 : i32
        %sign3A_3261 = arith.constant 0 : i32
        %sign3A_3262 = arith.cmpi sgt, %add3A_3258, %sign3A_3261 : i32
        %sign3A_3263 = arith.extui %sign3A_3262 : i1 to i32
        %sign3A_3264 = arith.constant 0 : i32
        %sign3A_3265 = arith.cmpi slt, %add3A_3258, %sign3A_3264 : i32
        %sign3A_3266 = arith.extui %sign3A_3265 : i1 to i32
        %sign3A_3267 = arith.subi %sign3A_3263, %sign3A_3266 : i32
        %sign3A_3268 = arith.constant 0 : i32
        %sign3A_3269 = arith.cmpi sgt, %jit3A_3259, %sign3A_3268 : i32
        %sign3A_3270 = arith.extui %sign3A_3269 : i1 to i32
        %sign3A_3271 = arith.constant 0 : i32
        %sign3A_3272 = arith.cmpi slt, %jit3A_3259, %sign3A_3271 : i32
        %sign3A_3273 = arith.extui %sign3A_3272 : i1 to i32
        %sign3A_3274 = arith.subi %sign3A_3270, %sign3A_3273 : i32
        %ne3A_3275 = arith.cmpi ne, %sign3A_3267, %sign3A_3274 : i32
        %rem3A_3276 = arith.remsi %add3A_3258, %jit3A_3259 : i32
        %ne3A_3277 = arith.constant 0 : i32
        %ne3A_3278 = arith.cmpi ne, %rem3A_3276, %ne3A_3277 : i32
        %and3A_3279 = arith.andi %ne3A_3275, %ne3A_3278 : i1
        %sub3A_3280 = arith.constant 1 : i32
        %sub3A_3281 = arith.subi %div3A_3260, %sub3A_3280 : i32
        %select_n3A_3282 = arith.select %and3A_3279, %sub3A_3281, %div3A_3260 : i32
        %jit3A_3283 = arith.constant 8 : i32
        %eq3A_3284 = arith.constant 0 : i32
        %eq3A_3285 = arith.cmpi eq, %jit3A_3283, %eq3A_3284 : i32
        %jit3A_3286 = arith.constant 1 : i32
        %select_n3A_3287 = arith.select %eq3A_3285, %jit3A_3286, %jit3A_3283 : i32
        %rem3A_3288 = arith.remsi %add3A_3258, %select_n3A_3287 : i32
        %ne3A_3289 = arith.constant 0 : i32
        %ne3A_3290 = arith.cmpi ne, %rem3A_3288, %ne3A_3289 : i32
        %lt3A_3291 = arith.constant 0 : i32
        %lt3A_3292 = arith.cmpi slt, %rem3A_3288, %lt3A_3291 : i32
        %lt3A_3293 = arith.constant 0 : i32
        %lt3A_3294 = arith.cmpi slt, %select_n3A_3287, %lt3A_3293 : i32
        %ne3A_3295 = arith.xori %lt3A_3292, %lt3A_3294 : i1
        %and3A_3296 = arith.andi %ne3A_3295, %ne3A_3290 : i1
        %add3A_3297 = arith.addi %rem3A_3288, %select_n3A_3287 : i32
        %select_n3A_3298 = arith.select %and3A_3296, %add3A_3297, %rem3A_3288 : i32
        %mul3A_3299 = arith.constant 16 : i32
        %mul3A_3300 = arith.muli %select_n3A_3298, %mul3A_3299 : i32
        %get3A_3301 = arith.index_cast %select_n3A_3282 : i32 to index
        %get3A_3302 = arith.index_cast %mul3A_3300 : i32 to index
        %get3A_3303 = tpu.vector_load %arg9[%get3A_3301, %get3A_3302] {strides = array<i32>} : memref<4x128xi32, #tpu.memory_space<vmem>>, vector<16xi32>,
        %get3A_3304 = arith.index_cast %select_n3A_3282 : i32 to index
        %get3A_3305 = arith.index_cast %mul3A_3300 : i32 to index
        %get3A_3306 = tpu.vector_load %arg10[%get3A_3304, %get3A_3305] {strides = array<i32>} : memref<4x128xi32, #tpu.memory_space<vmem>>, vector<16xi32>,
        %slice3A_3307 = vector.extract_strided_slice %get3A_3303 {offsets = [5], sizes = [1], strides = [1]} : vector<16xi32> to vector<1xi32>
        %squeeze3A_3308 = vector.extract %slice3A_3307[0] : i32 from vector<1xi32>
        %slice3A_3309 = vector.extract_strided_slice %get3A_3306 {offsets = [5], sizes = [1], strides = [1]} : vector<16xi32> to vector<1xi32>
        %squeeze3A_3310 = vector.extract %slice3A_3309[0] : i32 from vector<1xi32>
        %jit3A_3311 = arith.constant 128 : i32
        %div3A_3312 = arith.divsi %squeeze3A_3308, %jit3A_3311 : i32
        %sign3A_3313 = arith.constant 0 : i32
        %sign3A_3314 = arith.cmpi sgt, %squeeze3A_3308, %sign3A_3313 : i32
        %sign3A_3315 = arith.extui %sign3A_3314 : i1 to i32
        %sign3A_3316 = arith.constant 0 : i32
        %sign3A_3317 = arith.cmpi slt, %squeeze3A_3308, %sign3A_3316 : i32
        %sign3A_3318 = arith.extui %sign3A_3317 : i1 to i32
        %sign3A_3319 = arith.subi %sign3A_3315, %sign3A_3318 : i32
        %sign3A_3320 = arith.constant 0 : i32
        %sign3A_3321 = arith.cmpi sgt, %jit3A_3311, %sign3A_3320 : i32
        %sign3A_3322 = arith.extui %sign3A_3321 : i1 to i32
        %sign3A_3323 = arith.constant 0 : i32
        %sign3A_3324 = arith.cmpi slt, %jit3A_3311, %sign3A_3323 : i32
        %sign3A_3325 = arith.extui %sign3A_3324 : i1 to i32
        %sign3A_3326 = arith.subi %sign3A_3322, %sign3A_3325 : i32
        %ne3A_3327 = arith.cmpi ne, %sign3A_3319, %sign3A_3326 : i32
        %rem3A_3328 = arith.remsi %squeeze3A_3308, %jit3A_3311 : i32
        %ne3A_3329 = arith.constant 0 : i32
        %ne3A_3330 = arith.cmpi ne, %rem3A_3328, %ne3A_3329 : i32
        %and3A_3331 = arith.andi %ne3A_3327, %ne3A_3330 : i1
        %sub3A_3332 = arith.constant 1 : i32
        %sub3A_3333 = arith.subi %div3A_3312, %sub3A_3332 : i32
        %select_n3A_3334 = arith.select %and3A_3331, %sub3A_3333, %div3A_3312 : i32
        %mul3A_3335 = arith.constant 128 : i32
        %mul3A_3336 = arith.muli %select_n3A_3334, %mul3A_3335 : i32
        %multiple_of3A_3337 = tpu.assume_multiple %mul3A_3336, 128 : i32
        %jit3A_3338 = arith.constant 128 : i32
        %div3A_3339 = arith.divsi %squeeze3A_3310, %jit3A_3338 : i32
        %sign3A_3340 = arith.constant 0 : i32
        %sign3A_3341 = arith.cmpi sgt, %squeeze3A_3310, %sign3A_3340 : i32
        %sign3A_3342 = arith.extui %sign3A_3341 : i1 to i32
        %sign3A_3343 = arith.constant 0 : i32
        %sign3A_3344 = arith.cmpi slt, %squeeze3A_3310, %sign3A_3343 : i32
        %sign3A_3345 = arith.extui %sign3A_3344 : i1 to i32
        %sign3A_3346 = arith.subi %sign3A_3342, %sign3A_3345 : i32
        %sign3A_3347 = arith.constant 0 : i32
        %sign3A_3348 = arith.cmpi sgt, %jit3A_3338, %sign3A_3347 : i32
        %sign3A_3349 = arith.extui %sign3A_3348 : i1 to i32
        %sign3A_3350 = arith.constant 0 : i32
        %sign3A_3351 = arith.cmpi slt, %jit3A_3338, %sign3A_3350 : i32
        %sign3A_3352 = arith.extui %sign3A_3351 : i1 to i32
        %sign3A_3353 = arith.subi %sign3A_3349, %sign3A_3352 : i32
        %ne3A_3354 = arith.cmpi ne, %sign3A_3346, %sign3A_3353 : i32
        %rem3A_3355 = arith.remsi %squeeze3A_3310, %jit3A_3338 : i32
        %ne3A_3356 = arith.constant 0 : i32
        %ne3A_3357 = arith.cmpi ne, %rem3A_3355, %ne3A_3356 : i32
        %and3A_3358 = arith.andi %ne3A_3354, %ne3A_3357 : i1
        %sub3A_3359 = arith.constant 1 : i32
        %sub3A_3360 = arith.subi %div3A_3339, %sub3A_3359 : i32
        %select_n3A_3361 = arith.select %and3A_3358, %sub3A_3360, %div3A_3339 : i32
        %mul3A_3362 = arith.constant 128 : i32
        %mul3A_3363 = arith.muli %select_n3A_3361, %mul3A_3362 : i32
        %multiple_of3A_3364 = tpu.assume_multiple %mul3A_3363, 128 : i32
        %dma_start3A_3365 = arith.constant 5 : i32
        %dma_start3A_3366 = arith.constant 0 : i32
        %dma_start3A_3367 = arith.constant 0 : i32
        %dma_start3A_3368 = tpu.memref_slice %arg11[%dma_start3A_3365, %dma_start3A_3366, %dma_start3A_3367] : memref<8x32x128xf32, #tpu.memory_space<vmem>> -> memref<1x32x128xf32, #tpu.memory_space<vmem>>
        %dma_start3A_3369 = tpu.memref_squeeze %dma_start3A_3368 : memref<1x32x128xf32, #tpu.memory_space<vmem>> -> memref<32x128xf32, #tpu.memory_space<vmem>>
        %dma_start3A_3370 = arith.constant 0 : i32
        %dma_start3A_3371 = tpu.memref_slice %arg4[%dma_start3A_3370, %multiple_of3A_3337] : memref<32x1000000xf32, #tpu.memory_space<hbm>> -> memref<32x128xf32, #tpu.memory_space<hbm>>
        %dma_start3A_3372 = arith.constant 0 : i32
        %dma_start3A_3373 = arith.constant 0 : i32
        %dma_start3A_3374 = tpu.memref_slice %arg11[%dma_start3A_3365, %dma_start3A_3372, %dma_start3A_3373] : memref<8x32x128xf32, #tpu.memory_space<vmem>> -> memref<1x32x128xf32, #tpu.memory_space<vmem>>
        %dma_start3A_3375 = tpu.memref_squeeze %dma_start3A_3374 : memref<1x32x128xf32, #tpu.memory_space<vmem>> -> memref<32x128xf32, #tpu.memory_space<vmem>>
        %dma_start3A_3376 = arith.constant 0 : i32
        %dma_start3A_3377 = tpu.memref_slice %arg4[%dma_start3A_3376, %multiple_of3A_3337] : memref<32x1000000xf32, #tpu.memory_space<hbm>> -> memref<32x128xf32, #tpu.memory_space<hbm>>
        tpu.enqueue_dma source(%dma_start3A_3377 : memref<32x128xf32, #tpu.memory_space<hbm>>) target(%dma_start3A_3375 : memref<32x128xf32, #tpu.memory_space<vmem>>) target_semaphore(%arg16 : memref<!tpu.dma_semaphore, #tpu.memory_space<semaphore_mem>>)
        %dma_start3A_3378 = arith.constant 5 : i32
        %dma_start3A_3379 = arith.constant 0 : i32
        %dma_start3A_3380 = arith.constant 0 : i32
        %dma_start3A_3381 = tpu.memref_slice %arg12[%dma_start3A_3378, %dma_start3A_3379, %dma_start3A_3380] : memref<8x32x128xf32, #tpu.memory_space<vmem>> -> memref<1x32x128xf32, #tpu.memory_space<vmem>>
        %dma_start3A_3382 = tpu.memref_squeeze %dma_start3A_3381 : memref<1x32x128xf32, #tpu.memory_space<vmem>> -> memref<32x128xf32, #tpu.memory_space<vmem>>
        %dma_start3A_3383 = arith.constant 0 : i32
        %dma_start3A_3384 = tpu.memref_slice %arg5[%dma_start3A_3383, %multiple_of3A_3364] : memref<32x1000000xf32, #tpu.memory_space<hbm>> -> memref<32x128xf32, #tpu.memory_space<hbm>>
        %dma_start3A_3385 = arith.constant 0 : i32
        %dma_start3A_3386 = arith.constant 0 : i32
        %dma_start3A_3387 = tpu.memref_slice %arg12[%dma_start3A_3378, %dma_start3A_3385, %dma_start3A_3386] : memref<8x32x128xf32, #tpu.memory_space<vmem>> -> memref<1x32x128xf32, #tpu.memory_space<vmem>>
        %dma_start3A_3388 = tpu.memref_squeeze %dma_start3A_3387 : memref<1x32x128xf32, #tpu.memory_space<vmem>> -> memref<32x128xf32, #tpu.memory_space<vmem>>
        %dma_start3A_3389 = arith.constant 0 : i32
        %dma_start3A_3390 = tpu.memref_slice %arg5[%dma_start3A_3389, %multiple_of3A_3364] : memref<32x1000000xf32, #tpu.memory_space<hbm>> -> memref<32x128xf32, #tpu.memory_space<hbm>>
        tpu.enqueue_dma source(%dma_start3A_3390 : memref<32x128xf32, #tpu.memory_space<hbm>>) target(%dma_start3A_3388 : memref<32x128xf32, #tpu.memory_space<vmem>>) target_semaphore(%arg17 : memref<!tpu.dma_semaphore, #tpu.memory_space<semaphore_mem>>)
      } else {
      }
      %dma_wait3A_3022 = arith.constant 6 : i32
      %dma_wait3A_3023 = arith.constant 0 : i32
      %dma_wait3A_3024 = arith.constant 0 : i32
      %dma_wait3A_3025 = tpu.memref_slice %arg11[%dma_wait3A_3022, %dma_wait3A_3023, %dma_wait3A_3024] : memref<8x32x128xf32, #tpu.memory_space<vmem>> -> memref<1x32x128xf32, #tpu.memory_space<vmem>>
      %dma_wait3A_3026 = tpu.memref_squeeze %dma_wait3A_3025 : memref<1x32x128xf32, #tpu.memory_space<vmem>> -> memref<32x128xf32, #tpu.memory_space<vmem>>
      %dma_wait3A_3027 = arith.constant 0 : i32
      %dma_wait3A_3028 = arith.constant 0 : i32
      %dma_wait3A_3029 = tpu.memref_slice %arg4[%dma_wait3A_3027, %dma_wait3A_3028] : memref<32x1000000xf32, #tpu.memory_space<hbm>> -> memref<32x128xf32, #tpu.memory_space<hbm>>
      %dma_wait3A_3030 = arith.constant 0 : i32
      %dma_wait3A_3031 = arith.constant 0 : i32
      %dma_wait3A_3032 = tpu.memref_slice %arg11[%dma_wait3A_3022, %dma_wait3A_3030, %dma_wait3A_3031] : memref<8x32x128xf32, #tpu.memory_space<vmem>> -> memref<1x32x128xf32, #tpu.memory_space<vmem>>
      %dma_wait3A_3033 = tpu.memref_squeeze %dma_wait3A_3032 : memref<1x32x128xf32, #tpu.memory_space<vmem>> -> memref<32x128xf32, #tpu.memory_space<vmem>>
      %dma_wait3A_3034 = arith.constant 0 : i32
      %dma_wait3A_3035 = arith.constant 0 : i32
      %dma_wait3A_3036 = tpu.memref_slice %arg4[%dma_wait3A_3034, %dma_wait3A_3035] : memref<32x1000000xf32, #tpu.memory_space<hbm>> -> memref<32x128xf32, #tpu.memory_space<hbm>>
      tpu.wait_dma2 semaphore(%arg16 : memref<!tpu.dma_semaphore, #tpu.memory_space<semaphore_mem>>) src(%dma_wait3A_3036 : memref<32x128xf32, #tpu.memory_space<hbm>>) dst(%dma_wait3A_3033 : memref<32x128xf32, #tpu.memory_space<vmem>>)
      %dma_wait3A_3037 = arith.constant 6 : i32
      %dma_wait3A_3038 = arith.constant 0 : i32
      %dma_wait3A_3039 = arith.constant 0 : i32
      %dma_wait3A_3040 = tpu.memref_slice %arg12[%dma_wait3A_3037, %dma_wait3A_3038, %dma_wait3A_3039] : memref<8x32x128xf32, #tpu.memory_space<vmem>> -> memref<1x32x128xf32, #tpu.memory_space<vmem>>
      %dma_wait3A_3041 = tpu.memref_squeeze %dma_wait3A_3040 : memref<1x32x128xf32, #tpu.memory_space<vmem>> -> memref<32x128xf32, #tpu.memory_space<vmem>>
      %dma_wait3A_3042 = arith.constant 0 : i32
      %dma_wait3A_3043 = arith.constant 0 : i32
      %dma_wait3A_3044 = tpu.memref_slice %arg5[%dma_wait3A_3042, %dma_wait3A_3043] : memref<32x1000000xf32, #tpu.memory_space<hbm>> -> memref<32x128xf32, #tpu.memory_space<hbm>>
      %dma_wait3A_3045 = arith.constant 0 : i32
      %dma_wait3A_3046 = arith.constant 0 : i32
      %dma_wait3A_3047 = tpu.memref_slice %arg12[%dma_wait3A_3037, %dma_wait3A_3045, %dma_wait3A_3046] : memref<8x32x128xf32, #tpu.memory_space<vmem>> -> memref<1x32x128xf32, #tpu.memory_space<vmem>>
      %dma_wait3A_3048 = tpu.memref_squeeze %dma_wait3A_3047 : memref<1x32x128xf32, #tpu.memory_space<vmem>> -> memref<32x128xf32, #tpu.memory_space<vmem>>
      %dma_wait3A_3049 = arith.constant 0 : i32
      %dma_wait3A_3050 = arith.constant 0 : i32
      %dma_wait3A_3051 = tpu.memref_slice %arg5[%dma_wait3A_3049, %dma_wait3A_3050] : memref<32x1000000xf32, #tpu.memory_space<hbm>> -> memref<32x128xf32, #tpu.memory_space<hbm>>
      tpu.wait_dma2 semaphore(%arg17 : memref<!tpu.dma_semaphore, #tpu.memory_space<semaphore_mem>>) src(%dma_wait3A_3051 : memref<32x128xf32, #tpu.memory_space<hbm>>) dst(%dma_wait3A_3048 : memref<32x128xf32, #tpu.memory_space<vmem>>)
      %slice3A_3052 = vector.extract_strided_slice %get3A_767 {offsets = [14], sizes = [1], strides = [1]} : vector<16xi32> to vector<1xi32>
      %squeeze3A_3053 = vector.extract %slice3A_3052[0] : i32 from vector<1xi32>
      %jit3A_3054 = arith.constant 128 : i32
      %eq3A_3055 = arith.constant 0 : i32
      %eq3A_3056 = arith.cmpi eq, %jit3A_3054, %eq3A_3055 : i32
      %jit3A_3057 = arith.constant 1 : i32
      %select_n3A_3058 = arith.select %eq3A_3056, %jit3A_3057, %jit3A_3054 : i32
      %rem3A_3059 = arith.remsi %squeeze3A_3053, %select_n3A_3058 : i32
      %ne3A_3060 = arith.constant 0 : i32
      %ne3A_3061 = arith.cmpi ne, %rem3A_3059, %ne3A_3060 : i32
      %lt3A_3062 = arith.constant 0 : i32
      %lt3A_3063 = arith.cmpi slt, %rem3A_3059, %lt3A_3062 : i32
      %lt3A_3064 = arith.constant 0 : i32
      %lt3A_3065 = arith.cmpi slt, %select_n3A_3058, %lt3A_3064 : i32
      %ne3A_3066 = arith.xori %lt3A_3063, %lt3A_3065 : i1
      %and3A_3067 = arith.andi %ne3A_3066, %ne3A_3061 : i1
      %add3A_3068 = arith.addi %rem3A_3059, %select_n3A_3058 : i32
      %select_n3A_3069 = arith.select %and3A_3067, %add3A_3068, %rem3A_3059 : i32
      %broadcast_in_dim3A_3070 = vector.broadcast %select_n3A_3069 : i32 to vector<16xi32>
      %slice3A_3071 = vector.extract_strided_slice %get3A_770 {offsets = [14], sizes = [1], strides = [1]} : vector<16xi32> to vector<1xi32>
      %squeeze3A_3072 = vector.extract %slice3A_3071[0] : i32 from vector<1xi32>
      %jit3A_3073 = arith.constant 128 : i32
      %eq3A_3074 = arith.constant 0 : i32
      %eq3A_3075 = arith.cmpi eq, %jit3A_3073, %eq3A_3074 : i32
      %jit3A_3076 = arith.constant 1 : i32
      %select_n3A_3077 = arith.select %eq3A_3075, %jit3A_3076, %jit3A_3073 : i32
      %rem3A_3078 = arith.remsi %squeeze3A_3072, %select_n3A_3077 : i32
      %ne3A_3079 = arith.constant 0 : i32
      %ne3A_3080 = arith.cmpi ne, %rem3A_3078, %ne3A_3079 : i32
      %lt3A_3081 = arith.constant 0 : i32
      %lt3A_3082 = arith.cmpi slt, %rem3A_3078, %lt3A_3081 : i32
      %lt3A_3083 = arith.constant 0 : i32
      %lt3A_3084 = arith.cmpi slt, %select_n3A_3077, %lt3A_3083 : i32
      %ne3A_3085 = arith.xori %lt3A_3082, %lt3A_3084 : i1
      %and3A_3086 = arith.andi %ne3A_3085, %ne3A_3080 : i1
      %add3A_3087 = arith.addi %rem3A_3078, %select_n3A_3077 : i32
      %select_n3A_3088 = arith.select %and3A_3086, %add3A_3087, %rem3A_3078 : i32
      %broadcast_in_dim3A_3089 = vector.broadcast %select_n3A_3088 : i32 to vector<16xi32>
      %gather3A_3090 = arith.constant 6 : i32
      %gather3A_3091 = arith.constant 0 : i32
      %gather3A_3092 = arith.constant 0 : i32
      %gather3A_3093 = tpu.memref_slice %arg11[%gather3A_3090, %gather3A_3091, %gather3A_3092] : memref<8x32x128xf32, #tpu.memory_space<vmem>> -> memref<1x32x128xf32, #tpu.memory_space<vmem>>
      %gather3A_3094 = tpu.memref_squeeze %gather3A_3093 : memref<1x32x128xf32, #tpu.memory_space<vmem>> -> memref<32x128xf32, #tpu.memory_space<vmem>>
      %gather3A_3095 = tpu.vector_load_idx %gather3A_3094[%iota3A_66, %broadcast_in_dim3A_3070] : memref<32x128xf32, #tpu.memory_space<vmem>>[vector<16xi32>, vector<16xi32>], vector<16xf32>,
      %gather3A_3096 = arith.constant 6 : i32
      %gather3A_3097 = arith.constant 0 : i32
      %gather3A_3098 = arith.constant 0 : i32
      %gather3A_3099 = tpu.memref_slice %arg11[%gather3A_3096, %gather3A_3097, %gather3A_3098] : memref<8x32x128xf32, #tpu.memory_space<vmem>> -> memref<1x32x128xf32, #tpu.memory_space<vmem>>
      %gather3A_3100 = tpu.memref_squeeze %gather3A_3099 : memref<1x32x128xf32, #tpu.memory_space<vmem>> -> memref<32x128xf32, #tpu.memory_space<vmem>>
      %gather3A_3101 = tpu.vector_load_idx %gather3A_3100[%add3A_69, %broadcast_in_dim3A_3070] : memref<32x128xf32, #tpu.memory_space<vmem>>[vector<16xi32>, vector<16xi32>], vector<16xf32>,
      %gather3A_3102 = arith.constant 6 : i32
      %gather3A_3103 = arith.constant 0 : i32
      %gather3A_3104 = arith.constant 0 : i32
      %gather3A_3105 = tpu.memref_slice %arg12[%gather3A_3102, %gather3A_3103, %gather3A_3104] : memref<8x32x128xf32, #tpu.memory_space<vmem>> -> memref<1x32x128xf32, #tpu.memory_space<vmem>>
      %gather3A_3106 = tpu.memref_squeeze %gather3A_3105 : memref<1x32x128xf32, #tpu.memory_space<vmem>> -> memref<32x128xf32, #tpu.memory_space<vmem>>
      %gather3A_3107 = tpu.vector_load_idx %gather3A_3106[%iota3A_66, %broadcast_in_dim3A_3089] : memref<32x128xf32, #tpu.memory_space<vmem>>[vector<16xi32>, vector<16xi32>], vector<16xf32>,
      %gather3A_3108 = arith.constant 6 : i32
      %gather3A_3109 = arith.constant 0 : i32
      %gather3A_3110 = arith.constant 0 : i32
      %gather3A_3111 = tpu.memref_slice %arg12[%gather3A_3108, %gather3A_3109, %gather3A_3110] : memref<8x32x128xf32, #tpu.memory_space<vmem>> -> memref<1x32x128xf32, #tpu.memory_space<vmem>>
      %gather3A_3112 = tpu.memref_squeeze %gather3A_3111 : memref<1x32x128xf32, #tpu.memory_space<vmem>> -> memref<32x128xf32, #tpu.memory_space<vmem>>
      %gather3A_3113 = tpu.vector_load_idx %gather3A_3112[%add3A_69, %broadcast_in_dim3A_3089] : memref<32x128xf32, #tpu.memory_space<vmem>>[vector<16xi32>, vector<16xi32>], vector<16xf32>,
      %mul3A_3114 = arith.mulf %gather3A_3095, %gather3A_3107 : vector<16xf32>
      %mul3A_3115 = arith.mulf %gather3A_3101, %gather3A_3113 : vector<16xf32>
      %add3A_3116 = arith.addf %mul3A_3114, %mul3A_3115 : vector<16xf32>
      %reduce_sum3A_3117 = arith.constant true
      %reduce_sum3A_3118 = vector.broadcast %reduce_sum3A_3117 : i1 to vector<16xi1>
      %reduce_sum3A_3119 = tpu.scan <sum>, %add3A_3116 masked %reduce_sum3A_3118 : vector<16xf32>, vector<16xi1> -> vector<16xf32>
      %reduce_sum3A_3120 = vector.extract %reduce_sum3A_3119[15] : f32 from vector<16xf32>
      %eq3A_3121 = arith.constant 14 : i32
      %eq3A_3122 = vector.broadcast %eq3A_3121 : i32 to vector<16xi32>
      %eq3A_3123 = arith.cmpi eq, %iota3A, %eq3A_3122 : vector<16xi32>
      %broadcast_in_dim3A_3124 = vector.broadcast %reduce_sum3A_3120 : f32 to vector<16xf32>
      %select_n3A_3125 = arith.select %eq3A_3123, %broadcast_in_dim3A_3124, %select_n3A_3014 : vector<16xi1>, vector<16xf32>
      %add3A_3126 = arith.constant 1 : i32
      %add3A_3127 = arith.addi %scan3A_724, %add3A_3126 : i32
      %lt3A_3128 = arith.constant 32 : i32
      %lt3A_3129 = arith.cmpi slt, %add3A_3127, %lt3A_3128 : i32
      %convert_element_type3A_3130 = arith.extui %lt3A_3129 : i1 to i32
      %cond3A_3131 = arith.constant 0 : i32
      %cond3A_3132 = arith.cmpi ne, %convert_element_type3A_3130, %cond3A_3131 : i32
      scf.if %cond3A_3132 {
        %add3A_3257 = arith.constant 1 : i32
        %add3A_3258 = arith.addi %scan3A_724, %add3A_3257 : i32
        %jit3A_3259 = arith.constant 8 : i32
        %div3A_3260 = arith.divsi %add3A_3258, %jit3A_3259 : i32
        %sign3A_3261 = arith.constant 0 : i32
        %sign3A_3262 = arith.cmpi sgt, %add3A_3258, %sign3A_3261 : i32
        %sign3A_3263 = arith.extui %sign3A_3262 : i1 to i32
        %sign3A_3264 = arith.constant 0 : i32
        %sign3A_3265 = arith.cmpi slt, %add3A_3258, %sign3A_3264 : i32
        %sign3A_3266 = arith.extui %sign3A_3265 : i1 to i32
        %sign3A_3267 = arith.subi %sign3A_3263, %sign3A_3266 : i32
        %sign3A_3268 = arith.constant 0 : i32
        %sign3A_3269 = arith.cmpi sgt, %jit3A_3259, %sign3A_3268 : i32
        %sign3A_3270 = arith.extui %sign3A_3269 : i1 to i32
        %sign3A_3271 = arith.constant 0 : i32
        %sign3A_3272 = arith.cmpi slt, %jit3A_3259, %sign3A_3271 : i32
        %sign3A_3273 = arith.extui %sign3A_3272 : i1 to i32
        %sign3A_3274 = arith.subi %sign3A_3270, %sign3A_3273 : i32
        %ne3A_3275 = arith.cmpi ne, %sign3A_3267, %sign3A_3274 : i32
        %rem3A_3276 = arith.remsi %add3A_3258, %jit3A_3259 : i32
        %ne3A_3277 = arith.constant 0 : i32
        %ne3A_3278 = arith.cmpi ne, %rem3A_3276, %ne3A_3277 : i32
        %and3A_3279 = arith.andi %ne3A_3275, %ne3A_3278 : i1
        %sub3A_3280 = arith.constant 1 : i32
        %sub3A_3281 = arith.subi %div3A_3260, %sub3A_3280 : i32
        %select_n3A_3282 = arith.select %and3A_3279, %sub3A_3281, %div3A_3260 : i32
        %jit3A_3283 = arith.constant 8 : i32
        %eq3A_3284 = arith.constant 0 : i32
        %eq3A_3285 = arith.cmpi eq, %jit3A_3283, %eq3A_3284 : i32
        %jit3A_3286 = arith.constant 1 : i32
        %select_n3A_3287 = arith.select %eq3A_3285, %jit3A_3286, %jit3A_3283 : i32
        %rem3A_3288 = arith.remsi %add3A_3258, %select_n3A_3287 : i32
        %ne3A_3289 = arith.constant 0 : i32
        %ne3A_3290 = arith.cmpi ne, %rem3A_3288, %ne3A_3289 : i32
        %lt3A_3291 = arith.constant 0 : i32
        %lt3A_3292 = arith.cmpi slt, %rem3A_3288, %lt3A_3291 : i32
        %lt3A_3293 = arith.constant 0 : i32
        %lt3A_3294 = arith.cmpi slt, %select_n3A_3287, %lt3A_3293 : i32
        %ne3A_3295 = arith.xori %lt3A_3292, %lt3A_3294 : i1
        %and3A_3296 = arith.andi %ne3A_3295, %ne3A_3290 : i1
        %add3A_3297 = arith.addi %rem3A_3288, %select_n3A_3287 : i32
        %select_n3A_3298 = arith.select %and3A_3296, %add3A_3297, %rem3A_3288 : i32
        %mul3A_3299 = arith.constant 16 : i32
        %mul3A_3300 = arith.muli %select_n3A_3298, %mul3A_3299 : i32
        %get3A_3301 = arith.index_cast %select_n3A_3282 : i32 to index
        %get3A_3302 = arith.index_cast %mul3A_3300 : i32 to index
        %get3A_3303 = tpu.vector_load %arg9[%get3A_3301, %get3A_3302] {strides = array<i32>} : memref<4x128xi32, #tpu.memory_space<vmem>>, vector<16xi32>,
        %get3A_3304 = arith.index_cast %select_n3A_3282 : i32 to index
        %get3A_3305 = arith.index_cast %mul3A_3300 : i32 to index
        %get3A_3306 = tpu.vector_load %arg10[%get3A_3304, %get3A_3305] {strides = array<i32>} : memref<4x128xi32, #tpu.memory_space<vmem>>, vector<16xi32>,
        %slice3A_3307 = vector.extract_strided_slice %get3A_3303 {offsets = [6], sizes = [1], strides = [1]} : vector<16xi32> to vector<1xi32>
        %squeeze3A_3308 = vector.extract %slice3A_3307[0] : i32 from vector<1xi32>
        %slice3A_3309 = vector.extract_strided_slice %get3A_3306 {offsets = [6], sizes = [1], strides = [1]} : vector<16xi32> to vector<1xi32>
        %squeeze3A_3310 = vector.extract %slice3A_3309[0] : i32 from vector<1xi32>
        %jit3A_3311 = arith.constant 128 : i32
        %div3A_3312 = arith.divsi %squeeze3A_3308, %jit3A_3311 : i32
        %sign3A_3313 = arith.constant 0 : i32
        %sign3A_3314 = arith.cmpi sgt, %squeeze3A_3308, %sign3A_3313 : i32
        %sign3A_3315 = arith.extui %sign3A_3314 : i1 to i32
        %sign3A_3316 = arith.constant 0 : i32
        %sign3A_3317 = arith.cmpi slt, %squeeze3A_3308, %sign3A_3316 : i32
        %sign3A_3318 = arith.extui %sign3A_3317 : i1 to i32
        %sign3A_3319 = arith.subi %sign3A_3315, %sign3A_3318 : i32
        %sign3A_3320 = arith.constant 0 : i32
        %sign3A_3321 = arith.cmpi sgt, %jit3A_3311, %sign3A_3320 : i32
        %sign3A_3322 = arith.extui %sign3A_3321 : i1 to i32
        %sign3A_3323 = arith.constant 0 : i32
        %sign3A_3324 = arith.cmpi slt, %jit3A_3311, %sign3A_3323 : i32
        %sign3A_3325 = arith.extui %sign3A_3324 : i1 to i32
        %sign3A_3326 = arith.subi %sign3A_3322, %sign3A_3325 : i32
        %ne3A_3327 = arith.cmpi ne, %sign3A_3319, %sign3A_3326 : i32
        %rem3A_3328 = arith.remsi %squeeze3A_3308, %jit3A_3311 : i32
        %ne3A_3329 = arith.constant 0 : i32
        %ne3A_3330 = arith.cmpi ne, %rem3A_3328, %ne3A_3329 : i32
        %and3A_3331 = arith.andi %ne3A_3327, %ne3A_3330 : i1
        %sub3A_3332 = arith.constant 1 : i32
        %sub3A_3333 = arith.subi %div3A_3312, %sub3A_3332 : i32
        %select_n3A_3334 = arith.select %and3A_3331, %sub3A_3333, %div3A_3312 : i32
        %mul3A_3335 = arith.constant 128 : i32
        %mul3A_3336 = arith.muli %select_n3A_3334, %mul3A_3335 : i32
        %multiple_of3A_3337 = tpu.assume_multiple %mul3A_3336, 128 : i32
        %jit3A_3338 = arith.constant 128 : i32
        %div3A_3339 = arith.divsi %squeeze3A_3310, %jit3A_3338 : i32
        %sign3A_3340 = arith.constant 0 : i32
        %sign3A_3341 = arith.cmpi sgt, %squeeze3A_3310, %sign3A_3340 : i32
        %sign3A_3342 = arith.extui %sign3A_3341 : i1 to i32
        %sign3A_3343 = arith.constant 0 : i32
        %sign3A_3344 = arith.cmpi slt, %squeeze3A_3310, %sign3A_3343 : i32
        %sign3A_3345 = arith.extui %sign3A_3344 : i1 to i32
        %sign3A_3346 = arith.subi %sign3A_3342, %sign3A_3345 : i32
        %sign3A_3347 = arith.constant 0 : i32
        %sign3A_3348 = arith.cmpi sgt, %jit3A_3338, %sign3A_3347 : i32
        %sign3A_3349 = arith.extui %sign3A_3348 : i1 to i32
        %sign3A_3350 = arith.constant 0 : i32
        %sign3A_3351 = arith.cmpi slt, %jit3A_3338, %sign3A_3350 : i32
        %sign3A_3352 = arith.extui %sign3A_3351 : i1 to i32
        %sign3A_3353 = arith.subi %sign3A_3349, %sign3A_3352 : i32
        %ne3A_3354 = arith.cmpi ne, %sign3A_3346, %sign3A_3353 : i32
        %rem3A_3355 = arith.remsi %squeeze3A_3310, %jit3A_3338 : i32
        %ne3A_3356 = arith.constant 0 : i32
        %ne3A_3357 = arith.cmpi ne, %rem3A_3355, %ne3A_3356 : i32
        %and3A_3358 = arith.andi %ne3A_3354, %ne3A_3357 : i1
        %sub3A_3359 = arith.constant 1 : i32
        %sub3A_3360 = arith.subi %div3A_3339, %sub3A_3359 : i32
        %select_n3A_3361 = arith.select %and3A_3358, %sub3A_3360, %div3A_3339 : i32
        %mul3A_3362 = arith.constant 128 : i32
        %mul3A_3363 = arith.muli %select_n3A_3361, %mul3A_3362 : i32
        %multiple_of3A_3364 = tpu.assume_multiple %mul3A_3363, 128 : i32
        %dma_start3A_3365 = arith.constant 6 : i32
        %dma_start3A_3366 = arith.constant 0 : i32
        %dma_start3A_3367 = arith.constant 0 : i32
        %dma_start3A_3368 = tpu.memref_slice %arg11[%dma_start3A_3365, %dma_start3A_3366, %dma_start3A_3367] : memref<8x32x128xf32, #tpu.memory_space<vmem>> -> memref<1x32x128xf32, #tpu.memory_space<vmem>>
        %dma_start3A_3369 = tpu.memref_squeeze %dma_start3A_3368 : memref<1x32x128xf32, #tpu.memory_space<vmem>> -> memref<32x128xf32, #tpu.memory_space<vmem>>
        %dma_start3A_3370 = arith.constant 0 : i32
        %dma_start3A_3371 = tpu.memref_slice %arg4[%dma_start3A_3370, %multiple_of3A_3337] : memref<32x1000000xf32, #tpu.memory_space<hbm>> -> memref<32x128xf32, #tpu.memory_space<hbm>>
        %dma_start3A_3372 = arith.constant 0 : i32
        %dma_start3A_3373 = arith.constant 0 : i32
        %dma_start3A_3374 = tpu.memref_slice %arg11[%dma_start3A_3365, %dma_start3A_3372, %dma_start3A_3373] : memref<8x32x128xf32, #tpu.memory_space<vmem>> -> memref<1x32x128xf32, #tpu.memory_space<vmem>>
        %dma_start3A_3375 = tpu.memref_squeeze %dma_start3A_3374 : memref<1x32x128xf32, #tpu.memory_space<vmem>> -> memref<32x128xf32, #tpu.memory_space<vmem>>
        %dma_start3A_3376 = arith.constant 0 : i32
        %dma_start3A_3377 = tpu.memref_slice %arg4[%dma_start3A_3376, %multiple_of3A_3337] : memref<32x1000000xf32, #tpu.memory_space<hbm>> -> memref<32x128xf32, #tpu.memory_space<hbm>>
        tpu.enqueue_dma source(%dma_start3A_3377 : memref<32x128xf32, #tpu.memory_space<hbm>>) target(%dma_start3A_3375 : memref<32x128xf32, #tpu.memory_space<vmem>>) target_semaphore(%arg16 : memref<!tpu.dma_semaphore, #tpu.memory_space<semaphore_mem>>)
        %dma_start3A_3378 = arith.constant 6 : i32
        %dma_start3A_3379 = arith.constant 0 : i32
        %dma_start3A_3380 = arith.constant 0 : i32
        %dma_start3A_3381 = tpu.memref_slice %arg12[%dma_start3A_3378, %dma_start3A_3379, %dma_start3A_3380] : memref<8x32x128xf32, #tpu.memory_space<vmem>> -> memref<1x32x128xf32, #tpu.memory_space<vmem>>
        %dma_start3A_3382 = tpu.memref_squeeze %dma_start3A_3381 : memref<1x32x128xf32, #tpu.memory_space<vmem>> -> memref<32x128xf32, #tpu.memory_space<vmem>>
        %dma_start3A_3383 = arith.constant 0 : i32
        %dma_start3A_3384 = tpu.memref_slice %arg5[%dma_start3A_3383, %multiple_of3A_3364] : memref<32x1000000xf32, #tpu.memory_space<hbm>> -> memref<32x128xf32, #tpu.memory_space<hbm>>
        %dma_start3A_3385 = arith.constant 0 : i32
        %dma_start3A_3386 = arith.constant 0 : i32
        %dma_start3A_3387 = tpu.memref_slice %arg12[%dma_start3A_3378, %dma_start3A_3385, %dma_start3A_3386] : memref<8x32x128xf32, #tpu.memory_space<vmem>> -> memref<1x32x128xf32, #tpu.memory_space<vmem>>
        %dma_start3A_3388 = tpu.memref_squeeze %dma_start3A_3387 : memref<1x32x128xf32, #tpu.memory_space<vmem>> -> memref<32x128xf32, #tpu.memory_space<vmem>>
        %dma_start3A_3389 = arith.constant 0 : i32
        %dma_start3A_3390 = tpu.memref_slice %arg5[%dma_start3A_3389, %multiple_of3A_3364] : memref<32x1000000xf32, #tpu.memory_space<hbm>> -> memref<32x128xf32, #tpu.memory_space<hbm>>
        tpu.enqueue_dma source(%dma_start3A_3390 : memref<32x128xf32, #tpu.memory_space<hbm>>) target(%dma_start3A_3388 : memref<32x128xf32, #tpu.memory_space<vmem>>) target_semaphore(%arg17 : memref<!tpu.dma_semaphore, #tpu.memory_space<semaphore_mem>>)
      } else {
      }
      %dma_wait3A_3133 = arith.constant 7 : i32
      %dma_wait3A_3134 = arith.constant 0 : i32
      %dma_wait3A_3135 = arith.constant 0 : i32
      %dma_wait3A_3136 = tpu.memref_slice %arg11[%dma_wait3A_3133, %dma_wait3A_3134, %dma_wait3A_3135] : memref<8x32x128xf32, #tpu.memory_space<vmem>> -> memref<1x32x128xf32, #tpu.memory_space<vmem>>
      %dma_wait3A_3137 = tpu.memref_squeeze %dma_wait3A_3136 : memref<1x32x128xf32, #tpu.memory_space<vmem>> -> memref<32x128xf32, #tpu.memory_space<vmem>>
      %dma_wait3A_3138 = arith.constant 0 : i32
      %dma_wait3A_3139 = arith.constant 0 : i32
      %dma_wait3A_3140 = tpu.memref_slice %arg4[%dma_wait3A_3138, %dma_wait3A_3139] : memref<32x1000000xf32, #tpu.memory_space<hbm>> -> memref<32x128xf32, #tpu.memory_space<hbm>>
      %dma_wait3A_3141 = arith.constant 0 : i32
      %dma_wait3A_3142 = arith.constant 0 : i32
      %dma_wait3A_3143 = tpu.memref_slice %arg11[%dma_wait3A_3133, %dma_wait3A_3141, %dma_wait3A_3142] : memref<8x32x128xf32, #tpu.memory_space<vmem>> -> memref<1x32x128xf32, #tpu.memory_space<vmem>>
      %dma_wait3A_3144 = tpu.memref_squeeze %dma_wait3A_3143 : memref<1x32x128xf32, #tpu.memory_space<vmem>> -> memref<32x128xf32, #tpu.memory_space<vmem>>
      %dma_wait3A_3145 = arith.constant 0 : i32
      %dma_wait3A_3146 = arith.constant 0 : i32
      %dma_wait3A_3147 = tpu.memref_slice %arg4[%dma_wait3A_3145, %dma_wait3A_3146] : memref<32x1000000xf32, #tpu.memory_space<hbm>> -> memref<32x128xf32, #tpu.memory_space<hbm>>
      tpu.wait_dma2 semaphore(%arg16 : memref<!tpu.dma_semaphore, #tpu.memory_space<semaphore_mem>>) src(%dma_wait3A_3147 : memref<32x128xf32, #tpu.memory_space<hbm>>) dst(%dma_wait3A_3144 : memref<32x128xf32, #tpu.memory_space<vmem>>)
      %dma_wait3A_3148 = arith.constant 7 : i32
      %dma_wait3A_3149 = arith.constant 0 : i32
      %dma_wait3A_3150 = arith.constant 0 : i32
      %dma_wait3A_3151 = tpu.memref_slice %arg12[%dma_wait3A_3148, %dma_wait3A_3149, %dma_wait3A_3150] : memref<8x32x128xf32, #tpu.memory_space<vmem>> -> memref<1x32x128xf32, #tpu.memory_space<vmem>>
      %dma_wait3A_3152 = tpu.memref_squeeze %dma_wait3A_3151 : memref<1x32x128xf32, #tpu.memory_space<vmem>> -> memref<32x128xf32, #tpu.memory_space<vmem>>
      %dma_wait3A_3153 = arith.constant 0 : i32
      %dma_wait3A_3154 = arith.constant 0 : i32
      %dma_wait3A_3155 = tpu.memref_slice %arg5[%dma_wait3A_3153, %dma_wait3A_3154] : memref<32x1000000xf32, #tpu.memory_space<hbm>> -> memref<32x128xf32, #tpu.memory_space<hbm>>
      %dma_wait3A_3156 = arith.constant 0 : i32
      %dma_wait3A_3157 = arith.constant 0 : i32
      %dma_wait3A_3158 = tpu.memref_slice %arg12[%dma_wait3A_3148, %dma_wait3A_3156, %dma_wait3A_3157] : memref<8x32x128xf32, #tpu.memory_space<vmem>> -> memref<1x32x128xf32, #tpu.memory_space<vmem>>
      %dma_wait3A_3159 = tpu.memref_squeeze %dma_wait3A_3158 : memref<1x32x128xf32, #tpu.memory_space<vmem>> -> memref<32x128xf32, #tpu.memory_space<vmem>>
      %dma_wait3A_3160 = arith.constant 0 : i32
      %dma_wait3A_3161 = arith.constant 0 : i32
      %dma_wait3A_3162 = tpu.memref_slice %arg5[%dma_wait3A_3160, %dma_wait3A_3161] : memref<32x1000000xf32, #tpu.memory_space<hbm>> -> memref<32x128xf32, #tpu.memory_space<hbm>>
      tpu.wait_dma2 semaphore(%arg17 : memref<!tpu.dma_semaphore, #tpu.memory_space<semaphore_mem>>) src(%dma_wait3A_3162 : memref<32x128xf32, #tpu.memory_space<hbm>>) dst(%dma_wait3A_3159 : memref<32x128xf32, #tpu.memory_space<vmem>>)
      %slice3A_3163 = vector.extract_strided_slice %get3A_767 {offsets = [15], sizes = [1], strides = [1]} : vector<16xi32> to vector<1xi32>
      %squeeze3A_3164 = vector.extract %slice3A_3163[0] : i32 from vector<1xi32>
      %jit3A_3165 = arith.constant 128 : i32
      %eq3A_3166 = arith.constant 0 : i32
      %eq3A_3167 = arith.cmpi eq, %jit3A_3165, %eq3A_3166 : i32
      %jit3A_3168 = arith.constant 1 : i32
      %select_n3A_3169 = arith.select %eq3A_3167, %jit3A_3168, %jit3A_3165 : i32
      %rem3A_3170 = arith.remsi %squeeze3A_3164, %select_n3A_3169 : i32
      %ne3A_3171 = arith.constant 0 : i32
      %ne3A_3172 = arith.cmpi ne, %rem3A_3170, %ne3A_3171 : i32
      %lt3A_3173 = arith.constant 0 : i32
      %lt3A_3174 = arith.cmpi slt, %rem3A_3170, %lt3A_3173 : i32
      %lt3A_3175 = arith.constant 0 : i32
      %lt3A_3176 = arith.cmpi slt, %select_n3A_3169, %lt3A_3175 : i32
      %ne3A_3177 = arith.xori %lt3A_3174, %lt3A_3176 : i1
      %and3A_3178 = arith.andi %ne3A_3177, %ne3A_3172 : i1
      %add3A_3179 = arith.addi %rem3A_3170, %select_n3A_3169 : i32
      %select_n3A_3180 = arith.select %and3A_3178, %add3A_3179, %rem3A_3170 : i32
      %broadcast_in_dim3A_3181 = vector.broadcast %select_n3A_3180 : i32 to vector<16xi32>
      %slice3A_3182 = vector.extract_strided_slice %get3A_770 {offsets = [15], sizes = [1], strides = [1]} : vector<16xi32> to vector<1xi32>
      %squeeze3A_3183 = vector.extract %slice3A_3182[0] : i32 from vector<1xi32>
      %jit3A_3184 = arith.constant 128 : i32
      %eq3A_3185 = arith.constant 0 : i32
      %eq3A_3186 = arith.cmpi eq, %jit3A_3184, %eq3A_3185 : i32
      %jit3A_3187 = arith.constant 1 : i32
      %select_n3A_3188 = arith.select %eq3A_3186, %jit3A_3187, %jit3A_3184 : i32
      %rem3A_3189 = arith.remsi %squeeze3A_3183, %select_n3A_3188 : i32
      %ne3A_3190 = arith.constant 0 : i32
      %ne3A_3191 = arith.cmpi ne, %rem3A_3189, %ne3A_3190 : i32
      %lt3A_3192 = arith.constant 0 : i32
      %lt3A_3193 = arith.cmpi slt, %rem3A_3189, %lt3A_3192 : i32
      %lt3A_3194 = arith.constant 0 : i32
      %lt3A_3195 = arith.cmpi slt, %select_n3A_3188, %lt3A_3194 : i32
      %ne3A_3196 = arith.xori %lt3A_3193, %lt3A_3195 : i1
      %and3A_3197 = arith.andi %ne3A_3196, %ne3A_3191 : i1
      %add3A_3198 = arith.addi %rem3A_3189, %select_n3A_3188 : i32
      %select_n3A_3199 = arith.select %and3A_3197, %add3A_3198, %rem3A_3189 : i32
      %broadcast_in_dim3A_3200 = vector.broadcast %select_n3A_3199 : i32 to vector<16xi32>
      %gather3A_3201 = arith.constant 7 : i32
      %gather3A_3202 = arith.constant 0 : i32
      %gather3A_3203 = arith.constant 0 : i32
      %gather3A_3204 = tpu.memref_slice %arg11[%gather3A_3201, %gather3A_3202, %gather3A_3203] : memref<8x32x128xf32, #tpu.memory_space<vmem>> -> memref<1x32x128xf32, #tpu.memory_space<vmem>>
      %gather3A_3205 = tpu.memref_squeeze %gather3A_3204 : memref<1x32x128xf32, #tpu.memory_space<vmem>> -> memref<32x128xf32, #tpu.memory_space<vmem>>
      %gather3A_3206 = tpu.vector_load_idx %gather3A_3205[%iota3A_66, %broadcast_in_dim3A_3181] : memref<32x128xf32, #tpu.memory_space<vmem>>[vector<16xi32>, vector<16xi32>], vector<16xf32>,
      %gather3A_3207 = arith.constant 7 : i32
      %gather3A_3208 = arith.constant 0 : i32
      %gather3A_3209 = arith.constant 0 : i32
      %gather3A_3210 = tpu.memref_slice %arg11[%gather3A_3207, %gather3A_3208, %gather3A_3209] : memref<8x32x128xf32, #tpu.memory_space<vmem>> -> memref<1x32x128xf32, #tpu.memory_space<vmem>>
      %gather3A_3211 = tpu.memref_squeeze %gather3A_3210 : memref<1x32x128xf32, #tpu.memory_space<vmem>> -> memref<32x128xf32, #tpu.memory_space<vmem>>
      %gather3A_3212 = tpu.vector_load_idx %gather3A_3211[%add3A_69, %broadcast_in_dim3A_3181] : memref<32x128xf32, #tpu.memory_space<vmem>>[vector<16xi32>, vector<16xi32>], vector<16xf32>,
      %gather3A_3213 = arith.constant 7 : i32
      %gather3A_3214 = arith.constant 0 : i32
      %gather3A_3215 = arith.constant 0 : i32
      %gather3A_3216 = tpu.memref_slice %arg12[%gather3A_3213, %gather3A_3214, %gather3A_3215] : memref<8x32x128xf32, #tpu.memory_space<vmem>> -> memref<1x32x128xf32, #tpu.memory_space<vmem>>
      %gather3A_3217 = tpu.memref_squeeze %gather3A_3216 : memref<1x32x128xf32, #tpu.memory_space<vmem>> -> memref<32x128xf32, #tpu.memory_space<vmem>>
      %gather3A_3218 = tpu.vector_load_idx %gather3A_3217[%iota3A_66, %broadcast_in_dim3A_3200] : memref<32x128xf32, #tpu.memory_space<vmem>>[vector<16xi32>, vector<16xi32>], vector<16xf32>,
      %gather3A_3219 = arith.constant 7 : i32
      %gather3A_3220 = arith.constant 0 : i32
      %gather3A_3221 = arith.constant 0 : i32
      %gather3A_3222 = tpu.memref_slice %arg12[%gather3A_3219, %gather3A_3220, %gather3A_3221] : memref<8x32x128xf32, #tpu.memory_space<vmem>> -> memref<1x32x128xf32, #tpu.memory_space<vmem>>
      %gather3A_3223 = tpu.memref_squeeze %gather3A_3222 : memref<1x32x128xf32, #tpu.memory_space<vmem>> -> memref<32x128xf32, #tpu.memory_space<vmem>>
      %gather3A_3224 = tpu.vector_load_idx %gather3A_3223[%add3A_69, %broadcast_in_dim3A_3200] : memref<32x128xf32, #tpu.memory_space<vmem>>[vector<16xi32>, vector<16xi32>], vector<16xf32>,
      %mul3A_3225 = arith.mulf %gather3A_3206, %gather3A_3218 : vector<16xf32>
      %mul3A_3226 = arith.mulf %gather3A_3212, %gather3A_3224 : vector<16xf32>
      %add3A_3227 = arith.addf %mul3A_3225, %mul3A_3226 : vector<16xf32>
      %reduce_sum3A_3228 = arith.constant true
      %reduce_sum3A_3229 = vector.broadcast %reduce_sum3A_3228 : i1 to vector<16xi1>
      %reduce_sum3A_3230 = tpu.scan <sum>, %add3A_3227 masked %reduce_sum3A_3229 : vector<16xf32>, vector<16xi1> -> vector<16xf32>
      %reduce_sum3A_3231 = vector.extract %reduce_sum3A_3230[15] : f32 from vector<16xf32>
      %eq3A_3232 = arith.constant 15 : i32
      %eq3A_3233 = vector.broadcast %eq3A_3232 : i32 to vector<16xi32>
      %eq3A_3234 = arith.cmpi eq, %iota3A, %eq3A_3233 : vector<16xi32>
      %broadcast_in_dim3A_3235 = vector.broadcast %reduce_sum3A_3231 : f32 to vector<16xf32>
      %select_n3A_3236 = arith.select %eq3A_3234, %broadcast_in_dim3A_3235, %select_n3A_3125 : vector<16xi1>, vector<16xf32>
      %mul3A_3237 = arith.constant 16 : i32
      %mul3A_3238 = arith.muli %scan3A_724, %mul3A_3237 : i32
      %get3A_3239 = arith.index_cast %mul3A_3238 : i32 to index
      %get3A_3240 = tpu.vector_load %arg13[%get3A_3239] {strides = array<i32>} : memref<512xf32, #tpu.memory_space<vmem>>, vector<16xf32>,
      %add3A_3241 = arith.addf %select_n3A_3236, %get3A_3240 : vector<16xf32>
      %get3A_3242 = arith.index_cast %mul3A_3238 : i32 to index
      %get3A_3243 = tpu.vector_load %arg14[%get3A_3242] {strides = array<i32>} : memref<512xf32, #tpu.memory_space<vmem>>, vector<16xf32>,
      %add3A_3244 = arith.addf %add3A_3241, %get3A_3243 : vector<16xf32>
      %neg3A = arith.constant 0.000000e+00 : f32
      %neg3A_3245 = vector.broadcast %neg3A : f32 to vector<16xf32>
      %neg3A_3246 = arith.subf %neg3A_3245, %add3A_3244 : vector<16xf32>
      %exp3A = math.exp %neg3A_3246 : vector<16xf32>
      %add3A_3247 = arith.constant 1.000000e+00 : f32
      %add3A_3248 = vector.broadcast %add3A_3247 : f32 to vector<16xf32>
      %add3A_3249 = arith.addf %add3A_3248, %exp3A : vector<16xf32>
      %div3A_3250 = arith.constant 4.000000e+00 : f32
      %div3A_3251 = vector.broadcast %div3A_3250 : f32 to vector<16xf32>
      %div3A_3252 = arith.divf %div3A_3251, %add3A_3249 : vector<16xf32>
      %add3A_3253 = arith.constant 1.000000e+00 : f32
      %add3A_3254 = vector.broadcast %add3A_3253 : f32 to vector<16xf32>
      %add3A_3255 = arith.addf %div3A_3252, %add3A_3254 : vector<16xf32>
      %swap3A = arith.index_cast %mul3A_3238 : i32 to index
      %swap3A_3256 = tpu.vector_load %arg15[%swap3A] {strides = array<i32>} : memref<512xf32, #tpu.memory_space<vmem>>, vector<16xf32>,
      tpu.vector_store %arg15[%swap3A], %add3A_3255 {strides = array<i32>} : memref<512xf32, #tpu.memory_space<vmem>>, vector<16xf32>,
    }
    %scan3A_658 = arith.constant 32 : i32
    %dma_wait3A = arith.constant 0 : i32
    %dma_wait3A_659 = arith.constant 0 : i32
    %dma_wait3A_660 = tpu.memref_slice %arg13[%dma_wait3A_659] : memref<512xf32, #tpu.memory_space<vmem>> -> memref<128xf32, #tpu.memory_space<vmem>>
    %dma_wait3A_661 = arith.constant 0 : i32
    %dma_wait3A_662 = tpu.memref_slice %arg9[%dma_wait3A, %dma_wait3A_661] : memref<4x128xi32, #tpu.memory_space<vmem>> -> memref<1x128xi32, #tpu.memory_space<vmem>>
    %dma_wait3A_663 = tpu.memref_squeeze %dma_wait3A_662 : memref<1x128xi32, #tpu.memory_space<vmem>> -> memref<128xi32, #tpu.memory_space<vmem>>
    %dma_wait3A_664 = arith.constant 0 : i32
    %dma_wait3A_665 = tpu.memref_slice %arg6[%dma_wait3A_664] : memref<1000000xf32, #tpu.memory_space<hbm>> -> memref<1000000xf32, #tpu.memory_space<hbm>>
    tpu.wait_indirect_dma semaphore(%arg18 : memref<!tpu.dma_semaphore, #tpu.memory_space<semaphore_mem>>) src(%dma_wait3A_665 : memref<1000000xf32, #tpu.memory_space<hbm>>) dst(%dma_wait3A_660 : memref<128xf32, #tpu.memory_space<vmem>>)
    %dma_wait3A_666 = arith.constant 0 : i32
    %dma_wait3A_667 = arith.constant 0 : i32
    %dma_wait3A_668 = tpu.memref_slice %arg14[%dma_wait3A_667] : memref<512xf32, #tpu.memory_space<vmem>> -> memref<128xf32, #tpu.memory_space<vmem>>
    %dma_wait3A_669 = arith.constant 0 : i32
    %dma_wait3A_670 = tpu.memref_slice %arg10[%dma_wait3A_666, %dma_wait3A_669] : memref<4x128xi32, #tpu.memory_space<vmem>> -> memref<1x128xi32, #tpu.memory_space<vmem>>
    %dma_wait3A_671 = tpu.memref_squeeze %dma_wait3A_670 : memref<1x128xi32, #tpu.memory_space<vmem>> -> memref<128xi32, #tpu.memory_space<vmem>>
    %dma_wait3A_672 = arith.constant 0 : i32
    %dma_wait3A_673 = tpu.memref_slice %arg7[%dma_wait3A_672] : memref<1000000xf32, #tpu.memory_space<hbm>> -> memref<1000000xf32, #tpu.memory_space<hbm>>
    tpu.wait_indirect_dma semaphore(%arg18 : memref<!tpu.dma_semaphore, #tpu.memory_space<semaphore_mem>>) src(%dma_wait3A_673 : memref<1000000xf32, #tpu.memory_space<hbm>>) dst(%dma_wait3A_668 : memref<128xf32, #tpu.memory_space<vmem>>)
    %dma_wait3A_674 = arith.constant 1 : i32
    %dma_wait3A_675 = arith.constant 128 : i32
    %dma_wait3A_676 = tpu.memref_slice %arg13[%dma_wait3A_675] : memref<512xf32, #tpu.memory_space<vmem>> -> memref<128xf32, #tpu.memory_space<vmem>>
    %dma_wait3A_677 = arith.constant 0 : i32
    %dma_wait3A_678 = tpu.memref_slice %arg9[%dma_wait3A_674, %dma_wait3A_677] : memref<4x128xi32, #tpu.memory_space<vmem>> -> memref<1x128xi32, #tpu.memory_space<vmem>>
    %dma_wait3A_679 = tpu.memref_squeeze %dma_wait3A_678 : memref<1x128xi32, #tpu.memory_space<vmem>> -> memref<128xi32, #tpu.memory_space<vmem>>
    %dma_wait3A_680 = arith.constant 0 : i32
    %dma_wait3A_681 = tpu.memref_slice %arg6[%dma_wait3A_680] : memref<1000000xf32, #tpu.memory_space<hbm>> -> memref<1000000xf32, #tpu.memory_space<hbm>>
    tpu.wait_indirect_dma semaphore(%arg18 : memref<!tpu.dma_semaphore, #tpu.memory_space<semaphore_mem>>) src(%dma_wait3A_681 : memref<1000000xf32, #tpu.memory_space<hbm>>) dst(%dma_wait3A_676 : memref<128xf32, #tpu.memory_space<vmem>>)
    %dma_wait3A_682 = arith.constant 1 : i32
    %dma_wait3A_683 = arith.constant 128 : i32
    %dma_wait3A_684 = tpu.memref_slice %arg14[%dma_wait3A_683] : memref<512xf32, #tpu.memory_space<vmem>> -> memref<128xf32, #tpu.memory_space<vmem>>
    %dma_wait3A_685 = arith.constant 0 : i32
    %dma_wait3A_686 = tpu.memref_slice %arg10[%dma_wait3A_682, %dma_wait3A_685] : memref<4x128xi32, #tpu.memory_space<vmem>> -> memref<1x128xi32, #tpu.memory_space<vmem>>
    %dma_wait3A_687 = tpu.memref_squeeze %dma_wait3A_686 : memref<1x128xi32, #tpu.memory_space<vmem>> -> memref<128xi32, #tpu.memory_space<vmem>>
    %dma_wait3A_688 = arith.constant 0 : i32
    %dma_wait3A_689 = tpu.memref_slice %arg7[%dma_wait3A_688] : memref<1000000xf32, #tpu.memory_space<hbm>> -> memref<1000000xf32, #tpu.memory_space<hbm>>
    tpu.wait_indirect_dma semaphore(%arg18 : memref<!tpu.dma_semaphore, #tpu.memory_space<semaphore_mem>>) src(%dma_wait3A_689 : memref<1000000xf32, #tpu.memory_space<hbm>>) dst(%dma_wait3A_684 : memref<128xf32, #tpu.memory_space<vmem>>)
    %dma_wait3A_690 = arith.constant 2 : i32
    %dma_wait3A_691 = arith.constant 256 : i32
    %dma_wait3A_692 = tpu.memref_slice %arg13[%dma_wait3A_691] : memref<512xf32, #tpu.memory_space<vmem>> -> memref<128xf32, #tpu.memory_space<vmem>>
    %dma_wait3A_693 = arith.constant 0 : i32
    %dma_wait3A_694 = tpu.memref_slice %arg9[%dma_wait3A_690, %dma_wait3A_693] : memref<4x128xi32, #tpu.memory_space<vmem>> -> memref<1x128xi32, #tpu.memory_space<vmem>>
    %dma_wait3A_695 = tpu.memref_squeeze %dma_wait3A_694 : memref<1x128xi32, #tpu.memory_space<vmem>> -> memref<128xi32, #tpu.memory_space<vmem>>
    %dma_wait3A_696 = arith.constant 0 : i32
    %dma_wait3A_697 = tpu.memref_slice %arg6[%dma_wait3A_696] : memref<1000000xf32, #tpu.memory_space<hbm>> -> memref<1000000xf32, #tpu.memory_space<hbm>>
    tpu.wait_indirect_dma semaphore(%arg18 : memref<!tpu.dma_semaphore, #tpu.memory_space<semaphore_mem>>) src(%dma_wait3A_697 : memref<1000000xf32, #tpu.memory_space<hbm>>) dst(%dma_wait3A_692 : memref<128xf32, #tpu.memory_space<vmem>>)
    %dma_wait3A_698 = arith.constant 2 : i32
    %dma_wait3A_699 = arith.constant 256 : i32
    %dma_wait3A_700 = tpu.memref_slice %arg14[%dma_wait3A_699] : memref<512xf32, #tpu.memory_space<vmem>> -> memref<128xf32, #tpu.memory_space<vmem>>
    %dma_wait3A_701 = arith.constant 0 : i32
    %dma_wait3A_702 = tpu.memref_slice %arg10[%dma_wait3A_698, %dma_wait3A_701] : memref<4x128xi32, #tpu.memory_space<vmem>> -> memref<1x128xi32, #tpu.memory_space<vmem>>
    %dma_wait3A_703 = tpu.memref_squeeze %dma_wait3A_702 : memref<1x128xi32, #tpu.memory_space<vmem>> -> memref<128xi32, #tpu.memory_space<vmem>>
    %dma_wait3A_704 = arith.constant 0 : i32
    %dma_wait3A_705 = tpu.memref_slice %arg7[%dma_wait3A_704] : memref<1000000xf32, #tpu.memory_space<hbm>> -> memref<1000000xf32, #tpu.memory_space<hbm>>
    tpu.wait_indirect_dma semaphore(%arg18 : memref<!tpu.dma_semaphore, #tpu.memory_space<semaphore_mem>>) src(%dma_wait3A_705 : memref<1000000xf32, #tpu.memory_space<hbm>>) dst(%dma_wait3A_700 : memref<128xf32, #tpu.memory_space<vmem>>)
    %dma_wait3A_706 = arith.constant 3 : i32
    %dma_wait3A_707 = arith.constant 384 : i32
    %dma_wait3A_708 = tpu.memref_slice %arg13[%dma_wait3A_707] : memref<512xf32, #tpu.memory_space<vmem>> -> memref<128xf32, #tpu.memory_space<vmem>>
    %dma_wait3A_709 = arith.constant 0 : i32
    %dma_wait3A_710 = tpu.memref_slice %arg9[%dma_wait3A_706, %dma_wait3A_709] : memref<4x128xi32, #tpu.memory_space<vmem>> -> memref<1x128xi32, #tpu.memory_space<vmem>>
    %dma_wait3A_711 = tpu.memref_squeeze %dma_wait3A_710 : memref<1x128xi32, #tpu.memory_space<vmem>> -> memref<128xi32, #tpu.memory_space<vmem>>
    %dma_wait3A_712 = arith.constant 0 : i32
    %dma_wait3A_713 = tpu.memref_slice %arg6[%dma_wait3A_712] : memref<1000000xf32, #tpu.memory_space<hbm>> -> memref<1000000xf32, #tpu.memory_space<hbm>>
    tpu.wait_indirect_dma semaphore(%arg18 : memref<!tpu.dma_semaphore, #tpu.memory_space<semaphore_mem>>) src(%dma_wait3A_713 : memref<1000000xf32, #tpu.memory_space<hbm>>) dst(%dma_wait3A_708 : memref<128xf32, #tpu.memory_space<vmem>>)
    %dma_wait3A_714 = arith.constant 3 : i32
    %dma_wait3A_715 = arith.constant 384 : i32
    %dma_wait3A_716 = tpu.memref_slice %arg14[%dma_wait3A_715] : memref<512xf32, #tpu.memory_space<vmem>> -> memref<128xf32, #tpu.memory_space<vmem>>
    %dma_wait3A_717 = arith.constant 0 : i32
    %dma_wait3A_718 = tpu.memref_slice %arg10[%dma_wait3A_714, %dma_wait3A_717] : memref<4x128xi32, #tpu.memory_space<vmem>> -> memref<1x128xi32, #tpu.memory_space<vmem>>
    %dma_wait3A_719 = tpu.memref_squeeze %dma_wait3A_718 : memref<1x128xi32, #tpu.memory_space<vmem>> -> memref<128xi32, #tpu.memory_space<vmem>>
    %dma_wait3A_720 = arith.constant 0 : i32
    %dma_wait3A_721 = tpu.memref_slice %arg7[%dma_wait3A_720] : memref<1000000xf32, #tpu.memory_space<hbm>> -> memref<1000000xf32, #tpu.memory_space<hbm>>
    tpu.wait_indirect_dma semaphore(%arg18 : memref<!tpu.dma_semaphore, #tpu.memory_space<semaphore_mem>>) src(%dma_wait3A_721 : memref<1000000xf32, #tpu.memory_space<hbm>>) dst(%dma_wait3A_716 : memref<128xf32, #tpu.memory_space<vmem>>)
    %mul3A_722 = arith.constant 512 : i32
    %mul3A_723 = arith.muli %add3A, %mul3A_722 : i32
    "tpu.region"() ({
      %run_scoped3A = tpu.sem_alloc : memref<!tpu.dma_semaphore, #tpu.memory_space<semaphore_mem>>
      %dma_start3A_724 = tpu.memref_slice %arg8[%mul3A_723] : memref<16384xf32, #tpu.memory_space<hbm>> -> memref<512xf32, #tpu.memory_space<hbm>>
      %dma_start3A_725 = tpu.memref_slice %arg8[%mul3A_723] : memref<16384xf32, #tpu.memory_space<hbm>> -> memref<512xf32, #tpu.memory_space<hbm>>
      tpu.enqueue_dma source(%arg15 : memref<512xf32, #tpu.memory_space<vmem>>) target(%dma_start3A_725 : memref<512xf32, #tpu.memory_space<hbm>>) target_semaphore(%run_scoped3A : memref<!tpu.dma_semaphore, #tpu.memory_space<semaphore_mem>>)
      %dma_wait3A_726 = tpu.memref_slice %arg8[%mul3A_723] : memref<16384xf32, #tpu.memory_space<hbm>> -> memref<512xf32, #tpu.memory_space<hbm>>
      %dma_wait3A_727 = tpu.memref_slice %arg8[%mul3A_723] : memref<16384xf32, #tpu.memory_space<hbm>> -> memref<512xf32, #tpu.memory_space<hbm>>
      tpu.wait_dma2 semaphore(%run_scoped3A : memref<!tpu.dma_semaphore, #tpu.memory_space<semaphore_mem>>) src(%arg15 : memref<512xf32, #tpu.memory_space<vmem>>) dst(%dma_wait3A_727 : memref<512xf32, #tpu.memory_space<hbm>>)
      tpu.yield
    }) : () -> ()
    return
  }
}

</mosaic_0001>

<sc_bundles>
// kernel: kernel.3.cloned.1.call-start
scs
__scs_entry_jumppad:
0x0: {  	(pc) =	sbr.rel $0x88, $3  }
0x1: {  	(tag) =	ssettag $0x0;
	lr =	simm.s32 $0x1  }
0x2: {  	[smem:$0x3F9B] =	sst lr;
	_ =	strace $0xD0000000  }
0x3: {  	_ = 	snop  }
0x4: {  	_ = 	snop  }
0x5: {  	_ = 	snop  }
0x6: {  	_ = 	snop  }
0x7: {  	_ = 	snop  }
__scs_overlays_trampoline_lowered:
0x8: {  	[smem:$0x3FAA] =	sst s0  }
0x9: {  	[smem:$0x3FAB] =	sst s1  }
0xa: {  	[smem:$0x3FAC] =	sst s2  }
0xb: {  	[smem:$0x3FAD] =	sst s3  }
0xc: {  	[smem:$0x3FAE] =	sst s4  }
0xd: {  	[smem:$0x3FAF] =	sst s5  }
0xe: {  	[smem:$0x3FB0] =	sst s6  }
0xf: {  	[smem:$0x3FB1] =	sst s7  }
0x10: {  	[smem:$0x3FB2] =	sst s8  }
0x11: {  	[smem:$0x3FB3] =	sst s9;
	s0 =	simm.s32 @!p0 $0x0  }
0x12: {  	s1 =	sld [smem:$0x3F99];
	s0 =	simm.s32 @p0 $0x1  }
0x13: {  	[smem:$0x3FB4] =	sst s0;
	s0 =	simm.s32 @!p1 $0x0  }
0x14: {  	s2 =	sld [smem:$0x3F98];
	s0 =	simm.s32 @p1 $0x1  }
0x15: {  	[smem:$0x3FB5] =	sst s0;
	s0 =	simm.s32 @!p2 $0x0  }
0x16: {  	s3 =	sld [smem:$0x3FDB];
	s0 =	simm.s32 @p2 $0x1  }
0x17: {  	s4 =	simm.s32 $0x1BF5;
	[smem:$0x3FB7] =	sst s0  }
0x18: {  	s0 =	sld [smem:$0x3F9A];
	_ =	swait.ge [sflag:s4], $0x0  }
0x19: {  	s7 =	sld [smem:$0x3F9B]  }
0x1a: {  	s8 =	sadd.s32 $0xFFFFE003, lr  }
0x1b: {  	s9 =	sadd.s32 $0xFFFFFEF7, lr;
	s5 =	simm.s32 $0xFFFFFFFF;
	p2 =	slt.u32 s8, $0xFFFFF086  }
0x1c: {  	p1 =	slt.u32 s9, $0xF7A;
	s5 =	simm.s32 @!p2 $0x0  }
0x1d: {  	s5 =	simm.s32 @p1 $0x1;
	p0 =	seq.s32 s7, s2  }
0x1e: {  	s7 =	smul.u32 @!p0 $0xF7A, s2;
	p2 =	seq.s32 @!p0 s5, $0x0  }
0x1f: {  	s9 =	smul.u32 $0xF7A, s1;
	s8 =	simm.s32 @!p0 $0x1BF5;
	p2 =	por !p2, p0  }
0x20: {  	[sflag:s8] =	ssyncset.s32 @!p0 $0xFFFFF086;
	s6 =	sadd.s32 @!p0 s3, s7;
	s7 =	simm.s32 @!p0 $0x108  }
0x21: {  	s3 =	sadd.s32 s3, s9;
	s6 =	sadd.s32 @!p0 $0x88, s6;
	s7 =	simm.s32 @p2 $0x1082  }
0x22: {  	[simem:s7], [sflag:s8] =	dma.local @!p0 [hbm:s6], $0xF7A  }
0x23: {  	s9 =	sor.u32 $0xD0000000, s2;
	s6 =	simm.s32 $0x108;
	_ =	swait.ge @!p0 [sflag:s8], $0x0  }
0x24: {  	s3 =	sadd.s32 $0x88, s3;
	s6 =	simm.s32 @!p1 $0x1082;
	[sflag:s4] =	ssyncset.s32 $0xFFFFF086  }
0x25: {  	[simem:s6], [sflag:s4] =	dma.local [hbm:s3], $0xF7A  }
0x26: {  	[smem:$0x3F9B] =	sst s1;
	(tag) =	ssettag s2;
	_ =	strace s9  }
0x27: {  	s1 =	sld [smem:$0x3FAB]  }
0x28: {  	s2 =	sld [smem:$0x3FAC]  }
0x29: {  	s4 =	sld [smem:$0x3FAE]  }
0x2a: {  	p0 =	seq.s32 s5, $0x0;
	s5 =	sld [smem:$0x3FAF]  }
0x2b: {  	s6 =	sld [smem:$0x3FB0]  }
0x2c: {  	s7 =	sld [smem:$0x3FB1]  }
0x2d: {  	s3 =	simm.s32 $0x108;
	s8 =	sld [smem:$0x3FB2]  }
0x2e: {  	s3 =	simm.s32 @!p0 $0x1082;
	s9 =	sld [smem:$0x3FB3]  }
0x2f: {  	lr =	sadd.s32 s0, s3;
	s0 =	sld [smem:$0x3FAA]  }
0x30: {  	s3 =	sld [smem:$0x3FAD]  }
0x31: {  	[smem:$0x3FB6] =	sst s10  }
0x32: {  	s10 =	sld [smem:$0x3FB4];
	_ =	sdelay $0x3  }
0x33: {  	p0 =	seq.s32 s10, $0x1;
	s10 =	sld [smem:$0x3FB6];
	_ =	sdelay $0x3  }
0x34: {  	[smem:$0x3FB6] =	sst s10  }
0x35: {  	s10 =	sld [smem:$0x3FB5];
	_ =	sdelay $0x3  }
0x36: {  	p1 =	seq.s32 s10, $0x1;
	s10 =	sld [smem:$0x3FB6];
	_ =	sdelay $0x3  }
0x37: {  	[smem:$0x3FB6] =	sst s10  }
0x38: {  	s10 =	sld [smem:$0x3FB7]  }
0x39: {  	_ = 	snop;
	(pc) =	sbr.ind lr, $3  }
0x3a: {  	_ = 	snop  }
0x3b: {  	_ = 	snop  }
0x3c: {  	p2 =	seq.s32 s10, $0x1;
	s10 =	sld [smem:$0x3FB6]  }
0x3d: {  	_ =	shalt  }
0x3e: {  	_ =	shalt  }
0x3f: {  	_ =	shalt  }
0x40: {  	_ =	shalt  }
0x41: {  	_ =	shalt  }
0x42: {  	_ =	shalt  }
0x43: {  	_ =	shalt  }
0x44: {  	_ =	shalt  }
0x45: {  	_ =	shalt  }
0x46: {  	_ =	shalt  }
0x47: {  	_ =	shalt  }
0x48: {  	_ =	shalt  }
0x49: {  	_ =	shalt  }
0x4a: {  	_ =	shalt  }
0x4b: {  	_ =	shalt  }
0x4c: {  	_ =	shalt  }
0x4d: {  	_ =	shalt  }
0x4e: {  	_ =	shalt  }
0x4f: {  	_ =	shalt  }
0x50: {  	_ =	shalt  }
0x51: {  	_ =	shalt  }
0x52: {  	_ =	shalt  }
0x53: {  	_ =	shalt  }
0x54: {  	_ =	shalt  }
0x55: {  	_ =	shalt  }
0x56: {  	_ =	shalt  }
0x57: {  	_ =	shalt  }
0x58: {  	_ =	shalt  }
0x59: {  	_ =	shalt  }
0x5a: {  	_ =	shalt  }
0x5b: {  	_ =	shalt  }
0x5c: {  	_ =	shalt  }
0x5d: {  	_ =	shalt  }
0x5e: {  	_ =	shalt  }
0x5f: {  	_ =	shalt  }
0x60: {  	_ =	shalt  }
0x61: {  	_ =	shalt  }
0x62: {  	_ =	shalt  }
0x63: {  	_ =	shalt  }
0x64: {  	_ =	shalt  }
0x65: {  	_ =	shalt  }
0x66: {  	_ =	shalt  }
0x67: {  	_ =	shalt  }
0x68: {  	_ =	shalt  }
0x69: {  	_ =	shalt  }
0x6a: {  	_ =	shalt  }
0x6b: {  	_ =	shalt  }
0x6c: {  	_ =	shalt  }
0x6d: {  	_ =	shalt  }
0x6e: {  	_ =	shalt  }
0x6f: {  	_ =	shalt  }
0x70: {  	_ =	shalt  }
0x71: {  	_ =	shalt  }
0x72: {  	_ =	shalt  }
0x73: {  	_ =	shalt  }
0x74: {  	_ =	shalt  }
0x75: {  	_ =	shalt  }
0x76: {  	_ =	shalt  }
0x77: {  	_ =	shalt  }
0x78: {  	_ =	shalt  }
0x79: {  	_ =	shalt  }
0x7a: {  	_ =	shalt  }
0x7b: {  	_ =	shalt  }
0x7c: {  	_ =	shalt  }
0x7d: {  	_ =	shalt  }
0x7e: {  	_ =	shalt  }
0x7f: {  	_ =	shalt  }
0x80: {  	_ =	shalt  }
0x81: {  	_ =	shalt  }
0x82: {  	_ =	shalt  }
0x83: {  	_ =	shalt  }
0x84: {  	_ =	shalt  }
0x85: {  	_ =	shalt  }
0x86: {  	_ =	shalt  }
0x87: {  	_ =	shalt  }
.Lfunc_end0:
.L_simem_size_0:
called_computation_lowered:
.L_overlay_start_0:
0x88: {  	s2 =	sld [smem:$0x3FD9]  }
0x89: {  	s3 =	sld [smem:$0x3FFE];
	_ =	sdelay $0x1  }
0x8a: {  	s1 =	srdreg.scid  }
0x8b: {  	s0 =	sand.u32 $0x1, s1  }
0x8c: {  	s17 =	sshll.u32 s0, $0xA;
	s2 =	sadd.s32 s3, s2  }
0x8d: {  	s2 =	sadd.s32 s2, s17  }
0x8e: {  	[smem:$0x3FC2] =	sst s2  }
0x8f: {  	_ = 	snop  }
0x90: {  	s2 =	sld [smem:$0x3FC9]  }
0x91: {  	s18 =	sld [smem:$0x3FC8]  }
0x92: {  	s4 =	sld [smem:$0x3FC7]  }
0x93: {  	s5 =	sld [smem:$0x3FC6]  }
0x94: {  	s6 =	sld [smem:$0x3FD0];
	(tm) =	ssettm $0x1  }
0x95: {  	s7 =	sld [smem:$0x3FFB];
	_ =	sdelay $0x3  }
0x96: {  	_ =	strace s7  }
0x97: {  	s7 =	sld [smem:$0x3FFC];
	_ =	sdelay $0x3  }
0x98: {  	_ =	strace s7  }
0x99: {  	s7 =	sld [smem:$0x3FFD];
	_ =	sdelay $0x3  }
0x9a: {  	_ =	strace s7  }
0x9b: {  	_ =	strace $0x8FFFFFFF  }
0x9c: {  	s19 =	sld [smem:$0x3FDB];
	_ =	sdelay $0x1  }
0x9d: {  	s8 =	simm.s32 $_scs_section_size  }
0x9e: {  	s9 =	simm.s32 $_size__tile_overlayer_lowered;
	s10 =	simm.s32 $_tile_overlayer_lowered  }
0x9f: {  	s22 =	simm.s32 $0x1BFF;
	s21 =	sshll.u32 s10, $0x1;
	s7 =	sadd.s32 s8, s19  }
0xa0: {  	s11 =	simm.s32 $0x0;
	s20 =	sshll.u32 s9, $0x1;
	s9 =	sadd.s32 s21, s7  }
0xa1: {  	[timem:s11], [sflag:s22] =	dma.local [hbm:s9], s20  }
0xa2: {  	_ =	swait.ge [sflag:s22], s20  }
0xa3: {  	s8 =	ssub.s32 $0x0, s20;
	[sflag:s22] =	ssyncset.done $0x0  }
0xa4: {  	[sflag:s22] =	ssyncadd.s32 s8;
	_ =	sdelay $0x1  }
0xa5: {  	s23 =	simm.s32 $0x1B8B  }
0xa6: {  	_ =	swait.ge [sflag:s23], $0x1  }
0xa7: {  	[sflag:s23] =	ssyncset.done $0x0  }
0xa8: {  	s25 =	simm.s32 $0x1B8E;
	s24 =	sld [smem:$0x3FFE];
	[sflag:s23] =	ssyncadd.s32 $0xFFFFFFFF  }
0xa9: {  	s26 =	simm.s32 $execute0_lowered;
	[smem:$0x3FD2] =	sst s25  }
0xaa: {  	s9 =	sshll.u32 s26, $0x1;
	_ =	strace $0x80000046;
	[dreg:$0x1] =	wrdreg $0xFFFFFFFF  }
0xab: {  	s28 =	simm.s32 $_size_execute0_lowered;
	s7 =	sadd.s32 s7, s9;
	[dreg:$0x0] =	wrdreg $0x0  }
0xac: {  	s9 =	sshll.u32 s28, $0x1;
	[dreg:$0x2] =	wrdreg s7  }
0xad: {  	[dreg:$0x3] =	wrdreg s9  }
0xae: {  	[dreg:$0x4] =	wrdreg $0xC0  }
0xaf: {  	_ =	task [dreg:s11], $0x5FFFF  }
0xb0: {  	[dreg:$0x1] =	wrdreg $0xFFFFFFFF  }
0xb1: {  	[dreg:$0x0] =	wrdreg $0x60  }
0xb2: {  	[dreg:$0x2] =	wrdreg s2  }
0xb3: {  	[dreg:$0x3] =	wrdreg s18  }
0xb4: {  	[dreg:$0x4] =	wrdreg s4  }
0xb5: {  	[dreg:$0x5] =	wrdreg s5  }
0xb6: {  	[dreg:$0x6] =	wrdreg s24  }
0xb7: {  	[dreg:$0x7] =	wrdreg s6  }
0xb8: {  	[dreg:$0x8] =	wrdreg $0x9  }
0xb9: {  	_ =	task.clear_ibuf [dreg:s11], $0x9FFFF;
	_ =	strace $0x90000046  }
0xba: {  	s29 =	simm.s32 $0x9;
	_ =	strace $0x80000048  }
0xbb: {  	_ =	swait.ge [sflag:s29], $0x1  }
0xbc: {  	[sflag:s29] =	ssyncadd.s32 $0xFFFFFFFF  }
0xbd: {  	_ =	strace $0x90000048  }
0xbe: {  	_ =	sfence  }
0xbf: {  	s30 =	sld [smem:$0x0];
	_ =	sdelay $0x2  }
0xc0: {  	s31 =	sshll.u32 s1, $0xD;
	s1 =	sshrl.u32 s1, $0x2  }
0xc1: {  	s3 =	sand.u32 $0x4000, s31;
	s1 =	sadd.s32 s1, s30  }
0xc2: {  	s0 =	sor.u32 s3, s0;
	s1 =	sshll.u32 s1, $0x11  }
0xc3: {  	s0 =	sor.u32 s1, s0  }
0xc4: {  	s0 =	sadd.s32 $0x8F2B, s0  }
0xc5: {  	[sflag:s0] =	ssyncadd.remote.s32 $0x1  }
0xc6: {  	_ =	sfence.sel $0xFFFF  }
0xc7: {  	[dreg:$0x0] =	wrdreg $0xFFFFFFFF;
	(pc) =	sbr.abs _section_cstart, $3  }
0xc8: {  	[dreg:$0x1] =	wrdreg $0xFFFFFFFF  }
0xc9: {  	_ =	task.clear_ibuf [dreg:s11], $0x2FFFF;
	_ =	strace $0x9FFFFFFF  }
0xca: {  	(tm) =	ssettm $0x7FFFFFFF  }
0xcb: {  	_ =	shalt  }
tec
execute0_lowered:
.L_overlay_start_1:
0x0: {  	(tag) =	ssettag $0x1  }
0x1: {  	s0 =	rddreg [dreg:$0x0]  }
0x2: {  	s3 =	rddreg [dreg:$0x1]  }
0x3: {  	s1 =	rddreg [dreg:$0x2]  }
0x4: {  	s2 =	rddreg [dreg:$0x3]  }
0x5: {  	s6 =	rddreg [dreg:$0x4]  }
0x6: {  	s4 =	rddreg [dreg:$0x5];
	s22 =	simm.s32 $0x0;
	s5 =	srdreg.scid  }
0x7: {  	s8 =	stileid.u32;
	s28 =	simm.s32 $0x1;
	s30 =	simm.s32 $0x400  }
0x8: {  	s20 =	simm.s32 $0x2400;
	s10 =	simm.s32 $0xA400;
	s11 =	simm.s32 $0x3400  }
0x9: {  	s12 =	simm.s32 $0xB400;
	s31 =	simm.s32 $0x4400;
	s13 =	simm.s32 $0xC400  }
0xa: {  	s14 =	simm.s32 $0x5400;
	s15 =	simm.s32 $0xD400;
	s16 =	simm.s32 $0x6400  }
0xb: {  	s17 =	simm.s32 $0xE400;
	s18 =	simm.s32 $0x7400;
	s19 =	simm.s32 $0xF400  }
0xc: {  	s29 =	simm.s32 $0xE400;
	[smem:$0x7FF] =	sst s22;
	s5 =	sand.u32 $0x1, s5  }
0xd: {  	s6 =	sadd.s32 $0x1EA00, s6;
	s8 =	sshll.u32 s8, $0x7;
	_ =	strace $0x80000047  }
0xe: {  	[dreg:$0x7] =	wrdreg s6;
	s21 =	ssub.s32 $0x2, s5;
	s5 =	sshll.u32 s5, $0x6  }
0xf: {  	s7 =	sshrl.u32 s21, $0x1;
	s23 =	sor.u32 s5, s8;
	s4 =	sadd.s32 s4, s5  }
0x10: {  	v0 =	vlaneseq.u32;
	vm0 =	vmmov $0x1;
	vm1 =	vmmov $0x3;
	s6 =	ssub.s32 s21, s7;
	s0 =	sadd.s32 s0, s23;
	s24 =	sadd.s32 s3, s23  }
0x11: {  	vm2 =	vmmov $0x7;
	vm3 =	vmmov $0xf;
	vm4 =	vmmov $0x1f;
	s25 =	sadd.s32 s8, s4;
	s3 =	simm.s32 $0x4;
	s7 =	simm.s32 $0x8400  }
0x12: {  	vm5 =	vmmov $0x3f;
	vm6 =	vmmov $0x7f;
	vm7 =	vmmov $0xff;
	s21 =	simm.s32 $0x1400;
	s8 =	simm.s32 $0x9400;
	[dreg:$0x8] =	wrdreg s0  }
0x13: {  	vm8 =	vcmask $0x2724;
	vm9 =	vcmask $0x2B28;
	v0 =	vmul.u32 $0x80, v0;
	s4 =	simm.s32 $0x0;
	s23 =	simm.s32 $0x9400;
	[dreg:$0x9] =	wrdreg s24  }
0x14: {  	vm10 =	vcmask $0x2F2C;
	vm11 =	vcmask $0x3330;
	vm12 =	vcmask $0x3734;
	[dreg:$0xa] =	wrdreg s25;
	s26 =	smax.u32 s6, $0x1;
	s24 =	simm.s32 $0x7A1400  }
0x15: {  	vm13 =	vcmask $0x3B38;
	vm14 =	vmmov $0x7fff;
	v1 =	vor.u32 $0x800, v0;
	s25 =	simm.s32 $0xF400;
	[dreg:$0xb] =	wrdreg s26;
	s26 =	simm.s32 $0x2  }
.LBB2_1:
0x16: {  	[dreg:$0xc] =	wrdreg s4  }
0x17: {  	s0 =	rddreg [dreg:$0x8]  }
0x18: {  	[tilespmem:s22], [sflag:$0x4] =	stream.linear.gather [hbm4b:s0+s22], $0x200, $0x38;
	[tilespmem:$0x10A00] =	vst v63  }
0x19: {  	_ =	swait.ge [sflag:s3], $0x200  }
0x1a: {  	[sflag:s3] =	ssyncset.done $0x0  }
0x1b: {  	s4 =	simm.s32 $0x200;
	s6 =	rddreg [dreg:$0x9];
	[sflag:s3] =	ssyncadd.s32 $0xFFFFFE00  }
0x1c: {  	[tilespmem:s4], [sflag:$0x4] =	stream.linear.gather [hbm4b:s6+s22], $0x200, $0x38;
	[tilespmem:$0x10A00] =	vst v63  }
0x1d: {  	_ =	swait.ge [sflag:s3], $0x200  }
0x1e: {  	[sflag:s3] =	ssyncset.done $0x0  }
0x1f: {  	[sflag:s3] =	ssyncadd.s32 $0xFFFFFE00  }
0x20: {  	s5 =	simm.s32 $0x80;
	s9 =	simm.s32 $0x10400;
	s0 =	rddreg [dreg:$0x4]  }
0x21: {  	[tilespmem:s9], [sflag:$0x3] =	stream.indirect.gather [hbm4b:s0+s5], $0x1, s22, s5, $0xb8;
	[tilespmem:$0x10A00] =	vst v63  }
0x22: {  	s6 =	simm.s32 $0x10600;
	s3 =	rddreg [dreg:$0x7]  }
0x23: {  	[tilespmem:s6], [sflag:$0x3] =	stream.indirect.gather [hbm4b:s3+s5], $0x1, s4, s5, $0xb8;
	[tilespmem:$0x10A00] =	vst v63  }
0x24: {  	s6 =	simm.s32 $0x10480  }
0x25: {  	[tilespmem:s6], [sflag:$0x3] =	stream.indirect.gather [hbm4b:s0+s5], $0x1, s5, s5, $0xb8;
	[tilespmem:$0x10A00] =	vst v63  }
0x26: {  	s9 =	simm.s32 $0x280;
	s22 =	simm.s32 $0x10680  }
0x27: {  	[tilespmem:s22], [sflag:$0x3] =	stream.indirect.gather [hbm4b:s3+s5], $0x1, s9, s5, $0xb8;
	[tilespmem:$0x10A00] =	vst v63  }
0x28: {  	s9 =	simm.s32 $0x100;
	s22 =	simm.s32 $0x10500  }
0x29: {  	[tilespmem:s22], [sflag:$0x3] =	stream.indirect.gather [hbm4b:s0+s5], $0x1, s9, s5, $0xb8;
	[tilespmem:$0x10A00] =	vst v63  }
0x2a: {  	s9 =	simm.s32 $0x300;
	s22 =	simm.s32 $0x10700  }
0x2b: {  	[tilespmem:s22], [sflag:$0x3] =	stream.indirect.gather [hbm4b:s3+s5], $0x1, s9, s5, $0xb8;
	[tilespmem:$0x10A00] =	vst v63  }
0x2c: {  	s9 =	simm.s32 $0x180;
	s22 =	simm.s32 $0x10580  }
0x2d: {  	[tilespmem:s22], [sflag:$0x3] =	stream.indirect.gather [hbm4b:s0+s5], $0x1, s9, s5, $0xb8;
	[tilespmem:$0x10A00] =	vst v63  }
0x2e: {  	s9 =	simm.s32 $0x380;
	s22 =	simm.s32 $0x10780  }
0x2f: {  	[tilespmem:s22], [sflag:$0x3] =	stream.indirect.gather [hbm4b:s3+s5], $0x1, s9, s5, $0xb8;
	[tilespmem:$0x10A00] =	vst v63  }
0x30: {  	v3 =	vld [tilespmem:$0x200];
	_ =	sdelay $0x1  }
0x31: {  	v2 =	vld [tilespmem:$0x0];
	_ =	sdelay $0x2  }
0x32: {  	(v2sf) =	vpush v3, $0x0;
	_ =	sdelay $0x1  }
0x33: {  	(v2sf) =	vpush v2, $0x0;
	_ =	sdelay $0xb  }
0x34: {  	(v2sf) =	vpush v3, $0x1  }
0x35: {  	s0 =	spop (v2sf)  }
0x36: {  	(v2sf) =	vpush v2, $0x1;
	s5 =	sand.u32 $0x7F, s0  }
0x37: {  	s4 =	spop (v2sf);
	s6 =	sshra.s32 s0, $0x1F;
	p6 =	slt.s32 s0, $0x1  }
0x38: {  	p0 =	sne.s32 s5, $0x0;
	s9 =	sand.u32 $0x7F, s4;
	s22 =	sshra.s32 s4, $0x1F  }
0x39: {  	p2 =	slt.s32 s4, $0x1;
	s5 =	sshrl.u32 s6, $0x19;
	p1 =	sne.s32 s9, $0x0  }
0x3a: {  	s3 =	sshrl.u32 s22, $0x19;
	s0 =	sadd.s32 s5, s0;
	p1 =	por !p2, !p1  }
0x3b: {  	s3 =	sadd.s32 s3, s4;
	s4 =	simm.s32 $0x1;
	p1 =	por !p1, !p1  }
0x3c: {  	p0 =	por !p6, !p0;
	s3 =	sshrl.u32 s3, $0x7;
	s4 =	simm.s32 @!p1 $0x0  }
0x3d: {  	p0 =	por !p0, !p0;
	s3 =	ssub.s32 s3, s4;
	s4 =	simm.s32 $0x1  }
0x3e: {  	s0 =	sshrl.u32 s0, $0x7;
	s3 =	sshll.u32 s3, $0x7;
	s4 =	simm.s32 @!p0 $0x0  }
0x3f: {  	s3 =	sand.u32 $0x1FFFFF80, s3;
	s0 =	ssub.s32 s0, s4  }
0x40: {  	s3 =	sadd.s32 s1, s3;
	s0 =	sshll.u32 s0, $0x7  }
0x41: {  	[tilespmem:s30], [sflag:$0x1] =	stream.strided.gather [hbm4b:s3+s30], $0x1000, s24, s30, $0x38;
	[tilespmem:$0x10A00] =	vst v63  }
0x42: {  	(v2sf) =	vpush v3, $0x2;
	s0 =	sand.u32 $0x1FFFFF80, s0  }
0x43: {  	s3 =	spop (v2sf);
	s0 =	sadd.s32 s2, s0  }
0x44: {  	[tilespmem:s7], [sflag:$0x2] =	stream.strided.gather [hbm4b:s0+s30], $0x1000, s24, s30, $0x38;
	[tilespmem:$0x10A00] =	vst v63  }
0x45: {  	s7 =	spop (v2sf);
	(v2sf) =	vpush v2, $0x2;
	_ =	sdelay $0x2  }
0x46: {  	s4 =	simm.s32 $0x1;
	s6 =	sand.u32 $0x7F, s3;
	s9 =	sshra.s32 s3, $0x1F  }
0x47: {  	p6 =	slt.s32 s3, $0x1;
	p3 =	sne.s32 s6, $0x0;
	s22 =	sand.u32 $0x7F, s7  }
0x48: {  	s6 =	sshra.s32 s7, $0x1F;
	p5 =	slt.s32 s7, $0x1;
	p4 =	sne.s32 s22, $0x0  }
0x49: {  	s5 =	sshrl.u32 s9, $0x19;
	s0 =	sshrl.u32 s6, $0x19;
	p1 =	por !p5, !p4  }
0x4a: {  	s3 =	sadd.s32 s5, s3;
	s0 =	sadd.s32 s0, s7;
	p1 =	por !p1, !p1  }
0x4b: {  	p0 =	por !p6, !p3;
	s0 =	sshrl.u32 s0, $0x7;
	s4 =	simm.s32 @!p1 $0x0  }
0x4c: {  	p0 =	por !p0, !p0;
	s0 =	ssub.s32 s0, s4;
	s4 =	simm.s32 $0x1  }
0x4d: {  	s3 =	sshrl.u32 s3, $0x7;
	s4 =	simm.s32 @!p0 $0x0  }
0x4e: {  	s3 =	ssub.s32 s3, s4  }
0x4f: {  	s7 =	sshll.u32 s3, $0x7;
	s3 =	spop (v2sf);
	(v2sf) =	vpush v3, $0x3;
	_ =	sdelay $0x2  }
0x50: {  	s0 =	sshll.u32 s0, $0x7;
	s22 =	spop (v2sf);
	(v2sf) =	vpush v2, $0x3  }
0x51: {  	s0 =	sand.u32 $0x1FFFFF80, s0  }
0x52: {  	s0 =	sadd.s32 s1, s0  }
0x53: {  	[tilespmem:s21], [sflag:$0x1] =	stream.strided.gather [hbm4b:s0+s30], $0x1000, s24, s30, $0x38;
	[tilespmem:$0x10A00] =	vst v63  }
0x54: {  	s4 =	simm.s32 $0x1;
	s0 =	sand.u32 $0x1FFFFF80, s7;
	s9 =	sand.u32 $0x7F, s3  }
0x55: {  	s6 =	sshra.s32 s3, $0x1F;
	p6 =	slt.s32 s3, $0x1;
	s0 =	sadd.s32 s2, s0  }
0x56: {  	[tilespmem:s8], [sflag:$0x2] =	stream.strided.gather [hbm4b:s0+s30], $0x1000, s24, s30, $0x38;
	[tilespmem:$0x10A00] =	vst v63  }
0x57: {  	p3 =	sne.s32 s9, $0x0;
	s5 =	sshrl.u32 s6, $0x19;
	s7 =	sand.u32 $0x7F, s22  }
0x58: {  	s8 =	sshra.s32 s22, $0x1F;
	p5 =	slt.s32 s22, $0x1;
	p4 =	sne.s32 s7, $0x0  }
0x59: {  	s3 =	sadd.s32 s5, s3;
	s0 =	sshrl.u32 s8, $0x19;
	p1 =	por !p5, !p4  }
0x5a: {  	p0 =	por !p6, !p3;
	s0 =	sadd.s32 s0, s22;
	p1 =	por !p1, !p1  }
0x5b: {  	p0 =	por !p0, !p0;
	s0 =	sshrl.u32 s0, $0x7;
	s4 =	simm.s32 @!p1 $0x0  }
0x5c: {  	s0 =	ssub.s32 s0, s4;
	s4 =	simm.s32 $0x1;
	s22 =	spop (v2sf);
	(v2sf) =	vpush v3, $0x4  }
0x5d: {  	s3 =	sshrl.u32 s3, $0x7;
	s0 =	sshll.u32 s0, $0x7;
	s4 =	simm.s32 @!p0 $0x0  }
0x5e: {  	s0 =	sand.u32 $0x1FFFFF80, s0;
	s3 =	ssub.s32 s3, s4  }
0x5f: {  	s0 =	sadd.s32 s1, s0;
	s9 =	sshll.u32 s3, $0x7;
	s7 =	spop (v2sf);
	(v2sf) =	vpush v2, $0x4  }
0x60: {  	[tilespmem:s20], [sflag:$0x1] =	stream.strided.gather [hbm4b:s0+s30], $0x1000, s24, s30, $0x38;
	[tilespmem:$0x10A00] =	vst v63  }
0x61: {  	s0 =	sand.u32 $0x1FFFFF80, s9  }
0x62: {  	s4 =	simm.s32 $0x1;
	s6 =	sand.u32 $0x7F, s22;
	s0 =	sadd.s32 s2, s0  }
0x63: {  	[tilespmem:s10], [sflag:$0x2] =	stream.strided.gather [hbm4b:s0+s30], $0x1000, s24, s30, $0x38;
	[tilespmem:$0x10A00] =	vst v63  }
0x64: {  	s8 =	sshra.s32 s22, $0x1F;
	p6 =	slt.s32 s22, $0x1;
	s9 =	sand.u32 $0x7F, s7  }
0x65: {  	s10 =	sshra.s32 s7, $0x1F;
	p5 =	slt.s32 s7, $0x1;
	p4 =	sne.s32 s9, $0x0  }
0x66: {  	p3 =	sne.s32 s6, $0x0;
	s0 =	sshrl.u32 s10, $0x19;
	p1 =	por !p5, !p4  }
0x67: {  	s5 =	sshrl.u32 s8, $0x19;
	s0 =	sadd.s32 s0, s7;
	p1 =	por !p1, !p1  }
0x68: {  	p0 =	por !p6, !p3;
	s0 =	sshrl.u32 s0, $0x7;
	s4 =	simm.s32 @!p1 $0x0  }
0x69: {  	s3 =	sadd.s32 s5, s22;
	p0 =	por !p0, !p0;
	s0 =	ssub.s32 s0, s4  }
0x6a: {  	s3 =	sshrl.u32 s3, $0x7;
	s4 =	simm.s32 $0x1;
	s0 =	sshll.u32 s0, $0x7  }
0x6b: {  	s4 =	simm.s32 @!p0 $0x0;
	s0 =	sand.u32 $0x1FFFFF80, s0;
	s22 =	spop (v2sf);
	(v2sf) =	vpush v3, $0x5  }
0x6c: {  	s3 =	ssub.s32 s3, s4;
	s0 =	sadd.s32 s1, s0  }
0x6d: {  	[tilespmem:s11], [sflag:$0x1] =	stream.strided.gather [hbm4b:s0+s30], $0x1000, s24, s30, $0x38;
	[tilespmem:$0x10A00] =	vst v63  }
0x6e: {  	s11 =	sshll.u32 s3, $0x7;
	s7 =	spop (v2sf);
	(v2sf) =	vpush v2, $0x5  }
0x6f: {  	s4 =	simm.s32 $0x1;
	s0 =	sand.u32 $0x1FFFFF80, s11  }
0x70: {  	s6 =	sand.u32 $0x7F, s22;
	s8 =	sshra.s32 s22, $0x1F;
	s0 =	sadd.s32 s2, s0  }
0x71: {  	[tilespmem:s12], [sflag:$0x2] =	stream.strided.gather [hbm4b:s0+s30], $0x1000, s24, s30, $0x38;
	[tilespmem:$0x10A00] =	vst v63  }
0x72: {  	p6 =	slt.s32 s22, $0x1;
	p3 =	sne.s32 s6, $0x0;
	s9 =	sand.u32 $0x7F, s7  }
0x73: {  	s10 =	sshra.s32 s7, $0x1F;
	p5 =	slt.s32 s7, $0x1;
	p4 =	sne.s32 s9, $0x0  }
0x74: {  	s5 =	sshrl.u32 s8, $0x19;
	s0 =	sshrl.u32 s10, $0x19;
	p1 =	por !p5, !p4  }
0x75: {  	s3 =	sadd.s32 s5, s22;
	s0 =	sadd.s32 s0, s7;
	p1 =	por !p1, !p1  }
0x76: {  	p0 =	por !p6, !p3;
	s0 =	sshrl.u32 s0, $0x7;
	s4 =	simm.s32 @!p1 $0x0  }
0x77: {  	p0 =	por !p0, !p0;
	s0 =	ssub.s32 s0, s4;
	s4 =	simm.s32 $0x1  }
0x78: {  	s3 =	sshrl.u32 s3, $0x7;
	s0 =	sshll.u32 s0, $0x7;
	s4 =	simm.s32 @!p0 $0x0  }
0x79: {  	s0 =	sand.u32 $0x1FFFFF80, s0;
	s3 =	ssub.s32 s3, s4  }
0x7a: {  	s0 =	sadd.s32 s1, s0;
	s11 =	sshll.u32 s3, $0x7;
	s12 =	spop (v2sf)  }
0x7b: {  	(v2sf) =	vpush v3, $0x6;
	[tilespmem:s31], [sflag:$0x1] =	stream.strided.gather [hbm4b:s0+s30], $0x1000, s24, s30, $0x38;
	[tilespmem:$0x10A00] =	vst v63  }
0x7c: {  	s4 =	simm.s32 $0x1;
	s0 =	sand.u32 $0x1FFFFF80, s11;
	s6 =	sshra.s32 s12, $0x1F  }
0x7d: {  	p6 =	slt.s32 s12, $0x1;
	s0 =	sadd.s32 s2, s0;
	s22 =	spop (v2sf);
	(v2sf) =	vpush v2, $0x6  }
0x7e: {  	[tilespmem:s13], [sflag:$0x2] =	stream.strided.gather [hbm4b:s0+s30], $0x1000, s24, s30, $0x38;
	[tilespmem:$0x10A00] =	vst v63  }
0x7f: {  	s5 =	sshrl.u32 s6, $0x19;
	s13 =	sand.u32 $0x7F, s12;
	s7 =	sand.u32 $0x7F, s22  }
0x80: {  	s8 =	sshra.s32 s22, $0x1F;
	p5 =	slt.s32 s22, $0x1;
	p4 =	sne.s32 s7, $0x0  }
0x81: {  	s3 =	sadd.s32 s5, s12;
	s0 =	sshrl.u32 s8, $0x19;
	p1 =	por !p5, !p4  }
0x82: {  	p3 =	sne.s32 s13, $0x0;
	s0 =	sadd.s32 s0, s22;
	p1 =	por !p1, !p1  }
0x83: {  	p0 =	por !p6, !p3;
	s0 =	sshrl.u32 s0, $0x7;
	s4 =	simm.s32 @!p1 $0x0  }
0x84: {  	p0 =	por !p0, !p0;
	s0 =	ssub.s32 s0, s4;
	s4 =	simm.s32 $0x1  }
0x85: {  	s3 =	sshrl.u32 s3, $0x7;
	s0 =	sshll.u32 s0, $0x7;
	s4 =	simm.s32 @!p0 $0x0  }
0x86: {  	s0 =	sand.u32 $0x1FFFFF80, s0;
	s3 =	ssub.s32 s3, s4  }
0x87: {  	s0 =	sadd.s32 s1, s0;
	s9 =	sshll.u32 s3, $0x7  }
0x88: {  	[tilespmem:s14], [sflag:$0x1] =	stream.strided.gather [hbm4b:s0+s30], $0x1000, s24, s30, $0x38;
	[tilespmem:$0x10A00] =	vst v63  }
0x89: {  	s0 =	sand.u32 $0x1FFFFF80, s9  }
0x8a: {  	s4 =	simm.s32 $0x1;
	s10 =	spop (v2sf);
	s0 =	sadd.s32 s2, s0  }
0x8b: {  	[tilespmem:s15], [sflag:$0x2] =	stream.strided.gather [hbm4b:s0+s30], $0x1000, s24, s30, $0x38;
	[tilespmem:$0x10A00] =	vst v63  }
0x8c: {  	s11 =	sand.u32 $0x7F, s10;
	s13 =	sshra.s32 s10, $0x1F;
	s12 =	spop (v2sf)  }
0x8d: {  	p6 =	slt.s32 s10, $0x1;
	p3 =	sne.s32 s11, $0x0;
	s14 =	sand.u32 $0x7F, s12  }
0x8e: {  	s15 =	sshra.s32 s12, $0x1F;
	p5 =	slt.s32 s12, $0x1;
	p4 =	sne.s32 s14, $0x0  }
0x8f: {  	s5 =	sshrl.u32 s13, $0x19;
	s0 =	sshrl.u32 s15, $0x19;
	p1 =	por !p5, !p4  }
0x90: {  	s3 =	sadd.s32 s5, s10;
	s0 =	sadd.s32 s0, s12;
	p1 =	por !p1, !p1  }
0x91: {  	p0 =	por !p6, !p3;
	s0 =	sshrl.u32 s0, $0x7;
	s4 =	simm.s32 @!p1 $0x0  }
0x92: {  	p0 =	por !p0, !p0;
	s0 =	ssub.s32 s0, s4;
	s4 =	simm.s32 $0x1  }
0x93: {  	s3 =	sshrl.u32 s3, $0x7;
	s0 =	sshll.u32 s0, $0x7;
	s4 =	simm.s32 @!p0 $0x0  }
0x94: {  	s0 =	sand.u32 $0x1FFFFF80, s0;
	s3 =	ssub.s32 s3, s4  }
0x95: {  	s0 =	sadd.s32 s1, s0;
	s22 =	sshll.u32 s3, $0x7  }
0x96: {  	[tilespmem:s16], [sflag:$0x1] =	stream.strided.gather [hbm4b:s0+s30], $0x1000, s24, s30, $0x38;
	[tilespmem:$0x10A00] =	vst v63  }
0x97: {  	s0 =	sand.u32 $0x1FFFFF80, s22  }
0x98: {  	s8 =	simm.s32 $0x0;
	s0 =	sadd.s32 s2, s0  }
0x99: {  	[tilespmem:s17], [sflag:$0x2] =	stream.strided.gather [hbm4b:s0+s30], $0x1000, s24, s30, $0x38;
	[tilespmem:$0x10A00] =	vst v63  }
.LBB2_2:
0x9a: {  	s0 =	sshra.s32 s8, $0x2  }
0x9b: {  	v9 =	vld [tilespmem:s0+$0x0];
	_ =	sdelay $0x1  }
0x9c: {  	v10 =	vld [tilespmem:s0+$0x200];
	_ =	sdelay $0x2  }
0x9d: {  	(v2sf) =	vpush v9, $0x7;
	_ =	sdelay $0x1  }
0x9e: {  	(v2sf) =	vpush v10, $0x7;
	_ =	sdelay $0xc  }
0x9f: {  	s6 =	spop (v2sf)  }
0xa0: {  	s7 =	sshra.s32 s6, $0x1F  }
0xa1: {  	[dreg:$0xd] =	wrdreg s0;
	s13 =	spop (v2sf);
	s0 =	sshrl.u32 s7, $0x19  }
0xa2: {  	s4 =	sshra.s32 s13, $0x1F;
	s0 =	sadd.s32 s0, s6  }
0xa3: {  	s4 =	sshrl.u32 s4, $0x19;
	s3 =	sand.u32 $0xFFFFFF80, s0  }
0xa4: {  	p0 =	slt.s32 s6, $0x1;
	s9 =	sadd.s32 s4, s13;
	p1 =	sne.s32 s6, s3  }
0xa5: {  	s5 =	simm.s32 $0x1;
	s4 =	sand.u32 $0xFFFFFF80, s9;
	p0 =	por !p0, !p1  }
0xa6: {  	p6 =	slt.s32 s13, $0x1;
	p2 =	sne.s32 s13, s4;
	p0 =	por !p0, !p0  }
0xa7: {  	s0 =	sshrl.u32 s0, $0x7;
	p2 =	por !p6, !p2;
	s5 =	simm.s32 @!p0 $0x0  }
0xa8: {  	s4 =	simm.s32 $0x1;
	p0 =	por !p2, !p2;
	s0 =	ssub.s32 s0, s5  }
0xa9: {  	s3 =	sshrl.u32 s9, $0x7;
	s4 =	simm.s32 @!p0 $0x0;
	s0 =	sshll.u32 s0, $0x7  }
0xaa: {  	s3 =	ssub.s32 s3, s4;
	s0 =	sand.u32 $0x1FFFFF80, s0  }
0xab: {  	s10 =	sshll.u32 s3, $0x7;
	s0 =	sadd.s32 s1, s0  }
0xac: {  	[tilespmem:s18], [sflag:$0x1] =	stream.strided.gather [hbm4b:s0+s30], $0x1000, s24, s30, $0x38;
	[tilespmem:$0x10A00] =	vst v63  }
0xad: {  	s0 =	sand.u32 $0x1FFFFF80, s10  }
0xae: {  	s0 =	sadd.s32 s2, s0  }
0xaf: {  	[tilespmem:s19], [sflag:$0x2] =	stream.strided.gather [hbm4b:s0+s30], $0x1000, s24, s30, $0x38;
	[tilespmem:$0x10A00] =	vst v63  }
0xb0: {  	_ =	swait.ge [sflag:s28], $0x1000  }
0xb1: {  	[sflag:s28] =	ssyncset.done $0x0  }
0xb2: {  	[sflag:s28] =	ssyncadd.s32 $0xFFFFF000  }
0xb3: {  	_ =	swait.ge [sflag:s26], $0x1000  }
0xb4: {  	(v2sf) =	vpush v9, $0x0;
	_ =	sdelay $0x1  }
0xb5: {  	(v2sf) =	vpush v10, $0x0  }
0xb6: {  	(v2sf) =	vpush v9, $0x8;
	_ =	sdelay $0xb  }
0xb7: {  	s11 =	spop (v2sf);
	(v2sf) =	vpush v10, $0x8  }
0xb8: {  	s0 =	sand.u32 $0x7F, s11  }
0xb9: {  	s12 =	spop (v2sf);
	v2 =	vor.u32 s0, v0  }
0xba: {  	s3 =	sand.u32 $0x7F, s12;
	v3 =	vor.u32 s0, v1;
	s17 =	spop (v2sf)  }
0xbb: {  	v4 =	vor.u32 s3, v0;
	s14 =	sshra.s32 s17, $0x1F  }
0xbc: {  	[sflag:s26] =	ssyncset.done $0x0;
	v5 =	vor.u32 s3, v1;
	s0 =	sshrl.u32 s14, $0x19  }
0xbd: {  	[sflag:s26] =	ssyncadd.s32 $0xFFFFF000;
	s0 =	sadd.s32 s0, s17  }
0xbe: {  	s15 =	sand.u32 $0xFFFFFF80, s0;
	v2 =	vld.idx.msk [tilespmem:v2+s30+$0x0], $0xffff  }
0xbf: {  	s22 =	simm.s32 $0x8400;
	p3 =	slt.s32 s17, $0x1;
	v3 =	vld.idx.msk [tilespmem:v3+s30+$0x0], $0xffff;
	p4 =	sne.s32 s17, s15  }
0xc0: {  	v4 =	vld.idx.msk [tilespmem:v4+s22+$0x0], $0xffff;
	p0 =	por !p3, !p4  }
0xc1: {  	s5 =	simm.s32 $0x1;
	v5 =	vld.idx.msk [tilespmem:v5+s22+$0x0], $0xffff;
	p0 =	por !p0, !p0  }
0xc2: {  	s0 =	sshrl.u32 s0, $0x7;
	s5 =	simm.s32 @!p0 $0x0  }
0xc3: {  	s0 =	ssub.s32 s0, s5  }
0xc4: {  	s0 =	sshll.u32 s0, $0x7  }
0xc5: {  	s0 =	sand.u32 $0x1FFFFF80, s0  }
0xc6: {  	v2 =	vmul.f32 v4, v2;
	v3 =	vmul.f32 v5, v3;
	s0 =	sadd.s32 s1, s0;
	s18 =	spop (v2sf)  }
0xc7: {  	[tilespmem:s30], [sflag:$0x1] =	stream.strided.gather [hbm4b:s0+s30], $0x1000, s24, s30, $0x38;
	[tilespmem:$0x10A00] =	vst v63  }
0xc8: {  	v2 =	vadd.f32 v3, v2;
	s16 =	sshra.s32 s18, $0x1F  }
0xc9: {  	s4 =	sshrl.u32 s16, $0x19  }
0xca: {  	(xrf2) =	vadd.scan.msk.f32 $0xffff, v2;
	s19 =	sadd.s32 s4, s18  }
0xcb: {  	s4 =	sand.u32 $0xFFFFFF80, s19  }
0xcc: {  	p5 =	slt.s32 s18, $0x1;
	p6 =	sne.s32 s18, s4  }
0xcd: {  	p2 =	por !p5, !p6  }
0xce: {  	s4 =	simm.s32 $0x1;
	p0 =	por !p2, !p2  }
0xcf: {  	s3 =	sshrl.u32 s19, $0x7;
	s4 =	simm.s32 @!p0 $0x0  }
0xd0: {  	s3 =	ssub.s32 s3, s4  }
0xd1: {  	s7 =	sshll.u32 s3, $0x7  }
0xd2: {  	s0 =	sand.u32 $0x1FFFFF80, s7  }
0xd3: {  	s0 =	sadd.s32 s2, s0  }
0xd4: {  	v2, _, _ =	vpop (xrf2);
	[tilespmem:s22], [sflag:$0x2] =	stream.strided.gather [hbm4b:s0+s30], $0x1000, s24, s30, $0x38;
	[tilespmem:$0x10A00] =	vst v63  }
0xd5: {  	_ =	swait.ge [sflag:s28], $0x1000  }
0xd6: {  	[sflag:s28] =	ssyncset.done $0x0  }
0xd7: {  	[sflag:s28] =	ssyncadd.s32 $0xFFFFF000  }
0xd8: {  	_ =	swait.ge [sflag:s26], $0x1000  }
0xd9: {  	(v2sf) =	vpush v9, $0x1;
	_ =	sdelay $0x1  }
0xda: {  	(v2sf) =	vpush v10, $0x1  }
0xdb: {  	(v2sf) =	vpush v9, $0x9;
	_ =	sdelay $0xb  }
0xdc: {  	s9 =	spop (v2sf);
	(v2sf) =	vpush v10, $0x9  }
0xdd: {  	s0 =	sand.u32 $0x7F, s9  }
0xde: {  	s10 =	spop (v2sf);
	v3 =	vor.u32 s0, v0  }
0xdf: {  	s3 =	sand.u32 $0x7F, s10;
	v61 =	vor.u32 s0, v1;
	s14 =	spop (v2sf)  }
0xe0: {  	v62 =	vor.u32 s3, v0;
	s11 =	sshra.s32 s14, $0x1F  }
0xe1: {  	[sflag:s26] =	ssyncset.done $0x0;
	v6 =	vor.u32 s3, v1;
	s0 =	sshrl.u32 s11, $0x19  }
0xe2: {  	[sflag:s26] =	ssyncadd.s32 $0xFFFFF000;
	s0 =	sadd.s32 s0, s14  }
0xe3: {  	s12 =	sand.u32 $0xFFFFFF80, s0;
	v3 =	vld.idx.msk [tilespmem:v3+s21+$0x0], $0xffff  }
0xe4: {  	p3 =	slt.s32 s14, $0x1;
	v4 =	vld.idx.msk [tilespmem:v61+s21+$0x0], $0xffff;
	p4 =	sne.s32 s14, s12  }
0xe5: {  	v5 =	vld.idx.msk [tilespmem:v62+s23+$0x0], $0xffff;
	p0 =	por !p3, !p4  }
0xe6: {  	s5 =	simm.s32 $0x1;
	v6 =	vld.idx.msk [tilespmem:v6+s23+$0x0], $0xffff;
	p0 =	por !p0, !p0  }
0xe7: {  	s0 =	sshrl.u32 s0, $0x7;
	s5 =	simm.s32 @!p0 $0x0  }
0xe8: {  	s0 =	ssub.s32 s0, s5  }
0xe9: {  	s0 =	sshll.u32 s0, $0x7  }
0xea: {  	s0 =	sand.u32 $0x1FFFFF80, s0  }
0xeb: {  	v3 =	vmul.f32 v5, v3;
	v4 =	vmul.f32 v6, v4;
	s0 =	sadd.s32 s1, s0;
	s16 =	spop (v2sf)  }
0xec: {  	[tilespmem:s21], [sflag:$0x1] =	stream.strided.gather [hbm4b:s0+s30], $0x1000, s24, s30, $0x38;
	[tilespmem:$0x10A00] =	vst v63  }
0xed: {  	v3 =	vadd.f32 v4, v3;
	s15 =	sshra.s32 s16, $0x1F  }
0xee: {  	s4 =	sshrl.u32 s15, $0x19  }
0xef: {  	(xrf2) =	vadd.scan.msk.f32 $0xffff, v3;
	s19 =	sadd.s32 s4, s16  }
0xf0: {  	s4 =	sand.u32 $0xFFFFFF80, s19  }
0xf1: {  	p5 =	slt.s32 s16, $0x1;
	p6 =	sne.s32 s16, s4  }
0xf2: {  	p2 =	por !p5, !p6  }
0xf3: {  	s4 =	simm.s32 $0x1;
	p0 =	por !p2, !p2  }
0xf4: {  	s3 =	sshrl.u32 s19, $0x7;
	s4 =	simm.s32 @!p0 $0x0  }
0xf5: {  	s3 =	ssub.s32 s3, s4  }
0xf6: {  	s4 =	sshll.u32 s3, $0x7  }
0xf7: {  	s0 =	sand.u32 $0x1FFFFF80, s4  }
0xf8: {  	s0 =	sadd.s32 s2, s0  }
0xf9: {  	v3, _, _ =	vpop (xrf2);
	[tilespmem:s23], [sflag:$0x2] =	stream.strided.gather [hbm4b:s0+s30], $0x1000, s24, s30, $0x38;
	[tilespmem:$0x10A00] =	vst v63  }
0xfa: {  	_ =	swait.ge [sflag:s28], $0x1000  }
0xfb: {  	[sflag:s28] =	ssyncset.done $0x0  }
0xfc: {  	[sflag:s28] =	ssyncadd.s32 $0xFFFFF000  }
0xfd: {  	_ =	swait.ge [sflag:s26], $0x1000  }
0xfe: {  	(v2sf) =	vpush v9, $0x2;
	_ =	sdelay $0x1  }
0xff: {  	(v2sf) =	vpush v10, $0x2  }
0x100: {  	(v2sf) =	vpush v9, $0xA;
	_ =	sdelay $0xb  }
0x101: {  	s5 =	spop (v2sf);
	(v2sf) =	vpush v10, $0xA  }
0x102: {  	s0 =	sand.u32 $0x7F, s5  }
0x103: {  	s7 =	spop (v2sf);
	v63 =	vor.u32 s0, v0  }
0x104: {  	s3 =	sand.u32 $0x7F, s7;
	v11 =	vor.u32 s0, v1;
	s0 =	spop (v2sf)  }
0x105: {  	v12 =	vor.u32 s3, v0;
	s10 =	sshra.s32 s0, $0x1F  }
0x106: {  	[sflag:s26] =	ssyncset.done $0x0;
	v7 =	vor.u32 s3, v1;
	s3 =	sshrl.u32 s10, $0x19  }
0x107: {  	[sflag:s26] =	ssyncadd.s32 $0xFFFFF000;
	s3 =	sadd.s32 s3, s0  }
0x108: {  	s11 =	sand.u32 $0xFFFFFF80, s3;
	v4 =	vld.idx.msk [tilespmem:v63+s20+$0x0], $0xffff  }
0x109: {  	s9 =	simm.s32 $0xA400;
	p3 =	slt.s32 s0, $0x1;
	v5 =	vld.idx.msk [tilespmem:v11+s20+$0x0], $0xffff;
	p4 =	sne.s32 s0, s11  }
0x10a: {  	v6 =	vld.idx.msk [tilespmem:v12+s9+$0x0], $0xffff;
	p0 =	por !p3, !p4  }
0x10b: {  	s7 =	simm.s32 $0x1;
	v7 =	vld.idx.msk [tilespmem:v7+s9+$0x0], $0xffff;
	p0 =	por !p0, !p0  }
0x10c: {  	s3 =	sshrl.u32 s3, $0x7;
	s7 =	simm.s32 @!p0 $0x0  }
0x10d: {  	s3 =	ssub.s32 s3, s7  }
0x10e: {  	s3 =	sshll.u32 s3, $0x7  }
0x10f: {  	s3 =	sand.u32 $0x1FFFFF80, s3  }
0x110: {  	v4 =	vmul.f32 v6, v4;
	v5 =	vmul.f32 v7, v5;
	s3 =	sadd.s32 s1, s3;
	s15 =	spop (v2sf)  }
0x111: {  	[tilespmem:s20], [sflag:$0x1] =	stream.strided.gather [hbm4b:s3+s30], $0x1000, s24, s30, $0x38;
	[tilespmem:$0x10A00] =	vst v63  }
0x112: {  	v4 =	vadd.f32 v5, v4;
	s12 =	sshra.s32 s15, $0x1F  }
0x113: {  	s5 =	sshrl.u32 s12, $0x19  }
0x114: {  	(xrf2) =	vadd.scan.msk.f32 $0xffff, v4;
	s19 =	sadd.s32 s5, s15  }
0x115: {  	s5 =	sand.u32 $0xFFFFFF80, s19  }
0x116: {  	p5 =	slt.s32 s15, $0x1;
	p6 =	sne.s32 s15, s5  }
0x117: {  	p2 =	por !p5, !p6  }
0x118: {  	s5 =	simm.s32 $0x1;
	p0 =	por !p2, !p2  }
0x119: {  	s4 =	sshrl.u32 s19, $0x7;
	s5 =	simm.s32 @!p0 $0x0  }
0x11a: {  	s4 =	ssub.s32 s4, s5  }
0x11b: {  	s21 =	sshll.u32 s4, $0x7  }
0x11c: {  	s3 =	sand.u32 $0x1FFFFF80, s21  }
0x11d: {  	s9 =	simm.s32 $0xA400;
	s3 =	sadd.s32 s2, s3  }
0x11e: {  	v4, _, _ =	vpop (xrf2);
	[tilespmem:s9], [sflag:$0x2] =	stream.strided.gather [hbm4b:s3+s30], $0x1000, s24, s30, $0x38;
	[tilespmem:$0x10A00] =	vst v63  }
0x11f: {  	_ =	swait.ge [sflag:s28], $0x1000  }
0x120: {  	[sflag:s28] =	ssyncset.done $0x0  }
0x121: {  	[sflag:s28] =	ssyncadd.s32 $0xFFFFF000  }
0x122: {  	_ =	swait.ge [sflag:s26], $0x1000  }
0x123: {  	(v2sf) =	vpush v9, $0x3;
	_ =	sdelay $0x1  }
0x124: {  	(v2sf) =	vpush v10, $0x3  }
0x125: {  	(v2sf) =	vpush v9, $0xB;
	_ =	sdelay $0xb  }
0x126: {  	s4 =	spop (v2sf);
	(v2sf) =	vpush v10, $0xB  }
0x127: {  	s3 =	sand.u32 $0x7F, s4  }
0x128: {  	s5 =	spop (v2sf);
	v13 =	vor.u32 s3, v0  }
0x129: {  	s4 =	sand.u32 $0x7F, s5;
	v14 =	vor.u32 s3, v1;
	s12 =	spop (v2sf)  }
0x12a: {  	v15 =	vor.u32 s4, v0;
	s10 =	sshra.s32 s12, $0x1F  }
0x12b: {  	[sflag:s26] =	ssyncset.done $0x0;
	v8 =	vor.u32 s4, v1;
	s3 =	sshrl.u32 s10, $0x19  }
0x12c: {  	s7 =	simm.s32 $0x3400;
	[sflag:s26] =	ssyncadd.s32 $0xFFFFF000;
	s3 =	sadd.s32 s3, s12  }
0x12d: {  	s19 =	sand.u32 $0xFFFFFF80, s3;
	v5 =	vld.idx.msk [tilespmem:v13+s7+$0x0], $0xffff  }
0x12e: {  	s9 =	simm.s32 $0xB400;
	p3 =	slt.s32 s12, $0x1;
	v6 =	vld.idx.msk [tilespmem:v14+s7+$0x0], $0xffff;
	p4 =	sne.s32 s12, s19  }
0x12f: {  	v7 =	vld.idx.msk [tilespmem:v15+s9+$0x0], $0xffff;
	p0 =	por !p3, !p4  }
0x130: {  	s10 =	simm.s32 $0x1;
	v8 =	vld.idx.msk [tilespmem:v8+s9+$0x0], $0xffff;
	p0 =	por !p0, !p0  }
0x131: {  	s3 =	sshrl.u32 s3, $0x7;
	s10 =	simm.s32 @!p0 $0x0  }
0x132: {  	s3 =	ssub.s32 s3, s10  }
0x133: {  	s3 =	sshll.u32 s3, $0x7  }
0x134: {  	s3 =	sand.u32 $0x1FFFFF80, s3  }
0x135: {  	s11 =	simm.s32 $0x3400;
	v5 =	vmul.f32 v7, v5;
	v6 =	vmul.f32 v8, v6;
	s3 =	sadd.s32 s1, s3;
	s5 =	spop (v2sf)  }
0x136: {  	[tilespmem:s11], [sflag:$0x1] =	stream.strided.gather [hbm4b:s3+s30], $0x1000, s24, s30, $0x38;
	[tilespmem:$0x10A00] =	vst v63  }
0x137: {  	v5 =	vadd.f32 v6, v5;
	s20 =	sshra.s32 s5, $0x1F  }
0x138: {  	s7 =	sshrl.u32 s20, $0x19  }
0x139: {  	(xrf2) =	vadd.scan.msk.f32 $0xffff, v5;
	s21 =	sadd.s32 s7, s5  }
0x13a: {  	s7 =	sand.u32 $0xFFFFFF80, s21  }
0x13b: {  	p5 =	slt.s32 s5, $0x1;
	p6 =	sne.s32 s5, s7  }
0x13c: {  	p2 =	por !p5, !p6  }
0x13d: {  	s7 =	simm.s32 $0x1;
	p0 =	por !p2, !p2  }
0x13e: {  	s4 =	sshrl.u32 s21, $0x7;
	s7 =	simm.s32 @!p0 $0x0  }
0x13f: {  	s4 =	ssub.s32 s4, s7  }
0x140: {  	s7 =	sshll.u32 s4, $0x7  }
0x141: {  	s3 =	sand.u32 $0x1FFFFF80, s7  }
0x142: {  	s9 =	simm.s32 $0xB400;
	s3 =	sadd.s32 s2, s3  }
0x143: {  	v5, _, _ =	vpop (xrf2);
	[tilespmem:s9], [sflag:$0x2] =	stream.strided.gather [hbm4b:s3+s30], $0x1000, s24, s30, $0x38;
	[tilespmem:$0x10A00] =	vst v63  }
0x144: {  	_ =	swait.ge [sflag:s28], $0x1000  }
0x145: {  	[sflag:s28] =	ssyncset.done $0x0  }
0x146: {  	[sflag:s28] =	ssyncadd.s32 $0xFFFFF000  }
0x147: {  	_ =	swait.ge [sflag:s26], $0x1000  }
0x148: {  	(v2sf) =	vpush v9, $0x4;
	_ =	sdelay $0x1  }
0x149: {  	(v2sf) =	vpush v10, $0x4;
	_ =	sdelay $0x8  }
0x14a: {  	(v2sf) =	vpush v9, $0xC;
	_ =	sdelay $0x3  }
0x14b: {  	s10 =	spop (v2sf);
	(v2sf) =	vpush v10, $0xC  }
0x14c: {  	s3 =	sand.u32 $0x7F, s10  }
0x14d: {  	s11 =	spop (v2sf);
	v16 =	vor.u32 s3, v0  }
0x14e: {  	s4 =	sand.u32 $0x7F, s11;
	v17 =	vor.u32 s3, v1  }
0x14f: {  	v18 =	vor.u32 s4, v0  }
0x150: {  	[sflag:s26] =	ssyncset.done $0x0;
	v11 =	vor.u32 s4, v1  }
0x151: {  	[sflag:s26] =	ssyncadd.s32 $0xFFFFF000  }
0x152: {  	v6 =	vld.idx.msk [tilespmem:v16+s31+$0x0], $0xffff  }
0x153: {  	s19 =	simm.s32 $0xC400;
	v7 =	vld.idx.msk [tilespmem:v17+s31+$0x0], $0xffff  }
0x154: {  	v8 =	vld.idx.msk [tilespmem:v18+s19+$0x0], $0xffff  }
0x155: {  	v11 =	vld.idx.msk [tilespmem:v11+s19+$0x0], $0xffff  }
0x156: {  	s11 =	spop (v2sf)  }
0x157: {  	s20 =	sshra.s32 s11, $0x1F  }
0x158: {  	s3 =	sshrl.u32 s20, $0x19  }
0x159: {  	s3 =	sadd.s32 s3, s11  }
0x15a: {  	s21 =	sand.u32 $0xFFFFFF80, s3;
	v6 =	vmul.f32 v8, v6;
	v7 =	vmul.f32 v11, v7;
	s31 =	spop (v2sf)  }
0x15b: {  	p3 =	slt.s32 s11, $0x1;
	p4 =	sne.s32 s11, s21;
	s10 =	sshra.s32 s31, $0x1F  }
0x15c: {  	p0 =	por !p3, !p4;
	v6 =	vadd.f32 v7, v6;
	s7 =	sshrl.u32 s10, $0x19  }
0x15d: {  	p0 =	por !p0, !p0;
	s10 =	simm.s32 $0x1;
	s20 =	sadd.s32 s7, s31  }
0x15e: {  	s3 =	sshrl.u32 s3, $0x7;
	(xrf2) =	vadd.scan.msk.f32 $0xffff, v6;
	s10 =	simm.s32 @!p0 $0x0;
	s7 =	sand.u32 $0xFFFFFF80, s20  }
0x15f: {  	p5 =	slt.s32 s31, $0x1;
	s3 =	ssub.s32 s3, s10;
	p6 =	sne.s32 s31, s7  }
0x160: {  	s19 =	simm.s32 $0x4400;
	s3 =	sshll.u32 s3, $0x7;
	p2 =	por !p5, !p6  }
0x161: {  	s7 =	simm.s32 $0x1;
	s3 =	sand.u32 $0x1FFFFF80, s3;
	p0 =	por !p2, !p2  }
0x162: {  	s4 =	sshrl.u32 s20, $0x7;
	s3 =	sadd.s32 s1, s3;
	s7 =	simm.s32 @!p0 $0x0  }
0x163: {  	[tilespmem:s19], [sflag:$0x1] =	stream.strided.gather [hbm4b:s3+s30], $0x1000, s24, s30, $0x38;
	[tilespmem:$0x10A00] =	vst v63  }
0x164: {  	s4 =	ssub.s32 s4, s7  }
0x165: {  	s21 =	sshll.u32 s4, $0x7  }
0x166: {  	s3 =	sand.u32 $0x1FFFFF80, s21  }
0x167: {  	s9 =	simm.s32 $0xC400;
	s3 =	sadd.s32 s2, s3  }
0x168: {  	v6, _, _ =	vpop (xrf2);
	[tilespmem:s9], [sflag:$0x2] =	stream.strided.gather [hbm4b:s3+s30], $0x1000, s24, s30, $0x38;
	[tilespmem:$0x10A00] =	vst v63  }
0x169: {  	_ =	swait.ge [sflag:s28], $0x1000  }
0x16a: {  	[sflag:s28] =	ssyncset.done $0x0  }
0x16b: {  	[sflag:s28] =	ssyncadd.s32 $0xFFFFF000  }
0x16c: {  	_ =	swait.ge [sflag:s26], $0x1000  }
0x16d: {  	(v2sf) =	vpush v9, $0x5;
	_ =	sdelay $0x1  }
0x16e: {  	(v2sf) =	vpush v10, $0x5;
	_ =	sdelay $0x8  }
0x16f: {  	(v2sf) =	vpush v9, $0xD;
	_ =	sdelay $0x3  }
0x170: {  	s4 =	spop (v2sf);
	(v2sf) =	vpush v10, $0xD  }
0x171: {  	s3 =	sand.u32 $0x7F, s4  }
0x172: {  	s7 =	spop (v2sf);
	v19 =	vor.u32 s3, v0  }
0x173: {  	s4 =	sand.u32 $0x7F, s7;
	v20 =	vor.u32 s3, v1  }
0x174: {  	v21 =	vor.u32 s4, v0  }
0x175: {  	[sflag:s26] =	ssyncset.done $0x0;
	v12 =	vor.u32 s4, v1  }
0x176: {  	s9 =	simm.s32 $0x5400;
	[sflag:s26] =	ssyncadd.s32 $0xFFFFF000  }
0x177: {  	v7 =	vld.idx.msk [tilespmem:v19+s9+$0x0], $0xffff  }
0x178: {  	s10 =	simm.s32 $0xD400;
	v8 =	vld.idx.msk [tilespmem:v20+s9+$0x0], $0xffff  }
0x179: {  	v11 =	vld.idx.msk [tilespmem:v21+s10+$0x0], $0xffff  }
0x17a: {  	v12 =	vld.idx.msk [tilespmem:v12+s10+$0x0], $0xffff  }
0x17b: {  	s4 =	spop (v2sf)  }
0x17c: {  	s19 =	sshra.s32 s4, $0x1F  }
0x17d: {  	s3 =	sshrl.u32 s19, $0x19  }
0x17e: {  	s3 =	sadd.s32 s3, s4  }
0x17f: {  	s10 =	sand.u32 $0xFFFFFF80, s3;
	v7 =	vmul.f32 v11, v7;
	v8 =	vmul.f32 v12, v8;
	s7 =	spop (v2sf)  }
0x180: {  	p3 =	slt.s32 s4, $0x1;
	p4 =	sne.s32 s4, s10;
	s20 =	sshra.s32 s7, $0x1F  }
0x181: {  	p0 =	por !p3, !p4;
	v7 =	vadd.f32 v8, v7;
	s19 =	sshrl.u32 s20, $0x19  }
0x182: {  	p0 =	por !p0, !p0;
	s20 =	simm.s32 $0x1;
	s10 =	sadd.s32 s19, s7  }
0x183: {  	s3 =	sshrl.u32 s3, $0x7;
	(xrf2) =	vadd.scan.msk.f32 $0xffff, v7;
	s20 =	simm.s32 @!p0 $0x0;
	s19 =	sand.u32 $0xFFFFFF80, s10  }
0x184: {  	p5 =	slt.s32 s7, $0x1;
	s3 =	ssub.s32 s3, s20;
	p6 =	sne.s32 s7, s19  }
0x185: {  	s9 =	simm.s32 $0x5400;
	s3 =	sshll.u32 s3, $0x7;
	p2 =	por !p5, !p6  }
0x186: {  	s19 =	simm.s32 $0x1;
	s3 =	sand.u32 $0x1FFFFF80, s3;
	p0 =	por !p2, !p2  }
0x187: {  	s10 =	sshrl.u32 s10, $0x7;
	s3 =	sadd.s32 s1, s3;
	s19 =	simm.s32 @!p0 $0x0  }
0x188: {  	[tilespmem:s9], [sflag:$0x1] =	stream.strided.gather [hbm4b:s3+s30], $0x1000, s24, s30, $0x38;
	[tilespmem:$0x10A00] =	vst v63  }
0x189: {  	s10 =	ssub.s32 s10, s19  }
0x18a: {  	s20 =	sshll.u32 s10, $0x7  }
0x18b: {  	s3 =	sand.u32 $0x1FFFFF80, s20  }
0x18c: {  	s21 =	simm.s32 $0xD400;
	s3 =	sadd.s32 s2, s3  }
0x18d: {  	v7, _, _ =	vpop (xrf2);
	[tilespmem:s21], [sflag:$0x2] =	stream.strided.gather [hbm4b:s3+s30], $0x1000, s24, s30, $0x38;
	[tilespmem:$0x10A00] =	vst v63  }
0x18e: {  	_ =	swait.ge [sflag:s28], $0x1000  }
0x18f: {  	[sflag:s28] =	ssyncset.done $0x0  }
0x190: {  	[sflag:s28] =	ssyncadd.s32 $0xFFFFF000  }
0x191: {  	_ =	swait.ge [sflag:s26], $0x1000  }
0x192: {  	(v2sf) =	vpush v9, $0x6;
	_ =	sdelay $0x1  }
0x193: {  	(v2sf) =	vpush v10, $0x6;
	_ =	sdelay $0x9  }
0x194: {  	(v2sf) =	vpush v9, $0xE;
	_ =	sdelay $0x1  }
0x195: {  	(v2sf) =	vpush v10, $0xE  }
0x196: {  	s21 =	spop (v2sf)  }
0x197: {  	s3 =	sand.u32 $0x7F, s21  }
0x198: {  	s9 =	spop (v2sf);
	v22 =	vor.u32 s3, v0  }
0x199: {  	s10 =	sand.u32 $0x7F, s9;
	v23 =	vor.u32 s3, v1  }
0x19a: {  	v24 =	vor.u32 s10, v0  }
0x19b: {  	[sflag:s26] =	ssyncset.done $0x0;
	v13 =	vor.u32 s10, v1  }
0x19c: {  	s19 =	simm.s32 $0x6400;
	[sflag:s26] =	ssyncadd.s32 $0xFFFFF000  }
0x19d: {  	v8 =	vld.idx.msk [tilespmem:v22+s19+$0x0], $0xffff  }
0x19e: {  	s20 =	simm.s32 $0xE400;
	v11 =	vld.idx.msk [tilespmem:v23+s19+$0x0], $0xffff  }
0x19f: {  	v12 =	vld.idx.msk [tilespmem:v24+s20+$0x0], $0xffff  }
0x1a0: {  	v13 =	vld.idx.msk [tilespmem:v13+s20+$0x0], $0xffff;
	_ =	sdelay $0x1  }
0x1a1: {  	s10 =	spop (v2sf)  }
0x1a2: {  	s21 =	sshra.s32 s10, $0x1F  }
0x1a3: {  	s3 =	spop (v2sf);
	s19 =	sshrl.u32 s21, $0x19  }
0x1a4: {  	s19 =	sadd.s32 s19, s10;
	s20 =	sshra.s32 s3, $0x1F;
	v8 =	vmul.f32 v12, v8;
	v11 =	vmul.f32 v13, v11  }
0x1a5: {  	s21 =	sand.u32 $0xFFFFFF80, s19;
	s20 =	sshrl.u32 s20, $0x19  }
0x1a6: {  	p3 =	slt.s32 s10, $0x1;
	s20 =	sadd.s32 s20, s3;
	p4 =	sne.s32 s10, s21;
	v8 =	vadd.f32 v11, v8  }
0x1a7: {  	s21 =	sand.u32 $0xFFFFFF80, s20;
	p0 =	por !p3, !p4  }
0x1a8: {  	p5 =	sne.s32 s3, s21;
	p0 =	por !p0, !p0;
	s21 =	simm.s32 $0x1;
	(xrf2) =	vadd.scan.msk.f32 $0xffff, v8  }
0x1a9: {  	p6 =	slt.s32 s3, $0x1;
	s19 =	sshrl.u32 s19, $0x7;
	s21 =	simm.s32 @!p0 $0x0  }
0x1aa: {  	p1 =	por !p6, !p5;
	s19 =	ssub.s32 s19, s21  }
0x1ab: {  	p0 =	por !p1, !p1;
	s21 =	simm.s32 $0x1;
	s19 =	sshll.u32 s19, $0x7  }
0x1ac: {  	s20 =	sshrl.u32 s20, $0x7;
	s21 =	simm.s32 @!p0 $0x0;
	s19 =	sand.u32 $0x1FFFFF80, s19  }
0x1ad: {  	s9 =	simm.s32 $0x6400;
	s20 =	ssub.s32 s20, s21;
	s19 =	sadd.s32 s1, s19  }
0x1ae: {  	[tilespmem:s9], [sflag:$0x1] =	stream.strided.gather [hbm4b:s19+s30], $0x1000, s24, s30, $0x38;
	[tilespmem:$0x10A00] =	vst v63  }
0x1af: {  	s9 =	sshll.u32 s20, $0x7  }
0x1b0: {  	s19 =	sand.u32 $0x1FFFFF80, s9  }
0x1b1: {  	s19 =	sadd.s32 s2, s19  }
0x1b2: {  	[tilespmem:s29], [sflag:$0x2] =	stream.strided.gather [hbm4b:s19+s30], $0x1000, s24, s30, $0x38;
	v8, _, _ =	vpop (xrf2);
	[tilespmem:$0x10A00] =	vst v63  }
0x1b3: {  	_ =	swait.ge [sflag:s28], $0x1000  }
0x1b4: {  	[sflag:s28] =	ssyncset.done $0x0  }
0x1b5: {  	[sflag:s28] =	ssyncadd.s32 $0xFFFFF000  }
0x1b6: {  	_ =	swait.ge [sflag:s26], $0x1000  }
0x1b7: {  	(v2sf) =	vpush v9, $0xF;
	_ =	sdelay $0x2  }
0x1b8: {  	(v2sf) =	vpush v10, $0xF  }
0x1b9: {  	s6 =	sand.u32 $0x7F, s6  }
0x1ba: {  	v25 =	vor.u32 s6, v0  }
0x1bb: {  	s13 =	sand.u32 $0x7F, s13;
	v26 =	vor.u32 s6, v1  }
0x1bc: {  	v27 =	vor.u32 s13, v0  }
0x1bd: {  	v28 =	vor.u32 s13, v1;
	[sflag:s26] =	ssyncset.done $0x0  }
0x1be: {  	s13 =	simm.s32 $0x7400;
	[sflag:s26] =	ssyncadd.s32 $0xFFFFF000  }
0x1bf: {  	s19 =	simm.s32 $0x7400;
	v9 =	vld.idx.msk [tilespmem:v25+s13+$0x0], $0xffff  }
0x1c0: {  	v10 =	vld.idx.msk [tilespmem:v26+s19+$0x0], $0xffff  }
0x1c1: {  	v11 =	vld.idx.msk [tilespmem:v27+s25+$0x0], $0xffff  }
0x1c2: {  	v12 =	vld.idx.msk [tilespmem:v28+s25+$0x0], $0xffff;
	_ =	sdelay $0x1  }
0x1c3: {  	s6 =	spop (v2sf)  }
0x1c4: {  	s20 =	sshra.s32 s6, $0x1F  }
0x1c5: {  	s19 =	sshrl.u32 s20, $0x19  }
0x1c6: {  	v9 =	vmul.f32 v11, v9;
	v10 =	vmul.f32 v12, v10;
	s13 =	spop (v2sf);
	s19 =	sadd.s32 s19, s6  }
0x1c7: {  	s21 =	sshra.s32 s13, $0x1F;
	s9 =	sand.u32 $0xFFFFFF80, s19  }
0x1c8: {  	v9 =	vadd.f32 v10, v9;
	p2 =	slt.s32 s6, $0x1;
	s20 =	sshrl.u32 s21, $0x19;
	p3 =	sne.s32 s6, s9  }
0x1c9: {  	p5 =	slt.s32 s13, $0x1;
	s20 =	sadd.s32 s20, s13;
	p0 =	por !p2, !p3  }
0x1ca: {  	(xrf2) =	vadd.scan.msk.f32 $0xffff, v9;
	s21 =	simm.s32 $0x1;
	s9 =	sand.u32 $0xFFFFFF80, s20;
	p0 =	por !p0, !p0  }
0x1cb: {  	s19 =	sshrl.u32 s19, $0x7;
	p4 =	sne.s32 s13, s9;
	s21 =	simm.s32 @!p0 $0x0  }
0x1cc: {  	p6 =	por !p5, !p4;
	s19 =	ssub.s32 s19, s21  }
0x1cd: {  	p0 =	por !p6, !p6;
	s21 =	simm.s32 $0x1;
	s19 =	sshll.u32 s19, $0x7  }
0x1ce: {  	s20 =	sshrl.u32 s20, $0x7;
	s21 =	simm.s32 @!p0 $0x0;
	s19 =	sand.u32 $0x1FFFFF80, s19  }
0x1cf: {  	s9 =	simm.s32 $0x7400;
	s20 =	ssub.s32 s20, s21;
	s19 =	sadd.s32 s1, s19  }
0x1d0: {  	[tilespmem:s9], [sflag:$0x1] =	stream.strided.gather [hbm4b:s19+s30], $0x1000, s24, s30, $0x38;
	[tilespmem:$0x10A00] =	vst v63  }
0x1d1: {  	s9 =	sshll.u32 s20, $0x7  }
0x1d2: {  	s19 =	sand.u32 $0x1FFFFF80, s9  }
0x1d3: {  	s19 =	sadd.s32 s2, s19  }
0x1d4: {  	v9, _, _ =	vpop (xrf2);
	[tilespmem:s25], [sflag:$0x2] =	stream.strided.gather [hbm4b:s19+s30], $0x1000, s24, s30, $0x38;
	[tilespmem:$0x10A00] =	vst v63  }
0x1d5: {  	_ =	swait.ge [sflag:s28], $0x1000  }
0x1d6: {  	[sflag:s28] =	ssyncset.done $0x0  }
0x1d7: {  	[sflag:s28] =	ssyncadd.s32 $0xFFFFF000  }
0x1d8: {  	_ =	swait.ge [sflag:s26], $0x1000  }
0x1d9: {  	p0 =	seq.s32 s8, $0x7C0;
	[sflag:s26] =	ssyncset.done $0x0  }
0x1da: {  	s19 =	sshra.s32 @!p0 s8, $0x2;
	[sflag:s26] =	ssyncadd.s32 $0xFFFFF000  }
0x1db: {  	v10 =	vld @!p0 [tilespmem:s19+$0x210];
	_ =	sdelay $0x1  }
0x1dc: {  	v11 =	vld @!p0 [tilespmem:s19+$0x10];
	_ =	sdelay $0x2  }
0x1dd: {  	(v2sf) =	vpush @!p0 v10, $0x0;
	_ =	sdelay $0x1  }
0x1de: {  	s18 =	sand.u32 $0x7F, s18;
	(v2sf) =	vpush @!p0 v11, $0x0  }
0x1df: {  	v31 =	vor.u32 s18, v0  }
0x1e0: {  	s17 =	sand.u32 $0x7F, s17;
	v32 =	vor.u32 s18, v1  }
0x1e1: {  	v29 =	vor.u32 s17, v0  }
0x1e2: {  	v30 =	vor.u32 s17, v1;
	_ =	sdelay $0x1  }
0x1e3: {  	v12 =	vld.idx.msk [tilespmem:v31+s22+$0x0], $0xffff  }
0x1e4: {  	v13 =	vld.idx.msk [tilespmem:v32+s22+$0x0], $0xffff  }
0x1e5: {  	v10 =	vld.idx.msk [tilespmem:v29+s30+$0x0], $0xffff  }
0x1e6: {  	v11 =	vld.idx.msk [tilespmem:v30+s30+$0x0], $0xffff;
	_ =	sdelay $0x3  }
0x1e7: {  	s17 =	spop @!p0 (v2sf)  }
0x1e8: {  	v10 =	vmul.f32 v12, v10;
	v11 =	vmul.f32 v13, v11;
	s18 =	sshra.s32 @!p0 s17, $0x1F;
	s20 =	sand.u32 @!p0 $0x7F, s17  }
0x1e9: {  	s21 =	spop @!p0 (v2sf);
	p1 =	slt.s32 @!p0 s17, $0x1;
	p2 =	sne.s32 @!p0 s20, $0x0  }
0x1ea: {  	v10 =	vadd.f32 v11, v10;
	s20 =	sand.u32 @!p0 $0x7F, s21;
	s18 =	sshrl.u32 @!p0 s18, $0x19;
	p1 =	por @!p0 !p1, !p2  }
0x1eb: {  	p2 =	slt.s32 @!p0 s21, $0x1;
	p3 =	sne.s32 @!p0 s20, $0x0;
	s20 =	sshra.s32 @!p0 s21, $0x1F  }
0x1ec: {  	(xrf2) =	vadd.scan.msk.f32 $0xffff, v10;
	s17 =	sadd.s32 @!p0 s18, s17;
	p2 =	por @!p0 !p2, !p3;
	s18 =	sshrl.u32 @!p0 s20, $0x19  }
0x1ed: {  	s20 =	simm.s32 @!p0 $0x1;
	p1 =	por @!p0 !p1, !p1;
	p2 =	por @!p0 !p2, !p2  }
0x1ee: {  	s18 =	sadd.s32 @!p0 s18, s21;
	p1 =	por !p1, p0;
	p2 =	por !p2, p0  }
0x1ef: {  	s21 =	simm.s32 @!p0 $0x1;
	s18 =	sshrl.u32 @!p0 s18, $0x7;
	s20 =	simm.s32 @p2 $0x0  }
0x1f0: {  	s17 =	sshrl.u32 @!p0 s17, $0x7;
	s21 =	simm.s32 @p1 $0x0;
	s18 =	ssub.s32 @!p0 s18, s20  }
0x1f1: {  	s20 =	ssub.s32 @!p0 s17, s21;
	s18 =	sshll.u32 @!p0 s18, $0x7  }
0x1f2: {  	s20 =	sshll.u32 @!p0 s20, $0x7;
	s17 =	sand.u32 @!p0 $0x1FFFFF80, s18;
	s18 =	simm.s32 @!p0 $0x400  }
0x1f3: {  	s20 =	sand.u32 @!p0 $0x1FFFFF80, s20;
	s21 =	sadd.s32 @!p0 s1, s17;
	s17 =	simm.s32 @!p0 $0x7A1400  }
0x1f4: {  	[tilespmem:s18], [sflag:$0x1] =	stream.strided.gather @!p0 [hbm4b:s21+s18], $0x1000, s17, s18, $0x38;
	[tilespmem:$0x10A00] =	vst v63  }
0x1f5: {  	s20 =	sadd.s32 @!p0 s2, s20;
	s21 =	simm.s32 @!p0 $0x8400  }
0x1f6: {  	v10, _, _ =	vpop (xrf2);
	[tilespmem:s21], [sflag:$0x2] =	stream.strided.gather @!p0 [hbm4b:s20+s18], $0x1000, s17, s18, $0x38;
	[tilespmem:$0x10A00] =	vst v63  }
0x1f7: {  	_ =	swait.ge [sflag:s28], $0x1000  }
0x1f8: {  	[sflag:s28] =	ssyncset.done $0x0  }
0x1f9: {  	[sflag:s28] =	ssyncadd.s32 $0xFFFFF000  }
0x1fa: {  	_ =	swait.ge [sflag:s26], $0x1000  }
0x1fb: {  	[sflag:s26] =	ssyncset.done $0x0  }
0x1fc: {  	[sflag:s26] =	ssyncadd.s32 $0xFFFFF000  }
0x1fd: {  	v11 =	vld @!p0 [tilespmem:s19+$0x210]  }
0x1fe: {  	v12 =	vld @!p0 [tilespmem:s19+$0x10];
	_ =	sdelay $0x3  }
0x1ff: {  	(v2sf) =	vpush @!p0 v11, $0x1  }
0x200: {  	(v2sf) =	vpush @!p0 v12, $0x1;
	_ =	sdelay $0x8  }
0x201: {  	s16 =	sand.u32 $0x7F, s16  }
0x202: {  	v35 =	vor.u32 s16, v0  }
0x203: {  	s14 =	sand.u32 $0x7F, s14;
	v14 =	vor.u32 s16, v1  }
0x204: {  	v33 =	vor.u32 s14, v0  }
0x205: {  	v34 =	vor.u32 s14, v1  }
0x206: {  	s14 =	spop @!p0 (v2sf)  }
0x207: {  	v13 =	vld.idx.msk [tilespmem:v35+s23+$0x0], $0xffff;
	s16 =	spop @!p0 (v2sf)  }
0x208: {  	s21 =	simm.s32 $0x1400;
	v14 =	vld.idx.msk [tilespmem:v14+s23+$0x0], $0xffff;
	s20 =	sand.u32 @!p0 $0x7F, s16  }
0x209: {  	v11 =	vld.idx.msk [tilespmem:v33+s21+$0x0], $0xffff;
	p1 =	slt.s32 @!p0 s16, $0x1;
	p2 =	sne.s32 @!p0 s20, $0x0  }
0x20a: {  	v12 =	vld.idx.msk [tilespmem:v34+s21+$0x0], $0xffff;
	s20 =	sshra.s32 @!p0 s16, $0x1F;
	p1 =	por @!p0 !p1, !p2  }
0x20b: {  	s20 =	sshrl.u32 @!p0 s20, $0x19;
	p1 =	por @!p0 !p1, !p1  }
0x20c: {  	s16 =	sadd.s32 @!p0 s20, s16;
	s20 =	simm.s32 @!p0 $0x1;
	p1 =	por !p1, p0  }
0x20d: {  	s16 =	sshrl.u32 @!p0 s16, $0x7;
	s20 =	simm.s32 @p1 $0x0  }
0x20e: {  	s16 =	ssub.s32 @!p0 s16, s20  }
0x20f: {  	v11 =	vmul.f32 v13, v11;
	v12 =	vmul.f32 v14, v12;
	s16 =	sshll.u32 @!p0 s16, $0x7  }
0x210: {  	s16 =	sand.u32 @!p0 $0x1FFFFF80, s16  }
0x211: {  	v11 =	vadd.f32 v12, v11;
	s20 =	simm.s32 @!p0 $0x1400;
	s16 =	sadd.s32 @!p0 s1, s16  }
0x212: {  	[tilespmem:s20], [sflag:$0x1] =	stream.strided.gather @!p0 [hbm4b:s16+s18], $0x1000, s17, s18, $0x38;
	[tilespmem:$0x10A00] =	vst v63  }
0x213: {  	(xrf2) =	vadd.scan.msk.f32 $0xffff, v11;
	s16 =	sand.u32 @!p0 $0x7F, s14  }
0x214: {  	p1 =	slt.s32 @!p0 s14, $0x1;
	p2 =	sne.s32 @!p0 s16, $0x0  }
0x215: {  	s16 =	sshra.s32 @!p0 s14, $0x1F;
	p1 =	por @!p0 !p1, !p2  }
0x216: {  	s16 =	sshrl.u32 @!p0 s16, $0x19;
	p1 =	por @!p0 !p1, !p1  }
0x217: {  	s14 =	sadd.s32 @!p0 s16, s14;
	s16 =	simm.s32 @!p0 $0x1;
	p1 =	por !p1, p0  }
0x218: {  	s14 =	sshrl.u32 @!p0 s14, $0x7;
	s16 =	simm.s32 @p1 $0x0  }
0x219: {  	s14 =	ssub.s32 @!p0 s14, s16  }
0x21a: {  	s14 =	sshll.u32 @!p0 s14, $0x7  }
0x21b: {  	s14 =	sand.u32 @!p0 $0x1FFFFF80, s14  }
0x21c: {  	s16 =	simm.s32 @!p0 $0x9400;
	s14 =	sadd.s32 @!p0 s2, s14  }
0x21d: {  	v11, _, _ =	vpop (xrf2);
	[tilespmem:s16], [sflag:$0x2] =	stream.strided.gather @!p0 [hbm4b:s14+s18], $0x1000, s17, s18, $0x38;
	[tilespmem:$0x10A00] =	vst v63  }
0x21e: {  	_ =	swait.ge [sflag:s28], $0x1000  }
0x21f: {  	[sflag:s28] =	ssyncset.done $0x0  }
0x220: {  	[sflag:s28] =	ssyncadd.s32 $0xFFFFF000  }
0x221: {  	_ =	swait.ge [sflag:s26], $0x1000  }
0x222: {  	[sflag:s26] =	ssyncset.done $0x0  }
0x223: {  	[sflag:s26] =	ssyncadd.s32 $0xFFFFF000  }
0x224: {  	v12 =	vld @!p0 [tilespmem:s19+$0x210]  }
0x225: {  	v13 =	vld @!p0 [tilespmem:s19+$0x10];
	_ =	sdelay $0x3  }
0x226: {  	(v2sf) =	vpush @!p0 v12, $0x2  }
0x227: {  	(v2sf) =	vpush @!p0 v13, $0x2;
	_ =	sdelay $0x8  }
0x228: {  	s16 =	sand.u32 $0x7F, s15  }
0x229: {  	v38 =	vor.u32 s16, v0  }
0x22a: {  	s0 =	sand.u32 $0x7F, s0;
	v15 =	vor.u32 s16, v1  }
0x22b: {  	v36 =	vor.u32 s0, v0  }
0x22c: {  	v37 =	vor.u32 s0, v1  }
0x22d: {  	s22 =	simm.s32 $0xA400;
	s0 =	spop @!p0 (v2sf)  }
0x22e: {  	v14 =	vld.idx.msk [tilespmem:v38+s22+$0x0], $0xffff;
	s14 =	spop @!p0 (v2sf)  }
0x22f: {  	s20 =	simm.s32 $0x2400;
	v15 =	vld.idx.msk [tilespmem:v15+s22+$0x0], $0xffff;
	s15 =	sand.u32 @!p0 $0x7F, s14  }
0x230: {  	v12 =	vld.idx.msk [tilespmem:v36+s20+$0x0], $0xffff;
	p1 =	slt.s32 @!p0 s14, $0x1;
	p2 =	sne.s32 @!p0 s15, $0x0  }
0x231: {  	v13 =	vld.idx.msk [tilespmem:v37+s20+$0x0], $0xffff;
	s15 =	sshra.s32 @!p0 s14, $0x1F;
	p1 =	por @!p0 !p1, !p2  }
0x232: {  	s15 =	sshrl.u32 @!p0 s15, $0x19;
	p1 =	por @!p0 !p1, !p1  }
0x233: {  	s14 =	sadd.s32 @!p0 s15, s14;
	s15 =	simm.s32 @!p0 $0x1;
	p1 =	por !p1, p0  }
0x234: {  	s14 =	sshrl.u32 @!p0 s14, $0x7;
	s15 =	simm.s32 @p1 $0x0  }
0x235: {  	s14 =	ssub.s32 @!p0 s14, s15  }
0x236: {  	v12 =	vmul.f32 v14, v12;
	v13 =	vmul.f32 v15, v13;
	s14 =	sshll.u32 @!p0 s14, $0x7  }
0x237: {  	s14 =	sand.u32 @!p0 $0x1FFFFF80, s14  }
0x238: {  	v12 =	vadd.f32 v13, v12;
	s15 =	simm.s32 @!p0 $0x2400;
	s14 =	sadd.s32 @!p0 s1, s14  }
0x239: {  	[tilespmem:s15], [sflag:$0x1] =	stream.strided.gather @!p0 [hbm4b:s14+s18], $0x1000, s17, s18, $0x38;
	[tilespmem:$0x10A00] =	vst v63  }
0x23a: {  	(xrf2) =	vadd.scan.msk.f32 $0xffff, v12;
	s14 =	sand.u32 @!p0 $0x7F, s0  }
0x23b: {  	p1 =	slt.s32 @!p0 s0, $0x1;
	p2 =	sne.s32 @!p0 s14, $0x0  }
0x23c: {  	s14 =	sshra.s32 @!p0 s0, $0x1F;
	p1 =	por @!p0 !p1, !p2  }
0x23d: {  	s14 =	sshrl.u32 @!p0 s14, $0x19;
	p1 =	por @!p0 !p1, !p1  }
0x23e: {  	s0 =	sadd.s32 @!p0 s14, s0;
	s14 =	simm.s32 @!p0 $0x1;
	p1 =	por !p1, p0  }
0x23f: {  	s0 =	sshrl.u32 @!p0 s0, $0x7;
	s14 =	simm.s32 @p1 $0x0  }
0x240: {  	s0 =	ssub.s32 @!p0 s0, s14  }
0x241: {  	s0 =	sshll.u32 @!p0 s0, $0x7  }
0x242: {  	s0 =	sand.u32 @!p0 $0x1FFFFF80, s0  }
0x243: {  	s14 =	simm.s32 @!p0 $0xA400;
	s0 =	sadd.s32 @!p0 s2, s0  }
0x244: {  	v12, _, _ =	vpop (xrf2);
	[tilespmem:s14], [sflag:$0x2] =	stream.strided.gather @!p0 [hbm4b:s0+s18], $0x1000, s17, s18, $0x38;
	[tilespmem:$0x10A00] =	vst v63  }
0x245: {  	_ =	swait.ge [sflag:s28], $0x1000  }
0x246: {  	[sflag:s28] =	ssyncset.done $0x0  }
0x247: {  	[sflag:s28] =	ssyncadd.s32 $0xFFFFF000  }
0x248: {  	_ =	swait.ge [sflag:s26], $0x1000  }
0x249: {  	[sflag:s26] =	ssyncset.done $0x0  }
0x24a: {  	[sflag:s26] =	ssyncadd.s32 $0xFFFFF000  }
0x24b: {  	v13 =	vld @!p0 [tilespmem:s19+$0x210]  }
0x24c: {  	v14 =	vld @!p0 [tilespmem:s19+$0x10];
	_ =	sdelay $0x3  }
0x24d: {  	(v2sf) =	vpush @!p0 v13, $0x3  }
0x24e: {  	(v2sf) =	vpush @!p0 v14, $0x3;
	_ =	sdelay $0x8  }
0x24f: {  	s9 =	sand.u32 $0x7F, s12  }
0x250: {  	v39 =	vor.u32 s9, v0  }
0x251: {  	s5 =	sand.u32 $0x7F, s5;
	v40 =	vor.u32 s9, v1  }
0x252: {  	v41 =	vor.u32 s5, v0  }
0x253: {  	v16 =	vor.u32 s5, v1  }
0x254: {  	s12 =	simm.s32 $0x3400;
	s0 =	spop @!p0 (v2sf)  }
0x255: {  	v13 =	vld.idx.msk [tilespmem:v39+s12+$0x0], $0xffff;
	s5 =	spop @!p0 (v2sf)  }
0x256: {  	s14 =	simm.s32 $0xB400;
	v14 =	vld.idx.msk [tilespmem:v40+s12+$0x0], $0xffff;
	s12 =	sand.u32 @!p0 $0x7F, s5  }
0x257: {  	v15 =	vld.idx.msk [tilespmem:v41+s14+$0x0], $0xffff;
	p1 =	slt.s32 @!p0 s5, $0x1;
	p2 =	sne.s32 @!p0 s12, $0x0  }
0x258: {  	v16 =	vld.idx.msk [tilespmem:v16+s14+$0x0], $0xffff;
	s12 =	sshra.s32 @!p0 s5, $0x1F;
	p1 =	por @!p0 !p1, !p2  }
0x259: {  	s12 =	sshrl.u32 @!p0 s12, $0x19;
	p1 =	por @!p0 !p1, !p1  }
0x25a: {  	s5 =	sadd.s32 @!p0 s12, s5;
	s12 =	simm.s32 @!p0 $0x1;
	p1 =	por !p1, p0  }
0x25b: {  	s5 =	sshrl.u32 @!p0 s5, $0x7;
	s12 =	simm.s32 @p1 $0x0  }
0x25c: {  	s5 =	ssub.s32 @!p0 s5, s12  }
0x25d: {  	v13 =	vmul.f32 v15, v13;
	v14 =	vmul.f32 v16, v14;
	s5 =	sshll.u32 @!p0 s5, $0x7  }
0x25e: {  	s5 =	sand.u32 @!p0 $0x1FFFFF80, s5  }
0x25f: {  	v13 =	vadd.f32 v14, v13;
	s12 =	simm.s32 @!p0 $0x3400;
	s5 =	sadd.s32 @!p0 s1, s5  }
0x260: {  	[tilespmem:s12], [sflag:$0x1] =	stream.strided.gather @!p0 [hbm4b:s5+s18], $0x1000, s17, s18, $0x38;
	[tilespmem:$0x10A00] =	vst v63  }
0x261: {  	(xrf2) =	vadd.scan.msk.f32 $0xffff, v13;
	s5 =	sand.u32 @!p0 $0x7F, s0  }
0x262: {  	p1 =	slt.s32 @!p0 s0, $0x1;
	p2 =	sne.s32 @!p0 s5, $0x0  }
0x263: {  	s5 =	sshra.s32 @!p0 s0, $0x1F;
	p1 =	por @!p0 !p1, !p2  }
0x264: {  	s5 =	sshrl.u32 @!p0 s5, $0x19;
	p1 =	por @!p0 !p1, !p1  }
0x265: {  	s0 =	sadd.s32 @!p0 s5, s0;
	s5 =	simm.s32 @!p0 $0x1;
	p1 =	por !p1, p0  }
0x266: {  	s0 =	sshrl.u32 @!p0 s0, $0x7;
	s5 =	simm.s32 @p1 $0x0  }
0x267: {  	s0 =	ssub.s32 @!p0 s0, s5  }
0x268: {  	s0 =	sshll.u32 @!p0 s0, $0x7  }
0x269: {  	s0 =	sand.u32 @!p0 $0x1FFFFF80, s0  }
0x26a: {  	s5 =	simm.s32 @!p0 $0xB400;
	s0 =	sadd.s32 @!p0 s2, s0  }
0x26b: {  	v13, _, _ =	vpop (xrf2);
	[tilespmem:s5], [sflag:$0x2] =	stream.strided.gather @!p0 [hbm4b:s0+s18], $0x1000, s17, s18, $0x38;
	[tilespmem:$0x10A00] =	vst v63  }
0x26c: {  	_ =	swait.ge [sflag:s28], $0x1000  }
0x26d: {  	[sflag:s28] =	ssyncset.done $0x0  }
0x26e: {  	[sflag:s28] =	ssyncadd.s32 $0xFFFFF000  }
0x26f: {  	_ =	swait.ge [sflag:s26], $0x1000  }
0x270: {  	[sflag:s26] =	ssyncset.done $0x0  }
0x271: {  	[sflag:s26] =	ssyncadd.s32 $0xFFFFF000  }
0x272: {  	v14 =	vld @!p0 [tilespmem:s19+$0x210]  }
0x273: {  	v15 =	vld @!p0 [tilespmem:s19+$0x10];
	_ =	sdelay $0x3  }
0x274: {  	(v2sf) =	vpush @!p0 v14, $0x4  }
0x275: {  	(v2sf) =	vpush @!p0 v15, $0x4;
	_ =	sdelay $0x8  }
0x276: {  	s16 =	sand.u32 $0x7F, s31  }
0x277: {  	v44 =	vor.u32 s16, v0  }
0x278: {  	v17 =	vor.u32 s16, v1;
	s15 =	sand.u32 $0x7F, s11  }
0x279: {  	v42 =	vor.u32 s15, v0  }
0x27a: {  	v43 =	vor.u32 s15, v1  }
0x27b: {  	s22 =	simm.s32 $0xC400;
	s0 =	spop @!p0 (v2sf)  }
0x27c: {  	v16 =	vld.idx.msk [tilespmem:v44+s22+$0x0], $0xffff;
	s5 =	spop @!p0 (v2sf)  }
0x27d: {  	s31 =	simm.s32 $0x4400;
	v17 =	vld.idx.msk [tilespmem:v17+s22+$0x0], $0xffff;
	s11 =	sand.u32 @!p0 $0x7F, s5  }
0x27e: {  	v14 =	vld.idx.msk [tilespmem:v42+s31+$0x0], $0xffff;
	p1 =	slt.s32 @!p0 s5, $0x1;
	p2 =	sne.s32 @!p0 s11, $0x0  }
0x27f: {  	v15 =	vld.idx.msk [tilespmem:v43+s31+$0x0], $0xffff;
	s11 =	sshra.s32 @!p0 s5, $0x1F;
	p1 =	por @!p0 !p1, !p2  }
0x280: {  	s11 =	sshrl.u32 @!p0 s11, $0x19;
	p1 =	por @!p0 !p1, !p1  }
0x281: {  	s5 =	sadd.s32 @!p0 s11, s5;
	s11 =	simm.s32 @!p0 $0x1;
	p1 =	por !p1, p0  }
0x282: {  	s5 =	sshrl.u32 @!p0 s5, $0x7;
	s11 =	simm.s32 @p1 $0x0  }
0x283: {  	s5 =	ssub.s32 @!p0 s5, s11  }
0x284: {  	v14 =	vmul.f32 v16, v14;
	v15 =	vmul.f32 v17, v15;
	s5 =	sshll.u32 @!p0 s5, $0x7  }
0x285: {  	s5 =	sand.u32 @!p0 $0x1FFFFF80, s5  }
0x286: {  	v14 =	vadd.f32 v15, v14;
	s11 =	simm.s32 @!p0 $0x4400;
	s5 =	sadd.s32 @!p0 s1, s5  }
0x287: {  	[tilespmem:s11], [sflag:$0x1] =	stream.strided.gather @!p0 [hbm4b:s5+s18], $0x1000, s17, s18, $0x38;
	[tilespmem:$0x10A00] =	vst v63  }
0x288: {  	(xrf2) =	vadd.scan.msk.f32 $0xffff, v14;
	s5 =	sand.u32 @!p0 $0x7F, s0  }
0x289: {  	p1 =	slt.s32 @!p0 s0, $0x1;
	p2 =	sne.s32 @!p0 s5, $0x0  }
0x28a: {  	s5 =	sshra.s32 @!p0 s0, $0x1F;
	p1 =	por @!p0 !p1, !p2  }
0x28b: {  	s5 =	sshrl.u32 @!p0 s5, $0x19;
	p1 =	por @!p0 !p1, !p1  }
0x28c: {  	s0 =	sadd.s32 @!p0 s5, s0;
	s5 =	simm.s32 @!p0 $0x1;
	p1 =	por !p1, p0  }
0x28d: {  	s0 =	sshrl.u32 @!p0 s0, $0x7;
	s5 =	simm.s32 @p1 $0x0  }
0x28e: {  	s0 =	ssub.s32 @!p0 s0, s5  }
0x28f: {  	s0 =	sshll.u32 @!p0 s0, $0x7  }
0x290: {  	s0 =	sand.u32 @!p0 $0x1FFFFF80, s0  }
0x291: {  	s5 =	simm.s32 @!p0 $0xC400;
	s0 =	sadd.s32 @!p0 s2, s0  }
0x292: {  	v14, _, _ =	vpop (xrf2);
	[tilespmem:s5], [sflag:$0x2] =	stream.strided.gather @!p0 [hbm4b:s0+s18], $0x1000, s17, s18, $0x38;
	[tilespmem:$0x10A00] =	vst v63  }
0x293: {  	_ =	swait.ge [sflag:s28], $0x1000  }
0x294: {  	[sflag:s28] =	ssyncset.done $0x0  }
0x295: {  	[sflag:s28] =	ssyncadd.s32 $0xFFFFF000  }
0x296: {  	_ =	swait.ge [sflag:s26], $0x1000  }
0x297: {  	[sflag:s26] =	ssyncset.done $0x0  }
0x298: {  	[sflag:s26] =	ssyncadd.s32 $0xFFFFF000  }
0x299: {  	v15 =	vld @!p0 [tilespmem:s19+$0x210]  }
0x29a: {  	v16 =	vld @!p0 [tilespmem:s19+$0x10];
	_ =	sdelay $0x3  }
0x29b: {  	(v2sf) =	vpush @!p0 v15, $0x5  }
0x29c: {  	(v2sf) =	vpush @!p0 v16, $0x5;
	_ =	sdelay $0x8  }
0x29d: {  	s7 =	sand.u32 $0x7F, s7  }
0x29e: {  	v47 =	vor.u32 s7, v0  }
0x29f: {  	v18 =	vor.u32 s7, v1;
	s5 =	sand.u32 $0x7F, s4  }
0x2a0: {  	v45 =	vor.u32 s5, v0  }
0x2a1: {  	v46 =	vor.u32 s5, v1  }
0x2a2: {  	s11 =	simm.s32 $0xD400;
	s0 =	spop @!p0 (v2sf)  }
0x2a3: {  	v17 =	vld.idx.msk [tilespmem:v47+s11+$0x0], $0xffff;
	s4 =	spop @!p0 (v2sf)  }
0x2a4: {  	s9 =	simm.s32 $0x5400;
	v18 =	vld.idx.msk [tilespmem:v18+s11+$0x0], $0xffff;
	s5 =	sand.u32 @!p0 $0x7F, s4  }
0x2a5: {  	v15 =	vld.idx.msk [tilespmem:v45+s9+$0x0], $0xffff;
	p1 =	slt.s32 @!p0 s4, $0x1;
	p2 =	sne.s32 @!p0 s5, $0x0  }
0x2a6: {  	v16 =	vld.idx.msk [tilespmem:v46+s9+$0x0], $0xffff;
	s5 =	sshra.s32 @!p0 s4, $0x1F;
	p1 =	por @!p0 !p1, !p2  }
0x2a7: {  	s5 =	sshrl.u32 @!p0 s5, $0x19;
	p1 =	por @!p0 !p1, !p1  }
0x2a8: {  	s4 =	sadd.s32 @!p0 s5, s4;
	s5 =	simm.s32 @!p0 $0x1;
	p1 =	por !p1, p0  }
0x2a9: {  	s4 =	sshrl.u32 @!p0 s4, $0x7;
	s5 =	simm.s32 @p1 $0x0  }
0x2aa: {  	s4 =	ssub.s32 @!p0 s4, s5  }
0x2ab: {  	v15 =	vmul.f32 v17, v15;
	v16 =	vmul.f32 v18, v16;
	s4 =	sshll.u32 @!p0 s4, $0x7  }
0x2ac: {  	s4 =	sand.u32 @!p0 $0x1FFFFF80, s4  }
0x2ad: {  	v15 =	vadd.f32 v16, v15;
	s5 =	simm.s32 @!p0 $0x5400;
	s4 =	sadd.s32 @!p0 s1, s4  }
0x2ae: {  	[tilespmem:s5], [sflag:$0x1] =	stream.strided.gather @!p0 [hbm4b:s4+s18], $0x1000, s17, s18, $0x38;
	[tilespmem:$0x10A00] =	vst v63  }
0x2af: {  	(xrf2) =	vadd.scan.msk.f32 $0xffff, v15;
	s4 =	sand.u32 @!p0 $0x7F, s0  }
0x2b0: {  	p1 =	slt.s32 @!p0 s0, $0x1;
	p2 =	sne.s32 @!p0 s4, $0x0  }
0x2b1: {  	s4 =	sshra.s32 @!p0 s0, $0x1F;
	p1 =	por @!p0 !p1, !p2  }
0x2b2: {  	s4 =	sshrl.u32 @!p0 s4, $0x19;
	p1 =	por @!p0 !p1, !p1  }
0x2b3: {  	s0 =	sadd.s32 @!p0 s4, s0;
	s4 =	simm.s32 @!p0 $0x1;
	p1 =	por !p1, p0  }
0x2b4: {  	s0 =	sshrl.u32 @!p0 s0, $0x7;
	s4 =	simm.s32 @p1 $0x0  }
0x2b5: {  	s0 =	ssub.s32 @!p0 s0, s4  }
0x2b6: {  	s0 =	sshll.u32 @!p0 s0, $0x7  }
0x2b7: {  	s0 =	sand.u32 @!p0 $0x1FFFFF80, s0  }
0x2b8: {  	s4 =	simm.s32 @!p0 $0xD400;
	s0 =	sadd.s32 @!p0 s2, s0  }
0x2b9: {  	v15, _, _ =	vpop (xrf2);
	[tilespmem:s4], [sflag:$0x2] =	stream.strided.gather @!p0 [hbm4b:s0+s18], $0x1000, s17, s18, $0x38;
	[tilespmem:$0x10A00] =	vst v63  }
0x2ba: {  	_ =	swait.ge [sflag:s28], $0x1000  }
0x2bb: {  	[sflag:s28] =	ssyncset.done $0x0  }
0x2bc: {  	[sflag:s28] =	ssyncadd.s32 $0xFFFFF000  }
0x2bd: {  	_ =	swait.ge [sflag:s26], $0x1000  }
0x2be: {  	[sflag:s26] =	ssyncset.done $0x0  }
0x2bf: {  	[sflag:s26] =	ssyncadd.s32 $0xFFFFF000  }
0x2c0: {  	v16 =	vld @!p0 [tilespmem:s19+$0x210]  }
0x2c1: {  	v17 =	vld @!p0 [tilespmem:s19+$0x10];
	_ =	sdelay $0x3  }
0x2c2: {  	(v2sf) =	vpush @!p0 v16, $0x6  }
0x2c3: {  	(v2sf) =	vpush @!p0 v17, $0x6;
	_ =	sdelay $0x8  }
0x2c4: {  	s3 =	sand.u32 $0x7F, s3  }
0x2c5: {  	v50 =	vor.u32 s3, v0  }
0x2c6: {  	v19 =	vor.u32 s3, v1;
	s12 =	sand.u32 $0x7F, s10  }
0x2c7: {  	v48 =	vor.u32 s12, v0  }
0x2c8: {  	v49 =	vor.u32 s12, v1  }
0x2c9: {  	s15 =	simm.s32 $0xE400;
	s0 =	spop @!p0 (v2sf)  }
0x2ca: {  	v18 =	vld.idx.msk [tilespmem:v50+s15+$0x0], $0xffff;
	s3 =	spop @!p0 (v2sf)  }
0x2cb: {  	s14 =	simm.s32 $0x6400;
	v19 =	vld.idx.msk [tilespmem:v19+s15+$0x0], $0xffff;
	s4 =	sand.u32 @!p0 $0x7F, s3  }
0x2cc: {  	v16 =	vld.idx.msk [tilespmem:v48+s14+$0x0], $0xffff;
	p1 =	slt.s32 @!p0 s3, $0x1;
	p2 =	sne.s32 @!p0 s4, $0x0  }
0x2cd: {  	v17 =	vld.idx.msk [tilespmem:v49+s14+$0x0], $0xffff;
	s4 =	sshra.s32 @!p0 s3, $0x1F;
	p1 =	por @!p0 !p1, !p2  }
0x2ce: {  	s4 =	sshrl.u32 @!p0 s4, $0x19;
	p1 =	por @!p0 !p1, !p1  }
0x2cf: {  	s3 =	sadd.s32 @!p0 s4, s3;
	s4 =	simm.s32 @!p0 $0x1;
	p1 =	por !p1, p0  }
0x2d0: {  	s3 =	sshrl.u32 @!p0 s3, $0x7;
	s4 =	simm.s32 @p1 $0x0  }
0x2d1: {  	s3 =	ssub.s32 @!p0 s3, s4  }
0x2d2: {  	v16 =	vmul.f32 v18, v16;
	v17 =	vmul.f32 v19, v17;
	s3 =	sshll.u32 @!p0 s3, $0x7  }
0x2d3: {  	s3 =	sand.u32 @!p0 $0x1FFFFF80, s3  }
0x2d4: {  	v16 =	vadd.f32 v17, v16;
	s4 =	simm.s32 @!p0 $0x6400;
	s3 =	sadd.s32 @!p0 s1, s3  }
0x2d5: {  	[tilespmem:s4], [sflag:$0x1] =	stream.strided.gather @!p0 [hbm4b:s3+s18], $0x1000, s17, s18, $0x38;
	[tilespmem:$0x10A00] =	vst v63  }
0x2d6: {  	(xrf2) =	vadd.scan.msk.f32 $0xffff, v16;
	s3 =	sand.u32 @!p0 $0x7F, s0  }
0x2d7: {  	p1 =	slt.s32 @!p0 s0, $0x1;
	p2 =	sne.s32 @!p0 s3, $0x0  }
0x2d8: {  	s3 =	sshra.s32 @!p0 s0, $0x1F;
	p1 =	por @!p0 !p1, !p2  }
0x2d9: {  	s3 =	sshrl.u32 @!p0 s3, $0x19;
	p1 =	por @!p0 !p1, !p1  }
0x2da: {  	s0 =	sadd.s32 @!p0 s3, s0;
	s3 =	simm.s32 @!p0 $0x1;
	p1 =	por !p1, p0  }
0x2db: {  	s0 =	sshrl.u32 @!p0 s0, $0x7;
	s3 =	simm.s32 @p1 $0x0  }
0x2dc: {  	s0 =	ssub.s32 @!p0 s0, s3  }
0x2dd: {  	s0 =	sshll.u32 @!p0 s0, $0x7  }
0x2de: {  	s0 =	sand.u32 @!p0 $0x1FFFFF80, s0  }
0x2df: {  	s3 =	simm.s32 @!p0 $0xE400;
	s0 =	sadd.s32 @!p0 s2, s0  }
0x2e0: {  	v16, _, _ =	vpop (xrf2);
	[tilespmem:s3], [sflag:$0x2] =	stream.strided.gather @!p0 [hbm4b:s0+s18], $0x1000, s17, s18, $0x38;
	[tilespmem:$0x10A00] =	vst v63  }
0x2e1: {  	s16 =	sand.u32 $0x7F, s6;
	_ =	swait.ge [sflag:s28], $0x1000  }
0x2e2: {  	v51 =	vor.u32 s16, v0;
	s17 =	sand.u32 $0x7F, s13;
	[sflag:s28] =	ssyncset.done $0x0  }
0x2e3: {  	v52 =	vor.u32 s17, v0;
	[sflag:s28] =	ssyncadd.s32 $0xFFFFF000  }
0x2e4: {  	v53 =	vor.u32 s16, v1;
	_ =	swait.ge [sflag:s26], $0x1000  }
0x2e5: {  	v20 =	vor.u32 s17, v1;
	[sflag:s26] =	ssyncset.done $0x0  }
0x2e6: {  	s18 =	simm.s32 $0x7400;
	[sflag:s26] =	ssyncadd.s32 $0xFFFFF000  }
0x2e7: {  	s19 =	simm.s32 $0xF400;
	v17 =	vld.idx.msk [tilespmem:v51+s18+$0x0], $0xffff  }
0x2e8: {  	v18 =	vld.idx.msk [tilespmem:v52+s19+$0x0], $0xffff  }
0x2e9: {  	v19 =	vld.idx.msk [tilespmem:v53+s18+$0x0], $0xffff  }
0x2ea: {  	v20 =	vld.idx.msk [tilespmem:v20+s19+$0x0], $0xffff;
	_ =	sdelay $0x2  }
0x2eb: {  	v2 =	vbroadcast v2, $0xF  }
0x2ec: {  	v3 =	vbroadcast v3, $0xF;
	v4 =	vbroadcast v4, $0xF  }
0x2ed: {  	v17 =	vmul.f32 v18, v17;
	v54 =	vmul.f32 v20, v19  }
0x2ee: {  	v2 =	vsel vm0, v2, v3;
	v3 =	vbroadcast v5, $0xF  }
0x2ef: {  	v2 =	vsel vm1, v2, v4;
	v56 =	vbroadcast v6, $0xF;
	v55 =	vadd.f32 v54, v17  }
0x2f0: {  	v2 =	vsel vm2, v2, v3;
	v3 =	vbroadcast v7, $0xF  }
0x2f1: {  	v2 =	vsel vm3, v2, v56;
	v57 =	vbroadcast v8, $0xF;
	(xrf2) =	vadd.scan.msk.f32 $0xffff, v55  }
0x2f2: {  	v2 =	vsel vm4, v2, v3;
	v3 =	vbroadcast v9, $0xF  }
0x2f3: {  	v2 =	vsel vm5, v2, v57;
	v58 =	vbroadcast v10, $0xF  }
0x2f4: {  	v2 =	vsel vm6, v2, v3;
	v3 =	vbroadcast v11, $0xF  }
0x2f5: {  	v2 =	vsel vm7, v2, v58;
	v59 =	vbroadcast v12, $0xF  }
0x2f6: {  	v2 =	vsel vm8, v3, v2;
	v3 =	vbroadcast v13, $0xF  }
0x2f7: {  	v2 =	vsel vm9, v59, v2;
	v60 =	vbroadcast v14, $0xF;
	s22 =	rddreg [dreg:$0xd]  }
0x2f8: {  	v2 =	vsel vm10, v3, v2;
	v3 =	vbroadcast v15, $0xF;
	v61 =	vld [tilespmem:s22+$0x10400]  }
0x2f9: {  	v2 =	vsel vm11, v60, v2;
	v62 =	vbroadcast v16, $0xF  }
0x2fa: {  	v2 =	vsel vm12, v3, v2;
	v3 =	vld [tilespmem:s22+$0x10600]  }
0x2fb: {  	v2 =	vsel vm13, v62, v2;
	v63, _, _ =	vpop (xrf2)  }
0x2fc: {  	v2 =	vsel vm14, v2, v63  }
0x2fd: {  	v2 =	vadd.f32 v2, v61;
	_ =	sdelay $0x1  }
0x2fe: {  	v2 =	vadd.f32 v2, v3;
	_ =	sdelay $0x1  }
0x2ff: {  	v2 =	vsub.f32 $0.0e+00, v2;
	_ =	sdelay $0x1  }
0x300: {  	v2 =	vmul.f32 $1.442695020e+00, v2;
	_ =	sdelay $0x1  }
0x301: {  	(erf) = vpow2.f32 v2;
	_ =	sdelay $0x8  }
0x302: {  	v2 =	vpop (erf)  }
0x303: {  	v2 =	vadd.f32 $1.000000000e+00, v2;
	_ =	sdelay $0x1  }
0x304: {  	(erf) = vrcp.f32 v2;
	_ =	sdelay $0x7  }
0x305: {  	s8 =	sadd.s32 $0x40, s8  }
0x306: {  	p0 =	sne.s32 s8, $0x800;
	v2 =	vpop (erf)  }
.Ltmp0:
0x307: {  	v2 =	vmul.f32 $4.000000000e+00, v2;
	(pc) =	sbr.rel @p0 .LBB2_2-.Ltmp0, $3  }
0x308: {  	_ = 	snop  }
0x309: {  	v2 =	vadd.f32 $1.000000000e+00, v2;
	_ =	sdelay $0x1  }
0x30a: {  	[tilespmem:s22+$0x10800] =	vst v2  }
0x30b: {  	s0 =	simm.s32 $0x3  }
0x30c: {  	_ =	swait.ge [sflag:s0], $0x80  }
0x30d: {  	[sflag:s0] =	ssyncset.done $0x0  }
0x30e: {  	[sflag:s0] =	ssyncadd.s32 $0xFFFFFF80  }
0x30f: {  	_ =	swait.ge [sflag:s0], $0x80  }
0x310: {  	[sflag:s0] =	ssyncset.done $0x0  }
0x311: {  	[sflag:s0] =	ssyncadd.s32 $0xFFFFFF80  }
0x312: {  	_ =	swait.ge [sflag:s0], $0x80  }
0x313: {  	[sflag:s0] =	ssyncset.done $0x0  }
0x314: {  	[sflag:s0] =	ssyncadd.s32 $0xFFFFFF80  }
0x315: {  	_ =	swait.ge [sflag:s0], $0x80  }
0x316: {  	[sflag:s0] =	ssyncset.done $0x0  }
0x317: {  	[sflag:s0] =	ssyncadd.s32 $0xFFFFFF80  }
0x318: {  	_ =	swait.ge [sflag:s0], $0x80  }
0x319: {  	[sflag:s0] =	ssyncset.done $0x0  }
0x31a: {  	[sflag:s0] =	ssyncadd.s32 $0xFFFFFF80  }
0x31b: {  	_ =	swait.ge [sflag:s0], $0x80  }
0x31c: {  	[sflag:s0] =	ssyncset.done $0x0  }
0x31d: {  	[sflag:s0] =	ssyncadd.s32 $0xFFFFFF80  }
0x31e: {  	_ =	swait.ge [sflag:s0], $0x80  }
0x31f: {  	[sflag:s0] =	ssyncset.done $0x0  }
0x320: {  	[sflag:s0] =	ssyncadd.s32 $0xFFFFFF80  }
0x321: {  	_ =	swait.ge [sflag:s0], $0x80  }
0x322: {  	s22 =	simm.s32 $0x0;
	[sflag:s0] =	ssyncset.done $0x0  }
0x323: {  	s3 =	simm.s32 $0x10800;
	s16 =	rddreg [dreg:$0xa];
	[sflag:s0] =	ssyncadd.s32 $0xFFFFFF80  }
0x324: {  	[hbm4b:s16+s22] =	stream.linear.scatter [tilespmem:s3], [sflag:$0x4], $0x200, $0x38;
	[tilespmem:$0x10A00] =	vst v63  }
0x325: {  	s3 =	simm.s32 $0x4  }
0x326: {  	_ =	swait.ge [sflag:s3], $0x200  }
0x327: {  	s4 =	rddreg [dreg:$0xc]  }
0x328: {  	s17 =	rddreg [dreg:$0xb];
	s4 =	sadd.s32 $0x1, s4  }
0x329: {  	p0 =	sne.s32 s4, s17  }
.Ltmp1:
0x32a: {  	_ = 	snop;
	(pc) =	sbr.rel @p0 .LBB2_1-.Ltmp1, $4  }
0x32b: {  	s7 =	simm.s32 $0x8400;
	s8 =	simm.s32 $0x9400;
	s10 =	simm.s32 $0xA400  }
0x32c: {  	s11 =	simm.s32 $0x3400;
	s12 =	simm.s32 $0xB400;
	s13 =	simm.s32 $0xC400  }
0x32d: {  	s14 =	simm.s32 $0x5400;
	s15 =	simm.s32 $0xD400;
	[sflag:s3] =	ssyncset.done $0x0  }
0x32e: {  	s16 =	simm.s32 $0x6400;
	[sflag:s3] =	ssyncadd.s32 $0xFFFFFE00;
	s17 =	simm.s32 $0xE400  }
0x32f: {  	_ =	sfence.sel $0x180000  }
0x330: {  	[bflag:$0x0] =	sbarrier.arrive $0xFFFF  }
0x331: {  	_ =	strace $0x90000047  }
0x332: {  	s0 =	stileid.u32;
	[bflag:$0x2] =	sbarrier.arrive $0xFFFF  }
0x333: {  	p0 =	sne.s32 s0, $0x0;
	s0 =	rddreg [dreg:$0x6]  }
0x334: {  	s0 =	sadd.s32 @!p0 $0x100000, s0  }
0x335: {  	[sflag:s0] =	ssyncadd.tile.s32 @!p0 $0x1;
	_ =	shalt  }
.Lfunc_end2:
_tile_overlayer_lowered:
.L_overlay_start_2:
0x336: {  	(tag) =	ssettag $0x2  }
0x337: {  	s0 =	rddreg [dreg:$0x0];
	s2 =	stileid.u32  }
0x338: {  	s1 =	rddreg [dreg:$0x1];
	p0 =	sne.s32 s2, $0x0  }
0x339: {  	s3 =	rddreg [dreg:$0x2];
	[bflag:$0x3] =	sbarrier.arrive $0xFFFF;
	s2 =	simm.s32 @!p0 $0x1C04  }
0x33a: {  	[timem:s3], [sflag:s2] =	dma.local @!p0 [hbm:s0], s1  }
0x33b: {  	s0 =	simm.s32 @!p0 $0x4  }
0x33c: {  	_ =	swait.ge @!p0 [sflag:s0], s1  }
0x33d: {  	s1 =	ssub.s32 @!p0 $0x0, s1;
	[sflag:s0] =	ssyncset.done @!p0 $0x0  }
0x33e: {  	[sflag:s0] =	ssyncadd.s32 @!p0 s1  }
0x33f: {  	[bflag:$0x3] =	sbarrier.arrive $0xFFFF  }
0x340: {  	_ =	shalt  }

</sc_bundles>
